<compile_context>
chip_gen: v7x
topology: tpu7x:2x2x1
jax: 0.10.2.dev20260603
libtpu: 0.0.44.dev20260713+nightly
codegen_flags: <defaults>
</compile_context>

<pallas_src>
import functools

import jax
import jax.numpy as jnp
from jax import lax
from jax.experimental import pallas as pl
from jax.experimental.pallas import tpu as pltpu
from jax.experimental.pallas import tpu_sc as plsc

V = 1000000
D = 32
NJ = 50
NI = 4096
B_TOTAL = NJ * NI

_info = plsc.get_sparse_core_info()
NC, NS = _info.num_cores, _info.num_subcores
NW = NC * NS

CW = 512
NFULL = V // CW
TAIL_V0 = NFULL * CW
TAIL_N = V - TAIL_V0
RM_ROWS = V // 4

W2 = 256
IPR = NI // W2
NUNITS = B_TOTAL // W2
UPT = NUNITS // NW


def _make_kernel():
    mesh = plsc.VectorSubcoreMesh(core_axis_name="c", subcore_axis_name="s")

    @functools.partial(
        pl.kernel,
        mesh=mesh,
        out_type=(
            jax.ShapeDtypeStruct((RM_ROWS, 128), jnp.float32),
            jax.ShapeDtypeStruct((NJ, D, NI), jnp.float32),
        ),
        scratch_types=[
            pltpu.VMEM((D, CW), jnp.float32),
            pltpu.VMEM((D, CW), jnp.float32),
            pltpu.VMEM((W2, 128), jnp.float32),
            pltpu.VMEM((W2, 128), jnp.float32),
            pltpu.VMEM((W2,), jnp.int32),
            pltpu.VMEM((W2,), jnp.int32),
            pltpu.VMEM((W2,), jnp.int32),
            pltpu.VMEM((W2,), jnp.int32),
            pltpu.VMEM((W2,), jnp.int32),
            pltpu.VMEM((W2,), jnp.int32),
            pltpu.SemaphoreType.DMA,
            pltpu.SemaphoreType.DMA,
            pltpu.SemaphoreType.DMA,
            pltpu.SemaphoreType.DMA,
            pltpu.SemaphoreType.DMA,
            pltpu.SemaphoreType.DMA,
            pltpu.SemaphoreType.DMA,
            pltpu.SemaphoreType.DMA,
            pltpu.SemaphoreType.DMA,
            pltpu.SemaphoreType.DMA,
            pltpu.SemaphoreType.REGULAR,
        ],
        compiler_params=pltpu.CompilerParams(
            use_tc_tiling_on_sc=True, needs_layout_passes=False),
    )
    def fused(xt, tt, tail_rm, rm, outn,
              C0, C1, G0, G1, IB0, IB1, GB0, GB1, M40, M41,
              lsem0, lsem1, ssem0, ssem1, isem0, isem1,
              gsem0, gsem1, osem0, osem1, bsem):
        sid = lax.axis_index("s")
        h = lax.axis_index("c")
        wid = sid * NC + h
        Cb = (C0, C1)
        Gb = (G0, G1)
        IBb = (IB0, IB1)
        GBb = (GB0, GB1)
        M4b = (M40, M41)
        lsem = (lsem0, lsem1)
        ssem = (ssem0, ssem1)
        isem = (isem0, isem1)
        gsem = (gsem0, gsem1)
        osem = (osem0, osem1)

        i16 = lax.iota(jnp.int32, 16)
        idiv4 = i16 >> 2
        lmod4 = i16 & 3
        sig = []
        colr = []
        for r in range(16):
            t = (i16 + r) & 15
            s = (t >> 2) + ((t & 3) << 2)
            sig.append(s)
            colr.append(lmod4 + (s << 2))

        def p1_transpose(C, G):
            def v0_body(vb, carry):
                v0 = vb * 16
                vvec = v0 + i16
                rv = (v0 >> 2) + idiv4
                for e0 in (0, 16):
                    vals = [plsc.load_gather(C, [sig[r] + e0, vvec])
                            for r in range(16)]
                    for r in range(16):
                        plsc.store_scatter(G, [rv, colr[r] + 4 * e0], vals[r])
                return carry
            lax.fori_loop(0, CW // 16, v0_body, 0, unroll=2)

        pltpu.async_copy(
            tt.at[:, pl.ds(pl.multiple_of(wid * CW, CW), CW)], C0, lsem0)

        def p1_body(g, carry):
            for b in (0, 1):
                k = 2 * g + b
                c = wid + 32 * k
                nxt = c + 32
                co = pl.multiple_of(c * CW, CW)
                no = pl.multiple_of(nxt * CW, CW)
                ro = pl.multiple_of(c * 128, 128)

                @pl.when(nxt < NFULL)
                def _():
                    pltpu.async_copy(
                        tt.at[:, pl.ds(no, CW)], Cb[1 - b], lsem[1 - b])

                @pl.when(c < NFULL)
                def _():
                    pltpu.make_async_copy(
                        tt.at[:, pl.ds(co, CW)], Cb[b], lsem[b]).wait()

                    @pl.when(k >= 2)
                    def _():
                        pltpu.make_async_copy(
                            Gb[b].at[pl.ds(0, 128), pl.ds(0, 128)],
                            rm.at[pl.ds(ro, 128), :], ssem[b]).wait()

                    p1_transpose(Cb[b], Gb[b])
                    pltpu.async_copy(
                        Gb[b].at[pl.ds(0, 128), pl.ds(0, 128)],
                        rm.at[pl.ds(ro, 128), :], ssem[b])
            return carry

        lax.fori_loop(0, 31, p1_body, 0)
        pltpu.make_async_copy(
            G0.at[pl.ds(0, 128), pl.ds(0, 128)],
            rm.at[pl.ds(0, 128), :], ssem0).wait()
        pltpu.make_async_copy(
            G1.at[pl.ds(0, 128), pl.ds(0, 128)],
            rm.at[pl.ds(0, 128), :], ssem1).wait()

        @pl.when(wid == NW - 1)
        def _():
            pltpu.sync_copy(tail_rm, G0.at[pl.ds(0, 16), pl.ds(0, 128)])
            pltpu.sync_copy(G0.at[pl.ds(0, 16), pl.ds(0, 128)],
                            rm.at[pl.ds(TAIL_V0 // 4, 16), :])

        plsc.subcore_barrier()

        @pl.when(sid == 0)
        def _():
            pl.semaphore_signal(bsem, 1, core_index=1 - h)
            pl.semaphore_wait(bsem, 1)

        plsc.subcore_barrier()

        base_u = wid * UPT

        def unit_jq(t):
            u = base_u + t
            return u // IPR, pl.multiple_of((u % IPR) * W2, W2)

        j0, q0 = unit_jq(0)
        pltpu.async_copy(xt.at[j0, pl.ds(q0, W2)], IB0, isem0)

        def p2_body(g, carry):
            for b in (0, 1):
                t = 2 * g + b

                @pl.when(t < UPT)
                def _():
                    j, q = unit_jq(t)
                    pltpu.make_async_copy(
                        xt.at[j, pl.ds(q, W2)], IBb[b], isem[b]).wait()

                    def gi(l0, cc):
                        iv = IBb[b][pl.ds(l0 * 16, 16)]
                        GBb[b][pl.ds(l0 * 16, 16)] = iv >> 2
                        M4b[b][pl.ds(l0 * 16, 16)] = iv & 3
                        return cc
                    lax.fori_loop(0, W2 // 16, gi, 0)

                    pltpu.async_copy(rm.at[GBb[b]], Gb[b], gsem[b])

                    @pl.when(t + 1 < UPT)
                    def _():
                        j2, q2 = unit_jq(t + 1)
                        pltpu.async_copy(
                            xt.at[j2, pl.ds(q2, W2)], IBb[1 - b], isem[1 - b])

                @pl.when((t >= 1) & (t <= UPT))
                def _():
                    tp = t - 1
                    bp = 1 - b
                    jp, qp = unit_jq(tp)
                    pltpu.make_async_copy(
                        rm.at[GBb[bp]], Gb[bp], gsem[bp]).wait()

                    @pl.when(tp >= 2)
                    def _():
                        pltpu.make_async_copy(
                            Cb[bp].at[:, pl.ds(0, W2)],
                            outn.at[jp, :, pl.ds(qp, W2)], osem[bp]).wait()

                    def l0_body(l0, cc):
                        p0 = l0 * 16
                        m4 = M4b[bp][pl.ds(p0, 16)]
                        pvec = i16 + p0
                        m4c = [m4 + (s << 2) for s in sig]
                        for e0 in (0, 16):
                            vs = [plsc.load_gather(
                                      Gb[bp], [pvec, m4c[r] + 4 * e0])
                                  for r in range(16)]
                            for r in range(16):
                                plsc.store_scatter(
                                    Cb[bp], [sig[r] + e0, pvec], vs[r])
                        return cc
                    lax.fori_loop(0, W2 // 16, l0_body, 0)

                    pltpu.async_copy(
                        Cb[bp].at[:, pl.ds(0, W2)],
                        outn.at[jp, :, pl.ds(qp, W2)], osem[bp])
            return carry

        lax.fori_loop(0, 13, p2_body, 0)
        pltpu.make_async_copy(
            C0.at[:, pl.ds(0, W2)], outn.at[0, :, pl.ds(0, W2)], osem0).wait()
        pltpu.make_async_copy(
            C1.at[:, pl.ds(0, W2)], outn.at[0, :, pl.ds(0, W2)], osem1).wait()

    return fused


_fused = _make_kernel()


@jax.jit
def kernel(x, table):
    xt = x.astype(jnp.int32).T
    tt = table.T
    tail_rm = (table[TAIL_V0:].reshape(16, 4, D)
               .transpose(0, 2, 1).reshape(16, 128))
    _, outn = _fused(xt, tt, tail_rm)
    return outn.transpose(2, 0, 1)

# --- scband reference (transcript-rebuilt; emitter-appended) ---
"""Pipeline reference for scband-embedding-layer-4930622455852 (READ-ONLY COPY).

The authoritative reference and input builder live on the scoring server;
editing this copy changes nothing except your own understanding.
"""

import jax, jax.numpy as jnp
import numpy as np

VOCAB = 1000000
EMBED_DIM = 32

def setup_inputs(seed: int = 0) -> dict:
    key = jax.random.key(seed)
    k_idx, k_tab = jax.random.split(key)
    x = jax.random.randint(k_idx, (4096, 50), 0, VOCAB, dtype=jnp.int64 if jax.config.jax_enable_x64 else jnp.int32)
    table = jax.random.normal(k_tab, (VOCAB, EMBED_DIM), dtype=jnp.float32)
    return {"x": x, "table": table}

def reference(x, table):
    # nn.Embedding forward: gather rows of the table by index
    return jnp.take(table, x, axis=0)

if __name__ == "__main__":
    import jax
    _d = setup_inputs()
    print(jax.jit(kernel)(*tuple(_d.values())))

</pallas_src>

<mosaic_0001>
#map = affine_map<(d0, d1) -> (0, 0)>
#map1 = affine_map<(d0, d1) -> (0, 0, 0)>
module attributes {stable_mosaic.version = 14 : i64} {
  func.func @fused(%arg0: i32, %arg1: i32, %arg2: memref<50x4096xi32, #tpu.memory_space<hbm>>, %arg3: memref<32x1000000xf32, #tpu.memory_space<hbm>>, %arg4: memref<16x128xf32, #tpu.memory_space<hbm>>, %arg5: memref<250000x128xf32, #tpu.memory_space<hbm>>, %arg6: memref<50x32x4096xf32, #tpu.memory_space<hbm>>, %arg7: memref<32x512xf32, #tpu.memory_space<vmem>>, %arg8: memref<32x512xf32, #tpu.memory_space<vmem>>, %arg9: memref<256x128xf32, #tpu.memory_space<vmem>>, %arg10: memref<256x128xf32, #tpu.memory_space<vmem>>, %arg11: memref<256xi32, #tpu.memory_space<vmem>>, %arg12: memref<256xi32, #tpu.memory_space<vmem>>, %arg13: memref<256xi32, #tpu.memory_space<vmem>>, %arg14: memref<256xi32, #tpu.memory_space<vmem>>, %arg15: memref<256xi32, #tpu.memory_space<vmem>>, %arg16: memref<256xi32, #tpu.memory_space<vmem>>, %arg17: memref<!tpu.dma_semaphore, #tpu.memory_space<semaphore_mem>>, %arg18: memref<!tpu.dma_semaphore, #tpu.memory_space<semaphore_mem>>, %arg19: memref<!tpu.dma_semaphore, #tpu.memory_space<semaphore_mem>>, %arg20: memref<!tpu.dma_semaphore, #tpu.memory_space<semaphore_mem>>, %arg21: memref<!tpu.dma_semaphore, #tpu.memory_space<semaphore_mem>>, %arg22: memref<!tpu.dma_semaphore, #tpu.memory_space<semaphore_mem>>, %arg23: memref<!tpu.dma_semaphore, #tpu.memory_space<semaphore_mem>>, %arg24: memref<!tpu.dma_semaphore, #tpu.memory_space<semaphore_mem>>, %arg25: memref<!tpu.dma_semaphore, #tpu.memory_space<semaphore_mem>>, %arg26: memref<!tpu.dma_semaphore, #tpu.memory_space<semaphore_mem>>, %arg27: memref<!tpu.semaphore, #tpu.memory_space<semaphore_mem>>) attributes {dimension_semantics = [#tpu.dimension_semantics<core_parallel>, #tpu.dimension_semantics<subcore_parallel>], iteration_bounds = array<i64: 2, 16>, scalar_prefetch = 0 : i64, scratch_operands = 21 : i64, tpu.core_type = #tpu.core_type<sc_vector_subcore>, window_params = [{transform_indices = #map}, {transform_indices = #map}, {transform_indices = #map}, {transform_indices = #map}, {transform_indices = #map1}]} {
    %mul3A = arith.constant 2 : i32
    %mul3A_0 = arith.muli %arg1, %mul3A : i32
    %add3A = arith.addi %mul3A_0, %arg0 : i32
    %iota3A = tpu.iota {dimensions = array<i32: 0>} : vector<16xi32>
    %shift_right_arithmetic3A = arith.constant 2 : i32
    %shift_right_arithmetic3A_1 = vector.broadcast %shift_right_arithmetic3A : i32 to vector<16xi32>
    %shift_right_arithmetic3A_2 = arith.shrsi %iota3A, %shift_right_arithmetic3A_1 : vector<16xi32>
    %and3A = arith.constant 3 : i32
    %and3A_3 = vector.broadcast %and3A : i32 to vector<16xi32>
    %and3A_4 = arith.andi %iota3A, %and3A_3 : vector<16xi32>
    %add3A_5 = arith.constant 0 : i32
    %add3A_6 = vector.broadcast %add3A_5 : i32 to vector<16xi32>
    %add3A_7 = arith.addi %iota3A, %add3A_6 : vector<16xi32>
    %and3A_8 = arith.constant 15 : i32
    %and3A_9 = vector.broadcast %and3A_8 : i32 to vector<16xi32>
    %and3A_10 = arith.andi %add3A_7, %and3A_9 : vector<16xi32>
    %shift_right_arithmetic3A_11 = arith.constant 2 : i32
    %shift_right_arithmetic3A_12 = vector.broadcast %shift_right_arithmetic3A_11 : i32 to vector<16xi32>
    %shift_right_arithmetic3A_13 = arith.shrsi %and3A_10, %shift_right_arithmetic3A_12 : vector<16xi32>
    %and3A_14 = arith.constant 3 : i32
    %and3A_15 = vector.broadcast %and3A_14 : i32 to vector<16xi32>
    %and3A_16 = arith.andi %and3A_10, %and3A_15 : vector<16xi32>
    %shift_left3A = arith.constant 2 : i32
    %shift_left3A_17 = vector.broadcast %shift_left3A : i32 to vector<16xi32>
    %shift_left3A_18 = arith.shli %and3A_16, %shift_left3A_17 : vector<16xi32>
    %add3A_19 = arith.addi %shift_right_arithmetic3A_13, %shift_left3A_18 : vector<16xi32>
    %shift_left3A_20 = arith.constant 2 : i32
    %shift_left3A_21 = vector.broadcast %shift_left3A_20 : i32 to vector<16xi32>
    %shift_left3A_22 = arith.shli %add3A_19, %shift_left3A_21 : vector<16xi32>
    %add3A_23 = arith.addi %and3A_4, %shift_left3A_22 : vector<16xi32>
    %add3A_24 = arith.constant 1 : i32
    %add3A_25 = vector.broadcast %add3A_24 : i32 to vector<16xi32>
    %add3A_26 = arith.addi %iota3A, %add3A_25 : vector<16xi32>
    %and3A_27 = arith.constant 15 : i32
    %and3A_28 = vector.broadcast %and3A_27 : i32 to vector<16xi32>
    %and3A_29 = arith.andi %add3A_26, %and3A_28 : vector<16xi32>
    %shift_right_arithmetic3A_30 = arith.constant 2 : i32
    %shift_right_arithmetic3A_31 = vector.broadcast %shift_right_arithmetic3A_30 : i32 to vector<16xi32>
    %shift_right_arithmetic3A_32 = arith.shrsi %and3A_29, %shift_right_arithmetic3A_31 : vector<16xi32>
    %and3A_33 = arith.constant 3 : i32
    %and3A_34 = vector.broadcast %and3A_33 : i32 to vector<16xi32>
    %and3A_35 = arith.andi %and3A_29, %and3A_34 : vector<16xi32>
    %shift_left3A_36 = arith.constant 2 : i32
    %shift_left3A_37 = vector.broadcast %shift_left3A_36 : i32 to vector<16xi32>
    %shift_left3A_38 = arith.shli %and3A_35, %shift_left3A_37 : vector<16xi32>
    %add3A_39 = arith.addi %shift_right_arithmetic3A_32, %shift_left3A_38 : vector<16xi32>
    %shift_left3A_40 = arith.constant 2 : i32
    %shift_left3A_41 = vector.broadcast %shift_left3A_40 : i32 to vector<16xi32>
    %shift_left3A_42 = arith.shli %add3A_39, %shift_left3A_41 : vector<16xi32>
    %add3A_43 = arith.addi %and3A_4, %shift_left3A_42 : vector<16xi32>
    %add3A_44 = arith.constant 2 : i32
    %add3A_45 = vector.broadcast %add3A_44 : i32 to vector<16xi32>
    %add3A_46 = arith.addi %iota3A, %add3A_45 : vector<16xi32>
    %and3A_47 = arith.constant 15 : i32
    %and3A_48 = vector.broadcast %and3A_47 : i32 to vector<16xi32>
    %and3A_49 = arith.andi %add3A_46, %and3A_48 : vector<16xi32>
    %shift_right_arithmetic3A_50 = arith.constant 2 : i32
    %shift_right_arithmetic3A_51 = vector.broadcast %shift_right_arithmetic3A_50 : i32 to vector<16xi32>
    %shift_right_arithmetic3A_52 = arith.shrsi %and3A_49, %shift_right_arithmetic3A_51 : vector<16xi32>
    %and3A_53 = arith.constant 3 : i32
    %and3A_54 = vector.broadcast %and3A_53 : i32 to vector<16xi32>
    %and3A_55 = arith.andi %and3A_49, %and3A_54 : vector<16xi32>
    %shift_left3A_56 = arith.constant 2 : i32
    %shift_left3A_57 = vector.broadcast %shift_left3A_56 : i32 to vector<16xi32>
    %shift_left3A_58 = arith.shli %and3A_55, %shift_left3A_57 : vector<16xi32>
    %add3A_59 = arith.addi %shift_right_arithmetic3A_52, %shift_left3A_58 : vector<16xi32>
    %shift_left3A_60 = arith.constant 2 : i32
    %shift_left3A_61 = vector.broadcast %shift_left3A_60 : i32 to vector<16xi32>
    %shift_left3A_62 = arith.shli %add3A_59, %shift_left3A_61 : vector<16xi32>
    %add3A_63 = arith.addi %and3A_4, %shift_left3A_62 : vector<16xi32>
    %add3A_64 = arith.constant 3 : i32
    %add3A_65 = vector.broadcast %add3A_64 : i32 to vector<16xi32>
    %add3A_66 = arith.addi %iota3A, %add3A_65 : vector<16xi32>
    %and3A_67 = arith.constant 15 : i32
    %and3A_68 = vector.broadcast %and3A_67 : i32 to vector<16xi32>
    %and3A_69 = arith.andi %add3A_66, %and3A_68 : vector<16xi32>
    %shift_right_arithmetic3A_70 = arith.constant 2 : i32
    %shift_right_arithmetic3A_71 = vector.broadcast %shift_right_arithmetic3A_70 : i32 to vector<16xi32>
    %shift_right_arithmetic3A_72 = arith.shrsi %and3A_69, %shift_right_arithmetic3A_71 : vector<16xi32>
    %and3A_73 = arith.constant 3 : i32
    %and3A_74 = vector.broadcast %and3A_73 : i32 to vector<16xi32>
    %and3A_75 = arith.andi %and3A_69, %and3A_74 : vector<16xi32>
    %shift_left3A_76 = arith.constant 2 : i32
    %shift_left3A_77 = vector.broadcast %shift_left3A_76 : i32 to vector<16xi32>
    %shift_left3A_78 = arith.shli %and3A_75, %shift_left3A_77 : vector<16xi32>
    %add3A_79 = arith.addi %shift_right_arithmetic3A_72, %shift_left3A_78 : vector<16xi32>
    %shift_left3A_80 = arith.constant 2 : i32
    %shift_left3A_81 = vector.broadcast %shift_left3A_80 : i32 to vector<16xi32>
    %shift_left3A_82 = arith.shli %add3A_79, %shift_left3A_81 : vector<16xi32>
    %add3A_83 = arith.addi %and3A_4, %shift_left3A_82 : vector<16xi32>
    %add3A_84 = arith.constant 4 : i32
    %add3A_85 = vector.broadcast %add3A_84 : i32 to vector<16xi32>
    %add3A_86 = arith.addi %iota3A, %add3A_85 : vector<16xi32>
    %and3A_87 = arith.constant 15 : i32
    %and3A_88 = vector.broadcast %and3A_87 : i32 to vector<16xi32>
    %and3A_89 = arith.andi %add3A_86, %and3A_88 : vector<16xi32>
    %shift_right_arithmetic3A_90 = arith.constant 2 : i32
    %shift_right_arithmetic3A_91 = vector.broadcast %shift_right_arithmetic3A_90 : i32 to vector<16xi32>
    %shift_right_arithmetic3A_92 = arith.shrsi %and3A_89, %shift_right_arithmetic3A_91 : vector<16xi32>
    %and3A_93 = arith.constant 3 : i32
    %and3A_94 = vector.broadcast %and3A_93 : i32 to vector<16xi32>
    %and3A_95 = arith.andi %and3A_89, %and3A_94 : vector<16xi32>
    %shift_left3A_96 = arith.constant 2 : i32
    %shift_left3A_97 = vector.broadcast %shift_left3A_96 : i32 to vector<16xi32>
    %shift_left3A_98 = arith.shli %and3A_95, %shift_left3A_97 : vector<16xi32>
    %add3A_99 = arith.addi %shift_right_arithmetic3A_92, %shift_left3A_98 : vector<16xi32>
    %shift_left3A_100 = arith.constant 2 : i32
    %shift_left3A_101 = vector.broadcast %shift_left3A_100 : i32 to vector<16xi32>
    %shift_left3A_102 = arith.shli %add3A_99, %shift_left3A_101 : vector<16xi32>
    %add3A_103 = arith.addi %and3A_4, %shift_left3A_102 : vector<16xi32>
    %add3A_104 = arith.constant 5 : i32
    %add3A_105 = vector.broadcast %add3A_104 : i32 to vector<16xi32>
    %add3A_106 = arith.addi %iota3A, %add3A_105 : vector<16xi32>
    %and3A_107 = arith.constant 15 : i32
    %and3A_108 = vector.broadcast %and3A_107 : i32 to vector<16xi32>
    %and3A_109 = arith.andi %add3A_106, %and3A_108 : vector<16xi32>
    %shift_right_arithmetic3A_110 = arith.constant 2 : i32
    %shift_right_arithmetic3A_111 = vector.broadcast %shift_right_arithmetic3A_110 : i32 to vector<16xi32>
    %shift_right_arithmetic3A_112 = arith.shrsi %and3A_109, %shift_right_arithmetic3A_111 : vector<16xi32>
    %and3A_113 = arith.constant 3 : i32
    %and3A_114 = vector.broadcast %and3A_113 : i32 to vector<16xi32>
    %and3A_115 = arith.andi %and3A_109, %and3A_114 : vector<16xi32>
    %shift_left3A_116 = arith.constant 2 : i32
    %shift_left3A_117 = vector.broadcast %shift_left3A_116 : i32 to vector<16xi32>
    %shift_left3A_118 = arith.shli %and3A_115, %shift_left3A_117 : vector<16xi32>
    %add3A_119 = arith.addi %shift_right_arithmetic3A_112, %shift_left3A_118 : vector<16xi32>
    %shift_left3A_120 = arith.constant 2 : i32
    %shift_left3A_121 = vector.broadcast %shift_left3A_120 : i32 to vector<16xi32>
    %shift_left3A_122 = arith.shli %add3A_119, %shift_left3A_121 : vector<16xi32>
    %add3A_123 = arith.addi %and3A_4, %shift_left3A_122 : vector<16xi32>
    %add3A_124 = arith.constant 6 : i32
    %add3A_125 = vector.broadcast %add3A_124 : i32 to vector<16xi32>
    %add3A_126 = arith.addi %iota3A, %add3A_125 : vector<16xi32>
    %and3A_127 = arith.constant 15 : i32
    %and3A_128 = vector.broadcast %and3A_127 : i32 to vector<16xi32>
    %and3A_129 = arith.andi %add3A_126, %and3A_128 : vector<16xi32>
    %shift_right_arithmetic3A_130 = arith.constant 2 : i32
    %shift_right_arithmetic3A_131 = vector.broadcast %shift_right_arithmetic3A_130 : i32 to vector<16xi32>
    %shift_right_arithmetic3A_132 = arith.shrsi %and3A_129, %shift_right_arithmetic3A_131 : vector<16xi32>
    %and3A_133 = arith.constant 3 : i32
    %and3A_134 = vector.broadcast %and3A_133 : i32 to vector<16xi32>
    %and3A_135 = arith.andi %and3A_129, %and3A_134 : vector<16xi32>
    %shift_left3A_136 = arith.constant 2 : i32
    %shift_left3A_137 = vector.broadcast %shift_left3A_136 : i32 to vector<16xi32>
    %shift_left3A_138 = arith.shli %and3A_135, %shift_left3A_137 : vector<16xi32>
    %add3A_139 = arith.addi %shift_right_arithmetic3A_132, %shift_left3A_138 : vector<16xi32>
    %shift_left3A_140 = arith.constant 2 : i32
    %shift_left3A_141 = vector.broadcast %shift_left3A_140 : i32 to vector<16xi32>
    %shift_left3A_142 = arith.shli %add3A_139, %shift_left3A_141 : vector<16xi32>
    %add3A_143 = arith.addi %and3A_4, %shift_left3A_142 : vector<16xi32>
    %add3A_144 = arith.constant 7 : i32
    %add3A_145 = vector.broadcast %add3A_144 : i32 to vector<16xi32>
    %add3A_146 = arith.addi %iota3A, %add3A_145 : vector<16xi32>
    %and3A_147 = arith.constant 15 : i32
    %and3A_148 = vector.broadcast %and3A_147 : i32 to vector<16xi32>
    %and3A_149 = arith.andi %add3A_146, %and3A_148 : vector<16xi32>
    %shift_right_arithmetic3A_150 = arith.constant 2 : i32
    %shift_right_arithmetic3A_151 = vector.broadcast %shift_right_arithmetic3A_150 : i32 to vector<16xi32>
    %shift_right_arithmetic3A_152 = arith.shrsi %and3A_149, %shift_right_arithmetic3A_151 : vector<16xi32>
    %and3A_153 = arith.constant 3 : i32
    %and3A_154 = vector.broadcast %and3A_153 : i32 to vector<16xi32>
    %and3A_155 = arith.andi %and3A_149, %and3A_154 : vector<16xi32>
    %shift_left3A_156 = arith.constant 2 : i32
    %shift_left3A_157 = vector.broadcast %shift_left3A_156 : i32 to vector<16xi32>
    %shift_left3A_158 = arith.shli %and3A_155, %shift_left3A_157 : vector<16xi32>
    %add3A_159 = arith.addi %shift_right_arithmetic3A_152, %shift_left3A_158 : vector<16xi32>
    %shift_left3A_160 = arith.constant 2 : i32
    %shift_left3A_161 = vector.broadcast %shift_left3A_160 : i32 to vector<16xi32>
    %shift_left3A_162 = arith.shli %add3A_159, %shift_left3A_161 : vector<16xi32>
    %add3A_163 = arith.addi %and3A_4, %shift_left3A_162 : vector<16xi32>
    %add3A_164 = arith.constant 8 : i32
    %add3A_165 = vector.broadcast %add3A_164 : i32 to vector<16xi32>
    %add3A_166 = arith.addi %iota3A, %add3A_165 : vector<16xi32>
    %and3A_167 = arith.constant 15 : i32
    %and3A_168 = vector.broadcast %and3A_167 : i32 to vector<16xi32>
    %and3A_169 = arith.andi %add3A_166, %and3A_168 : vector<16xi32>
    %shift_right_arithmetic3A_170 = arith.constant 2 : i32
    %shift_right_arithmetic3A_171 = vector.broadcast %shift_right_arithmetic3A_170 : i32 to vector<16xi32>
    %shift_right_arithmetic3A_172 = arith.shrsi %and3A_169, %shift_right_arithmetic3A_171 : vector<16xi32>
    %and3A_173 = arith.constant 3 : i32
    %and3A_174 = vector.broadcast %and3A_173 : i32 to vector<16xi32>
    %and3A_175 = arith.andi %and3A_169, %and3A_174 : vector<16xi32>
    %shift_left3A_176 = arith.constant 2 : i32
    %shift_left3A_177 = vector.broadcast %shift_left3A_176 : i32 to vector<16xi32>
    %shift_left3A_178 = arith.shli %and3A_175, %shift_left3A_177 : vector<16xi32>
    %add3A_179 = arith.addi %shift_right_arithmetic3A_172, %shift_left3A_178 : vector<16xi32>
    %shift_left3A_180 = arith.constant 2 : i32
    %shift_left3A_181 = vector.broadcast %shift_left3A_180 : i32 to vector<16xi32>
    %shift_left3A_182 = arith.shli %add3A_179, %shift_left3A_181 : vector<16xi32>
    %add3A_183 = arith.addi %and3A_4, %shift_left3A_182 : vector<16xi32>
    %add3A_184 = arith.constant 9 : i32
    %add3A_185 = vector.broadcast %add3A_184 : i32 to vector<16xi32>
    %add3A_186 = arith.addi %iota3A, %add3A_185 : vector<16xi32>
    %and3A_187 = arith.constant 15 : i32
    %and3A_188 = vector.broadcast %and3A_187 : i32 to vector<16xi32>
    %and3A_189 = arith.andi %add3A_186, %and3A_188 : vector<16xi32>
    %shift_right_arithmetic3A_190 = arith.constant 2 : i32
    %shift_right_arithmetic3A_191 = vector.broadcast %shift_right_arithmetic3A_190 : i32 to vector<16xi32>
    %shift_right_arithmetic3A_192 = arith.shrsi %and3A_189, %shift_right_arithmetic3A_191 : vector<16xi32>
    %and3A_193 = arith.constant 3 : i32
    %and3A_194 = vector.broadcast %and3A_193 : i32 to vector<16xi32>
    %and3A_195 = arith.andi %and3A_189, %and3A_194 : vector<16xi32>
    %shift_left3A_196 = arith.constant 2 : i32
    %shift_left3A_197 = vector.broadcast %shift_left3A_196 : i32 to vector<16xi32>
    %shift_left3A_198 = arith.shli %and3A_195, %shift_left3A_197 : vector<16xi32>
    %add3A_199 = arith.addi %shift_right_arithmetic3A_192, %shift_left3A_198 : vector<16xi32>
    %shift_left3A_200 = arith.constant 2 : i32
    %shift_left3A_201 = vector.broadcast %shift_left3A_200 : i32 to vector<16xi32>
    %shift_left3A_202 = arith.shli %add3A_199, %shift_left3A_201 : vector<16xi32>
    %add3A_203 = arith.addi %and3A_4, %shift_left3A_202 : vector<16xi32>
    %add3A_204 = arith.constant 10 : i32
    %add3A_205 = vector.broadcast %add3A_204 : i32 to vector<16xi32>
    %add3A_206 = arith.addi %iota3A, %add3A_205 : vector<16xi32>
    %and3A_207 = arith.constant 15 : i32
    %and3A_208 = vector.broadcast %and3A_207 : i32 to vector<16xi32>
    %and3A_209 = arith.andi %add3A_206, %and3A_208 : vector<16xi32>
    %shift_right_arithmetic3A_210 = arith.constant 2 : i32
    %shift_right_arithmetic3A_211 = vector.broadcast %shift_right_arithmetic3A_210 : i32 to vector<16xi32>
    %shift_right_arithmetic3A_212 = arith.shrsi %and3A_209, %shift_right_arithmetic3A_211 : vector<16xi32>
    %and3A_213 = arith.constant 3 : i32
    %and3A_214 = vector.broadcast %and3A_213 : i32 to vector<16xi32>
    %and3A_215 = arith.andi %and3A_209, %and3A_214 : vector<16xi32>
    %shift_left3A_216 = arith.constant 2 : i32
    %shift_left3A_217 = vector.broadcast %shift_left3A_216 : i32 to vector<16xi32>
    %shift_left3A_218 = arith.shli %and3A_215, %shift_left3A_217 : vector<16xi32>
    %add3A_219 = arith.addi %shift_right_arithmetic3A_212, %shift_left3A_218 : vector<16xi32>
    %shift_left3A_220 = arith.constant 2 : i32
    %shift_left3A_221 = vector.broadcast %shift_left3A_220 : i32 to vector<16xi32>
    %shift_left3A_222 = arith.shli %add3A_219, %shift_left3A_221 : vector<16xi32>
    %add3A_223 = arith.addi %and3A_4, %shift_left3A_222 : vector<16xi32>
    %add3A_224 = arith.constant 11 : i32
    %add3A_225 = vector.broadcast %add3A_224 : i32 to vector<16xi32>
    %add3A_226 = arith.addi %iota3A, %add3A_225 : vector<16xi32>
    %and3A_227 = arith.constant 15 : i32
    %and3A_228 = vector.broadcast %and3A_227 : i32 to vector<16xi32>
    %and3A_229 = arith.andi %add3A_226, %and3A_228 : vector<16xi32>
    %shift_right_arithmetic3A_230 = arith.constant 2 : i32
    %shift_right_arithmetic3A_231 = vector.broadcast %shift_right_arithmetic3A_230 : i32 to vector<16xi32>
    %shift_right_arithmetic3A_232 = arith.shrsi %and3A_229, %shift_right_arithmetic3A_231 : vector<16xi32>
    %and3A_233 = arith.constant 3 : i32
    %and3A_234 = vector.broadcast %and3A_233 : i32 to vector<16xi32>
    %and3A_235 = arith.andi %and3A_229, %and3A_234 : vector<16xi32>
    %shift_left3A_236 = arith.constant 2 : i32
    %shift_left3A_237 = vector.broadcast %shift_left3A_236 : i32 to vector<16xi32>
    %shift_left3A_238 = arith.shli %and3A_235, %shift_left3A_237 : vector<16xi32>
    %add3A_239 = arith.addi %shift_right_arithmetic3A_232, %shift_left3A_238 : vector<16xi32>
    %shift_left3A_240 = arith.constant 2 : i32
    %shift_left3A_241 = vector.broadcast %shift_left3A_240 : i32 to vector<16xi32>
    %shift_left3A_242 = arith.shli %add3A_239, %shift_left3A_241 : vector<16xi32>
    %add3A_243 = arith.addi %and3A_4, %shift_left3A_242 : vector<16xi32>
    %add3A_244 = arith.constant 12 : i32
    %add3A_245 = vector.broadcast %add3A_244 : i32 to vector<16xi32>
    %add3A_246 = arith.addi %iota3A, %add3A_245 : vector<16xi32>
    %and3A_247 = arith.constant 15 : i32
    %and3A_248 = vector.broadcast %and3A_247 : i32 to vector<16xi32>
    %and3A_249 = arith.andi %add3A_246, %and3A_248 : vector<16xi32>
    %shift_right_arithmetic3A_250 = arith.constant 2 : i32
    %shift_right_arithmetic3A_251 = vector.broadcast %shift_right_arithmetic3A_250 : i32 to vector<16xi32>
    %shift_right_arithmetic3A_252 = arith.shrsi %and3A_249, %shift_right_arithmetic3A_251 : vector<16xi32>
    %and3A_253 = arith.constant 3 : i32
    %and3A_254 = vector.broadcast %and3A_253 : i32 to vector<16xi32>
    %and3A_255 = arith.andi %and3A_249, %and3A_254 : vector<16xi32>
    %shift_left3A_256 = arith.constant 2 : i32
    %shift_left3A_257 = vector.broadcast %shift_left3A_256 : i32 to vector<16xi32>
    %shift_left3A_258 = arith.shli %and3A_255, %shift_left3A_257 : vector<16xi32>
    %add3A_259 = arith.addi %shift_right_arithmetic3A_252, %shift_left3A_258 : vector<16xi32>
    %shift_left3A_260 = arith.constant 2 : i32
    %shift_left3A_261 = vector.broadcast %shift_left3A_260 : i32 to vector<16xi32>
    %shift_left3A_262 = arith.shli %add3A_259, %shift_left3A_261 : vector<16xi32>
    %add3A_263 = arith.addi %and3A_4, %shift_left3A_262 : vector<16xi32>
    %add3A_264 = arith.constant 13 : i32
    %add3A_265 = vector.broadcast %add3A_264 : i32 to vector<16xi32>
    %add3A_266 = arith.addi %iota3A, %add3A_265 : vector<16xi32>
    %and3A_267 = arith.constant 15 : i32
    %and3A_268 = vector.broadcast %and3A_267 : i32 to vector<16xi32>
    %and3A_269 = arith.andi %add3A_266, %and3A_268 : vector<16xi32>
    %shift_right_arithmetic3A_270 = arith.constant 2 : i32
    %shift_right_arithmetic3A_271 = vector.broadcast %shift_right_arithmetic3A_270 : i32 to vector<16xi32>
    %shift_right_arithmetic3A_272 = arith.shrsi %and3A_269, %shift_right_arithmetic3A_271 : vector<16xi32>
    %and3A_273 = arith.constant 3 : i32
    %and3A_274 = vector.broadcast %and3A_273 : i32 to vector<16xi32>
    %and3A_275 = arith.andi %and3A_269, %and3A_274 : vector<16xi32>
    %shift_left3A_276 = arith.constant 2 : i32
    %shift_left3A_277 = vector.broadcast %shift_left3A_276 : i32 to vector<16xi32>
    %shift_left3A_278 = arith.shli %and3A_275, %shift_left3A_277 : vector<16xi32>
    %add3A_279 = arith.addi %shift_right_arithmetic3A_272, %shift_left3A_278 : vector<16xi32>
    %shift_left3A_280 = arith.constant 2 : i32
    %shift_left3A_281 = vector.broadcast %shift_left3A_280 : i32 to vector<16xi32>
    %shift_left3A_282 = arith.shli %add3A_279, %shift_left3A_281 : vector<16xi32>
    %add3A_283 = arith.addi %and3A_4, %shift_left3A_282 : vector<16xi32>
    %add3A_284 = arith.constant 14 : i32
    %add3A_285 = vector.broadcast %add3A_284 : i32 to vector<16xi32>
    %add3A_286 = arith.addi %iota3A, %add3A_285 : vector<16xi32>
    %and3A_287 = arith.constant 15 : i32
    %and3A_288 = vector.broadcast %and3A_287 : i32 to vector<16xi32>
    %and3A_289 = arith.andi %add3A_286, %and3A_288 : vector<16xi32>
    %shift_right_arithmetic3A_290 = arith.constant 2 : i32
    %shift_right_arithmetic3A_291 = vector.broadcast %shift_right_arithmetic3A_290 : i32 to vector<16xi32>
    %shift_right_arithmetic3A_292 = arith.shrsi %and3A_289, %shift_right_arithmetic3A_291 : vector<16xi32>
    %and3A_293 = arith.constant 3 : i32
    %and3A_294 = vector.broadcast %and3A_293 : i32 to vector<16xi32>
    %and3A_295 = arith.andi %and3A_289, %and3A_294 : vector<16xi32>
    %shift_left3A_296 = arith.constant 2 : i32
    %shift_left3A_297 = vector.broadcast %shift_left3A_296 : i32 to vector<16xi32>
    %shift_left3A_298 = arith.shli %and3A_295, %shift_left3A_297 : vector<16xi32>
    %add3A_299 = arith.addi %shift_right_arithmetic3A_292, %shift_left3A_298 : vector<16xi32>
    %shift_left3A_300 = arith.constant 2 : i32
    %shift_left3A_301 = vector.broadcast %shift_left3A_300 : i32 to vector<16xi32>
    %shift_left3A_302 = arith.shli %add3A_299, %shift_left3A_301 : vector<16xi32>
    %add3A_303 = arith.addi %and3A_4, %shift_left3A_302 : vector<16xi32>
    %add3A_304 = arith.constant 15 : i32
    %add3A_305 = vector.broadcast %add3A_304 : i32 to vector<16xi32>
    %add3A_306 = arith.addi %iota3A, %add3A_305 : vector<16xi32>
    %and3A_307 = arith.constant 15 : i32
    %and3A_308 = vector.broadcast %and3A_307 : i32 to vector<16xi32>
    %and3A_309 = arith.andi %add3A_306, %and3A_308 : vector<16xi32>
    %shift_right_arithmetic3A_310 = arith.constant 2 : i32
    %shift_right_arithmetic3A_311 = vector.broadcast %shift_right_arithmetic3A_310 : i32 to vector<16xi32>
    %shift_right_arithmetic3A_312 = arith.shrsi %and3A_309, %shift_right_arithmetic3A_311 : vector<16xi32>
    %and3A_313 = arith.constant 3 : i32
    %and3A_314 = vector.broadcast %and3A_313 : i32 to vector<16xi32>
    %and3A_315 = arith.andi %and3A_309, %and3A_314 : vector<16xi32>
    %shift_left3A_316 = arith.constant 2 : i32
    %shift_left3A_317 = vector.broadcast %shift_left3A_316 : i32 to vector<16xi32>
    %shift_left3A_318 = arith.shli %and3A_315, %shift_left3A_317 : vector<16xi32>
    %add3A_319 = arith.addi %shift_right_arithmetic3A_312, %shift_left3A_318 : vector<16xi32>
    %shift_left3A_320 = arith.constant 2 : i32
    %shift_left3A_321 = vector.broadcast %shift_left3A_320 : i32 to vector<16xi32>
    %shift_left3A_322 = arith.shli %add3A_319, %shift_left3A_321 : vector<16xi32>
    %add3A_323 = arith.addi %and3A_4, %shift_left3A_322 : vector<16xi32>
    %mul3A_324 = arith.constant 512 : i32
    %mul3A_325 = arith.muli %add3A, %mul3A_324 : i32
    %multiple_of3A = tpu.assume_multiple %mul3A_325, 512 : i32
    %dma_start3A = arith.constant 0 : i32
    %dma_start3A_326 = tpu.memref_slice %arg3[%dma_start3A, %multiple_of3A] : memref<32x1000000xf32, #tpu.memory_space<hbm>> -> memref<32x512xf32, #tpu.memory_space<hbm>>
    %dma_start3A_327 = arith.constant 0 : i32
    %dma_start3A_328 = tpu.memref_slice %arg3[%dma_start3A_327, %multiple_of3A] : memref<32x1000000xf32, #tpu.memory_space<hbm>> -> memref<32x512xf32, #tpu.memory_space<hbm>>
    tpu.enqueue_dma source(%dma_start3A_328 : memref<32x512xf32, #tpu.memory_space<hbm>>) target(%arg7 : memref<32x512xf32, #tpu.memory_space<vmem>>) target_semaphore(%arg17 : memref<!tpu.dma_semaphore, #tpu.memory_space<semaphore_mem>>)
    %scan3A = arith.constant 0 : i32
    %scan3A_329 = arith.constant 0 : i32
    %scan3A_330 = arith.constant 31 : i32
    %scan3A_331 = arith.addi %scan3A_329, %scan3A_330 : i32
    %scan3A_332 = arith.constant 1 : i32
    scf.for %scan3A_444 = %scan3A_329 to %scan3A_331 step %scan3A_332  : i32 {
      %mul3A_445 = arith.constant 2 : i32
      %mul3A_446 = arith.muli %mul3A_445, %scan3A_444 : i32
      %add3A_447 = arith.constant 0 : i32
      %add3A_448 = arith.addi %mul3A_446, %add3A_447 : i32
      %mul3A_449 = arith.constant 32 : i32
      %mul3A_450 = arith.muli %mul3A_449, %add3A_448 : i32
      %add3A_451 = arith.addi %add3A, %mul3A_450 : i32
      %add3A_452 = arith.constant 32 : i32
      %add3A_453 = arith.addi %add3A_451, %add3A_452 : i32
      %mul3A_454 = arith.constant 512 : i32
      %mul3A_455 = arith.muli %add3A_451, %mul3A_454 : i32
      %multiple_of3A_456 = tpu.assume_multiple %mul3A_455, 512 : i32
      %mul3A_457 = arith.constant 512 : i32
      %mul3A_458 = arith.muli %add3A_453, %mul3A_457 : i32
      %multiple_of3A_459 = tpu.assume_multiple %mul3A_458, 512 : i32
      %mul3A_460 = arith.constant 128 : i32
      %mul3A_461 = arith.muli %add3A_451, %mul3A_460 : i32
      %multiple_of3A_462 = tpu.assume_multiple %mul3A_461, 128 : i32
      %lt3A_463 = arith.constant 1953 : i32
      %lt3A_464 = arith.cmpi slt, %add3A_453, %lt3A_463 : i32
      %convert_element_type3A_465 = arith.extui %lt3A_464 : i1 to i32
      %cond3A_466 = arith.constant 0 : i32
      %cond3A_467 = arith.cmpi ne, %convert_element_type3A_465, %cond3A_466 : i32
      scf.if %cond3A_467 {
        %dma_start3A_501 = arith.constant 0 : i32
        %dma_start3A_502 = tpu.memref_slice %arg3[%dma_start3A_501, %multiple_of3A_459] : memref<32x1000000xf32, #tpu.memory_space<hbm>> -> memref<32x512xf32, #tpu.memory_space<hbm>>
        %dma_start3A_503 = arith.constant 0 : i32
        %dma_start3A_504 = tpu.memref_slice %arg3[%dma_start3A_503, %multiple_of3A_459] : memref<32x1000000xf32, #tpu.memory_space<hbm>> -> memref<32x512xf32, #tpu.memory_space<hbm>>
        tpu.enqueue_dma source(%dma_start3A_504 : memref<32x512xf32, #tpu.memory_space<hbm>>) target(%arg8 : memref<32x512xf32, #tpu.memory_space<vmem>>) target_semaphore(%arg18 : memref<!tpu.dma_semaphore, #tpu.memory_space<semaphore_mem>>)
      } else {
      }
      %lt3A_468 = arith.constant 1953 : i32
      %lt3A_469 = arith.cmpi slt, %add3A_451, %lt3A_468 : i32
      %convert_element_type3A_470 = arith.extui %lt3A_469 : i1 to i32
      %cond3A_471 = arith.constant 0 : i32
      %cond3A_472 = arith.cmpi ne, %convert_element_type3A_470, %cond3A_471 : i32
      scf.if %cond3A_472 {
        %dma_wait3A_501 = arith.constant 0 : i32
        %dma_wait3A_502 = tpu.memref_slice %arg3[%dma_wait3A_501, %multiple_of3A_456] : memref<32x1000000xf32, #tpu.memory_space<hbm>> -> memref<32x512xf32, #tpu.memory_space<hbm>>
        %dma_wait3A_503 = arith.constant 0 : i32
        %dma_wait3A_504 = tpu.memref_slice %arg3[%dma_wait3A_503, %multiple_of3A_456] : memref<32x1000000xf32, #tpu.memory_space<hbm>> -> memref<32x512xf32, #tpu.memory_space<hbm>>
        tpu.wait_dma2 semaphore(%arg17 : memref<!tpu.dma_semaphore, #tpu.memory_space<semaphore_mem>>) src(%dma_wait3A_504 : memref<32x512xf32, #tpu.memory_space<hbm>>) dst(%arg7 : memref<32x512xf32, #tpu.memory_space<vmem>>)
        %ge3A = arith.constant 2 : i32
        %ge3A_505 = arith.cmpi sge, %add3A_448, %ge3A : i32
        %convert_element_type3A_506 = arith.extui %ge3A_505 : i1 to i32
        %cond3A_507 = arith.constant 0 : i32
        %cond3A_508 = arith.cmpi ne, %convert_element_type3A_506, %cond3A_507 : i32
        scf.if %cond3A_508 {
          %dma_wait3A_525 = arith.constant 0 : i32
          %dma_wait3A_526 = arith.constant 0 : i32
          %dma_wait3A_527 = tpu.memref_slice %arg9[%dma_wait3A_525, %dma_wait3A_526] : memref<256x128xf32, #tpu.memory_space<vmem>> -> memref<128x128xf32, #tpu.memory_space<vmem>>
          %dma_wait3A_528 = arith.constant 0 : i32
          %dma_wait3A_529 = tpu.memref_slice %arg5[%multiple_of3A_462, %dma_wait3A_528] : memref<250000x128xf32, #tpu.memory_space<hbm>> -> memref<128x128xf32, #tpu.memory_space<hbm>>
          %dma_wait3A_530 = arith.constant 0 : i32
          %dma_wait3A_531 = tpu.memref_slice %arg5[%multiple_of3A_462, %dma_wait3A_530] : memref<250000x128xf32, #tpu.memory_space<hbm>> -> memref<128x128xf32, #tpu.memory_space<hbm>>
          %dma_wait3A_532 = arith.constant 0 : i32
          %dma_wait3A_533 = arith.constant 0 : i32
          %dma_wait3A_534 = tpu.memref_slice %arg9[%dma_wait3A_532, %dma_wait3A_533] : memref<256x128xf32, #tpu.memory_space<vmem>> -> memref<128x128xf32, #tpu.memory_space<vmem>>
          tpu.wait_dma2 semaphore(%arg19 : memref<!tpu.dma_semaphore, #tpu.memory_space<semaphore_mem>>) src(%dma_wait3A_534 : memref<128x128xf32, #tpu.memory_space<vmem>>) dst(%dma_wait3A_531 : memref<128x128xf32, #tpu.memory_space<hbm>>)
        } else {
        }
        %scan3A_509 = arith.constant 0 : i32
        %scan3A_510 = arith.constant 0 : i32
        %scan3A_511 = arith.constant 32 : i32
        %scan3A_512 = arith.addi %scan3A_510, %scan3A_511 : i32
        %scan3A_513 = arith.constant 2 : i32
        scf.for %scan3A_525 = %scan3A_510 to %scan3A_512 step %scan3A_513  : i32 {
          %mul3A_526 = arith.constant 16 : i32
          %mul3A_527 = arith.muli %scan3A_525, %mul3A_526 : i32
          %add3A_528 = vector.broadcast %mul3A_527 : i32 to vector<16xi32>
          %add3A_529 = arith.addi %add3A_528, %iota3A : vector<16xi32>
          %shift_right_arithmetic3A_530 = arith.constant 2 : i32
          %shift_right_arithmetic3A_531 = arith.shrsi %mul3A_527, %shift_right_arithmetic3A_530 : i32
          %add3A_532 = vector.broadcast %shift_right_arithmetic3A_531 : i32 to vector<16xi32>
          %add3A_533 = arith.addi %add3A_532, %shift_right_arithmetic3A_2 : vector<16xi32>
          %add3A_534 = arith.constant 0 : i32
          %add3A_535 = vector.broadcast %add3A_534 : i32 to vector<16xi32>
          %add3A_536 = arith.addi %add3A_19, %add3A_535 : vector<16xi32>
          %gather3A = tpu.vector_load_idx %arg7[%add3A_536, %add3A_529] : memref<32x512xf32, #tpu.memory_space<vmem>>[vector<16xi32>, vector<16xi32>], vector<16xf32>,
          %add3A_537 = arith.constant 0 : i32
          %add3A_538 = vector.broadcast %add3A_537 : i32 to vector<16xi32>
          %add3A_539 = arith.addi %add3A_39, %add3A_538 : vector<16xi32>
          %gather3A_540 = tpu.vector_load_idx %arg7[%add3A_539, %add3A_529] : memref<32x512xf32, #tpu.memory_space<vmem>>[vector<16xi32>, vector<16xi32>], vector<16xf32>,
          %add3A_541 = arith.constant 0 : i32
          %add3A_542 = vector.broadcast %add3A_541 : i32 to vector<16xi32>
          %add3A_543 = arith.addi %add3A_59, %add3A_542 : vector<16xi32>
          %gather3A_544 = tpu.vector_load_idx %arg7[%add3A_543, %add3A_529] : memref<32x512xf32, #tpu.memory_space<vmem>>[vector<16xi32>, vector<16xi32>], vector<16xf32>,
          %add3A_545 = arith.constant 0 : i32
          %add3A_546 = vector.broadcast %add3A_545 : i32 to vector<16xi32>
          %add3A_547 = arith.addi %add3A_79, %add3A_546 : vector<16xi32>
          %gather3A_548 = tpu.vector_load_idx %arg7[%add3A_547, %add3A_529] : memref<32x512xf32, #tpu.memory_space<vmem>>[vector<16xi32>, vector<16xi32>], vector<16xf32>,
          %add3A_549 = arith.constant 0 : i32
          %add3A_550 = vector.broadcast %add3A_549 : i32 to vector<16xi32>
          %add3A_551 = arith.addi %add3A_99, %add3A_550 : vector<16xi32>
          %gather3A_552 = tpu.vector_load_idx %arg7[%add3A_551, %add3A_529] : memref<32x512xf32, #tpu.memory_space<vmem>>[vector<16xi32>, vector<16xi32>], vector<16xf32>,
          %add3A_553 = arith.constant 0 : i32
          %add3A_554 = vector.broadcast %add3A_553 : i32 to vector<16xi32>
          %add3A_555 = arith.addi %add3A_119, %add3A_554 : vector<16xi32>
          %gather3A_556 = tpu.vector_load_idx %arg7[%add3A_555, %add3A_529] : memref<32x512xf32, #tpu.memory_space<vmem>>[vector<16xi32>, vector<16xi32>], vector<16xf32>,
          %add3A_557 = arith.constant 0 : i32
          %add3A_558 = vector.broadcast %add3A_557 : i32 to vector<16xi32>
          %add3A_559 = arith.addi %add3A_139, %add3A_558 : vector<16xi32>
          %gather3A_560 = tpu.vector_load_idx %arg7[%add3A_559, %add3A_529] : memref<32x512xf32, #tpu.memory_space<vmem>>[vector<16xi32>, vector<16xi32>], vector<16xf32>,
          %add3A_561 = arith.constant 0 : i32
          %add3A_562 = vector.broadcast %add3A_561 : i32 to vector<16xi32>
          %add3A_563 = arith.addi %add3A_159, %add3A_562 : vector<16xi32>
          %gather3A_564 = tpu.vector_load_idx %arg7[%add3A_563, %add3A_529] : memref<32x512xf32, #tpu.memory_space<vmem>>[vector<16xi32>, vector<16xi32>], vector<16xf32>,
          %add3A_565 = arith.constant 0 : i32
          %add3A_566 = vector.broadcast %add3A_565 : i32 to vector<16xi32>
          %add3A_567 = arith.addi %add3A_179, %add3A_566 : vector<16xi32>
          %gather3A_568 = tpu.vector_load_idx %arg7[%add3A_567, %add3A_529] : memref<32x512xf32, #tpu.memory_space<vmem>>[vector<16xi32>, vector<16xi32>], vector<16xf32>,
          %add3A_569 = arith.constant 0 : i32
          %add3A_570 = vector.broadcast %add3A_569 : i32 to vector<16xi32>
          %add3A_571 = arith.addi %add3A_199, %add3A_570 : vector<16xi32>
          %gather3A_572 = tpu.vector_load_idx %arg7[%add3A_571, %add3A_529] : memref<32x512xf32, #tpu.memory_space<vmem>>[vector<16xi32>, vector<16xi32>], vector<16xf32>,
          %add3A_573 = arith.constant 0 : i32
          %add3A_574 = vector.broadcast %add3A_573 : i32 to vector<16xi32>
          %add3A_575 = arith.addi %add3A_219, %add3A_574 : vector<16xi32>
          %gather3A_576 = tpu.vector_load_idx %arg7[%add3A_575, %add3A_529] : memref<32x512xf32, #tpu.memory_space<vmem>>[vector<16xi32>, vector<16xi32>], vector<16xf32>,
          %add3A_577 = arith.constant 0 : i32
          %add3A_578 = vector.broadcast %add3A_577 : i32 to vector<16xi32>
          %add3A_579 = arith.addi %add3A_239, %add3A_578 : vector<16xi32>
          %gather3A_580 = tpu.vector_load_idx %arg7[%add3A_579, %add3A_529] : memref<32x512xf32, #tpu.memory_space<vmem>>[vector<16xi32>, vector<16xi32>], vector<16xf32>,
          %add3A_581 = arith.constant 0 : i32
          %add3A_582 = vector.broadcast %add3A_581 : i32 to vector<16xi32>
          %add3A_583 = arith.addi %add3A_259, %add3A_582 : vector<16xi32>
          %gather3A_584 = tpu.vector_load_idx %arg7[%add3A_583, %add3A_529] : memref<32x512xf32, #tpu.memory_space<vmem>>[vector<16xi32>, vector<16xi32>], vector<16xf32>,
          %add3A_585 = arith.constant 0 : i32
          %add3A_586 = vector.broadcast %add3A_585 : i32 to vector<16xi32>
          %add3A_587 = arith.addi %add3A_279, %add3A_586 : vector<16xi32>
          %gather3A_588 = tpu.vector_load_idx %arg7[%add3A_587, %add3A_529] : memref<32x512xf32, #tpu.memory_space<vmem>>[vector<16xi32>, vector<16xi32>], vector<16xf32>,
          %add3A_589 = arith.constant 0 : i32
          %add3A_590 = vector.broadcast %add3A_589 : i32 to vector<16xi32>
          %add3A_591 = arith.addi %add3A_299, %add3A_590 : vector<16xi32>
          %gather3A_592 = tpu.vector_load_idx %arg7[%add3A_591, %add3A_529] : memref<32x512xf32, #tpu.memory_space<vmem>>[vector<16xi32>, vector<16xi32>], vector<16xf32>,
          %add3A_593 = arith.constant 0 : i32
          %add3A_594 = vector.broadcast %add3A_593 : i32 to vector<16xi32>
          %add3A_595 = arith.addi %add3A_319, %add3A_594 : vector<16xi32>
          %gather3A_596 = tpu.vector_load_idx %arg7[%add3A_595, %add3A_529] : memref<32x512xf32, #tpu.memory_space<vmem>>[vector<16xi32>, vector<16xi32>], vector<16xf32>,
          %add3A_597 = arith.constant 0 : i32
          %add3A_598 = vector.broadcast %add3A_597 : i32 to vector<16xi32>
          %add3A_599 = arith.addi %add3A_23, %add3A_598 : vector<16xi32>
          tpu.vector_store_idx %arg9[%add3A_533, %add3A_599], %gather3A : memref<256x128xf32, #tpu.memory_space<vmem>>[vector<16xi32>, vector<16xi32>], vector<16xf32>,
          %add3A_600 = arith.constant 0 : i32
          %add3A_601 = vector.broadcast %add3A_600 : i32 to vector<16xi32>
          %add3A_602 = arith.addi %add3A_43, %add3A_601 : vector<16xi32>
          tpu.vector_store_idx %arg9[%add3A_533, %add3A_602], %gather3A_540 : memref<256x128xf32, #tpu.memory_space<vmem>>[vector<16xi32>, vector<16xi32>], vector<16xf32>,
          %add3A_603 = arith.constant 0 : i32
          %add3A_604 = vector.broadcast %add3A_603 : i32 to vector<16xi32>
          %add3A_605 = arith.addi %add3A_63, %add3A_604 : vector<16xi32>
          tpu.vector_store_idx %arg9[%add3A_533, %add3A_605], %gather3A_544 : memref<256x128xf32, #tpu.memory_space<vmem>>[vector<16xi32>, vector<16xi32>], vector<16xf32>,
          %add3A_606 = arith.constant 0 : i32
          %add3A_607 = vector.broadcast %add3A_606 : i32 to vector<16xi32>
          %add3A_608 = arith.addi %add3A_83, %add3A_607 : vector<16xi32>
          tpu.vector_store_idx %arg9[%add3A_533, %add3A_608], %gather3A_548 : memref<256x128xf32, #tpu.memory_space<vmem>>[vector<16xi32>, vector<16xi32>], vector<16xf32>,
          %add3A_609 = arith.constant 0 : i32
          %add3A_610 = vector.broadcast %add3A_609 : i32 to vector<16xi32>
          %add3A_611 = arith.addi %add3A_103, %add3A_610 : vector<16xi32>
          tpu.vector_store_idx %arg9[%add3A_533, %add3A_611], %gather3A_552 : memref<256x128xf32, #tpu.memory_space<vmem>>[vector<16xi32>, vector<16xi32>], vector<16xf32>,
          %add3A_612 = arith.constant 0 : i32
          %add3A_613 = vector.broadcast %add3A_612 : i32 to vector<16xi32>
          %add3A_614 = arith.addi %add3A_123, %add3A_613 : vector<16xi32>
          tpu.vector_store_idx %arg9[%add3A_533, %add3A_614], %gather3A_556 : memref<256x128xf32, #tpu.memory_space<vmem>>[vector<16xi32>, vector<16xi32>], vector<16xf32>,
          %add3A_615 = arith.constant 0 : i32
          %add3A_616 = vector.broadcast %add3A_615 : i32 to vector<16xi32>
          %add3A_617 = arith.addi %add3A_143, %add3A_616 : vector<16xi32>
          tpu.vector_store_idx %arg9[%add3A_533, %add3A_617], %gather3A_560 : memref<256x128xf32, #tpu.memory_space<vmem>>[vector<16xi32>, vector<16xi32>], vector<16xf32>,
          %add3A_618 = arith.constant 0 : i32
          %add3A_619 = vector.broadcast %add3A_618 : i32 to vector<16xi32>
          %add3A_620 = arith.addi %add3A_163, %add3A_619 : vector<16xi32>
          tpu.vector_store_idx %arg9[%add3A_533, %add3A_620], %gather3A_564 : memref<256x128xf32, #tpu.memory_space<vmem>>[vector<16xi32>, vector<16xi32>], vector<16xf32>,
          %add3A_621 = arith.constant 0 : i32
          %add3A_622 = vector.broadcast %add3A_621 : i32 to vector<16xi32>
          %add3A_623 = arith.addi %add3A_183, %add3A_622 : vector<16xi32>
          tpu.vector_store_idx %arg9[%add3A_533, %add3A_623], %gather3A_568 : memref<256x128xf32, #tpu.memory_space<vmem>>[vector<16xi32>, vector<16xi32>], vector<16xf32>,
          %add3A_624 = arith.constant 0 : i32
          %add3A_625 = vector.broadcast %add3A_624 : i32 to vector<16xi32>
          %add3A_626 = arith.addi %add3A_203, %add3A_625 : vector<16xi32>
          tpu.vector_store_idx %arg9[%add3A_533, %add3A_626], %gather3A_572 : memref<256x128xf32, #tpu.memory_space<vmem>>[vector<16xi32>, vector<16xi32>], vector<16xf32>,
          %add3A_627 = arith.constant 0 : i32
          %add3A_628 = vector.broadcast %add3A_627 : i32 to vector<16xi32>
          %add3A_629 = arith.addi %add3A_223, %add3A_628 : vector<16xi32>
          tpu.vector_store_idx %arg9[%add3A_533, %add3A_629], %gather3A_576 : memref<256x128xf32, #tpu.memory_space<vmem>>[vector<16xi32>, vector<16xi32>], vector<16xf32>,
          %add3A_630 = arith.constant 0 : i32
          %add3A_631 = vector.broadcast %add3A_630 : i32 to vector<16xi32>
          %add3A_632 = arith.addi %add3A_243, %add3A_631 : vector<16xi32>
          tpu.vector_store_idx %arg9[%add3A_533, %add3A_632], %gather3A_580 : memref<256x128xf32, #tpu.memory_space<vmem>>[vector<16xi32>, vector<16xi32>], vector<16xf32>,
          %add3A_633 = arith.constant 0 : i32
          %add3A_634 = vector.broadcast %add3A_633 : i32 to vector<16xi32>
          %add3A_635 = arith.addi %add3A_263, %add3A_634 : vector<16xi32>
          tpu.vector_store_idx %arg9[%add3A_533, %add3A_635], %gather3A_584 : memref<256x128xf32, #tpu.memory_space<vmem>>[vector<16xi32>, vector<16xi32>], vector<16xf32>,
          %add3A_636 = arith.constant 0 : i32
          %add3A_637 = vector.broadcast %add3A_636 : i32 to vector<16xi32>
          %add3A_638 = arith.addi %add3A_283, %add3A_637 : vector<16xi32>
          tpu.vector_store_idx %arg9[%add3A_533, %add3A_638], %gather3A_588 : memref<256x128xf32, #tpu.memory_space<vmem>>[vector<16xi32>, vector<16xi32>], vector<16xf32>,
          %add3A_639 = arith.constant 0 : i32
          %add3A_640 = vector.broadcast %add3A_639 : i32 to vector<16xi32>
          %add3A_641 = arith.addi %add3A_303, %add3A_640 : vector<16xi32>
          tpu.vector_store_idx %arg9[%add3A_533, %add3A_641], %gather3A_592 : memref<256x128xf32, #tpu.memory_space<vmem>>[vector<16xi32>, vector<16xi32>], vector<16xf32>,
          %add3A_642 = arith.constant 0 : i32
          %add3A_643 = vector.broadcast %add3A_642 : i32 to vector<16xi32>
          %add3A_644 = arith.addi %add3A_323, %add3A_643 : vector<16xi32>
          tpu.vector_store_idx %arg9[%add3A_533, %add3A_644], %gather3A_596 : memref<256x128xf32, #tpu.memory_space<vmem>>[vector<16xi32>, vector<16xi32>], vector<16xf32>,
          %add3A_645 = arith.constant 16 : i32
          %add3A_646 = vector.broadcast %add3A_645 : i32 to vector<16xi32>
          %add3A_647 = arith.addi %add3A_19, %add3A_646 : vector<16xi32>
          %gather3A_648 = tpu.vector_load_idx %arg7[%add3A_647, %add3A_529] : memref<32x512xf32, #tpu.memory_space<vmem>>[vector<16xi32>, vector<16xi32>], vector<16xf32>,
          %add3A_649 = arith.constant 16 : i32
          %add3A_650 = vector.broadcast %add3A_649 : i32 to vector<16xi32>
          %add3A_651 = arith.addi %add3A_39, %add3A_650 : vector<16xi32>
          %gather3A_652 = tpu.vector_load_idx %arg7[%add3A_651, %add3A_529] : memref<32x512xf32, #tpu.memory_space<vmem>>[vector<16xi32>, vector<16xi32>], vector<16xf32>,
          %add3A_653 = arith.constant 16 : i32
          %add3A_654 = vector.broadcast %add3A_653 : i32 to vector<16xi32>
          %add3A_655 = arith.addi %add3A_59, %add3A_654 : vector<16xi32>
          %gather3A_656 = tpu.vector_load_idx %arg7[%add3A_655, %add3A_529] : memref<32x512xf32, #tpu.memory_space<vmem>>[vector<16xi32>, vector<16xi32>], vector<16xf32>,
          %add3A_657 = arith.constant 16 : i32
          %add3A_658 = vector.broadcast %add3A_657 : i32 to vector<16xi32>
          %add3A_659 = arith.addi %add3A_79, %add3A_658 : vector<16xi32>
          %gather3A_660 = tpu.vector_load_idx %arg7[%add3A_659, %add3A_529] : memref<32x512xf32, #tpu.memory_space<vmem>>[vector<16xi32>, vector<16xi32>], vector<16xf32>,
          %add3A_661 = arith.constant 16 : i32
          %add3A_662 = vector.broadcast %add3A_661 : i32 to vector<16xi32>
          %add3A_663 = arith.addi %add3A_99, %add3A_662 : vector<16xi32>
          %gather3A_664 = tpu.vector_load_idx %arg7[%add3A_663, %add3A_529] : memref<32x512xf32, #tpu.memory_space<vmem>>[vector<16xi32>, vector<16xi32>], vector<16xf32>,
          %add3A_665 = arith.constant 16 : i32
          %add3A_666 = vector.broadcast %add3A_665 : i32 to vector<16xi32>
          %add3A_667 = arith.addi %add3A_119, %add3A_666 : vector<16xi32>
          %gather3A_668 = tpu.vector_load_idx %arg7[%add3A_667, %add3A_529] : memref<32x512xf32, #tpu.memory_space<vmem>>[vector<16xi32>, vector<16xi32>], vector<16xf32>,
          %add3A_669 = arith.constant 16 : i32
          %add3A_670 = vector.broadcast %add3A_669 : i32 to vector<16xi32>
          %add3A_671 = arith.addi %add3A_139, %add3A_670 : vector<16xi32>
          %gather3A_672 = tpu.vector_load_idx %arg7[%add3A_671, %add3A_529] : memref<32x512xf32, #tpu.memory_space<vmem>>[vector<16xi32>, vector<16xi32>], vector<16xf32>,
          %add3A_673 = arith.constant 16 : i32
          %add3A_674 = vector.broadcast %add3A_673 : i32 to vector<16xi32>
          %add3A_675 = arith.addi %add3A_159, %add3A_674 : vector<16xi32>
          %gather3A_676 = tpu.vector_load_idx %arg7[%add3A_675, %add3A_529] : memref<32x512xf32, #tpu.memory_space<vmem>>[vector<16xi32>, vector<16xi32>], vector<16xf32>,
          %add3A_677 = arith.constant 16 : i32
          %add3A_678 = vector.broadcast %add3A_677 : i32 to vector<16xi32>
          %add3A_679 = arith.addi %add3A_179, %add3A_678 : vector<16xi32>
          %gather3A_680 = tpu.vector_load_idx %arg7[%add3A_679, %add3A_529] : memref<32x512xf32, #tpu.memory_space<vmem>>[vector<16xi32>, vector<16xi32>], vector<16xf32>,
          %add3A_681 = arith.constant 16 : i32
          %add3A_682 = vector.broadcast %add3A_681 : i32 to vector<16xi32>
          %add3A_683 = arith.addi %add3A_199, %add3A_682 : vector<16xi32>
          %gather3A_684 = tpu.vector_load_idx %arg7[%add3A_683, %add3A_529] : memref<32x512xf32, #tpu.memory_space<vmem>>[vector<16xi32>, vector<16xi32>], vector<16xf32>,
          %add3A_685 = arith.constant 16 : i32
          %add3A_686 = vector.broadcast %add3A_685 : i32 to vector<16xi32>
          %add3A_687 = arith.addi %add3A_219, %add3A_686 : vector<16xi32>
          %gather3A_688 = tpu.vector_load_idx %arg7[%add3A_687, %add3A_529] : memref<32x512xf32, #tpu.memory_space<vmem>>[vector<16xi32>, vector<16xi32>], vector<16xf32>,
          %add3A_689 = arith.constant 16 : i32
          %add3A_690 = vector.broadcast %add3A_689 : i32 to vector<16xi32>
          %add3A_691 = arith.addi %add3A_239, %add3A_690 : vector<16xi32>
          %gather3A_692 = tpu.vector_load_idx %arg7[%add3A_691, %add3A_529] : memref<32x512xf32, #tpu.memory_space<vmem>>[vector<16xi32>, vector<16xi32>], vector<16xf32>,
          %add3A_693 = arith.constant 16 : i32
          %add3A_694 = vector.broadcast %add3A_693 : i32 to vector<16xi32>
          %add3A_695 = arith.addi %add3A_259, %add3A_694 : vector<16xi32>
          %gather3A_696 = tpu.vector_load_idx %arg7[%add3A_695, %add3A_529] : memref<32x512xf32, #tpu.memory_space<vmem>>[vector<16xi32>, vector<16xi32>], vector<16xf32>,
          %add3A_697 = arith.constant 16 : i32
          %add3A_698 = vector.broadcast %add3A_697 : i32 to vector<16xi32>
          %add3A_699 = arith.addi %add3A_279, %add3A_698 : vector<16xi32>
          %gather3A_700 = tpu.vector_load_idx %arg7[%add3A_699, %add3A_529] : memref<32x512xf32, #tpu.memory_space<vmem>>[vector<16xi32>, vector<16xi32>], vector<16xf32>,
          %add3A_701 = arith.constant 16 : i32
          %add3A_702 = vector.broadcast %add3A_701 : i32 to vector<16xi32>
          %add3A_703 = arith.addi %add3A_299, %add3A_702 : vector<16xi32>
          %gather3A_704 = tpu.vector_load_idx %arg7[%add3A_703, %add3A_529] : memref<32x512xf32, #tpu.memory_space<vmem>>[vector<16xi32>, vector<16xi32>], vector<16xf32>,
          %add3A_705 = arith.constant 16 : i32
          %add3A_706 = vector.broadcast %add3A_705 : i32 to vector<16xi32>
          %add3A_707 = arith.addi %add3A_319, %add3A_706 : vector<16xi32>
          %gather3A_708 = tpu.vector_load_idx %arg7[%add3A_707, %add3A_529] : memref<32x512xf32, #tpu.memory_space<vmem>>[vector<16xi32>, vector<16xi32>], vector<16xf32>,
          %add3A_709 = arith.constant 64 : i32
          %add3A_710 = vector.broadcast %add3A_709 : i32 to vector<16xi32>
          %add3A_711 = arith.addi %add3A_23, %add3A_710 : vector<16xi32>
          tpu.vector_store_idx %arg9[%add3A_533, %add3A_711], %gather3A_648 : memref<256x128xf32, #tpu.memory_space<vmem>>[vector<16xi32>, vector<16xi32>], vector<16xf32>,
          %add3A_712 = arith.constant 64 : i32
          %add3A_713 = vector.broadcast %add3A_712 : i32 to vector<16xi32>
          %add3A_714 = arith.addi %add3A_43, %add3A_713 : vector<16xi32>
          tpu.vector_store_idx %arg9[%add3A_533, %add3A_714], %gather3A_652 : memref<256x128xf32, #tpu.memory_space<vmem>>[vector<16xi32>, vector<16xi32>], vector<16xf32>,
          %add3A_715 = arith.constant 64 : i32
          %add3A_716 = vector.broadcast %add3A_715 : i32 to vector<16xi32>
          %add3A_717 = arith.addi %add3A_63, %add3A_716 : vector<16xi32>
          tpu.vector_store_idx %arg9[%add3A_533, %add3A_717], %gather3A_656 : memref<256x128xf32, #tpu.memory_space<vmem>>[vector<16xi32>, vector<16xi32>], vector<16xf32>,
          %add3A_718 = arith.constant 64 : i32
          %add3A_719 = vector.broadcast %add3A_718 : i32 to vector<16xi32>
          %add3A_720 = arith.addi %add3A_83, %add3A_719 : vector<16xi32>
          tpu.vector_store_idx %arg9[%add3A_533, %add3A_720], %gather3A_660 : memref<256x128xf32, #tpu.memory_space<vmem>>[vector<16xi32>, vector<16xi32>], vector<16xf32>,
          %add3A_721 = arith.constant 64 : i32
          %add3A_722 = vector.broadcast %add3A_721 : i32 to vector<16xi32>
          %add3A_723 = arith.addi %add3A_103, %add3A_722 : vector<16xi32>
          tpu.vector_store_idx %arg9[%add3A_533, %add3A_723], %gather3A_664 : memref<256x128xf32, #tpu.memory_space<vmem>>[vector<16xi32>, vector<16xi32>], vector<16xf32>,
          %add3A_724 = arith.constant 64 : i32
          %add3A_725 = vector.broadcast %add3A_724 : i32 to vector<16xi32>
          %add3A_726 = arith.addi %add3A_123, %add3A_725 : vector<16xi32>
          tpu.vector_store_idx %arg9[%add3A_533, %add3A_726], %gather3A_668 : memref<256x128xf32, #tpu.memory_space<vmem>>[vector<16xi32>, vector<16xi32>], vector<16xf32>,
          %add3A_727 = arith.constant 64 : i32
          %add3A_728 = vector.broadcast %add3A_727 : i32 to vector<16xi32>
          %add3A_729 = arith.addi %add3A_143, %add3A_728 : vector<16xi32>
          tpu.vector_store_idx %arg9[%add3A_533, %add3A_729], %gather3A_672 : memref<256x128xf32, #tpu.memory_space<vmem>>[vector<16xi32>, vector<16xi32>], vector<16xf32>,
          %add3A_730 = arith.constant 64 : i32
          %add3A_731 = vector.broadcast %add3A_730 : i32 to vector<16xi32>
          %add3A_732 = arith.addi %add3A_163, %add3A_731 : vector<16xi32>
          tpu.vector_store_idx %arg9[%add3A_533, %add3A_732], %gather3A_676 : memref<256x128xf32, #tpu.memory_space<vmem>>[vector<16xi32>, vector<16xi32>], vector<16xf32>,
          %add3A_733 = arith.constant 64 : i32
          %add3A_734 = vector.broadcast %add3A_733 : i32 to vector<16xi32>
          %add3A_735 = arith.addi %add3A_183, %add3A_734 : vector<16xi32>
          tpu.vector_store_idx %arg9[%add3A_533, %add3A_735], %gather3A_680 : memref<256x128xf32, #tpu.memory_space<vmem>>[vector<16xi32>, vector<16xi32>], vector<16xf32>,
          %add3A_736 = arith.constant 64 : i32
          %add3A_737 = vector.broadcast %add3A_736 : i32 to vector<16xi32>
          %add3A_738 = arith.addi %add3A_203, %add3A_737 : vector<16xi32>
          tpu.vector_store_idx %arg9[%add3A_533, %add3A_738], %gather3A_684 : memref<256x128xf32, #tpu.memory_space<vmem>>[vector<16xi32>, vector<16xi32>], vector<16xf32>,
          %add3A_739 = arith.constant 64 : i32
          %add3A_740 = vector.broadcast %add3A_739 : i32 to vector<16xi32>
          %add3A_741 = arith.addi %add3A_223, %add3A_740 : vector<16xi32>
          tpu.vector_store_idx %arg9[%add3A_533, %add3A_741], %gather3A_688 : memref<256x128xf32, #tpu.memory_space<vmem>>[vector<16xi32>, vector<16xi32>], vector<16xf32>,
          %add3A_742 = arith.constant 64 : i32
          %add3A_743 = vector.broadcast %add3A_742 : i32 to vector<16xi32>
          %add3A_744 = arith.addi %add3A_243, %add3A_743 : vector<16xi32>
          tpu.vector_store_idx %arg9[%add3A_533, %add3A_744], %gather3A_692 : memref<256x128xf32, #tpu.memory_space<vmem>>[vector<16xi32>, vector<16xi32>], vector<16xf32>,
          %add3A_745 = arith.constant 64 : i32
          %add3A_746 = vector.broadcast %add3A_745 : i32 to vector<16xi32>
          %add3A_747 = arith.addi %add3A_263, %add3A_746 : vector<16xi32>
          tpu.vector_store_idx %arg9[%add3A_533, %add3A_747], %gather3A_696 : memref<256x128xf32, #tpu.memory_space<vmem>>[vector<16xi32>, vector<16xi32>], vector<16xf32>,
          %add3A_748 = arith.constant 64 : i32
          %add3A_749 = vector.broadcast %add3A_748 : i32 to vector<16xi32>
          %add3A_750 = arith.addi %add3A_283, %add3A_749 : vector<16xi32>
          tpu.vector_store_idx %arg9[%add3A_533, %add3A_750], %gather3A_700 : memref<256x128xf32, #tpu.memory_space<vmem>>[vector<16xi32>, vector<16xi32>], vector<16xf32>,
          %add3A_751 = arith.constant 64 : i32
          %add3A_752 = vector.broadcast %add3A_751 : i32 to vector<16xi32>
          %add3A_753 = arith.addi %add3A_303, %add3A_752 : vector<16xi32>
          tpu.vector_store_idx %arg9[%add3A_533, %add3A_753], %gather3A_704 : memref<256x128xf32, #tpu.memory_space<vmem>>[vector<16xi32>, vector<16xi32>], vector<16xf32>,
          %add3A_754 = arith.constant 64 : i32
          %add3A_755 = vector.broadcast %add3A_754 : i32 to vector<16xi32>
          %add3A_756 = arith.addi %add3A_323, %add3A_755 : vector<16xi32>
          tpu.vector_store_idx %arg9[%add3A_533, %add3A_756], %gather3A_708 : memref<256x128xf32, #tpu.memory_space<vmem>>[vector<16xi32>, vector<16xi32>], vector<16xf32>,
          %scan3A_757 = arith.constant 1 : i32
          %scan3A_758 = arith.addi %scan3A_525, %scan3A_757 : i32
          %mul3A_759 = arith.constant 16 : i32
          %mul3A_760 = arith.muli %scan3A_758, %mul3A_759 : i32
          %add3A_761 = vector.broadcast %mul3A_760 : i32 to vector<16xi32>
          %add3A_762 = arith.addi %add3A_761, %iota3A : vector<16xi32>
          %shift_right_arithmetic3A_763 = arith.constant 2 : i32
          %shift_right_arithmetic3A_764 = arith.shrsi %mul3A_760, %shift_right_arithmetic3A_763 : i32
          %add3A_765 = vector.broadcast %shift_right_arithmetic3A_764 : i32 to vector<16xi32>
          %add3A_766 = arith.addi %add3A_765, %shift_right_arithmetic3A_2 : vector<16xi32>
          %add3A_767 = arith.constant 0 : i32
          %add3A_768 = vector.broadcast %add3A_767 : i32 to vector<16xi32>
          %add3A_769 = arith.addi %add3A_19, %add3A_768 : vector<16xi32>
          %gather3A_770 = tpu.vector_load_idx %arg7[%add3A_769, %add3A_762] : memref<32x512xf32, #tpu.memory_space<vmem>>[vector<16xi32>, vector<16xi32>], vector<16xf32>,
          %add3A_771 = arith.constant 0 : i32
          %add3A_772 = vector.broadcast %add3A_771 : i32 to vector<16xi32>
          %add3A_773 = arith.addi %add3A_39, %add3A_772 : vector<16xi32>
          %gather3A_774 = tpu.vector_load_idx %arg7[%add3A_773, %add3A_762] : memref<32x512xf32, #tpu.memory_space<vmem>>[vector<16xi32>, vector<16xi32>], vector<16xf32>,
          %add3A_775 = arith.constant 0 : i32
          %add3A_776 = vector.broadcast %add3A_775 : i32 to vector<16xi32>
          %add3A_777 = arith.addi %add3A_59, %add3A_776 : vector<16xi32>
          %gather3A_778 = tpu.vector_load_idx %arg7[%add3A_777, %add3A_762] : memref<32x512xf32, #tpu.memory_space<vmem>>[vector<16xi32>, vector<16xi32>], vector<16xf32>,
          %add3A_779 = arith.constant 0 : i32
          %add3A_780 = vector.broadcast %add3A_779 : i32 to vector<16xi32>
          %add3A_781 = arith.addi %add3A_79, %add3A_780 : vector<16xi32>
          %gather3A_782 = tpu.vector_load_idx %arg7[%add3A_781, %add3A_762] : memref<32x512xf32, #tpu.memory_space<vmem>>[vector<16xi32>, vector<16xi32>], vector<16xf32>,
          %add3A_783 = arith.constant 0 : i32
          %add3A_784 = vector.broadcast %add3A_783 : i32 to vector<16xi32>
          %add3A_785 = arith.addi %add3A_99, %add3A_784 : vector<16xi32>
          %gather3A_786 = tpu.vector_load_idx %arg7[%add3A_785, %add3A_762] : memref<32x512xf32, #tpu.memory_space<vmem>>[vector<16xi32>, vector<16xi32>], vector<16xf32>,
          %add3A_787 = arith.constant 0 : i32
          %add3A_788 = vector.broadcast %add3A_787 : i32 to vector<16xi32>
          %add3A_789 = arith.addi %add3A_119, %add3A_788 : vector<16xi32>
          %gather3A_790 = tpu.vector_load_idx %arg7[%add3A_789, %add3A_762] : memref<32x512xf32, #tpu.memory_space<vmem>>[vector<16xi32>, vector<16xi32>], vector<16xf32>,
          %add3A_791 = arith.constant 0 : i32
          %add3A_792 = vector.broadcast %add3A_791 : i32 to vector<16xi32>
          %add3A_793 = arith.addi %add3A_139, %add3A_792 : vector<16xi32>
          %gather3A_794 = tpu.vector_load_idx %arg7[%add3A_793, %add3A_762] : memref<32x512xf32, #tpu.memory_space<vmem>>[vector<16xi32>, vector<16xi32>], vector<16xf32>,
          %add3A_795 = arith.constant 0 : i32
          %add3A_796 = vector.broadcast %add3A_795 : i32 to vector<16xi32>
          %add3A_797 = arith.addi %add3A_159, %add3A_796 : vector<16xi32>
          %gather3A_798 = tpu.vector_load_idx %arg7[%add3A_797, %add3A_762] : memref<32x512xf32, #tpu.memory_space<vmem>>[vector<16xi32>, vector<16xi32>], vector<16xf32>,
          %add3A_799 = arith.constant 0 : i32
          %add3A_800 = vector.broadcast %add3A_799 : i32 to vector<16xi32>
          %add3A_801 = arith.addi %add3A_179, %add3A_800 : vector<16xi32>
          %gather3A_802 = tpu.vector_load_idx %arg7[%add3A_801, %add3A_762] : memref<32x512xf32, #tpu.memory_space<vmem>>[vector<16xi32>, vector<16xi32>], vector<16xf32>,
          %add3A_803 = arith.constant 0 : i32
          %add3A_804 = vector.broadcast %add3A_803 : i32 to vector<16xi32>
          %add3A_805 = arith.addi %add3A_199, %add3A_804 : vector<16xi32>
          %gather3A_806 = tpu.vector_load_idx %arg7[%add3A_805, %add3A_762] : memref<32x512xf32, #tpu.memory_space<vmem>>[vector<16xi32>, vector<16xi32>], vector<16xf32>,
          %add3A_807 = arith.constant 0 : i32
          %add3A_808 = vector.broadcast %add3A_807 : i32 to vector<16xi32>
          %add3A_809 = arith.addi %add3A_219, %add3A_808 : vector<16xi32>
          %gather3A_810 = tpu.vector_load_idx %arg7[%add3A_809, %add3A_762] : memref<32x512xf32, #tpu.memory_space<vmem>>[vector<16xi32>, vector<16xi32>], vector<16xf32>,
          %add3A_811 = arith.constant 0 : i32
          %add3A_812 = vector.broadcast %add3A_811 : i32 to vector<16xi32>
          %add3A_813 = arith.addi %add3A_239, %add3A_812 : vector<16xi32>
          %gather3A_814 = tpu.vector_load_idx %arg7[%add3A_813, %add3A_762] : memref<32x512xf32, #tpu.memory_space<vmem>>[vector<16xi32>, vector<16xi32>], vector<16xf32>,
          %add3A_815 = arith.constant 0 : i32
          %add3A_816 = vector.broadcast %add3A_815 : i32 to vector<16xi32>
          %add3A_817 = arith.addi %add3A_259, %add3A_816 : vector<16xi32>
          %gather3A_818 = tpu.vector_load_idx %arg7[%add3A_817, %add3A_762] : memref<32x512xf32, #tpu.memory_space<vmem>>[vector<16xi32>, vector<16xi32>], vector<16xf32>,
          %add3A_819 = arith.constant 0 : i32
          %add3A_820 = vector.broadcast %add3A_819 : i32 to vector<16xi32>
          %add3A_821 = arith.addi %add3A_279, %add3A_820 : vector<16xi32>
          %gather3A_822 = tpu.vector_load_idx %arg7[%add3A_821, %add3A_762] : memref<32x512xf32, #tpu.memory_space<vmem>>[vector<16xi32>, vector<16xi32>], vector<16xf32>,
          %add3A_823 = arith.constant 0 : i32
          %add3A_824 = vector.broadcast %add3A_823 : i32 to vector<16xi32>
          %add3A_825 = arith.addi %add3A_299, %add3A_824 : vector<16xi32>
          %gather3A_826 = tpu.vector_load_idx %arg7[%add3A_825, %add3A_762] : memref<32x512xf32, #tpu.memory_space<vmem>>[vector<16xi32>, vector<16xi32>], vector<16xf32>,
          %add3A_827 = arith.constant 0 : i32
          %add3A_828 = vector.broadcast %add3A_827 : i32 to vector<16xi32>
          %add3A_829 = arith.addi %add3A_319, %add3A_828 : vector<16xi32>
          %gather3A_830 = tpu.vector_load_idx %arg7[%add3A_829, %add3A_762] : memref<32x512xf32, #tpu.memory_space<vmem>>[vector<16xi32>, vector<16xi32>], vector<16xf32>,
          %add3A_831 = arith.constant 0 : i32
          %add3A_832 = vector.broadcast %add3A_831 : i32 to vector<16xi32>
          %add3A_833 = arith.addi %add3A_23, %add3A_832 : vector<16xi32>
          tpu.vector_store_idx %arg9[%add3A_766, %add3A_833], %gather3A_770 : memref<256x128xf32, #tpu.memory_space<vmem>>[vector<16xi32>, vector<16xi32>], vector<16xf32>,
          %add3A_834 = arith.constant 0 : i32
          %add3A_835 = vector.broadcast %add3A_834 : i32 to vector<16xi32>
          %add3A_836 = arith.addi %add3A_43, %add3A_835 : vector<16xi32>
          tpu.vector_store_idx %arg9[%add3A_766, %add3A_836], %gather3A_774 : memref<256x128xf32, #tpu.memory_space<vmem>>[vector<16xi32>, vector<16xi32>], vector<16xf32>,
          %add3A_837 = arith.constant 0 : i32
          %add3A_838 = vector.broadcast %add3A_837 : i32 to vector<16xi32>
          %add3A_839 = arith.addi %add3A_63, %add3A_838 : vector<16xi32>
          tpu.vector_store_idx %arg9[%add3A_766, %add3A_839], %gather3A_778 : memref<256x128xf32, #tpu.memory_space<vmem>>[vector<16xi32>, vector<16xi32>], vector<16xf32>,
          %add3A_840 = arith.constant 0 : i32
          %add3A_841 = vector.broadcast %add3A_840 : i32 to vector<16xi32>
          %add3A_842 = arith.addi %add3A_83, %add3A_841 : vector<16xi32>
          tpu.vector_store_idx %arg9[%add3A_766, %add3A_842], %gather3A_782 : memref<256x128xf32, #tpu.memory_space<vmem>>[vector<16xi32>, vector<16xi32>], vector<16xf32>,
          %add3A_843 = arith.constant 0 : i32
          %add3A_844 = vector.broadcast %add3A_843 : i32 to vector<16xi32>
          %add3A_845 = arith.addi %add3A_103, %add3A_844 : vector<16xi32>
          tpu.vector_store_idx %arg9[%add3A_766, %add3A_845], %gather3A_786 : memref<256x128xf32, #tpu.memory_space<vmem>>[vector<16xi32>, vector<16xi32>], vector<16xf32>,
          %add3A_846 = arith.constant 0 : i32
          %add3A_847 = vector.broadcast %add3A_846 : i32 to vector<16xi32>
          %add3A_848 = arith.addi %add3A_123, %add3A_847 : vector<16xi32>
          tpu.vector_store_idx %arg9[%add3A_766, %add3A_848], %gather3A_790 : memref<256x128xf32, #tpu.memory_space<vmem>>[vector<16xi32>, vector<16xi32>], vector<16xf32>,
          %add3A_849 = arith.constant 0 : i32
          %add3A_850 = vector.broadcast %add3A_849 : i32 to vector<16xi32>
          %add3A_851 = arith.addi %add3A_143, %add3A_850 : vector<16xi32>
          tpu.vector_store_idx %arg9[%add3A_766, %add3A_851], %gather3A_794 : memref<256x128xf32, #tpu.memory_space<vmem>>[vector<16xi32>, vector<16xi32>], vector<16xf32>,
          %add3A_852 = arith.constant 0 : i32
          %add3A_853 = vector.broadcast %add3A_852 : i32 to vector<16xi32>
          %add3A_854 = arith.addi %add3A_163, %add3A_853 : vector<16xi32>
          tpu.vector_store_idx %arg9[%add3A_766, %add3A_854], %gather3A_798 : memref<256x128xf32, #tpu.memory_space<vmem>>[vector<16xi32>, vector<16xi32>], vector<16xf32>,
          %add3A_855 = arith.constant 0 : i32
          %add3A_856 = vector.broadcast %add3A_855 : i32 to vector<16xi32>
          %add3A_857 = arith.addi %add3A_183, %add3A_856 : vector<16xi32>
          tpu.vector_store_idx %arg9[%add3A_766, %add3A_857], %gather3A_802 : memref<256x128xf32, #tpu.memory_space<vmem>>[vector<16xi32>, vector<16xi32>], vector<16xf32>,
          %add3A_858 = arith.constant 0 : i32
          %add3A_859 = vector.broadcast %add3A_858 : i32 to vector<16xi32>
          %add3A_860 = arith.addi %add3A_203, %add3A_859 : vector<16xi32>
          tpu.vector_store_idx %arg9[%add3A_766, %add3A_860], %gather3A_806 : memref<256x128xf32, #tpu.memory_space<vmem>>[vector<16xi32>, vector<16xi32>], vector<16xf32>,
          %add3A_861 = arith.constant 0 : i32
          %add3A_862 = vector.broadcast %add3A_861 : i32 to vector<16xi32>
          %add3A_863 = arith.addi %add3A_223, %add3A_862 : vector<16xi32>
          tpu.vector_store_idx %arg9[%add3A_766, %add3A_863], %gather3A_810 : memref<256x128xf32, #tpu.memory_space<vmem>>[vector<16xi32>, vector<16xi32>], vector<16xf32>,
          %add3A_864 = arith.constant 0 : i32
          %add3A_865 = vector.broadcast %add3A_864 : i32 to vector<16xi32>
          %add3A_866 = arith.addi %add3A_243, %add3A_865 : vector<16xi32>
          tpu.vector_store_idx %arg9[%add3A_766, %add3A_866], %gather3A_814 : memref<256x128xf32, #tpu.memory_space<vmem>>[vector<16xi32>, vector<16xi32>], vector<16xf32>,
          %add3A_867 = arith.constant 0 : i32
          %add3A_868 = vector.broadcast %add3A_867 : i32 to vector<16xi32>
          %add3A_869 = arith.addi %add3A_263, %add3A_868 : vector<16xi32>
          tpu.vector_store_idx %arg9[%add3A_766, %add3A_869], %gather3A_818 : memref<256x128xf32, #tpu.memory_space<vmem>>[vector<16xi32>, vector<16xi32>], vector<16xf32>,
          %add3A_870 = arith.constant 0 : i32
          %add3A_871 = vector.broadcast %add3A_870 : i32 to vector<16xi32>
          %add3A_872 = arith.addi %add3A_283, %add3A_871 : vector<16xi32>
          tpu.vector_store_idx %arg9[%add3A_766, %add3A_872], %gather3A_822 : memref<256x128xf32, #tpu.memory_space<vmem>>[vector<16xi32>, vector<16xi32>], vector<16xf32>,
          %add3A_873 = arith.constant 0 : i32
          %add3A_874 = vector.broadcast %add3A_873 : i32 to vector<16xi32>
          %add3A_875 = arith.addi %add3A_303, %add3A_874 : vector<16xi32>
          tpu.vector_store_idx %arg9[%add3A_766, %add3A_875], %gather3A_826 : memref<256x128xf32, #tpu.memory_space<vmem>>[vector<16xi32>, vector<16xi32>], vector<16xf32>,
          %add3A_876 = arith.constant 0 : i32
          %add3A_877 = vector.broadcast %add3A_876 : i32 to vector<16xi32>
          %add3A_878 = arith.addi %add3A_323, %add3A_877 : vector<16xi32>
          tpu.vector_store_idx %arg9[%add3A_766, %add3A_878], %gather3A_830 : memref<256x128xf32, #tpu.memory_space<vmem>>[vector<16xi32>, vector<16xi32>], vector<16xf32>,
          %add3A_879 = arith.constant 16 : i32
          %add3A_880 = vector.broadcast %add3A_879 : i32 to vector<16xi32>
          %add3A_881 = arith.addi %add3A_19, %add3A_880 : vector<16xi32>
          %gather3A_882 = tpu.vector_load_idx %arg7[%add3A_881, %add3A_762] : memref<32x512xf32, #tpu.memory_space<vmem>>[vector<16xi32>, vector<16xi32>], vector<16xf32>,
          %add3A_883 = arith.constant 16 : i32
          %add3A_884 = vector.broadcast %add3A_883 : i32 to vector<16xi32>
          %add3A_885 = arith.addi %add3A_39, %add3A_884 : vector<16xi32>
          %gather3A_886 = tpu.vector_load_idx %arg7[%add3A_885, %add3A_762] : memref<32x512xf32, #tpu.memory_space<vmem>>[vector<16xi32>, vector<16xi32>], vector<16xf32>,
          %add3A_887 = arith.constant 16 : i32
          %add3A_888 = vector.broadcast %add3A_887 : i32 to vector<16xi32>
          %add3A_889 = arith.addi %add3A_59, %add3A_888 : vector<16xi32>
          %gather3A_890 = tpu.vector_load_idx %arg7[%add3A_889, %add3A_762] : memref<32x512xf32, #tpu.memory_space<vmem>>[vector<16xi32>, vector<16xi32>], vector<16xf32>,
          %add3A_891 = arith.constant 16 : i32
          %add3A_892 = vector.broadcast %add3A_891 : i32 to vector<16xi32>
          %add3A_893 = arith.addi %add3A_79, %add3A_892 : vector<16xi32>
          %gather3A_894 = tpu.vector_load_idx %arg7[%add3A_893, %add3A_762] : memref<32x512xf32, #tpu.memory_space<vmem>>[vector<16xi32>, vector<16xi32>], vector<16xf32>,
          %add3A_895 = arith.constant 16 : i32
          %add3A_896 = vector.broadcast %add3A_895 : i32 to vector<16xi32>
          %add3A_897 = arith.addi %add3A_99, %add3A_896 : vector<16xi32>
          %gather3A_898 = tpu.vector_load_idx %arg7[%add3A_897, %add3A_762] : memref<32x512xf32, #tpu.memory_space<vmem>>[vector<16xi32>, vector<16xi32>], vector<16xf32>,
          %add3A_899 = arith.constant 16 : i32
          %add3A_900 = vector.broadcast %add3A_899 : i32 to vector<16xi32>
          %add3A_901 = arith.addi %add3A_119, %add3A_900 : vector<16xi32>
          %gather3A_902 = tpu.vector_load_idx %arg7[%add3A_901, %add3A_762] : memref<32x512xf32, #tpu.memory_space<vmem>>[vector<16xi32>, vector<16xi32>], vector<16xf32>,
          %add3A_903 = arith.constant 16 : i32
          %add3A_904 = vector.broadcast %add3A_903 : i32 to vector<16xi32>
          %add3A_905 = arith.addi %add3A_139, %add3A_904 : vector<16xi32>
          %gather3A_906 = tpu.vector_load_idx %arg7[%add3A_905, %add3A_762] : memref<32x512xf32, #tpu.memory_space<vmem>>[vector<16xi32>, vector<16xi32>], vector<16xf32>,
          %add3A_907 = arith.constant 16 : i32
          %add3A_908 = vector.broadcast %add3A_907 : i32 to vector<16xi32>
          %add3A_909 = arith.addi %add3A_159, %add3A_908 : vector<16xi32>
          %gather3A_910 = tpu.vector_load_idx %arg7[%add3A_909, %add3A_762] : memref<32x512xf32, #tpu.memory_space<vmem>>[vector<16xi32>, vector<16xi32>], vector<16xf32>,
          %add3A_911 = arith.constant 16 : i32
          %add3A_912 = vector.broadcast %add3A_911 : i32 to vector<16xi32>
          %add3A_913 = arith.addi %add3A_179, %add3A_912 : vector<16xi32>
          %gather3A_914 = tpu.vector_load_idx %arg7[%add3A_913, %add3A_762] : memref<32x512xf32, #tpu.memory_space<vmem>>[vector<16xi32>, vector<16xi32>], vector<16xf32>,
          %add3A_915 = arith.constant 16 : i32
          %add3A_916 = vector.broadcast %add3A_915 : i32 to vector<16xi32>
          %add3A_917 = arith.addi %add3A_199, %add3A_916 : vector<16xi32>
          %gather3A_918 = tpu.vector_load_idx %arg7[%add3A_917, %add3A_762] : memref<32x512xf32, #tpu.memory_space<vmem>>[vector<16xi32>, vector<16xi32>], vector<16xf32>,
          %add3A_919 = arith.constant 16 : i32
          %add3A_920 = vector.broadcast %add3A_919 : i32 to vector<16xi32>
          %add3A_921 = arith.addi %add3A_219, %add3A_920 : vector<16xi32>
          %gather3A_922 = tpu.vector_load_idx %arg7[%add3A_921, %add3A_762] : memref<32x512xf32, #tpu.memory_space<vmem>>[vector<16xi32>, vector<16xi32>], vector<16xf32>,
          %add3A_923 = arith.constant 16 : i32
          %add3A_924 = vector.broadcast %add3A_923 : i32 to vector<16xi32>
          %add3A_925 = arith.addi %add3A_239, %add3A_924 : vector<16xi32>
          %gather3A_926 = tpu.vector_load_idx %arg7[%add3A_925, %add3A_762] : memref<32x512xf32, #tpu.memory_space<vmem>>[vector<16xi32>, vector<16xi32>], vector<16xf32>,
          %add3A_927 = arith.constant 16 : i32
          %add3A_928 = vector.broadcast %add3A_927 : i32 to vector<16xi32>
          %add3A_929 = arith.addi %add3A_259, %add3A_928 : vector<16xi32>
          %gather3A_930 = tpu.vector_load_idx %arg7[%add3A_929, %add3A_762] : memref<32x512xf32, #tpu.memory_space<vmem>>[vector<16xi32>, vector<16xi32>], vector<16xf32>,
          %add3A_931 = arith.constant 16 : i32
          %add3A_932 = vector.broadcast %add3A_931 : i32 to vector<16xi32>
          %add3A_933 = arith.addi %add3A_279, %add3A_932 : vector<16xi32>
          %gather3A_934 = tpu.vector_load_idx %arg7[%add3A_933, %add3A_762] : memref<32x512xf32, #tpu.memory_space<vmem>>[vector<16xi32>, vector<16xi32>], vector<16xf32>,
          %add3A_935 = arith.constant 16 : i32
          %add3A_936 = vector.broadcast %add3A_935 : i32 to vector<16xi32>
          %add3A_937 = arith.addi %add3A_299, %add3A_936 : vector<16xi32>
          %gather3A_938 = tpu.vector_load_idx %arg7[%add3A_937, %add3A_762] : memref<32x512xf32, #tpu.memory_space<vmem>>[vector<16xi32>, vector<16xi32>], vector<16xf32>,
          %add3A_939 = arith.constant 16 : i32
          %add3A_940 = vector.broadcast %add3A_939 : i32 to vector<16xi32>
          %add3A_941 = arith.addi %add3A_319, %add3A_940 : vector<16xi32>
          %gather3A_942 = tpu.vector_load_idx %arg7[%add3A_941, %add3A_762] : memref<32x512xf32, #tpu.memory_space<vmem>>[vector<16xi32>, vector<16xi32>], vector<16xf32>,
          %add3A_943 = arith.constant 64 : i32
          %add3A_944 = vector.broadcast %add3A_943 : i32 to vector<16xi32>
          %add3A_945 = arith.addi %add3A_23, %add3A_944 : vector<16xi32>
          tpu.vector_store_idx %arg9[%add3A_766, %add3A_945], %gather3A_882 : memref<256x128xf32, #tpu.memory_space<vmem>>[vector<16xi32>, vector<16xi32>], vector<16xf32>,
          %add3A_946 = arith.constant 64 : i32
          %add3A_947 = vector.broadcast %add3A_946 : i32 to vector<16xi32>
          %add3A_948 = arith.addi %add3A_43, %add3A_947 : vector<16xi32>
          tpu.vector_store_idx %arg9[%add3A_766, %add3A_948], %gather3A_886 : memref<256x128xf32, #tpu.memory_space<vmem>>[vector<16xi32>, vector<16xi32>], vector<16xf32>,
          %add3A_949 = arith.constant 64 : i32
          %add3A_950 = vector.broadcast %add3A_949 : i32 to vector<16xi32>
          %add3A_951 = arith.addi %add3A_63, %add3A_950 : vector<16xi32>
          tpu.vector_store_idx %arg9[%add3A_766, %add3A_951], %gather3A_890 : memref<256x128xf32, #tpu.memory_space<vmem>>[vector<16xi32>, vector<16xi32>], vector<16xf32>,
          %add3A_952 = arith.constant 64 : i32
          %add3A_953 = vector.broadcast %add3A_952 : i32 to vector<16xi32>
          %add3A_954 = arith.addi %add3A_83, %add3A_953 : vector<16xi32>
          tpu.vector_store_idx %arg9[%add3A_766, %add3A_954], %gather3A_894 : memref<256x128xf32, #tpu.memory_space<vmem>>[vector<16xi32>, vector<16xi32>], vector<16xf32>,
          %add3A_955 = arith.constant 64 : i32
          %add3A_956 = vector.broadcast %add3A_955 : i32 to vector<16xi32>
          %add3A_957 = arith.addi %add3A_103, %add3A_956 : vector<16xi32>
          tpu.vector_store_idx %arg9[%add3A_766, %add3A_957], %gather3A_898 : memref<256x128xf32, #tpu.memory_space<vmem>>[vector<16xi32>, vector<16xi32>], vector<16xf32>,
          %add3A_958 = arith.constant 64 : i32
          %add3A_959 = vector.broadcast %add3A_958 : i32 to vector<16xi32>
          %add3A_960 = arith.addi %add3A_123, %add3A_959 : vector<16xi32>
          tpu.vector_store_idx %arg9[%add3A_766, %add3A_960], %gather3A_902 : memref<256x128xf32, #tpu.memory_space<vmem>>[vector<16xi32>, vector<16xi32>], vector<16xf32>,
          %add3A_961 = arith.constant 64 : i32
          %add3A_962 = vector.broadcast %add3A_961 : i32 to vector<16xi32>
          %add3A_963 = arith.addi %add3A_143, %add3A_962 : vector<16xi32>
          tpu.vector_store_idx %arg9[%add3A_766, %add3A_963], %gather3A_906 : memref<256x128xf32, #tpu.memory_space<vmem>>[vector<16xi32>, vector<16xi32>], vector<16xf32>,
          %add3A_964 = arith.constant 64 : i32
          %add3A_965 = vector.broadcast %add3A_964 : i32 to vector<16xi32>
          %add3A_966 = arith.addi %add3A_163, %add3A_965 : vector<16xi32>
          tpu.vector_store_idx %arg9[%add3A_766, %add3A_966], %gather3A_910 : memref<256x128xf32, #tpu.memory_space<vmem>>[vector<16xi32>, vector<16xi32>], vector<16xf32>,
          %add3A_967 = arith.constant 64 : i32
          %add3A_968 = vector.broadcast %add3A_967 : i32 to vector<16xi32>
          %add3A_969 = arith.addi %add3A_183, %add3A_968 : vector<16xi32>
          tpu.vector_store_idx %arg9[%add3A_766, %add3A_969], %gather3A_914 : memref<256x128xf32, #tpu.memory_space<vmem>>[vector<16xi32>, vector<16xi32>], vector<16xf32>,
          %add3A_970 = arith.constant 64 : i32
          %add3A_971 = vector.broadcast %add3A_970 : i32 to vector<16xi32>
          %add3A_972 = arith.addi %add3A_203, %add3A_971 : vector<16xi32>
          tpu.vector_store_idx %arg9[%add3A_766, %add3A_972], %gather3A_918 : memref<256x128xf32, #tpu.memory_space<vmem>>[vector<16xi32>, vector<16xi32>], vector<16xf32>,
          %add3A_973 = arith.constant 64 : i32
          %add3A_974 = vector.broadcast %add3A_973 : i32 to vector<16xi32>
          %add3A_975 = arith.addi %add3A_223, %add3A_974 : vector<16xi32>
          tpu.vector_store_idx %arg9[%add3A_766, %add3A_975], %gather3A_922 : memref<256x128xf32, #tpu.memory_space<vmem>>[vector<16xi32>, vector<16xi32>], vector<16xf32>,
          %add3A_976 = arith.constant 64 : i32
          %add3A_977 = vector.broadcast %add3A_976 : i32 to vector<16xi32>
          %add3A_978 = arith.addi %add3A_243, %add3A_977 : vector<16xi32>
          tpu.vector_store_idx %arg9[%add3A_766, %add3A_978], %gather3A_926 : memref<256x128xf32, #tpu.memory_space<vmem>>[vector<16xi32>, vector<16xi32>], vector<16xf32>,
          %add3A_979 = arith.constant 64 : i32
          %add3A_980 = vector.broadcast %add3A_979 : i32 to vector<16xi32>
          %add3A_981 = arith.addi %add3A_263, %add3A_980 : vector<16xi32>
          tpu.vector_store_idx %arg9[%add3A_766, %add3A_981], %gather3A_930 : memref<256x128xf32, #tpu.memory_space<vmem>>[vector<16xi32>, vector<16xi32>], vector<16xf32>,
          %add3A_982 = arith.constant 64 : i32
          %add3A_983 = vector.broadcast %add3A_982 : i32 to vector<16xi32>
          %add3A_984 = arith.addi %add3A_283, %add3A_983 : vector<16xi32>
          tpu.vector_store_idx %arg9[%add3A_766, %add3A_984], %gather3A_934 : memref<256x128xf32, #tpu.memory_space<vmem>>[vector<16xi32>, vector<16xi32>], vector<16xf32>,
          %add3A_985 = arith.constant 64 : i32
          %add3A_986 = vector.broadcast %add3A_985 : i32 to vector<16xi32>
          %add3A_987 = arith.addi %add3A_303, %add3A_986 : vector<16xi32>
          tpu.vector_store_idx %arg9[%add3A_766, %add3A_987], %gather3A_938 : memref<256x128xf32, #tpu.memory_space<vmem>>[vector<16xi32>, vector<16xi32>], vector<16xf32>,
          %add3A_988 = arith.constant 64 : i32
          %add3A_989 = vector.broadcast %add3A_988 : i32 to vector<16xi32>
          %add3A_990 = arith.addi %add3A_323, %add3A_989 : vector<16xi32>
          tpu.vector_store_idx %arg9[%add3A_766, %add3A_990], %gather3A_942 : memref<256x128xf32, #tpu.memory_space<vmem>>[vector<16xi32>, vector<16xi32>], vector<16xf32>,
        }
        %scan3A_514 = arith.constant 32 : i32
        %dma_start3A_515 = arith.constant 0 : i32
        %dma_start3A_516 = arith.constant 0 : i32
        %dma_start3A_517 = tpu.memref_slice %arg9[%dma_start3A_515, %dma_start3A_516] : memref<256x128xf32, #tpu.memory_space<vmem>> -> memref<128x128xf32, #tpu.memory_space<vmem>>
        %dma_start3A_518 = arith.constant 0 : i32
        %dma_start3A_519 = tpu.memref_slice %arg5[%multiple_of3A_462, %dma_start3A_518] : memref<250000x128xf32, #tpu.memory_space<hbm>> -> memref<128x128xf32, #tpu.memory_space<hbm>>
        %dma_start3A_520 = arith.constant 0 : i32
        %dma_start3A_521 = tpu.memref_slice %arg5[%multiple_of3A_462, %dma_start3A_520] : memref<250000x128xf32, #tpu.memory_space<hbm>> -> memref<128x128xf32, #tpu.memory_space<hbm>>
        %dma_start3A_522 = arith.constant 0 : i32
        %dma_start3A_523 = arith.constant 0 : i32
        %dma_start3A_524 = tpu.memref_slice %arg9[%dma_start3A_522, %dma_start3A_523] : memref<256x128xf32, #tpu.memory_space<vmem>> -> memref<128x128xf32, #tpu.memory_space<vmem>>
        tpu.enqueue_dma source(%dma_start3A_524 : memref<128x128xf32, #tpu.memory_space<vmem>>) target(%dma_start3A_521 : memref<128x128xf32, #tpu.memory_space<hbm>>) target_semaphore(%arg19 : memref<!tpu.dma_semaphore, #tpu.memory_space<semaphore_mem>>)
      } else {
      }
      %mul3A_473 = arith.constant 2 : i32
      %mul3A_474 = arith.muli %mul3A_473, %scan3A_444 : i32
      %add3A_475 = arith.constant 1 : i32
      %add3A_476 = arith.addi %mul3A_474, %add3A_475 : i32
      %mul3A_477 = arith.constant 32 : i32
      %mul3A_478 = arith.muli %mul3A_477, %add3A_476 : i32
      %add3A_479 = arith.addi %add3A, %mul3A_478 : i32
      %add3A_480 = arith.constant 32 : i32
      %add3A_481 = arith.addi %add3A_479, %add3A_480 : i32
      %mul3A_482 = arith.constant 512 : i32
      %mul3A_483 = arith.muli %add3A_479, %mul3A_482 : i32
      %multiple_of3A_484 = tpu.assume_multiple %mul3A_483, 512 : i32
      %mul3A_485 = arith.constant 512 : i32
      %mul3A_486 = arith.muli %add3A_481, %mul3A_485 : i32
      %multiple_of3A_487 = tpu.assume_multiple %mul3A_486, 512 : i32
      %mul3A_488 = arith.constant 128 : i32
      %mul3A_489 = arith.muli %add3A_479, %mul3A_488 : i32
      %multiple_of3A_490 = tpu.assume_multiple %mul3A_489, 128 : i32
      %lt3A_491 = arith.constant 1953 : i32
      %lt3A_492 = arith.cmpi slt, %add3A_481, %lt3A_491 : i32
      %convert_element_type3A_493 = arith.extui %lt3A_492 : i1 to i32
      %cond3A_494 = arith.constant 0 : i32
      %cond3A_495 = arith.cmpi ne, %convert_element_type3A_493, %cond3A_494 : i32
      scf.if %cond3A_495 {
        %dma_start3A_501 = arith.constant 0 : i32
        %dma_start3A_502 = tpu.memref_slice %arg3[%dma_start3A_501, %multiple_of3A_487] : memref<32x1000000xf32, #tpu.memory_space<hbm>> -> memref<32x512xf32, #tpu.memory_space<hbm>>
        %dma_start3A_503 = arith.constant 0 : i32
        %dma_start3A_504 = tpu.memref_slice %arg3[%dma_start3A_503, %multiple_of3A_487] : memref<32x1000000xf32, #tpu.memory_space<hbm>> -> memref<32x512xf32, #tpu.memory_space<hbm>>
        tpu.enqueue_dma source(%dma_start3A_504 : memref<32x512xf32, #tpu.memory_space<hbm>>) target(%arg7 : memref<32x512xf32, #tpu.memory_space<vmem>>) target_semaphore(%arg17 : memref<!tpu.dma_semaphore, #tpu.memory_space<semaphore_mem>>)
      } else {
      }
      %lt3A_496 = arith.constant 1953 : i32
      %lt3A_497 = arith.cmpi slt, %add3A_479, %lt3A_496 : i32
      %convert_element_type3A_498 = arith.extui %lt3A_497 : i1 to i32
      %cond3A_499 = arith.constant 0 : i32
      %cond3A_500 = arith.cmpi ne, %convert_element_type3A_498, %cond3A_499 : i32
      scf.if %cond3A_500 {
        %dma_wait3A_501 = arith.constant 0 : i32
        %dma_wait3A_502 = tpu.memref_slice %arg3[%dma_wait3A_501, %multiple_of3A_484] : memref<32x1000000xf32, #tpu.memory_space<hbm>> -> memref<32x512xf32, #tpu.memory_space<hbm>>
        %dma_wait3A_503 = arith.constant 0 : i32
        %dma_wait3A_504 = tpu.memref_slice %arg3[%dma_wait3A_503, %multiple_of3A_484] : memref<32x1000000xf32, #tpu.memory_space<hbm>> -> memref<32x512xf32, #tpu.memory_space<hbm>>
        tpu.wait_dma2 semaphore(%arg18 : memref<!tpu.dma_semaphore, #tpu.memory_space<semaphore_mem>>) src(%dma_wait3A_504 : memref<32x512xf32, #tpu.memory_space<hbm>>) dst(%arg8 : memref<32x512xf32, #tpu.memory_space<vmem>>)
        %ge3A = arith.constant 2 : i32
        %ge3A_505 = arith.cmpi sge, %add3A_476, %ge3A : i32
        %convert_element_type3A_506 = arith.extui %ge3A_505 : i1 to i32
        %cond3A_507 = arith.constant 0 : i32
        %cond3A_508 = arith.cmpi ne, %convert_element_type3A_506, %cond3A_507 : i32
        scf.if %cond3A_508 {
          %dma_wait3A_525 = arith.constant 0 : i32
          %dma_wait3A_526 = arith.constant 0 : i32
          %dma_wait3A_527 = tpu.memref_slice %arg10[%dma_wait3A_525, %dma_wait3A_526] : memref<256x128xf32, #tpu.memory_space<vmem>> -> memref<128x128xf32, #tpu.memory_space<vmem>>
          %dma_wait3A_528 = arith.constant 0 : i32
          %dma_wait3A_529 = tpu.memref_slice %arg5[%multiple_of3A_490, %dma_wait3A_528] : memref<250000x128xf32, #tpu.memory_space<hbm>> -> memref<128x128xf32, #tpu.memory_space<hbm>>
          %dma_wait3A_530 = arith.constant 0 : i32
          %dma_wait3A_531 = tpu.memref_slice %arg5[%multiple_of3A_490, %dma_wait3A_530] : memref<250000x128xf32, #tpu.memory_space<hbm>> -> memref<128x128xf32, #tpu.memory_space<hbm>>
          %dma_wait3A_532 = arith.constant 0 : i32
          %dma_wait3A_533 = arith.constant 0 : i32
          %dma_wait3A_534 = tpu.memref_slice %arg10[%dma_wait3A_532, %dma_wait3A_533] : memref<256x128xf32, #tpu.memory_space<vmem>> -> memref<128x128xf32, #tpu.memory_space<vmem>>
          tpu.wait_dma2 semaphore(%arg20 : memref<!tpu.dma_semaphore, #tpu.memory_space<semaphore_mem>>) src(%dma_wait3A_534 : memref<128x128xf32, #tpu.memory_space<vmem>>) dst(%dma_wait3A_531 : memref<128x128xf32, #tpu.memory_space<hbm>>)
        } else {
        }
        %scan3A_509 = arith.constant 0 : i32
        %scan3A_510 = arith.constant 0 : i32
        %scan3A_511 = arith.constant 32 : i32
        %scan3A_512 = arith.addi %scan3A_510, %scan3A_511 : i32
        %scan3A_513 = arith.constant 2 : i32
        scf.for %scan3A_525 = %scan3A_510 to %scan3A_512 step %scan3A_513  : i32 {
          %mul3A_526 = arith.constant 16 : i32
          %mul3A_527 = arith.muli %scan3A_525, %mul3A_526 : i32
          %add3A_528 = vector.broadcast %mul3A_527 : i32 to vector<16xi32>
          %add3A_529 = arith.addi %add3A_528, %iota3A : vector<16xi32>
          %shift_right_arithmetic3A_530 = arith.constant 2 : i32
          %shift_right_arithmetic3A_531 = arith.shrsi %mul3A_527, %shift_right_arithmetic3A_530 : i32
          %add3A_532 = vector.broadcast %shift_right_arithmetic3A_531 : i32 to vector<16xi32>
          %add3A_533 = arith.addi %add3A_532, %shift_right_arithmetic3A_2 : vector<16xi32>
          %add3A_534 = arith.constant 0 : i32
          %add3A_535 = vector.broadcast %add3A_534 : i32 to vector<16xi32>
          %add3A_536 = arith.addi %add3A_19, %add3A_535 : vector<16xi32>
          %gather3A = tpu.vector_load_idx %arg8[%add3A_536, %add3A_529] : memref<32x512xf32, #tpu.memory_space<vmem>>[vector<16xi32>, vector<16xi32>], vector<16xf32>,
          %add3A_537 = arith.constant 0 : i32
          %add3A_538 = vector.broadcast %add3A_537 : i32 to vector<16xi32>
          %add3A_539 = arith.addi %add3A_39, %add3A_538 : vector<16xi32>
          %gather3A_540 = tpu.vector_load_idx %arg8[%add3A_539, %add3A_529] : memref<32x512xf32, #tpu.memory_space<vmem>>[vector<16xi32>, vector<16xi32>], vector<16xf32>,
          %add3A_541 = arith.constant 0 : i32
          %add3A_542 = vector.broadcast %add3A_541 : i32 to vector<16xi32>
          %add3A_543 = arith.addi %add3A_59, %add3A_542 : vector<16xi32>
          %gather3A_544 = tpu.vector_load_idx %arg8[%add3A_543, %add3A_529] : memref<32x512xf32, #tpu.memory_space<vmem>>[vector<16xi32>, vector<16xi32>], vector<16xf32>,
          %add3A_545 = arith.constant 0 : i32
          %add3A_546 = vector.broadcast %add3A_545 : i32 to vector<16xi32>
          %add3A_547 = arith.addi %add3A_79, %add3A_546 : vector<16xi32>
          %gather3A_548 = tpu.vector_load_idx %arg8[%add3A_547, %add3A_529] : memref<32x512xf32, #tpu.memory_space<vmem>>[vector<16xi32>, vector<16xi32>], vector<16xf32>,
          %add3A_549 = arith.constant 0 : i32
          %add3A_550 = vector.broadcast %add3A_549 : i32 to vector<16xi32>
          %add3A_551 = arith.addi %add3A_99, %add3A_550 : vector<16xi32>
          %gather3A_552 = tpu.vector_load_idx %arg8[%add3A_551, %add3A_529] : memref<32x512xf32, #tpu.memory_space<vmem>>[vector<16xi32>, vector<16xi32>], vector<16xf32>,
          %add3A_553 = arith.constant 0 : i32
          %add3A_554 = vector.broadcast %add3A_553 : i32 to vector<16xi32>
          %add3A_555 = arith.addi %add3A_119, %add3A_554 : vector<16xi32>
          %gather3A_556 = tpu.vector_load_idx %arg8[%add3A_555, %add3A_529] : memref<32x512xf32, #tpu.memory_space<vmem>>[vector<16xi32>, vector<16xi32>], vector<16xf32>,
          %add3A_557 = arith.constant 0 : i32
          %add3A_558 = vector.broadcast %add3A_557 : i32 to vector<16xi32>
          %add3A_559 = arith.addi %add3A_139, %add3A_558 : vector<16xi32>
          %gather3A_560 = tpu.vector_load_idx %arg8[%add3A_559, %add3A_529] : memref<32x512xf32, #tpu.memory_space<vmem>>[vector<16xi32>, vector<16xi32>], vector<16xf32>,
          %add3A_561 = arith.constant 0 : i32
          %add3A_562 = vector.broadcast %add3A_561 : i32 to vector<16xi32>
          %add3A_563 = arith.addi %add3A_159, %add3A_562 : vector<16xi32>
          %gather3A_564 = tpu.vector_load_idx %arg8[%add3A_563, %add3A_529] : memref<32x512xf32, #tpu.memory_space<vmem>>[vector<16xi32>, vector<16xi32>], vector<16xf32>,
          %add3A_565 = arith.constant 0 : i32
          %add3A_566 = vector.broadcast %add3A_565 : i32 to vector<16xi32>
          %add3A_567 = arith.addi %add3A_179, %add3A_566 : vector<16xi32>
          %gather3A_568 = tpu.vector_load_idx %arg8[%add3A_567, %add3A_529] : memref<32x512xf32, #tpu.memory_space<vmem>>[vector<16xi32>, vector<16xi32>], vector<16xf32>,
          %add3A_569 = arith.constant 0 : i32
          %add3A_570 = vector.broadcast %add3A_569 : i32 to vector<16xi32>
          %add3A_571 = arith.addi %add3A_199, %add3A_570 : vector<16xi32>
          %gather3A_572 = tpu.vector_load_idx %arg8[%add3A_571, %add3A_529] : memref<32x512xf32, #tpu.memory_space<vmem>>[vector<16xi32>, vector<16xi32>], vector<16xf32>,
          %add3A_573 = arith.constant 0 : i32
          %add3A_574 = vector.broadcast %add3A_573 : i32 to vector<16xi32>
          %add3A_575 = arith.addi %add3A_219, %add3A_574 : vector<16xi32>
          %gather3A_576 = tpu.vector_load_idx %arg8[%add3A_575, %add3A_529] : memref<32x512xf32, #tpu.memory_space<vmem>>[vector<16xi32>, vector<16xi32>], vector<16xf32>,
          %add3A_577 = arith.constant 0 : i32
          %add3A_578 = vector.broadcast %add3A_577 : i32 to vector<16xi32>
          %add3A_579 = arith.addi %add3A_239, %add3A_578 : vector<16xi32>
          %gather3A_580 = tpu.vector_load_idx %arg8[%add3A_579, %add3A_529] : memref<32x512xf32, #tpu.memory_space<vmem>>[vector<16xi32>, vector<16xi32>], vector<16xf32>,
          %add3A_581 = arith.constant 0 : i32
          %add3A_582 = vector.broadcast %add3A_581 : i32 to vector<16xi32>
          %add3A_583 = arith.addi %add3A_259, %add3A_582 : vector<16xi32>
          %gather3A_584 = tpu.vector_load_idx %arg8[%add3A_583, %add3A_529] : memref<32x512xf32, #tpu.memory_space<vmem>>[vector<16xi32>, vector<16xi32>], vector<16xf32>,
          %add3A_585 = arith.constant 0 : i32
          %add3A_586 = vector.broadcast %add3A_585 : i32 to vector<16xi32>
          %add3A_587 = arith.addi %add3A_279, %add3A_586 : vector<16xi32>
          %gather3A_588 = tpu.vector_load_idx %arg8[%add3A_587, %add3A_529] : memref<32x512xf32, #tpu.memory_space<vmem>>[vector<16xi32>, vector<16xi32>], vector<16xf32>,
          %add3A_589 = arith.constant 0 : i32
          %add3A_590 = vector.broadcast %add3A_589 : i32 to vector<16xi32>
          %add3A_591 = arith.addi %add3A_299, %add3A_590 : vector<16xi32>
          %gather3A_592 = tpu.vector_load_idx %arg8[%add3A_591, %add3A_529] : memref<32x512xf32, #tpu.memory_space<vmem>>[vector<16xi32>, vector<16xi32>], vector<16xf32>,
          %add3A_593 = arith.constant 0 : i32
          %add3A_594 = vector.broadcast %add3A_593 : i32 to vector<16xi32>
          %add3A_595 = arith.addi %add3A_319, %add3A_594 : vector<16xi32>
          %gather3A_596 = tpu.vector_load_idx %arg8[%add3A_595, %add3A_529] : memref<32x512xf32, #tpu.memory_space<vmem>>[vector<16xi32>, vector<16xi32>], vector<16xf32>,
          %add3A_597 = arith.constant 0 : i32
          %add3A_598 = vector.broadcast %add3A_597 : i32 to vector<16xi32>
          %add3A_599 = arith.addi %add3A_23, %add3A_598 : vector<16xi32>
          tpu.vector_store_idx %arg10[%add3A_533, %add3A_599], %gather3A : memref<256x128xf32, #tpu.memory_space<vmem>>[vector<16xi32>, vector<16xi32>], vector<16xf32>,
          %add3A_600 = arith.constant 0 : i32
          %add3A_601 = vector.broadcast %add3A_600 : i32 to vector<16xi32>
          %add3A_602 = arith.addi %add3A_43, %add3A_601 : vector<16xi32>
          tpu.vector_store_idx %arg10[%add3A_533, %add3A_602], %gather3A_540 : memref<256x128xf32, #tpu.memory_space<vmem>>[vector<16xi32>, vector<16xi32>], vector<16xf32>,
          %add3A_603 = arith.constant 0 : i32
          %add3A_604 = vector.broadcast %add3A_603 : i32 to vector<16xi32>
          %add3A_605 = arith.addi %add3A_63, %add3A_604 : vector<16xi32>
          tpu.vector_store_idx %arg10[%add3A_533, %add3A_605], %gather3A_544 : memref<256x128xf32, #tpu.memory_space<vmem>>[vector<16xi32>, vector<16xi32>], vector<16xf32>,
          %add3A_606 = arith.constant 0 : i32
          %add3A_607 = vector.broadcast %add3A_606 : i32 to vector<16xi32>
          %add3A_608 = arith.addi %add3A_83, %add3A_607 : vector<16xi32>
          tpu.vector_store_idx %arg10[%add3A_533, %add3A_608], %gather3A_548 : memref<256x128xf32, #tpu.memory_space<vmem>>[vector<16xi32>, vector<16xi32>], vector<16xf32>,
          %add3A_609 = arith.constant 0 : i32
          %add3A_610 = vector.broadcast %add3A_609 : i32 to vector<16xi32>
          %add3A_611 = arith.addi %add3A_103, %add3A_610 : vector<16xi32>
          tpu.vector_store_idx %arg10[%add3A_533, %add3A_611], %gather3A_552 : memref<256x128xf32, #tpu.memory_space<vmem>>[vector<16xi32>, vector<16xi32>], vector<16xf32>,
          %add3A_612 = arith.constant 0 : i32
          %add3A_613 = vector.broadcast %add3A_612 : i32 to vector<16xi32>
          %add3A_614 = arith.addi %add3A_123, %add3A_613 : vector<16xi32>
          tpu.vector_store_idx %arg10[%add3A_533, %add3A_614], %gather3A_556 : memref<256x128xf32, #tpu.memory_space<vmem>>[vector<16xi32>, vector<16xi32>], vector<16xf32>,
          %add3A_615 = arith.constant 0 : i32
          %add3A_616 = vector.broadcast %add3A_615 : i32 to vector<16xi32>
          %add3A_617 = arith.addi %add3A_143, %add3A_616 : vector<16xi32>
          tpu.vector_store_idx %arg10[%add3A_533, %add3A_617], %gather3A_560 : memref<256x128xf32, #tpu.memory_space<vmem>>[vector<16xi32>, vector<16xi32>], vector<16xf32>,
          %add3A_618 = arith.constant 0 : i32
          %add3A_619 = vector.broadcast %add3A_618 : i32 to vector<16xi32>
          %add3A_620 = arith.addi %add3A_163, %add3A_619 : vector<16xi32>
          tpu.vector_store_idx %arg10[%add3A_533, %add3A_620], %gather3A_564 : memref<256x128xf32, #tpu.memory_space<vmem>>[vector<16xi32>, vector<16xi32>], vector<16xf32>,
          %add3A_621 = arith.constant 0 : i32
          %add3A_622 = vector.broadcast %add3A_621 : i32 to vector<16xi32>
          %add3A_623 = arith.addi %add3A_183, %add3A_622 : vector<16xi32>
          tpu.vector_store_idx %arg10[%add3A_533, %add3A_623], %gather3A_568 : memref<256x128xf32, #tpu.memory_space<vmem>>[vector<16xi32>, vector<16xi32>], vector<16xf32>,
          %add3A_624 = arith.constant 0 : i32
          %add3A_625 = vector.broadcast %add3A_624 : i32 to vector<16xi32>
          %add3A_626 = arith.addi %add3A_203, %add3A_625 : vector<16xi32>
          tpu.vector_store_idx %arg10[%add3A_533, %add3A_626], %gather3A_572 : memref<256x128xf32, #tpu.memory_space<vmem>>[vector<16xi32>, vector<16xi32>], vector<16xf32>,
          %add3A_627 = arith.constant 0 : i32
          %add3A_628 = vector.broadcast %add3A_627 : i32 to vector<16xi32>
          %add3A_629 = arith.addi %add3A_223, %add3A_628 : vector<16xi32>
          tpu.vector_store_idx %arg10[%add3A_533, %add3A_629], %gather3A_576 : memref<256x128xf32, #tpu.memory_space<vmem>>[vector<16xi32>, vector<16xi32>], vector<16xf32>,
          %add3A_630 = arith.constant 0 : i32
          %add3A_631 = vector.broadcast %add3A_630 : i32 to vector<16xi32>
          %add3A_632 = arith.addi %add3A_243, %add3A_631 : vector<16xi32>
          tpu.vector_store_idx %arg10[%add3A_533, %add3A_632], %gather3A_580 : memref<256x128xf32, #tpu.memory_space<vmem>>[vector<16xi32>, vector<16xi32>], vector<16xf32>,
          %add3A_633 = arith.constant 0 : i32
          %add3A_634 = vector.broadcast %add3A_633 : i32 to vector<16xi32>
          %add3A_635 = arith.addi %add3A_263, %add3A_634 : vector<16xi32>
          tpu.vector_store_idx %arg10[%add3A_533, %add3A_635], %gather3A_584 : memref<256x128xf32, #tpu.memory_space<vmem>>[vector<16xi32>, vector<16xi32>], vector<16xf32>,
          %add3A_636 = arith.constant 0 : i32
          %add3A_637 = vector.broadcast %add3A_636 : i32 to vector<16xi32>
          %add3A_638 = arith.addi %add3A_283, %add3A_637 : vector<16xi32>
          tpu.vector_store_idx %arg10[%add3A_533, %add3A_638], %gather3A_588 : memref<256x128xf32, #tpu.memory_space<vmem>>[vector<16xi32>, vector<16xi32>], vector<16xf32>,
          %add3A_639 = arith.constant 0 : i32
          %add3A_640 = vector.broadcast %add3A_639 : i32 to vector<16xi32>
          %add3A_641 = arith.addi %add3A_303, %add3A_640 : vector<16xi32>
          tpu.vector_store_idx %arg10[%add3A_533, %add3A_641], %gather3A_592 : memref<256x128xf32, #tpu.memory_space<vmem>>[vector<16xi32>, vector<16xi32>], vector<16xf32>,
          %add3A_642 = arith.constant 0 : i32
          %add3A_643 = vector.broadcast %add3A_642 : i32 to vector<16xi32>
          %add3A_644 = arith.addi %add3A_323, %add3A_643 : vector<16xi32>
          tpu.vector_store_idx %arg10[%add3A_533, %add3A_644], %gather3A_596 : memref<256x128xf32, #tpu.memory_space<vmem>>[vector<16xi32>, vector<16xi32>], vector<16xf32>,
          %add3A_645 = arith.constant 16 : i32
          %add3A_646 = vector.broadcast %add3A_645 : i32 to vector<16xi32>
          %add3A_647 = arith.addi %add3A_19, %add3A_646 : vector<16xi32>
          %gather3A_648 = tpu.vector_load_idx %arg8[%add3A_647, %add3A_529] : memref<32x512xf32, #tpu.memory_space<vmem>>[vector<16xi32>, vector<16xi32>], vector<16xf32>,
          %add3A_649 = arith.constant 16 : i32
          %add3A_650 = vector.broadcast %add3A_649 : i32 to vector<16xi32>
          %add3A_651 = arith.addi %add3A_39, %add3A_650 : vector<16xi32>
          %gather3A_652 = tpu.vector_load_idx %arg8[%add3A_651, %add3A_529] : memref<32x512xf32, #tpu.memory_space<vmem>>[vector<16xi32>, vector<16xi32>], vector<16xf32>,
          %add3A_653 = arith.constant 16 : i32
          %add3A_654 = vector.broadcast %add3A_653 : i32 to vector<16xi32>
          %add3A_655 = arith.addi %add3A_59, %add3A_654 : vector<16xi32>
          %gather3A_656 = tpu.vector_load_idx %arg8[%add3A_655, %add3A_529] : memref<32x512xf32, #tpu.memory_space<vmem>>[vector<16xi32>, vector<16xi32>], vector<16xf32>,
          %add3A_657 = arith.constant 16 : i32
          %add3A_658 = vector.broadcast %add3A_657 : i32 to vector<16xi32>
          %add3A_659 = arith.addi %add3A_79, %add3A_658 : vector<16xi32>
          %gather3A_660 = tpu.vector_load_idx %arg8[%add3A_659, %add3A_529] : memref<32x512xf32, #tpu.memory_space<vmem>>[vector<16xi32>, vector<16xi32>], vector<16xf32>,
          %add3A_661 = arith.constant 16 : i32
          %add3A_662 = vector.broadcast %add3A_661 : i32 to vector<16xi32>
          %add3A_663 = arith.addi %add3A_99, %add3A_662 : vector<16xi32>
          %gather3A_664 = tpu.vector_load_idx %arg8[%add3A_663, %add3A_529] : memref<32x512xf32, #tpu.memory_space<vmem>>[vector<16xi32>, vector<16xi32>], vector<16xf32>,
          %add3A_665 = arith.constant 16 : i32
          %add3A_666 = vector.broadcast %add3A_665 : i32 to vector<16xi32>
          %add3A_667 = arith.addi %add3A_119, %add3A_666 : vector<16xi32>
          %gather3A_668 = tpu.vector_load_idx %arg8[%add3A_667, %add3A_529] : memref<32x512xf32, #tpu.memory_space<vmem>>[vector<16xi32>, vector<16xi32>], vector<16xf32>,
          %add3A_669 = arith.constant 16 : i32
          %add3A_670 = vector.broadcast %add3A_669 : i32 to vector<16xi32>
          %add3A_671 = arith.addi %add3A_139, %add3A_670 : vector<16xi32>
          %gather3A_672 = tpu.vector_load_idx %arg8[%add3A_671, %add3A_529] : memref<32x512xf32, #tpu.memory_space<vmem>>[vector<16xi32>, vector<16xi32>], vector<16xf32>,
          %add3A_673 = arith.constant 16 : i32
          %add3A_674 = vector.broadcast %add3A_673 : i32 to vector<16xi32>
          %add3A_675 = arith.addi %add3A_159, %add3A_674 : vector<16xi32>
          %gather3A_676 = tpu.vector_load_idx %arg8[%add3A_675, %add3A_529] : memref<32x512xf32, #tpu.memory_space<vmem>>[vector<16xi32>, vector<16xi32>], vector<16xf32>,
          %add3A_677 = arith.constant 16 : i32
          %add3A_678 = vector.broadcast %add3A_677 : i32 to vector<16xi32>
          %add3A_679 = arith.addi %add3A_179, %add3A_678 : vector<16xi32>
          %gather3A_680 = tpu.vector_load_idx %arg8[%add3A_679, %add3A_529] : memref<32x512xf32, #tpu.memory_space<vmem>>[vector<16xi32>, vector<16xi32>], vector<16xf32>,
          %add3A_681 = arith.constant 16 : i32
          %add3A_682 = vector.broadcast %add3A_681 : i32 to vector<16xi32>
          %add3A_683 = arith.addi %add3A_199, %add3A_682 : vector<16xi32>
          %gather3A_684 = tpu.vector_load_idx %arg8[%add3A_683, %add3A_529] : memref<32x512xf32, #tpu.memory_space<vmem>>[vector<16xi32>, vector<16xi32>], vector<16xf32>,
          %add3A_685 = arith.constant 16 : i32
          %add3A_686 = vector.broadcast %add3A_685 : i32 to vector<16xi32>
          %add3A_687 = arith.addi %add3A_219, %add3A_686 : vector<16xi32>
          %gather3A_688 = tpu.vector_load_idx %arg8[%add3A_687, %add3A_529] : memref<32x512xf32, #tpu.memory_space<vmem>>[vector<16xi32>, vector<16xi32>], vector<16xf32>,
          %add3A_689 = arith.constant 16 : i32
          %add3A_690 = vector.broadcast %add3A_689 : i32 to vector<16xi32>
          %add3A_691 = arith.addi %add3A_239, %add3A_690 : vector<16xi32>
          %gather3A_692 = tpu.vector_load_idx %arg8[%add3A_691, %add3A_529] : memref<32x512xf32, #tpu.memory_space<vmem>>[vector<16xi32>, vector<16xi32>], vector<16xf32>,
          %add3A_693 = arith.constant 16 : i32
          %add3A_694 = vector.broadcast %add3A_693 : i32 to vector<16xi32>
          %add3A_695 = arith.addi %add3A_259, %add3A_694 : vector<16xi32>
          %gather3A_696 = tpu.vector_load_idx %arg8[%add3A_695, %add3A_529] : memref<32x512xf32, #tpu.memory_space<vmem>>[vector<16xi32>, vector<16xi32>], vector<16xf32>,
          %add3A_697 = arith.constant 16 : i32
          %add3A_698 = vector.broadcast %add3A_697 : i32 to vector<16xi32>
          %add3A_699 = arith.addi %add3A_279, %add3A_698 : vector<16xi32>
          %gather3A_700 = tpu.vector_load_idx %arg8[%add3A_699, %add3A_529] : memref<32x512xf32, #tpu.memory_space<vmem>>[vector<16xi32>, vector<16xi32>], vector<16xf32>,
          %add3A_701 = arith.constant 16 : i32
          %add3A_702 = vector.broadcast %add3A_701 : i32 to vector<16xi32>
          %add3A_703 = arith.addi %add3A_299, %add3A_702 : vector<16xi32>
          %gather3A_704 = tpu.vector_load_idx %arg8[%add3A_703, %add3A_529] : memref<32x512xf32, #tpu.memory_space<vmem>>[vector<16xi32>, vector<16xi32>], vector<16xf32>,
          %add3A_705 = arith.constant 16 : i32
          %add3A_706 = vector.broadcast %add3A_705 : i32 to vector<16xi32>
          %add3A_707 = arith.addi %add3A_319, %add3A_706 : vector<16xi32>
          %gather3A_708 = tpu.vector_load_idx %arg8[%add3A_707, %add3A_529] : memref<32x512xf32, #tpu.memory_space<vmem>>[vector<16xi32>, vector<16xi32>], vector<16xf32>,
          %add3A_709 = arith.constant 64 : i32
          %add3A_710 = vector.broadcast %add3A_709 : i32 to vector<16xi32>
          %add3A_711 = arith.addi %add3A_23, %add3A_710 : vector<16xi32>
          tpu.vector_store_idx %arg10[%add3A_533, %add3A_711], %gather3A_648 : memref<256x128xf32, #tpu.memory_space<vmem>>[vector<16xi32>, vector<16xi32>], vector<16xf32>,
          %add3A_712 = arith.constant 64 : i32
          %add3A_713 = vector.broadcast %add3A_712 : i32 to vector<16xi32>
          %add3A_714 = arith.addi %add3A_43, %add3A_713 : vector<16xi32>
          tpu.vector_store_idx %arg10[%add3A_533, %add3A_714], %gather3A_652 : memref<256x128xf32, #tpu.memory_space<vmem>>[vector<16xi32>, vector<16xi32>], vector<16xf32>,
          %add3A_715 = arith.constant 64 : i32
          %add3A_716 = vector.broadcast %add3A_715 : i32 to vector<16xi32>
          %add3A_717 = arith.addi %add3A_63, %add3A_716 : vector<16xi32>
          tpu.vector_store_idx %arg10[%add3A_533, %add3A_717], %gather3A_656 : memref<256x128xf32, #tpu.memory_space<vmem>>[vector<16xi32>, vector<16xi32>], vector<16xf32>,
          %add3A_718 = arith.constant 64 : i32
          %add3A_719 = vector.broadcast %add3A_718 : i32 to vector<16xi32>
          %add3A_720 = arith.addi %add3A_83, %add3A_719 : vector<16xi32>
          tpu.vector_store_idx %arg10[%add3A_533, %add3A_720], %gather3A_660 : memref<256x128xf32, #tpu.memory_space<vmem>>[vector<16xi32>, vector<16xi32>], vector<16xf32>,
          %add3A_721 = arith.constant 64 : i32
          %add3A_722 = vector.broadcast %add3A_721 : i32 to vector<16xi32>
          %add3A_723 = arith.addi %add3A_103, %add3A_722 : vector<16xi32>
          tpu.vector_store_idx %arg10[%add3A_533, %add3A_723], %gather3A_664 : memref<256x128xf32, #tpu.memory_space<vmem>>[vector<16xi32>, vector<16xi32>], vector<16xf32>,
          %add3A_724 = arith.constant 64 : i32
          %add3A_725 = vector.broadcast %add3A_724 : i32 to vector<16xi32>
          %add3A_726 = arith.addi %add3A_123, %add3A_725 : vector<16xi32>
          tpu.vector_store_idx %arg10[%add3A_533, %add3A_726], %gather3A_668 : memref<256x128xf32, #tpu.memory_space<vmem>>[vector<16xi32>, vector<16xi32>], vector<16xf32>,
          %add3A_727 = arith.constant 64 : i32
          %add3A_728 = vector.broadcast %add3A_727 : i32 to vector<16xi32>
          %add3A_729 = arith.addi %add3A_143, %add3A_728 : vector<16xi32>
          tpu.vector_store_idx %arg10[%add3A_533, %add3A_729], %gather3A_672 : memref<256x128xf32, #tpu.memory_space<vmem>>[vector<16xi32>, vector<16xi32>], vector<16xf32>,
          %add3A_730 = arith.constant 64 : i32
          %add3A_731 = vector.broadcast %add3A_730 : i32 to vector<16xi32>
          %add3A_732 = arith.addi %add3A_163, %add3A_731 : vector<16xi32>
          tpu.vector_store_idx %arg10[%add3A_533, %add3A_732], %gather3A_676 : memref<256x128xf32, #tpu.memory_space<vmem>>[vector<16xi32>, vector<16xi32>], vector<16xf32>,
          %add3A_733 = arith.constant 64 : i32
          %add3A_734 = vector.broadcast %add3A_733 : i32 to vector<16xi32>
          %add3A_735 = arith.addi %add3A_183, %add3A_734 : vector<16xi32>
          tpu.vector_store_idx %arg10[%add3A_533, %add3A_735], %gather3A_680 : memref<256x128xf32, #tpu.memory_space<vmem>>[vector<16xi32>, vector<16xi32>], vector<16xf32>,
          %add3A_736 = arith.constant 64 : i32
          %add3A_737 = vector.broadcast %add3A_736 : i32 to vector<16xi32>
          %add3A_738 = arith.addi %add3A_203, %add3A_737 : vector<16xi32>
          tpu.vector_store_idx %arg10[%add3A_533, %add3A_738], %gather3A_684 : memref<256x128xf32, #tpu.memory_space<vmem>>[vector<16xi32>, vector<16xi32>], vector<16xf32>,
          %add3A_739 = arith.constant 64 : i32
          %add3A_740 = vector.broadcast %add3A_739 : i32 to vector<16xi32>
          %add3A_741 = arith.addi %add3A_223, %add3A_740 : vector<16xi32>
          tpu.vector_store_idx %arg10[%add3A_533, %add3A_741], %gather3A_688 : memref<256x128xf32, #tpu.memory_space<vmem>>[vector<16xi32>, vector<16xi32>], vector<16xf32>,
          %add3A_742 = arith.constant 64 : i32
          %add3A_743 = vector.broadcast %add3A_742 : i32 to vector<16xi32>
          %add3A_744 = arith.addi %add3A_243, %add3A_743 : vector<16xi32>
          tpu.vector_store_idx %arg10[%add3A_533, %add3A_744], %gather3A_692 : memref<256x128xf32, #tpu.memory_space<vmem>>[vector<16xi32>, vector<16xi32>], vector<16xf32>,
          %add3A_745 = arith.constant 64 : i32
          %add3A_746 = vector.broadcast %add3A_745 : i32 to vector<16xi32>
          %add3A_747 = arith.addi %add3A_263, %add3A_746 : vector<16xi32>
          tpu.vector_store_idx %arg10[%add3A_533, %add3A_747], %gather3A_696 : memref<256x128xf32, #tpu.memory_space<vmem>>[vector<16xi32>, vector<16xi32>], vector<16xf32>,
          %add3A_748 = arith.constant 64 : i32
          %add3A_749 = vector.broadcast %add3A_748 : i32 to vector<16xi32>
          %add3A_750 = arith.addi %add3A_283, %add3A_749 : vector<16xi32>
          tpu.vector_store_idx %arg10[%add3A_533, %add3A_750], %gather3A_700 : memref<256x128xf32, #tpu.memory_space<vmem>>[vector<16xi32>, vector<16xi32>], vector<16xf32>,
          %add3A_751 = arith.constant 64 : i32
          %add3A_752 = vector.broadcast %add3A_751 : i32 to vector<16xi32>
          %add3A_753 = arith.addi %add3A_303, %add3A_752 : vector<16xi32>
          tpu.vector_store_idx %arg10[%add3A_533, %add3A_753], %gather3A_704 : memref<256x128xf32, #tpu.memory_space<vmem>>[vector<16xi32>, vector<16xi32>], vector<16xf32>,
          %add3A_754 = arith.constant 64 : i32
          %add3A_755 = vector.broadcast %add3A_754 : i32 to vector<16xi32>
          %add3A_756 = arith.addi %add3A_323, %add3A_755 : vector<16xi32>
          tpu.vector_store_idx %arg10[%add3A_533, %add3A_756], %gather3A_708 : memref<256x128xf32, #tpu.memory_space<vmem>>[vector<16xi32>, vector<16xi32>], vector<16xf32>,
          %scan3A_757 = arith.constant 1 : i32
          %scan3A_758 = arith.addi %scan3A_525, %scan3A_757 : i32
          %mul3A_759 = arith.constant 16 : i32
          %mul3A_760 = arith.muli %scan3A_758, %mul3A_759 : i32
          %add3A_761 = vector.broadcast %mul3A_760 : i32 to vector<16xi32>
          %add3A_762 = arith.addi %add3A_761, %iota3A : vector<16xi32>
          %shift_right_arithmetic3A_763 = arith.constant 2 : i32
          %shift_right_arithmetic3A_764 = arith.shrsi %mul3A_760, %shift_right_arithmetic3A_763 : i32
          %add3A_765 = vector.broadcast %shift_right_arithmetic3A_764 : i32 to vector<16xi32>
          %add3A_766 = arith.addi %add3A_765, %shift_right_arithmetic3A_2 : vector<16xi32>
          %add3A_767 = arith.constant 0 : i32
          %add3A_768 = vector.broadcast %add3A_767 : i32 to vector<16xi32>
          %add3A_769 = arith.addi %add3A_19, %add3A_768 : vector<16xi32>
          %gather3A_770 = tpu.vector_load_idx %arg8[%add3A_769, %add3A_762] : memref<32x512xf32, #tpu.memory_space<vmem>>[vector<16xi32>, vector<16xi32>], vector<16xf32>,
          %add3A_771 = arith.constant 0 : i32
          %add3A_772 = vector.broadcast %add3A_771 : i32 to vector<16xi32>
          %add3A_773 = arith.addi %add3A_39, %add3A_772 : vector<16xi32>
          %gather3A_774 = tpu.vector_load_idx %arg8[%add3A_773, %add3A_762] : memref<32x512xf32, #tpu.memory_space<vmem>>[vector<16xi32>, vector<16xi32>], vector<16xf32>,
          %add3A_775 = arith.constant 0 : i32
          %add3A_776 = vector.broadcast %add3A_775 : i32 to vector<16xi32>
          %add3A_777 = arith.addi %add3A_59, %add3A_776 : vector<16xi32>
          %gather3A_778 = tpu.vector_load_idx %arg8[%add3A_777, %add3A_762] : memref<32x512xf32, #tpu.memory_space<vmem>>[vector<16xi32>, vector<16xi32>], vector<16xf32>,
          %add3A_779 = arith.constant 0 : i32
          %add3A_780 = vector.broadcast %add3A_779 : i32 to vector<16xi32>
          %add3A_781 = arith.addi %add3A_79, %add3A_780 : vector<16xi32>
          %gather3A_782 = tpu.vector_load_idx %arg8[%add3A_781, %add3A_762] : memref<32x512xf32, #tpu.memory_space<vmem>>[vector<16xi32>, vector<16xi32>], vector<16xf32>,
          %add3A_783 = arith.constant 0 : i32
          %add3A_784 = vector.broadcast %add3A_783 : i32 to vector<16xi32>
          %add3A_785 = arith.addi %add3A_99, %add3A_784 : vector<16xi32>
          %gather3A_786 = tpu.vector_load_idx %arg8[%add3A_785, %add3A_762] : memref<32x512xf32, #tpu.memory_space<vmem>>[vector<16xi32>, vector<16xi32>], vector<16xf32>,
          %add3A_787 = arith.constant 0 : i32
          %add3A_788 = vector.broadcast %add3A_787 : i32 to vector<16xi32>
          %add3A_789 = arith.addi %add3A_119, %add3A_788 : vector<16xi32>
          %gather3A_790 = tpu.vector_load_idx %arg8[%add3A_789, %add3A_762] : memref<32x512xf32, #tpu.memory_space<vmem>>[vector<16xi32>, vector<16xi32>], vector<16xf32>,
          %add3A_791 = arith.constant 0 : i32
          %add3A_792 = vector.broadcast %add3A_791 : i32 to vector<16xi32>
          %add3A_793 = arith.addi %add3A_139, %add3A_792 : vector<16xi32>
          %gather3A_794 = tpu.vector_load_idx %arg8[%add3A_793, %add3A_762] : memref<32x512xf32, #tpu.memory_space<vmem>>[vector<16xi32>, vector<16xi32>], vector<16xf32>,
          %add3A_795 = arith.constant 0 : i32
          %add3A_796 = vector.broadcast %add3A_795 : i32 to vector<16xi32>
          %add3A_797 = arith.addi %add3A_159, %add3A_796 : vector<16xi32>
          %gather3A_798 = tpu.vector_load_idx %arg8[%add3A_797, %add3A_762] : memref<32x512xf32, #tpu.memory_space<vmem>>[vector<16xi32>, vector<16xi32>], vector<16xf32>,
          %add3A_799 = arith.constant 0 : i32
          %add3A_800 = vector.broadcast %add3A_799 : i32 to vector<16xi32>
          %add3A_801 = arith.addi %add3A_179, %add3A_800 : vector<16xi32>
          %gather3A_802 = tpu.vector_load_idx %arg8[%add3A_801, %add3A_762] : memref<32x512xf32, #tpu.memory_space<vmem>>[vector<16xi32>, vector<16xi32>], vector<16xf32>,
          %add3A_803 = arith.constant 0 : i32
          %add3A_804 = vector.broadcast %add3A_803 : i32 to vector<16xi32>
          %add3A_805 = arith.addi %add3A_199, %add3A_804 : vector<16xi32>
          %gather3A_806 = tpu.vector_load_idx %arg8[%add3A_805, %add3A_762] : memref<32x512xf32, #tpu.memory_space<vmem>>[vector<16xi32>, vector<16xi32>], vector<16xf32>,
          %add3A_807 = arith.constant 0 : i32
          %add3A_808 = vector.broadcast %add3A_807 : i32 to vector<16xi32>
          %add3A_809 = arith.addi %add3A_219, %add3A_808 : vector<16xi32>
          %gather3A_810 = tpu.vector_load_idx %arg8[%add3A_809, %add3A_762] : memref<32x512xf32, #tpu.memory_space<vmem>>[vector<16xi32>, vector<16xi32>], vector<16xf32>,
          %add3A_811 = arith.constant 0 : i32
          %add3A_812 = vector.broadcast %add3A_811 : i32 to vector<16xi32>
          %add3A_813 = arith.addi %add3A_239, %add3A_812 : vector<16xi32>
          %gather3A_814 = tpu.vector_load_idx %arg8[%add3A_813, %add3A_762] : memref<32x512xf32, #tpu.memory_space<vmem>>[vector<16xi32>, vector<16xi32>], vector<16xf32>,
          %add3A_815 = arith.constant 0 : i32
          %add3A_816 = vector.broadcast %add3A_815 : i32 to vector<16xi32>
          %add3A_817 = arith.addi %add3A_259, %add3A_816 : vector<16xi32>
          %gather3A_818 = tpu.vector_load_idx %arg8[%add3A_817, %add3A_762] : memref<32x512xf32, #tpu.memory_space<vmem>>[vector<16xi32>, vector<16xi32>], vector<16xf32>,
          %add3A_819 = arith.constant 0 : i32
          %add3A_820 = vector.broadcast %add3A_819 : i32 to vector<16xi32>
          %add3A_821 = arith.addi %add3A_279, %add3A_820 : vector<16xi32>
          %gather3A_822 = tpu.vector_load_idx %arg8[%add3A_821, %add3A_762] : memref<32x512xf32, #tpu.memory_space<vmem>>[vector<16xi32>, vector<16xi32>], vector<16xf32>,
          %add3A_823 = arith.constant 0 : i32
          %add3A_824 = vector.broadcast %add3A_823 : i32 to vector<16xi32>
          %add3A_825 = arith.addi %add3A_299, %add3A_824 : vector<16xi32>
          %gather3A_826 = tpu.vector_load_idx %arg8[%add3A_825, %add3A_762] : memref<32x512xf32, #tpu.memory_space<vmem>>[vector<16xi32>, vector<16xi32>], vector<16xf32>,
          %add3A_827 = arith.constant 0 : i32
          %add3A_828 = vector.broadcast %add3A_827 : i32 to vector<16xi32>
          %add3A_829 = arith.addi %add3A_319, %add3A_828 : vector<16xi32>
          %gather3A_830 = tpu.vector_load_idx %arg8[%add3A_829, %add3A_762] : memref<32x512xf32, #tpu.memory_space<vmem>>[vector<16xi32>, vector<16xi32>], vector<16xf32>,
          %add3A_831 = arith.constant 0 : i32
          %add3A_832 = vector.broadcast %add3A_831 : i32 to vector<16xi32>
          %add3A_833 = arith.addi %add3A_23, %add3A_832 : vector<16xi32>
          tpu.vector_store_idx %arg10[%add3A_766, %add3A_833], %gather3A_770 : memref<256x128xf32, #tpu.memory_space<vmem>>[vector<16xi32>, vector<16xi32>], vector<16xf32>,
          %add3A_834 = arith.constant 0 : i32
          %add3A_835 = vector.broadcast %add3A_834 : i32 to vector<16xi32>
          %add3A_836 = arith.addi %add3A_43, %add3A_835 : vector<16xi32>
          tpu.vector_store_idx %arg10[%add3A_766, %add3A_836], %gather3A_774 : memref<256x128xf32, #tpu.memory_space<vmem>>[vector<16xi32>, vector<16xi32>], vector<16xf32>,
          %add3A_837 = arith.constant 0 : i32
          %add3A_838 = vector.broadcast %add3A_837 : i32 to vector<16xi32>
          %add3A_839 = arith.addi %add3A_63, %add3A_838 : vector<16xi32>
          tpu.vector_store_idx %arg10[%add3A_766, %add3A_839], %gather3A_778 : memref<256x128xf32, #tpu.memory_space<vmem>>[vector<16xi32>, vector<16xi32>], vector<16xf32>,
          %add3A_840 = arith.constant 0 : i32
          %add3A_841 = vector.broadcast %add3A_840 : i32 to vector<16xi32>
          %add3A_842 = arith.addi %add3A_83, %add3A_841 : vector<16xi32>
          tpu.vector_store_idx %arg10[%add3A_766, %add3A_842], %gather3A_782 : memref<256x128xf32, #tpu.memory_space<vmem>>[vector<16xi32>, vector<16xi32>], vector<16xf32>,
          %add3A_843 = arith.constant 0 : i32
          %add3A_844 = vector.broadcast %add3A_843 : i32 to vector<16xi32>
          %add3A_845 = arith.addi %add3A_103, %add3A_844 : vector<16xi32>
          tpu.vector_store_idx %arg10[%add3A_766, %add3A_845], %gather3A_786 : memref<256x128xf32, #tpu.memory_space<vmem>>[vector<16xi32>, vector<16xi32>], vector<16xf32>,
          %add3A_846 = arith.constant 0 : i32
          %add3A_847 = vector.broadcast %add3A_846 : i32 to vector<16xi32>
          %add3A_848 = arith.addi %add3A_123, %add3A_847 : vector<16xi32>
          tpu.vector_store_idx %arg10[%add3A_766, %add3A_848], %gather3A_790 : memref<256x128xf32, #tpu.memory_space<vmem>>[vector<16xi32>, vector<16xi32>], vector<16xf32>,
          %add3A_849 = arith.constant 0 : i32
          %add3A_850 = vector.broadcast %add3A_849 : i32 to vector<16xi32>
          %add3A_851 = arith.addi %add3A_143, %add3A_850 : vector<16xi32>
          tpu.vector_store_idx %arg10[%add3A_766, %add3A_851], %gather3A_794 : memref<256x128xf32, #tpu.memory_space<vmem>>[vector<16xi32>, vector<16xi32>], vector<16xf32>,
          %add3A_852 = arith.constant 0 : i32
          %add3A_853 = vector.broadcast %add3A_852 : i32 to vector<16xi32>
          %add3A_854 = arith.addi %add3A_163, %add3A_853 : vector<16xi32>
          tpu.vector_store_idx %arg10[%add3A_766, %add3A_854], %gather3A_798 : memref<256x128xf32, #tpu.memory_space<vmem>>[vector<16xi32>, vector<16xi32>], vector<16xf32>,
          %add3A_855 = arith.constant 0 : i32
          %add3A_856 = vector.broadcast %add3A_855 : i32 to vector<16xi32>
          %add3A_857 = arith.addi %add3A_183, %add3A_856 : vector<16xi32>
          tpu.vector_store_idx %arg10[%add3A_766, %add3A_857], %gather3A_802 : memref<256x128xf32, #tpu.memory_space<vmem>>[vector<16xi32>, vector<16xi32>], vector<16xf32>,
          %add3A_858 = arith.constant 0 : i32
          %add3A_859 = vector.broadcast %add3A_858 : i32 to vector<16xi32>
          %add3A_860 = arith.addi %add3A_203, %add3A_859 : vector<16xi32>
          tpu.vector_store_idx %arg10[%add3A_766, %add3A_860], %gather3A_806 : memref<256x128xf32, #tpu.memory_space<vmem>>[vector<16xi32>, vector<16xi32>], vector<16xf32>,
          %add3A_861 = arith.constant 0 : i32
          %add3A_862 = vector.broadcast %add3A_861 : i32 to vector<16xi32>
          %add3A_863 = arith.addi %add3A_223, %add3A_862 : vector<16xi32>
          tpu.vector_store_idx %arg10[%add3A_766, %add3A_863], %gather3A_810 : memref<256x128xf32, #tpu.memory_space<vmem>>[vector<16xi32>, vector<16xi32>], vector<16xf32>,
          %add3A_864 = arith.constant 0 : i32
          %add3A_865 = vector.broadcast %add3A_864 : i32 to vector<16xi32>
          %add3A_866 = arith.addi %add3A_243, %add3A_865 : vector<16xi32>
          tpu.vector_store_idx %arg10[%add3A_766, %add3A_866], %gather3A_814 : memref<256x128xf32, #tpu.memory_space<vmem>>[vector<16xi32>, vector<16xi32>], vector<16xf32>,
          %add3A_867 = arith.constant 0 : i32
          %add3A_868 = vector.broadcast %add3A_867 : i32 to vector<16xi32>
          %add3A_869 = arith.addi %add3A_263, %add3A_868 : vector<16xi32>
          tpu.vector_store_idx %arg10[%add3A_766, %add3A_869], %gather3A_818 : memref<256x128xf32, #tpu.memory_space<vmem>>[vector<16xi32>, vector<16xi32>], vector<16xf32>,
          %add3A_870 = arith.constant 0 : i32
          %add3A_871 = vector.broadcast %add3A_870 : i32 to vector<16xi32>
          %add3A_872 = arith.addi %add3A_283, %add3A_871 : vector<16xi32>
          tpu.vector_store_idx %arg10[%add3A_766, %add3A_872], %gather3A_822 : memref<256x128xf32, #tpu.memory_space<vmem>>[vector<16xi32>, vector<16xi32>], vector<16xf32>,
          %add3A_873 = arith.constant 0 : i32
          %add3A_874 = vector.broadcast %add3A_873 : i32 to vector<16xi32>
          %add3A_875 = arith.addi %add3A_303, %add3A_874 : vector<16xi32>
          tpu.vector_store_idx %arg10[%add3A_766, %add3A_875], %gather3A_826 : memref<256x128xf32, #tpu.memory_space<vmem>>[vector<16xi32>, vector<16xi32>], vector<16xf32>,
          %add3A_876 = arith.constant 0 : i32
          %add3A_877 = vector.broadcast %add3A_876 : i32 to vector<16xi32>
          %add3A_878 = arith.addi %add3A_323, %add3A_877 : vector<16xi32>
          tpu.vector_store_idx %arg10[%add3A_766, %add3A_878], %gather3A_830 : memref<256x128xf32, #tpu.memory_space<vmem>>[vector<16xi32>, vector<16xi32>], vector<16xf32>,
          %add3A_879 = arith.constant 16 : i32
          %add3A_880 = vector.broadcast %add3A_879 : i32 to vector<16xi32>
          %add3A_881 = arith.addi %add3A_19, %add3A_880 : vector<16xi32>
          %gather3A_882 = tpu.vector_load_idx %arg8[%add3A_881, %add3A_762] : memref<32x512xf32, #tpu.memory_space<vmem>>[vector<16xi32>, vector<16xi32>], vector<16xf32>,
          %add3A_883 = arith.constant 16 : i32
          %add3A_884 = vector.broadcast %add3A_883 : i32 to vector<16xi32>
          %add3A_885 = arith.addi %add3A_39, %add3A_884 : vector<16xi32>
          %gather3A_886 = tpu.vector_load_idx %arg8[%add3A_885, %add3A_762] : memref<32x512xf32, #tpu.memory_space<vmem>>[vector<16xi32>, vector<16xi32>], vector<16xf32>,
          %add3A_887 = arith.constant 16 : i32
          %add3A_888 = vector.broadcast %add3A_887 : i32 to vector<16xi32>
          %add3A_889 = arith.addi %add3A_59, %add3A_888 : vector<16xi32>
          %gather3A_890 = tpu.vector_load_idx %arg8[%add3A_889, %add3A_762] : memref<32x512xf32, #tpu.memory_space<vmem>>[vector<16xi32>, vector<16xi32>], vector<16xf32>,
          %add3A_891 = arith.constant 16 : i32
          %add3A_892 = vector.broadcast %add3A_891 : i32 to vector<16xi32>
          %add3A_893 = arith.addi %add3A_79, %add3A_892 : vector<16xi32>
          %gather3A_894 = tpu.vector_load_idx %arg8[%add3A_893, %add3A_762] : memref<32x512xf32, #tpu.memory_space<vmem>>[vector<16xi32>, vector<16xi32>], vector<16xf32>,
          %add3A_895 = arith.constant 16 : i32
          %add3A_896 = vector.broadcast %add3A_895 : i32 to vector<16xi32>
          %add3A_897 = arith.addi %add3A_99, %add3A_896 : vector<16xi32>
          %gather3A_898 = tpu.vector_load_idx %arg8[%add3A_897, %add3A_762] : memref<32x512xf32, #tpu.memory_space<vmem>>[vector<16xi32>, vector<16xi32>], vector<16xf32>,
          %add3A_899 = arith.constant 16 : i32
          %add3A_900 = vector.broadcast %add3A_899 : i32 to vector<16xi32>
          %add3A_901 = arith.addi %add3A_119, %add3A_900 : vector<16xi32>
          %gather3A_902 = tpu.vector_load_idx %arg8[%add3A_901, %add3A_762] : memref<32x512xf32, #tpu.memory_space<vmem>>[vector<16xi32>, vector<16xi32>], vector<16xf32>,
          %add3A_903 = arith.constant 16 : i32
          %add3A_904 = vector.broadcast %add3A_903 : i32 to vector<16xi32>
          %add3A_905 = arith.addi %add3A_139, %add3A_904 : vector<16xi32>
          %gather3A_906 = tpu.vector_load_idx %arg8[%add3A_905, %add3A_762] : memref<32x512xf32, #tpu.memory_space<vmem>>[vector<16xi32>, vector<16xi32>], vector<16xf32>,
          %add3A_907 = arith.constant 16 : i32
          %add3A_908 = vector.broadcast %add3A_907 : i32 to vector<16xi32>
          %add3A_909 = arith.addi %add3A_159, %add3A_908 : vector<16xi32>
          %gather3A_910 = tpu.vector_load_idx %arg8[%add3A_909, %add3A_762] : memref<32x512xf32, #tpu.memory_space<vmem>>[vector<16xi32>, vector<16xi32>], vector<16xf32>,
          %add3A_911 = arith.constant 16 : i32
          %add3A_912 = vector.broadcast %add3A_911 : i32 to vector<16xi32>
          %add3A_913 = arith.addi %add3A_179, %add3A_912 : vector<16xi32>
          %gather3A_914 = tpu.vector_load_idx %arg8[%add3A_913, %add3A_762] : memref<32x512xf32, #tpu.memory_space<vmem>>[vector<16xi32>, vector<16xi32>], vector<16xf32>,
          %add3A_915 = arith.constant 16 : i32
          %add3A_916 = vector.broadcast %add3A_915 : i32 to vector<16xi32>
          %add3A_917 = arith.addi %add3A_199, %add3A_916 : vector<16xi32>
          %gather3A_918 = tpu.vector_load_idx %arg8[%add3A_917, %add3A_762] : memref<32x512xf32, #tpu.memory_space<vmem>>[vector<16xi32>, vector<16xi32>], vector<16xf32>,
          %add3A_919 = arith.constant 16 : i32
          %add3A_920 = vector.broadcast %add3A_919 : i32 to vector<16xi32>
          %add3A_921 = arith.addi %add3A_219, %add3A_920 : vector<16xi32>
          %gather3A_922 = tpu.vector_load_idx %arg8[%add3A_921, %add3A_762] : memref<32x512xf32, #tpu.memory_space<vmem>>[vector<16xi32>, vector<16xi32>], vector<16xf32>,
          %add3A_923 = arith.constant 16 : i32
          %add3A_924 = vector.broadcast %add3A_923 : i32 to vector<16xi32>
          %add3A_925 = arith.addi %add3A_239, %add3A_924 : vector<16xi32>
          %gather3A_926 = tpu.vector_load_idx %arg8[%add3A_925, %add3A_762] : memref<32x512xf32, #tpu.memory_space<vmem>>[vector<16xi32>, vector<16xi32>], vector<16xf32>,
          %add3A_927 = arith.constant 16 : i32
          %add3A_928 = vector.broadcast %add3A_927 : i32 to vector<16xi32>
          %add3A_929 = arith.addi %add3A_259, %add3A_928 : vector<16xi32>
          %gather3A_930 = tpu.vector_load_idx %arg8[%add3A_929, %add3A_762] : memref<32x512xf32, #tpu.memory_space<vmem>>[vector<16xi32>, vector<16xi32>], vector<16xf32>,
          %add3A_931 = arith.constant 16 : i32
          %add3A_932 = vector.broadcast %add3A_931 : i32 to vector<16xi32>
          %add3A_933 = arith.addi %add3A_279, %add3A_932 : vector<16xi32>
          %gather3A_934 = tpu.vector_load_idx %arg8[%add3A_933, %add3A_762] : memref<32x512xf32, #tpu.memory_space<vmem>>[vector<16xi32>, vector<16xi32>], vector<16xf32>,
          %add3A_935 = arith.constant 16 : i32
          %add3A_936 = vector.broadcast %add3A_935 : i32 to vector<16xi32>
          %add3A_937 = arith.addi %add3A_299, %add3A_936 : vector<16xi32>
          %gather3A_938 = tpu.vector_load_idx %arg8[%add3A_937, %add3A_762] : memref<32x512xf32, #tpu.memory_space<vmem>>[vector<16xi32>, vector<16xi32>], vector<16xf32>,
          %add3A_939 = arith.constant 16 : i32
          %add3A_940 = vector.broadcast %add3A_939 : i32 to vector<16xi32>
          %add3A_941 = arith.addi %add3A_319, %add3A_940 : vector<16xi32>
          %gather3A_942 = tpu.vector_load_idx %arg8[%add3A_941, %add3A_762] : memref<32x512xf32, #tpu.memory_space<vmem>>[vector<16xi32>, vector<16xi32>], vector<16xf32>,
          %add3A_943 = arith.constant 64 : i32
          %add3A_944 = vector.broadcast %add3A_943 : i32 to vector<16xi32>
          %add3A_945 = arith.addi %add3A_23, %add3A_944 : vector<16xi32>
          tpu.vector_store_idx %arg10[%add3A_766, %add3A_945], %gather3A_882 : memref<256x128xf32, #tpu.memory_space<vmem>>[vector<16xi32>, vector<16xi32>], vector<16xf32>,
          %add3A_946 = arith.constant 64 : i32
          %add3A_947 = vector.broadcast %add3A_946 : i32 to vector<16xi32>
          %add3A_948 = arith.addi %add3A_43, %add3A_947 : vector<16xi32>
          tpu.vector_store_idx %arg10[%add3A_766, %add3A_948], %gather3A_886 : memref<256x128xf32, #tpu.memory_space<vmem>>[vector<16xi32>, vector<16xi32>], vector<16xf32>,
          %add3A_949 = arith.constant 64 : i32
          %add3A_950 = vector.broadcast %add3A_949 : i32 to vector<16xi32>
          %add3A_951 = arith.addi %add3A_63, %add3A_950 : vector<16xi32>
          tpu.vector_store_idx %arg10[%add3A_766, %add3A_951], %gather3A_890 : memref<256x128xf32, #tpu.memory_space<vmem>>[vector<16xi32>, vector<16xi32>], vector<16xf32>,
          %add3A_952 = arith.constant 64 : i32
          %add3A_953 = vector.broadcast %add3A_952 : i32 to vector<16xi32>
          %add3A_954 = arith.addi %add3A_83, %add3A_953 : vector<16xi32>
          tpu.vector_store_idx %arg10[%add3A_766, %add3A_954], %gather3A_894 : memref<256x128xf32, #tpu.memory_space<vmem>>[vector<16xi32>, vector<16xi32>], vector<16xf32>,
          %add3A_955 = arith.constant 64 : i32
          %add3A_956 = vector.broadcast %add3A_955 : i32 to vector<16xi32>
          %add3A_957 = arith.addi %add3A_103, %add3A_956 : vector<16xi32>
          tpu.vector_store_idx %arg10[%add3A_766, %add3A_957], %gather3A_898 : memref<256x128xf32, #tpu.memory_space<vmem>>[vector<16xi32>, vector<16xi32>], vector<16xf32>,
          %add3A_958 = arith.constant 64 : i32
          %add3A_959 = vector.broadcast %add3A_958 : i32 to vector<16xi32>
          %add3A_960 = arith.addi %add3A_123, %add3A_959 : vector<16xi32>
          tpu.vector_store_idx %arg10[%add3A_766, %add3A_960], %gather3A_902 : memref<256x128xf32, #tpu.memory_space<vmem>>[vector<16xi32>, vector<16xi32>], vector<16xf32>,
          %add3A_961 = arith.constant 64 : i32
          %add3A_962 = vector.broadcast %add3A_961 : i32 to vector<16xi32>
          %add3A_963 = arith.addi %add3A_143, %add3A_962 : vector<16xi32>
          tpu.vector_store_idx %arg10[%add3A_766, %add3A_963], %gather3A_906 : memref<256x128xf32, #tpu.memory_space<vmem>>[vector<16xi32>, vector<16xi32>], vector<16xf32>,
          %add3A_964 = arith.constant 64 : i32
          %add3A_965 = vector.broadcast %add3A_964 : i32 to vector<16xi32>
          %add3A_966 = arith.addi %add3A_163, %add3A_965 : vector<16xi32>
          tpu.vector_store_idx %arg10[%add3A_766, %add3A_966], %gather3A_910 : memref<256x128xf32, #tpu.memory_space<vmem>>[vector<16xi32>, vector<16xi32>], vector<16xf32>,
          %add3A_967 = arith.constant 64 : i32
          %add3A_968 = vector.broadcast %add3A_967 : i32 to vector<16xi32>
          %add3A_969 = arith.addi %add3A_183, %add3A_968 : vector<16xi32>
          tpu.vector_store_idx %arg10[%add3A_766, %add3A_969], %gather3A_914 : memref<256x128xf32, #tpu.memory_space<vmem>>[vector<16xi32>, vector<16xi32>], vector<16xf32>,
          %add3A_970 = arith.constant 64 : i32
          %add3A_971 = vector.broadcast %add3A_970 : i32 to vector<16xi32>
          %add3A_972 = arith.addi %add3A_203, %add3A_971 : vector<16xi32>
          tpu.vector_store_idx %arg10[%add3A_766, %add3A_972], %gather3A_918 : memref<256x128xf32, #tpu.memory_space<vmem>>[vector<16xi32>, vector<16xi32>], vector<16xf32>,
          %add3A_973 = arith.constant 64 : i32
          %add3A_974 = vector.broadcast %add3A_973 : i32 to vector<16xi32>
          %add3A_975 = arith.addi %add3A_223, %add3A_974 : vector<16xi32>
          tpu.vector_store_idx %arg10[%add3A_766, %add3A_975], %gather3A_922 : memref<256x128xf32, #tpu.memory_space<vmem>>[vector<16xi32>, vector<16xi32>], vector<16xf32>,
          %add3A_976 = arith.constant 64 : i32
          %add3A_977 = vector.broadcast %add3A_976 : i32 to vector<16xi32>
          %add3A_978 = arith.addi %add3A_243, %add3A_977 : vector<16xi32>
          tpu.vector_store_idx %arg10[%add3A_766, %add3A_978], %gather3A_926 : memref<256x128xf32, #tpu.memory_space<vmem>>[vector<16xi32>, vector<16xi32>], vector<16xf32>,
          %add3A_979 = arith.constant 64 : i32
          %add3A_980 = vector.broadcast %add3A_979 : i32 to vector<16xi32>
          %add3A_981 = arith.addi %add3A_263, %add3A_980 : vector<16xi32>
          tpu.vector_store_idx %arg10[%add3A_766, %add3A_981], %gather3A_930 : memref<256x128xf32, #tpu.memory_space<vmem>>[vector<16xi32>, vector<16xi32>], vector<16xf32>,
          %add3A_982 = arith.constant 64 : i32
          %add3A_983 = vector.broadcast %add3A_982 : i32 to vector<16xi32>
          %add3A_984 = arith.addi %add3A_283, %add3A_983 : vector<16xi32>
          tpu.vector_store_idx %arg10[%add3A_766, %add3A_984], %gather3A_934 : memref<256x128xf32, #tpu.memory_space<vmem>>[vector<16xi32>, vector<16xi32>], vector<16xf32>,
          %add3A_985 = arith.constant 64 : i32
          %add3A_986 = vector.broadcast %add3A_985 : i32 to vector<16xi32>
          %add3A_987 = arith.addi %add3A_303, %add3A_986 : vector<16xi32>
          tpu.vector_store_idx %arg10[%add3A_766, %add3A_987], %gather3A_938 : memref<256x128xf32, #tpu.memory_space<vmem>>[vector<16xi32>, vector<16xi32>], vector<16xf32>,
          %add3A_988 = arith.constant 64 : i32
          %add3A_989 = vector.broadcast %add3A_988 : i32 to vector<16xi32>
          %add3A_990 = arith.addi %add3A_323, %add3A_989 : vector<16xi32>
          tpu.vector_store_idx %arg10[%add3A_766, %add3A_990], %gather3A_942 : memref<256x128xf32, #tpu.memory_space<vmem>>[vector<16xi32>, vector<16xi32>], vector<16xf32>,
        }
        %scan3A_514 = arith.constant 32 : i32
        %dma_start3A_515 = arith.constant 0 : i32
        %dma_start3A_516 = arith.constant 0 : i32
        %dma_start3A_517 = tpu.memref_slice %arg10[%dma_start3A_515, %dma_start3A_516] : memref<256x128xf32, #tpu.memory_space<vmem>> -> memref<128x128xf32, #tpu.memory_space<vmem>>
        %dma_start3A_518 = arith.constant 0 : i32
        %dma_start3A_519 = tpu.memref_slice %arg5[%multiple_of3A_490, %dma_start3A_518] : memref<250000x128xf32, #tpu.memory_space<hbm>> -> memref<128x128xf32, #tpu.memory_space<hbm>>
        %dma_start3A_520 = arith.constant 0 : i32
        %dma_start3A_521 = tpu.memref_slice %arg5[%multiple_of3A_490, %dma_start3A_520] : memref<250000x128xf32, #tpu.memory_space<hbm>> -> memref<128x128xf32, #tpu.memory_space<hbm>>
        %dma_start3A_522 = arith.constant 0 : i32
        %dma_start3A_523 = arith.constant 0 : i32
        %dma_start3A_524 = tpu.memref_slice %arg10[%dma_start3A_522, %dma_start3A_523] : memref<256x128xf32, #tpu.memory_space<vmem>> -> memref<128x128xf32, #tpu.memory_space<vmem>>
        tpu.enqueue_dma source(%dma_start3A_524 : memref<128x128xf32, #tpu.memory_space<vmem>>) target(%dma_start3A_521 : memref<128x128xf32, #tpu.memory_space<hbm>>) target_semaphore(%arg20 : memref<!tpu.dma_semaphore, #tpu.memory_space<semaphore_mem>>)
      } else {
      }
    }
    %scan3A_333 = arith.constant 31 : i32
    %dma_wait3A = arith.constant 0 : i32
    %dma_wait3A_334 = arith.constant 0 : i32
    %dma_wait3A_335 = tpu.memref_slice %arg9[%dma_wait3A, %dma_wait3A_334] : memref<256x128xf32, #tpu.memory_space<vmem>> -> memref<128x128xf32, #tpu.memory_space<vmem>>
    %dma_wait3A_336 = arith.constant 0 : i32
    %dma_wait3A_337 = arith.constant 0 : i32
    %dma_wait3A_338 = tpu.memref_slice %arg5[%dma_wait3A_336, %dma_wait3A_337] : memref<250000x128xf32, #tpu.memory_space<hbm>> -> memref<128x128xf32, #tpu.memory_space<hbm>>
    %dma_wait3A_339 = arith.constant 0 : i32
    %dma_wait3A_340 = arith.constant 0 : i32
    %dma_wait3A_341 = tpu.memref_slice %arg5[%dma_wait3A_339, %dma_wait3A_340] : memref<250000x128xf32, #tpu.memory_space<hbm>> -> memref<128x128xf32, #tpu.memory_space<hbm>>
    %dma_wait3A_342 = arith.constant 0 : i32
    %dma_wait3A_343 = arith.constant 0 : i32
    %dma_wait3A_344 = tpu.memref_slice %arg9[%dma_wait3A_342, %dma_wait3A_343] : memref<256x128xf32, #tpu.memory_space<vmem>> -> memref<128x128xf32, #tpu.memory_space<vmem>>
    tpu.wait_dma2 semaphore(%arg19 : memref<!tpu.dma_semaphore, #tpu.memory_space<semaphore_mem>>) src(%dma_wait3A_344 : memref<128x128xf32, #tpu.memory_space<vmem>>) dst(%dma_wait3A_341 : memref<128x128xf32, #tpu.memory_space<hbm>>)
    %dma_wait3A_345 = arith.constant 0 : i32
    %dma_wait3A_346 = arith.constant 0 : i32
    %dma_wait3A_347 = tpu.memref_slice %arg10[%dma_wait3A_345, %dma_wait3A_346] : memref<256x128xf32, #tpu.memory_space<vmem>> -> memref<128x128xf32, #tpu.memory_space<vmem>>
    %dma_wait3A_348 = arith.constant 0 : i32
    %dma_wait3A_349 = arith.constant 0 : i32
    %dma_wait3A_350 = tpu.memref_slice %arg5[%dma_wait3A_348, %dma_wait3A_349] : memref<250000x128xf32, #tpu.memory_space<hbm>> -> memref<128x128xf32, #tpu.memory_space<hbm>>
    %dma_wait3A_351 = arith.constant 0 : i32
    %dma_wait3A_352 = arith.constant 0 : i32
    %dma_wait3A_353 = tpu.memref_slice %arg5[%dma_wait3A_351, %dma_wait3A_352] : memref<250000x128xf32, #tpu.memory_space<hbm>> -> memref<128x128xf32, #tpu.memory_space<hbm>>
    %dma_wait3A_354 = arith.constant 0 : i32
    %dma_wait3A_355 = arith.constant 0 : i32
    %dma_wait3A_356 = tpu.memref_slice %arg10[%dma_wait3A_354, %dma_wait3A_355] : memref<256x128xf32, #tpu.memory_space<vmem>> -> memref<128x128xf32, #tpu.memory_space<vmem>>
    tpu.wait_dma2 semaphore(%arg20 : memref<!tpu.dma_semaphore, #tpu.memory_space<semaphore_mem>>) src(%dma_wait3A_356 : memref<128x128xf32, #tpu.memory_space<vmem>>) dst(%dma_wait3A_353 : memref<128x128xf32, #tpu.memory_space<hbm>>)
    %eq3A = arith.constant 31 : i32
    %eq3A_357 = arith.cmpi eq, %add3A, %eq3A : i32
    %convert_element_type3A = arith.extui %eq3A_357 : i1 to i32
    %cond3A = arith.constant 0 : i32
    %cond3A_358 = arith.cmpi ne, %convert_element_type3A, %cond3A : i32
    scf.if %cond3A_358 {
      "tpu.region"() ({
        %run_scoped3A = tpu.sem_alloc : memref<!tpu.dma_semaphore, #tpu.memory_space<semaphore_mem>>
        %dma_start3A_444 = arith.constant 0 : i32
        %dma_start3A_445 = arith.constant 0 : i32
        %dma_start3A_446 = tpu.memref_slice %arg9[%dma_start3A_444, %dma_start3A_445] : memref<256x128xf32, #tpu.memory_space<vmem>> -> memref<16x128xf32, #tpu.memory_space<vmem>>
        %dma_start3A_447 = arith.constant 0 : i32
        %dma_start3A_448 = arith.constant 0 : i32
        %dma_start3A_449 = tpu.memref_slice %arg9[%dma_start3A_447, %dma_start3A_448] : memref<256x128xf32, #tpu.memory_space<vmem>> -> memref<16x128xf32, #tpu.memory_space<vmem>>
        tpu.enqueue_dma source(%arg4 : memref<16x128xf32, #tpu.memory_space<hbm>>) target(%dma_start3A_449 : memref<16x128xf32, #tpu.memory_space<vmem>>) target_semaphore(%run_scoped3A : memref<!tpu.dma_semaphore, #tpu.memory_space<semaphore_mem>>)
        %dma_wait3A_450 = arith.constant 0 : i32
        %dma_wait3A_451 = arith.constant 0 : i32
        %dma_wait3A_452 = tpu.memref_slice %arg9[%dma_wait3A_450, %dma_wait3A_451] : memref<256x128xf32, #tpu.memory_space<vmem>> -> memref<16x128xf32, #tpu.memory_space<vmem>>
        %dma_wait3A_453 = arith.constant 0 : i32
        %dma_wait3A_454 = arith.constant 0 : i32
        %dma_wait3A_455 = tpu.memref_slice %arg9[%dma_wait3A_453, %dma_wait3A_454] : memref<256x128xf32, #tpu.memory_space<vmem>> -> memref<16x128xf32, #tpu.memory_space<vmem>>
        tpu.wait_dma2 semaphore(%run_scoped3A : memref<!tpu.dma_semaphore, #tpu.memory_space<semaphore_mem>>) src(%arg4 : memref<16x128xf32, #tpu.memory_space<hbm>>) dst(%dma_wait3A_455 : memref<16x128xf32, #tpu.memory_space<vmem>>)
        tpu.yield
      }) : () -> ()
      "tpu.region"() ({
        %run_scoped3A = tpu.sem_alloc : memref<!tpu.dma_semaphore, #tpu.memory_space<semaphore_mem>>
        %dma_start3A_444 = arith.constant 0 : i32
        %dma_start3A_445 = arith.constant 0 : i32
        %dma_start3A_446 = tpu.memref_slice %arg9[%dma_start3A_444, %dma_start3A_445] : memref<256x128xf32, #tpu.memory_space<vmem>> -> memref<16x128xf32, #tpu.memory_space<vmem>>
        %dma_start3A_447 = arith.constant 249984 : i32
        %dma_start3A_448 = arith.constant 0 : i32
        %dma_start3A_449 = tpu.memref_slice %arg5[%dma_start3A_447, %dma_start3A_448] : memref<250000x128xf32, #tpu.memory_space<hbm>> -> memref<16x128xf32, #tpu.memory_space<hbm>>
        %dma_start3A_450 = arith.constant 249984 : i32
        %dma_start3A_451 = arith.constant 0 : i32
        %dma_start3A_452 = tpu.memref_slice %arg5[%dma_start3A_450, %dma_start3A_451] : memref<250000x128xf32, #tpu.memory_space<hbm>> -> memref<16x128xf32, #tpu.memory_space<hbm>>
        %dma_start3A_453 = arith.constant 0 : i32
        %dma_start3A_454 = arith.constant 0 : i32
        %dma_start3A_455 = tpu.memref_slice %arg9[%dma_start3A_453, %dma_start3A_454] : memref<256x128xf32, #tpu.memory_space<vmem>> -> memref<16x128xf32, #tpu.memory_space<vmem>>
        tpu.enqueue_dma source(%dma_start3A_455 : memref<16x128xf32, #tpu.memory_space<vmem>>) target(%dma_start3A_452 : memref<16x128xf32, #tpu.memory_space<hbm>>) target_semaphore(%run_scoped3A : memref<!tpu.dma_semaphore, #tpu.memory_space<semaphore_mem>>)
        %dma_wait3A_456 = arith.constant 0 : i32
        %dma_wait3A_457 = arith.constant 0 : i32
        %dma_wait3A_458 = tpu.memref_slice %arg9[%dma_wait3A_456, %dma_wait3A_457] : memref<256x128xf32, #tpu.memory_space<vmem>> -> memref<16x128xf32, #tpu.memory_space<vmem>>
        %dma_wait3A_459 = arith.constant 249984 : i32
        %dma_wait3A_460 = arith.constant 0 : i32
        %dma_wait3A_461 = tpu.memref_slice %arg5[%dma_wait3A_459, %dma_wait3A_460] : memref<250000x128xf32, #tpu.memory_space<hbm>> -> memref<16x128xf32, #tpu.memory_space<hbm>>
        %dma_wait3A_462 = arith.constant 249984 : i32
        %dma_wait3A_463 = arith.constant 0 : i32
        %dma_wait3A_464 = tpu.memref_slice %arg5[%dma_wait3A_462, %dma_wait3A_463] : memref<250000x128xf32, #tpu.memory_space<hbm>> -> memref<16x128xf32, #tpu.memory_space<hbm>>
        %dma_wait3A_465 = arith.constant 0 : i32
        %dma_wait3A_466 = arith.constant 0 : i32
        %dma_wait3A_467 = tpu.memref_slice %arg9[%dma_wait3A_465, %dma_wait3A_466] : memref<256x128xf32, #tpu.memory_space<vmem>> -> memref<16x128xf32, #tpu.memory_space<vmem>>
        tpu.wait_dma2 semaphore(%run_scoped3A : memref<!tpu.dma_semaphore, #tpu.memory_space<semaphore_mem>>) src(%dma_wait3A_467 : memref<16x128xf32, #tpu.memory_space<vmem>>) dst(%dma_wait3A_464 : memref<16x128xf32, #tpu.memory_space<hbm>>)
        tpu.yield
      }) : () -> ()
    } else {
    }
    %barrier3A = arith.constant 0 : index
    tpu.barrier barrier_id(%barrier3A)
    %eq3A_359 = arith.constant 0 : i32
    %eq3A_360 = arith.cmpi eq, %arg1, %eq3A_359 : i32
    %convert_element_type3A_361 = arith.extui %eq3A_360 : i1 to i32
    %cond3A_362 = arith.constant 0 : i32
    %cond3A_363 = arith.cmpi ne, %convert_element_type3A_361, %cond3A_362 : i32
    scf.if %cond3A_363 {
      %sub3A_444 = arith.constant 1 : i32
      %sub3A_445 = arith.subi %sub3A_444, %arg0 : i32
      %semaphore_signal3A = arith.constant 1 : i32
      tpu.sem_signal %arg27, %semaphore_signal3A core_id %sub3A_445 : memref<!tpu.semaphore, #tpu.memory_space<semaphore_mem>>
      %semaphore_wait3A = arith.constant 1 : i32
      %semaphore_wait3A_446 = arith.constant true
      tpu.sem_wait %arg27, %semaphore_wait3A : memref<!tpu.semaphore, #tpu.memory_space<semaphore_mem>>
    } else {
    }
    %barrier3A_364 = arith.constant 0 : index
    tpu.barrier barrier_id(%barrier3A_364)
    %mul3A_365 = arith.constant 25 : i32
    %mul3A_366 = arith.muli %add3A, %mul3A_365 : i32
    %add3A_367 = arith.constant 0 : i32
    %add3A_368 = arith.addi %mul3A_366, %add3A_367 : i32
    %jit3A = arith.constant 16 : i32
    %div3A = arith.divsi %add3A_368, %jit3A : i32
    %sign3A = arith.constant 0 : i32
    %sign3A_369 = arith.cmpi sgt, %add3A_368, %sign3A : i32
    %sign3A_370 = arith.extui %sign3A_369 : i1 to i32
    %sign3A_371 = arith.constant 0 : i32
    %sign3A_372 = arith.cmpi slt, %add3A_368, %sign3A_371 : i32
    %sign3A_373 = arith.extui %sign3A_372 : i1 to i32
    %sign3A_374 = arith.subi %sign3A_370, %sign3A_373 : i32
    %sign3A_375 = arith.constant 0 : i32
    %sign3A_376 = arith.cmpi sgt, %jit3A, %sign3A_375 : i32
    %sign3A_377 = arith.extui %sign3A_376 : i1 to i32
    %sign3A_378 = arith.constant 0 : i32
    %sign3A_379 = arith.cmpi slt, %jit3A, %sign3A_378 : i32
    %sign3A_380 = arith.extui %sign3A_379 : i1 to i32
    %sign3A_381 = arith.subi %sign3A_377, %sign3A_380 : i32
    %ne3A = arith.cmpi ne, %sign3A_374, %sign3A_381 : i32
    %rem3A = arith.remsi %add3A_368, %jit3A : i32
    %ne3A_382 = arith.constant 0 : i32
    %ne3A_383 = arith.cmpi ne, %rem3A, %ne3A_382 : i32
    %and3A_384 = arith.andi %ne3A, %ne3A_383 : i1
    %sub3A = arith.constant 1 : i32
    %sub3A_385 = arith.subi %div3A, %sub3A : i32
    %select_n3A = arith.select %and3A_384, %sub3A_385, %div3A : i32
    %jit3A_386 = arith.constant 16 : i32
    %eq3A_387 = arith.constant 0 : i32
    %eq3A_388 = arith.cmpi eq, %jit3A_386, %eq3A_387 : i32
    %jit3A_389 = arith.constant 1 : i32
    %select_n3A_390 = arith.select %eq3A_388, %jit3A_389, %jit3A_386 : i32
    %rem3A_391 = arith.remsi %add3A_368, %select_n3A_390 : i32
    %ne3A_392 = arith.constant 0 : i32
    %ne3A_393 = arith.cmpi ne, %rem3A_391, %ne3A_392 : i32
    %lt3A = arith.constant 0 : i32
    %lt3A_394 = arith.cmpi slt, %rem3A_391, %lt3A : i32
    %lt3A_395 = arith.constant 0 : i32
    %lt3A_396 = arith.cmpi slt, %select_n3A_390, %lt3A_395 : i32
    %ne3A_397 = arith.xori %lt3A_394, %lt3A_396 : i1
    %and3A_398 = arith.andi %ne3A_397, %ne3A_393 : i1
    %add3A_399 = arith.addi %rem3A_391, %select_n3A_390 : i32
    %select_n3A_400 = arith.select %and3A_398, %add3A_399, %rem3A_391 : i32
    %mul3A_401 = arith.constant 256 : i32
    %mul3A_402 = arith.muli %select_n3A_400, %mul3A_401 : i32
    %multiple_of3A_403 = tpu.assume_multiple %mul3A_402, 256 : i32
    %dma_start3A_404 = tpu.memref_slice %arg2[%select_n3A, %multiple_of3A_403] : memref<50x4096xi32, #tpu.memory_space<hbm>> -> memref<1x256xi32, #tpu.memory_space<hbm>>
    %dma_start3A_405 = tpu.memref_squeeze %dma_start3A_404 : memref<1x256xi32, #tpu.memory_space<hbm>> -> memref<256xi32, #tpu.memory_space<hbm>>
    %dma_start3A_406 = tpu.memref_slice %arg2[%select_n3A, %multiple_of3A_403] : memref<50x4096xi32, #tpu.memory_space<hbm>> -> memref<1x256xi32, #tpu.memory_space<hbm>>
    %dma_start3A_407 = tpu.memref_squeeze %dma_start3A_406 : memref<1x256xi32, #tpu.memory_space<hbm>> -> memref<256xi32, #tpu.memory_space<hbm>>
    tpu.enqueue_dma source(%dma_start3A_407 : memref<256xi32, #tpu.memory_space<hbm>>) target(%arg11 : memref<256xi32, #tpu.memory_space<vmem>>) target_semaphore(%arg21 : memref<!tpu.dma_semaphore, #tpu.memory_space<semaphore_mem>>)
    %scan3A_408 = arith.constant 0 : i32
    %scan3A_409 = arith.constant 0 : i32
    %scan3A_410 = arith.constant 13 : i32
    %scan3A_411 = arith.addi %scan3A_409, %scan3A_410 : i32
    %scan3A_412 = arith.constant 1 : i32
    scf.for %scan3A_444 = %scan3A_409 to %scan3A_411 step %scan3A_412  : i32 {
      %mul3A_445 = arith.constant 2 : i32
      %mul3A_446 = arith.muli %mul3A_445, %scan3A_444 : i32
      %add3A_447 = arith.constant 0 : i32
      %add3A_448 = arith.addi %mul3A_446, %add3A_447 : i32
      %lt3A_449 = arith.constant 25 : i32
      %lt3A_450 = arith.cmpi slt, %add3A_448, %lt3A_449 : i32
      %convert_element_type3A_451 = arith.extui %lt3A_450 : i1 to i32
      %cond3A_452 = arith.constant 0 : i32
      %cond3A_453 = arith.cmpi ne, %convert_element_type3A_451, %cond3A_452 : i32
      scf.if %cond3A_453 {
        %add3A_477 = arith.addi %mul3A_366, %add3A_448 : i32
        %jit3A_478 = arith.constant 16 : i32
        %div3A_479 = arith.divsi %add3A_477, %jit3A_478 : i32
        %sign3A_480 = arith.constant 0 : i32
        %sign3A_481 = arith.cmpi sgt, %add3A_477, %sign3A_480 : i32
        %sign3A_482 = arith.extui %sign3A_481 : i1 to i32
        %sign3A_483 = arith.constant 0 : i32
        %sign3A_484 = arith.cmpi slt, %add3A_477, %sign3A_483 : i32
        %sign3A_485 = arith.extui %sign3A_484 : i1 to i32
        %sign3A_486 = arith.subi %sign3A_482, %sign3A_485 : i32
        %sign3A_487 = arith.constant 0 : i32
        %sign3A_488 = arith.cmpi sgt, %jit3A_478, %sign3A_487 : i32
        %sign3A_489 = arith.extui %sign3A_488 : i1 to i32
        %sign3A_490 = arith.constant 0 : i32
        %sign3A_491 = arith.cmpi slt, %jit3A_478, %sign3A_490 : i32
        %sign3A_492 = arith.extui %sign3A_491 : i1 to i32
        %sign3A_493 = arith.subi %sign3A_489, %sign3A_492 : i32
        %ne3A_494 = arith.cmpi ne, %sign3A_486, %sign3A_493 : i32
        %rem3A_495 = arith.remsi %add3A_477, %jit3A_478 : i32
        %ne3A_496 = arith.constant 0 : i32
        %ne3A_497 = arith.cmpi ne, %rem3A_495, %ne3A_496 : i32
        %and3A_498 = arith.andi %ne3A_494, %ne3A_497 : i1
        %sub3A_499 = arith.constant 1 : i32
        %sub3A_500 = arith.subi %div3A_479, %sub3A_499 : i32
        %select_n3A_501 = arith.select %and3A_498, %sub3A_500, %div3A_479 : i32
        %jit3A_502 = arith.constant 16 : i32
        %eq3A_503 = arith.constant 0 : i32
        %eq3A_504 = arith.cmpi eq, %jit3A_502, %eq3A_503 : i32
        %jit3A_505 = arith.constant 1 : i32
        %select_n3A_506 = arith.select %eq3A_504, %jit3A_505, %jit3A_502 : i32
        %rem3A_507 = arith.remsi %add3A_477, %select_n3A_506 : i32
        %ne3A_508 = arith.constant 0 : i32
        %ne3A_509 = arith.cmpi ne, %rem3A_507, %ne3A_508 : i32
        %lt3A_510 = arith.constant 0 : i32
        %lt3A_511 = arith.cmpi slt, %rem3A_507, %lt3A_510 : i32
        %lt3A_512 = arith.constant 0 : i32
        %lt3A_513 = arith.cmpi slt, %select_n3A_506, %lt3A_512 : i32
        %ne3A_514 = arith.xori %lt3A_511, %lt3A_513 : i1
        %and3A_515 = arith.andi %ne3A_514, %ne3A_509 : i1
        %add3A_516 = arith.addi %rem3A_507, %select_n3A_506 : i32
        %select_n3A_517 = arith.select %and3A_515, %add3A_516, %rem3A_507 : i32
        %mul3A_518 = arith.constant 256 : i32
        %mul3A_519 = arith.muli %select_n3A_517, %mul3A_518 : i32
        %multiple_of3A_520 = tpu.assume_multiple %mul3A_519, 256 : i32
        %dma_wait3A_521 = tpu.memref_slice %arg2[%select_n3A_501, %multiple_of3A_520] : memref<50x4096xi32, #tpu.memory_space<hbm>> -> memref<1x256xi32, #tpu.memory_space<hbm>>
        %dma_wait3A_522 = tpu.memref_squeeze %dma_wait3A_521 : memref<1x256xi32, #tpu.memory_space<hbm>> -> memref<256xi32, #tpu.memory_space<hbm>>
        %dma_wait3A_523 = tpu.memref_slice %arg2[%select_n3A_501, %multiple_of3A_520] : memref<50x4096xi32, #tpu.memory_space<hbm>> -> memref<1x256xi32, #tpu.memory_space<hbm>>
        %dma_wait3A_524 = tpu.memref_squeeze %dma_wait3A_523 : memref<1x256xi32, #tpu.memory_space<hbm>> -> memref<256xi32, #tpu.memory_space<hbm>>
        tpu.wait_dma2 semaphore(%arg21 : memref<!tpu.dma_semaphore, #tpu.memory_space<semaphore_mem>>) src(%dma_wait3A_524 : memref<256xi32, #tpu.memory_space<hbm>>) dst(%arg11 : memref<256xi32, #tpu.memory_space<vmem>>)
        %scan3A_525 = arith.constant 0 : i32
        %scan3A_526 = arith.constant 0 : i32
        %scan3A_527 = arith.constant 16 : i32
        %scan3A_528 = arith.addi %scan3A_526, %scan3A_527 : i32
        %scan3A_529 = arith.constant 1 : i32
        scf.for %scan3A_541 = %scan3A_526 to %scan3A_528 step %scan3A_529  : i32 {
          %mul3A_542 = arith.constant 16 : i32
          %mul3A_543 = arith.muli %scan3A_541, %mul3A_542 : i32
          %get3A = arith.index_cast %mul3A_543 : i32 to index
          %get3A_544 = tpu.vector_load %arg11[%get3A] {strides = array<i32>} : memref<256xi32, #tpu.memory_space<vmem>>, vector<16xi32>,
          %shift_right_arithmetic3A_545 = arith.constant 2 : i32
          %shift_right_arithmetic3A_546 = vector.broadcast %shift_right_arithmetic3A_545 : i32 to vector<16xi32>
          %shift_right_arithmetic3A_547 = arith.shrsi %get3A_544, %shift_right_arithmetic3A_546 : vector<16xi32>
          %mul3A_548 = arith.constant 16 : i32
          %mul3A_549 = arith.muli %scan3A_541, %mul3A_548 : i32
          %swap3A = arith.index_cast %mul3A_549 : i32 to index
          %swap3A_550 = tpu.vector_load %arg13[%swap3A] {strides = array<i32>} : memref<256xi32, #tpu.memory_space<vmem>>, vector<16xi32>,
          tpu.vector_store %arg13[%swap3A], %shift_right_arithmetic3A_547 {strides = array<i32>} : memref<256xi32, #tpu.memory_space<vmem>>, vector<16xi32>,
          %and3A_551 = arith.constant 3 : i32
          %and3A_552 = vector.broadcast %and3A_551 : i32 to vector<16xi32>
          %and3A_553 = arith.andi %get3A_544, %and3A_552 : vector<16xi32>
          %mul3A_554 = arith.constant 16 : i32
          %mul3A_555 = arith.muli %scan3A_541, %mul3A_554 : i32
          %swap3A_556 = arith.index_cast %mul3A_555 : i32 to index
          %swap3A_557 = tpu.vector_load %arg15[%swap3A_556] {strides = array<i32>} : memref<256xi32, #tpu.memory_space<vmem>>, vector<16xi32>,
          tpu.vector_store %arg15[%swap3A_556], %and3A_553 {strides = array<i32>} : memref<256xi32, #tpu.memory_space<vmem>>, vector<16xi32>,
        }
        %scan3A_530 = arith.constant 16 : i32
        %dma_start3A_531 = arith.constant 0 : i32
        %dma_start3A_532 = arith.constant 0 : i32
        %dma_start3A_533 = tpu.memref_slice %arg5[%dma_start3A_531, %dma_start3A_532] : memref<250000x128xf32, #tpu.memory_space<hbm>> -> memref<250000x128xf32, #tpu.memory_space<hbm>>
        tpu.enqueue_indirect_dma source(%dma_start3A_533 : memref<250000x128xf32, #tpu.memory_space<hbm>>) target(%arg9 : memref<256x128xf32, #tpu.memory_space<vmem>>) offsets(%arg13 : memref<256xi32, #tpu.memory_space<vmem>>) semaphore(%arg23 : memref<!tpu.dma_semaphore, #tpu.memory_space<semaphore_mem>>)
        %add3A_534 = arith.constant 1 : i32
        %add3A_535 = arith.addi %add3A_448, %add3A_534 : i32
        %lt3A_536 = arith.constant 25 : i32
        %lt3A_537 = arith.cmpi slt, %add3A_535, %lt3A_536 : i32
        %convert_element_type3A_538 = arith.extui %lt3A_537 : i1 to i32
        %cond3A_539 = arith.constant 0 : i32
        %cond3A_540 = arith.cmpi ne, %convert_element_type3A_538, %cond3A_539 : i32
        scf.if %cond3A_540 {
          %add3A_541 = arith.constant 1 : i32
          %add3A_542 = arith.addi %add3A_448, %add3A_541 : i32
          %add3A_543 = arith.addi %mul3A_366, %add3A_542 : i32
          %jit3A_544 = arith.constant 16 : i32
          %div3A_545 = arith.divsi %add3A_543, %jit3A_544 : i32
          %sign3A_546 = arith.constant 0 : i32
          %sign3A_547 = arith.cmpi sgt, %add3A_543, %sign3A_546 : i32
          %sign3A_548 = arith.extui %sign3A_547 : i1 to i32
          %sign3A_549 = arith.constant 0 : i32
          %sign3A_550 = arith.cmpi slt, %add3A_543, %sign3A_549 : i32
          %sign3A_551 = arith.extui %sign3A_550 : i1 to i32
          %sign3A_552 = arith.subi %sign3A_548, %sign3A_551 : i32
          %sign3A_553 = arith.constant 0 : i32
          %sign3A_554 = arith.cmpi sgt, %jit3A_544, %sign3A_553 : i32
          %sign3A_555 = arith.extui %sign3A_554 : i1 to i32
          %sign3A_556 = arith.constant 0 : i32
          %sign3A_557 = arith.cmpi slt, %jit3A_544, %sign3A_556 : i32
          %sign3A_558 = arith.extui %sign3A_557 : i1 to i32
          %sign3A_559 = arith.subi %sign3A_555, %sign3A_558 : i32
          %ne3A_560 = arith.cmpi ne, %sign3A_552, %sign3A_559 : i32
          %rem3A_561 = arith.remsi %add3A_543, %jit3A_544 : i32
          %ne3A_562 = arith.constant 0 : i32
          %ne3A_563 = arith.cmpi ne, %rem3A_561, %ne3A_562 : i32
          %and3A_564 = arith.andi %ne3A_560, %ne3A_563 : i1
          %sub3A_565 = arith.constant 1 : i32
          %sub3A_566 = arith.subi %div3A_545, %sub3A_565 : i32
          %select_n3A_567 = arith.select %and3A_564, %sub3A_566, %div3A_545 : i32
          %jit3A_568 = arith.constant 16 : i32
          %eq3A_569 = arith.constant 0 : i32
          %eq3A_570 = arith.cmpi eq, %jit3A_568, %eq3A_569 : i32
          %jit3A_571 = arith.constant 1 : i32
          %select_n3A_572 = arith.select %eq3A_570, %jit3A_571, %jit3A_568 : i32
          %rem3A_573 = arith.remsi %add3A_543, %select_n3A_572 : i32
          %ne3A_574 = arith.constant 0 : i32
          %ne3A_575 = arith.cmpi ne, %rem3A_573, %ne3A_574 : i32
          %lt3A_576 = arith.constant 0 : i32
          %lt3A_577 = arith.cmpi slt, %rem3A_573, %lt3A_576 : i32
          %lt3A_578 = arith.constant 0 : i32
          %lt3A_579 = arith.cmpi slt, %select_n3A_572, %lt3A_578 : i32
          %ne3A_580 = arith.xori %lt3A_577, %lt3A_579 : i1
          %and3A_581 = arith.andi %ne3A_580, %ne3A_575 : i1
          %add3A_582 = arith.addi %rem3A_573, %select_n3A_572 : i32
          %select_n3A_583 = arith.select %and3A_581, %add3A_582, %rem3A_573 : i32
          %mul3A_584 = arith.constant 256 : i32
          %mul3A_585 = arith.muli %select_n3A_583, %mul3A_584 : i32
          %multiple_of3A_586 = tpu.assume_multiple %mul3A_585, 256 : i32
          %dma_start3A_587 = tpu.memref_slice %arg2[%select_n3A_567, %multiple_of3A_586] : memref<50x4096xi32, #tpu.memory_space<hbm>> -> memref<1x256xi32, #tpu.memory_space<hbm>>
          %dma_start3A_588 = tpu.memref_squeeze %dma_start3A_587 : memref<1x256xi32, #tpu.memory_space<hbm>> -> memref<256xi32, #tpu.memory_space<hbm>>
          %dma_start3A_589 = tpu.memref_slice %arg2[%select_n3A_567, %multiple_of3A_586] : memref<50x4096xi32, #tpu.memory_space<hbm>> -> memref<1x256xi32, #tpu.memory_space<hbm>>
          %dma_start3A_590 = tpu.memref_squeeze %dma_start3A_589 : memref<1x256xi32, #tpu.memory_space<hbm>> -> memref<256xi32, #tpu.memory_space<hbm>>
          tpu.enqueue_dma source(%dma_start3A_590 : memref<256xi32, #tpu.memory_space<hbm>>) target(%arg12 : memref<256xi32, #tpu.memory_space<vmem>>) target_semaphore(%arg22 : memref<!tpu.dma_semaphore, #tpu.memory_space<semaphore_mem>>)
        } else {
        }
      } else {
      }
      %ge3A = arith.constant 1 : i32
      %ge3A_454 = arith.cmpi sge, %add3A_448, %ge3A : i32
      %le3A = arith.constant 25 : i32
      %le3A_455 = arith.cmpi sle, %add3A_448, %le3A : i32
      %and3A_456 = arith.andi %ge3A_454, %le3A_455 : i1
      %convert_element_type3A_457 = arith.extui %and3A_456 : i1 to i32
      %cond3A_458 = arith.constant 0 : i32
      %cond3A_459 = arith.cmpi ne, %convert_element_type3A_457, %cond3A_458 : i32
      scf.if %cond3A_459 {
        %sub3A_477 = arith.constant 1 : i32
        %sub3A_478 = arith.subi %add3A_448, %sub3A_477 : i32
        %add3A_479 = arith.addi %mul3A_366, %sub3A_478 : i32
        %jit3A_480 = arith.constant 16 : i32
        %div3A_481 = arith.divsi %add3A_479, %jit3A_480 : i32
        %sign3A_482 = arith.constant 0 : i32
        %sign3A_483 = arith.cmpi sgt, %add3A_479, %sign3A_482 : i32
        %sign3A_484 = arith.extui %sign3A_483 : i1 to i32
        %sign3A_485 = arith.constant 0 : i32
        %sign3A_486 = arith.cmpi slt, %add3A_479, %sign3A_485 : i32
        %sign3A_487 = arith.extui %sign3A_486 : i1 to i32
        %sign3A_488 = arith.subi %sign3A_484, %sign3A_487 : i32
        %sign3A_489 = arith.constant 0 : i32
        %sign3A_490 = arith.cmpi sgt, %jit3A_480, %sign3A_489 : i32
        %sign3A_491 = arith.extui %sign3A_490 : i1 to i32
        %sign3A_492 = arith.constant 0 : i32
        %sign3A_493 = arith.cmpi slt, %jit3A_480, %sign3A_492 : i32
        %sign3A_494 = arith.extui %sign3A_493 : i1 to i32
        %sign3A_495 = arith.subi %sign3A_491, %sign3A_494 : i32
        %ne3A_496 = arith.cmpi ne, %sign3A_488, %sign3A_495 : i32
        %rem3A_497 = arith.remsi %add3A_479, %jit3A_480 : i32
        %ne3A_498 = arith.constant 0 : i32
        %ne3A_499 = arith.cmpi ne, %rem3A_497, %ne3A_498 : i32
        %and3A_500 = arith.andi %ne3A_496, %ne3A_499 : i1
        %sub3A_501 = arith.constant 1 : i32
        %sub3A_502 = arith.subi %div3A_481, %sub3A_501 : i32
        %select_n3A_503 = arith.select %and3A_500, %sub3A_502, %div3A_481 : i32
        %jit3A_504 = arith.constant 16 : i32
        %eq3A_505 = arith.constant 0 : i32
        %eq3A_506 = arith.cmpi eq, %jit3A_504, %eq3A_505 : i32
        %jit3A_507 = arith.constant 1 : i32
        %select_n3A_508 = arith.select %eq3A_506, %jit3A_507, %jit3A_504 : i32
        %rem3A_509 = arith.remsi %add3A_479, %select_n3A_508 : i32
        %ne3A_510 = arith.constant 0 : i32
        %ne3A_511 = arith.cmpi ne, %rem3A_509, %ne3A_510 : i32
        %lt3A_512 = arith.constant 0 : i32
        %lt3A_513 = arith.cmpi slt, %rem3A_509, %lt3A_512 : i32
        %lt3A_514 = arith.constant 0 : i32
        %lt3A_515 = arith.cmpi slt, %select_n3A_508, %lt3A_514 : i32
        %ne3A_516 = arith.xori %lt3A_513, %lt3A_515 : i1
        %and3A_517 = arith.andi %ne3A_516, %ne3A_511 : i1
        %add3A_518 = arith.addi %rem3A_509, %select_n3A_508 : i32
        %select_n3A_519 = arith.select %and3A_517, %add3A_518, %rem3A_509 : i32
        %mul3A_520 = arith.constant 256 : i32
        %mul3A_521 = arith.muli %select_n3A_519, %mul3A_520 : i32
        %multiple_of3A_522 = tpu.assume_multiple %mul3A_521, 256 : i32
        %dma_wait3A_523 = arith.constant 0 : i32
        %dma_wait3A_524 = arith.constant 0 : i32
        %dma_wait3A_525 = tpu.memref_slice %arg5[%dma_wait3A_523, %dma_wait3A_524] : memref<250000x128xf32, #tpu.memory_space<hbm>> -> memref<250000x128xf32, #tpu.memory_space<hbm>>
        tpu.wait_indirect_dma semaphore(%arg24 : memref<!tpu.dma_semaphore, #tpu.memory_space<semaphore_mem>>) src(%dma_wait3A_525 : memref<250000x128xf32, #tpu.memory_space<hbm>>) dst(%arg10 : memref<256x128xf32, #tpu.memory_space<vmem>>)
        %ge3A_526 = arith.constant 2 : i32
        %ge3A_527 = arith.cmpi sge, %sub3A_478, %ge3A_526 : i32
        %convert_element_type3A_528 = arith.extui %ge3A_527 : i1 to i32
        %cond3A_529 = arith.constant 0 : i32
        %cond3A_530 = arith.cmpi ne, %convert_element_type3A_528, %cond3A_529 : i32
        scf.if %cond3A_530 {
          %dma_wait3A_549 = arith.constant 0 : i32
          %dma_wait3A_550 = arith.constant 0 : i32
          %dma_wait3A_551 = tpu.memref_slice %arg8[%dma_wait3A_549, %dma_wait3A_550] : memref<32x512xf32, #tpu.memory_space<vmem>> -> memref<32x256xf32, #tpu.memory_space<vmem>>
          %dma_wait3A_552 = arith.constant 0 : i32
          %dma_wait3A_553 = tpu.memref_slice %arg6[%select_n3A_503, %dma_wait3A_552, %multiple_of3A_522] : memref<50x32x4096xf32, #tpu.memory_space<hbm>> -> memref<1x32x256xf32, #tpu.memory_space<hbm>>
          %dma_wait3A_554 = tpu.memref_squeeze %dma_wait3A_553 : memref<1x32x256xf32, #tpu.memory_space<hbm>> -> memref<32x256xf32, #tpu.memory_space<hbm>>
          %dma_wait3A_555 = arith.constant 0 : i32
          %dma_wait3A_556 = tpu.memref_slice %arg6[%select_n3A_503, %dma_wait3A_555, %multiple_of3A_522] : memref<50x32x4096xf32, #tpu.memory_space<hbm>> -> memref<1x32x256xf32, #tpu.memory_space<hbm>>
          %dma_wait3A_557 = tpu.memref_squeeze %dma_wait3A_556 : memref<1x32x256xf32, #tpu.memory_space<hbm>> -> memref<32x256xf32, #tpu.memory_space<hbm>>
          %dma_wait3A_558 = arith.constant 0 : i32
          %dma_wait3A_559 = arith.constant 0 : i32
          %dma_wait3A_560 = tpu.memref_slice %arg8[%dma_wait3A_558, %dma_wait3A_559] : memref<32x512xf32, #tpu.memory_space<vmem>> -> memref<32x256xf32, #tpu.memory_space<vmem>>
          tpu.wait_dma2 semaphore(%arg26 : memref<!tpu.dma_semaphore, #tpu.memory_space<semaphore_mem>>) src(%dma_wait3A_560 : memref<32x256xf32, #tpu.memory_space<vmem>>) dst(%dma_wait3A_557 : memref<32x256xf32, #tpu.memory_space<hbm>>)
        } else {
        }
        %scan3A_531 = arith.constant 0 : i32
        %scan3A_532 = arith.constant 0 : i32
        %scan3A_533 = arith.constant 16 : i32
        %scan3A_534 = arith.addi %scan3A_532, %scan3A_533 : i32
        %scan3A_535 = arith.constant 1 : i32
        scf.for %scan3A_549 = %scan3A_532 to %scan3A_534 step %scan3A_535  : i32 {
          %mul3A_550 = arith.constant 16 : i32
          %mul3A_551 = arith.muli %scan3A_549, %mul3A_550 : i32
          %get3A = arith.index_cast %mul3A_551 : i32 to index
          %get3A_552 = tpu.vector_load %arg16[%get3A] {strides = array<i32>} : memref<256xi32, #tpu.memory_space<vmem>>, vector<16xi32>,
          %add3A_553 = vector.broadcast %mul3A_551 : i32 to vector<16xi32>
          %add3A_554 = arith.addi %iota3A, %add3A_553 : vector<16xi32>
          %shift_left3A_555 = arith.constant 2 : i32
          %shift_left3A_556 = vector.broadcast %shift_left3A_555 : i32 to vector<16xi32>
          %shift_left3A_557 = arith.shli %add3A_19, %shift_left3A_556 : vector<16xi32>
          %add3A_558 = arith.addi %get3A_552, %shift_left3A_557 : vector<16xi32>
          %shift_left3A_559 = arith.constant 2 : i32
          %shift_left3A_560 = vector.broadcast %shift_left3A_559 : i32 to vector<16xi32>
          %shift_left3A_561 = arith.shli %add3A_39, %shift_left3A_560 : vector<16xi32>
          %add3A_562 = arith.addi %get3A_552, %shift_left3A_561 : vector<16xi32>
          %shift_left3A_563 = arith.constant 2 : i32
          %shift_left3A_564 = vector.broadcast %shift_left3A_563 : i32 to vector<16xi32>
          %shift_left3A_565 = arith.shli %add3A_59, %shift_left3A_564 : vector<16xi32>
          %add3A_566 = arith.addi %get3A_552, %shift_left3A_565 : vector<16xi32>
          %shift_left3A_567 = arith.constant 2 : i32
          %shift_left3A_568 = vector.broadcast %shift_left3A_567 : i32 to vector<16xi32>
          %shift_left3A_569 = arith.shli %add3A_79, %shift_left3A_568 : vector<16xi32>
          %add3A_570 = arith.addi %get3A_552, %shift_left3A_569 : vector<16xi32>
          %shift_left3A_571 = arith.constant 2 : i32
          %shift_left3A_572 = vector.broadcast %shift_left3A_571 : i32 to vector<16xi32>
          %shift_left3A_573 = arith.shli %add3A_99, %shift_left3A_572 : vector<16xi32>
          %add3A_574 = arith.addi %get3A_552, %shift_left3A_573 : vector<16xi32>
          %shift_left3A_575 = arith.constant 2 : i32
          %shift_left3A_576 = vector.broadcast %shift_left3A_575 : i32 to vector<16xi32>
          %shift_left3A_577 = arith.shli %add3A_119, %shift_left3A_576 : vector<16xi32>
          %add3A_578 = arith.addi %get3A_552, %shift_left3A_577 : vector<16xi32>
          %shift_left3A_579 = arith.constant 2 : i32
          %shift_left3A_580 = vector.broadcast %shift_left3A_579 : i32 to vector<16xi32>
          %shift_left3A_581 = arith.shli %add3A_139, %shift_left3A_580 : vector<16xi32>
          %add3A_582 = arith.addi %get3A_552, %shift_left3A_581 : vector<16xi32>
          %shift_left3A_583 = arith.constant 2 : i32
          %shift_left3A_584 = vector.broadcast %shift_left3A_583 : i32 to vector<16xi32>
          %shift_left3A_585 = arith.shli %add3A_159, %shift_left3A_584 : vector<16xi32>
          %add3A_586 = arith.addi %get3A_552, %shift_left3A_585 : vector<16xi32>
          %shift_left3A_587 = arith.constant 2 : i32
          %shift_left3A_588 = vector.broadcast %shift_left3A_587 : i32 to vector<16xi32>
          %shift_left3A_589 = arith.shli %add3A_179, %shift_left3A_588 : vector<16xi32>
          %add3A_590 = arith.addi %get3A_552, %shift_left3A_589 : vector<16xi32>
          %shift_left3A_591 = arith.constant 2 : i32
          %shift_left3A_592 = vector.broadcast %shift_left3A_591 : i32 to vector<16xi32>
          %shift_left3A_593 = arith.shli %add3A_199, %shift_left3A_592 : vector<16xi32>
          %add3A_594 = arith.addi %get3A_552, %shift_left3A_593 : vector<16xi32>
          %shift_left3A_595 = arith.constant 2 : i32
          %shift_left3A_596 = vector.broadcast %shift_left3A_595 : i32 to vector<16xi32>
          %shift_left3A_597 = arith.shli %add3A_219, %shift_left3A_596 : vector<16xi32>
          %add3A_598 = arith.addi %get3A_552, %shift_left3A_597 : vector<16xi32>
          %shift_left3A_599 = arith.constant 2 : i32
          %shift_left3A_600 = vector.broadcast %shift_left3A_599 : i32 to vector<16xi32>
          %shift_left3A_601 = arith.shli %add3A_239, %shift_left3A_600 : vector<16xi32>
          %add3A_602 = arith.addi %get3A_552, %shift_left3A_601 : vector<16xi32>
          %shift_left3A_603 = arith.constant 2 : i32
          %shift_left3A_604 = vector.broadcast %shift_left3A_603 : i32 to vector<16xi32>
          %shift_left3A_605 = arith.shli %add3A_259, %shift_left3A_604 : vector<16xi32>
          %add3A_606 = arith.addi %get3A_552, %shift_left3A_605 : vector<16xi32>
          %shift_left3A_607 = arith.constant 2 : i32
          %shift_left3A_608 = vector.broadcast %shift_left3A_607 : i32 to vector<16xi32>
          %shift_left3A_609 = arith.shli %add3A_279, %shift_left3A_608 : vector<16xi32>
          %add3A_610 = arith.addi %get3A_552, %shift_left3A_609 : vector<16xi32>
          %shift_left3A_611 = arith.constant 2 : i32
          %shift_left3A_612 = vector.broadcast %shift_left3A_611 : i32 to vector<16xi32>
          %shift_left3A_613 = arith.shli %add3A_299, %shift_left3A_612 : vector<16xi32>
          %add3A_614 = arith.addi %get3A_552, %shift_left3A_613 : vector<16xi32>
          %shift_left3A_615 = arith.constant 2 : i32
          %shift_left3A_616 = vector.broadcast %shift_left3A_615 : i32 to vector<16xi32>
          %shift_left3A_617 = arith.shli %add3A_319, %shift_left3A_616 : vector<16xi32>
          %add3A_618 = arith.addi %get3A_552, %shift_left3A_617 : vector<16xi32>
          %add3A_619 = arith.constant 0 : i32
          %add3A_620 = vector.broadcast %add3A_619 : i32 to vector<16xi32>
          %add3A_621 = arith.addi %add3A_558, %add3A_620 : vector<16xi32>
          %gather3A = tpu.vector_load_idx %arg10[%add3A_554, %add3A_621] : memref<256x128xf32, #tpu.memory_space<vmem>>[vector<16xi32>, vector<16xi32>], vector<16xf32>,
          %add3A_622 = arith.constant 0 : i32
          %add3A_623 = vector.broadcast %add3A_622 : i32 to vector<16xi32>
          %add3A_624 = arith.addi %add3A_562, %add3A_623 : vector<16xi32>
          %gather3A_625 = tpu.vector_load_idx %arg10[%add3A_554, %add3A_624] : memref<256x128xf32, #tpu.memory_space<vmem>>[vector<16xi32>, vector<16xi32>], vector<16xf32>,
          %add3A_626 = arith.constant 0 : i32
          %add3A_627 = vector.broadcast %add3A_626 : i32 to vector<16xi32>
          %add3A_628 = arith.addi %add3A_566, %add3A_627 : vector<16xi32>
          %gather3A_629 = tpu.vector_load_idx %arg10[%add3A_554, %add3A_628] : memref<256x128xf32, #tpu.memory_space<vmem>>[vector<16xi32>, vector<16xi32>], vector<16xf32>,
          %add3A_630 = arith.constant 0 : i32
          %add3A_631 = vector.broadcast %add3A_630 : i32 to vector<16xi32>
          %add3A_632 = arith.addi %add3A_570, %add3A_631 : vector<16xi32>
          %gather3A_633 = tpu.vector_load_idx %arg10[%add3A_554, %add3A_632] : memref<256x128xf32, #tpu.memory_space<vmem>>[vector<16xi32>, vector<16xi32>], vector<16xf32>,
          %add3A_634 = arith.constant 0 : i32
          %add3A_635 = vector.broadcast %add3A_634 : i32 to vector<16xi32>
          %add3A_636 = arith.addi %add3A_574, %add3A_635 : vector<16xi32>
          %gather3A_637 = tpu.vector_load_idx %arg10[%add3A_554, %add3A_636] : memref<256x128xf32, #tpu.memory_space<vmem>>[vector<16xi32>, vector<16xi32>], vector<16xf32>,
          %add3A_638 = arith.constant 0 : i32
          %add3A_639 = vector.broadcast %add3A_638 : i32 to vector<16xi32>
          %add3A_640 = arith.addi %add3A_578, %add3A_639 : vector<16xi32>
          %gather3A_641 = tpu.vector_load_idx %arg10[%add3A_554, %add3A_640] : memref<256x128xf32, #tpu.memory_space<vmem>>[vector<16xi32>, vector<16xi32>], vector<16xf32>,
          %add3A_642 = arith.constant 0 : i32
          %add3A_643 = vector.broadcast %add3A_642 : i32 to vector<16xi32>
          %add3A_644 = arith.addi %add3A_582, %add3A_643 : vector<16xi32>
          %gather3A_645 = tpu.vector_load_idx %arg10[%add3A_554, %add3A_644] : memref<256x128xf32, #tpu.memory_space<vmem>>[vector<16xi32>, vector<16xi32>], vector<16xf32>,
          %add3A_646 = arith.constant 0 : i32
          %add3A_647 = vector.broadcast %add3A_646 : i32 to vector<16xi32>
          %add3A_648 = arith.addi %add3A_586, %add3A_647 : vector<16xi32>
          %gather3A_649 = tpu.vector_load_idx %arg10[%add3A_554, %add3A_648] : memref<256x128xf32, #tpu.memory_space<vmem>>[vector<16xi32>, vector<16xi32>], vector<16xf32>,
          %add3A_650 = arith.constant 0 : i32
          %add3A_651 = vector.broadcast %add3A_650 : i32 to vector<16xi32>
          %add3A_652 = arith.addi %add3A_590, %add3A_651 : vector<16xi32>
          %gather3A_653 = tpu.vector_load_idx %arg10[%add3A_554, %add3A_652] : memref<256x128xf32, #tpu.memory_space<vmem>>[vector<16xi32>, vector<16xi32>], vector<16xf32>,
          %add3A_654 = arith.constant 0 : i32
          %add3A_655 = vector.broadcast %add3A_654 : i32 to vector<16xi32>
          %add3A_656 = arith.addi %add3A_594, %add3A_655 : vector<16xi32>
          %gather3A_657 = tpu.vector_load_idx %arg10[%add3A_554, %add3A_656] : memref<256x128xf32, #tpu.memory_space<vmem>>[vector<16xi32>, vector<16xi32>], vector<16xf32>,
          %add3A_658 = arith.constant 0 : i32
          %add3A_659 = vector.broadcast %add3A_658 : i32 to vector<16xi32>
          %add3A_660 = arith.addi %add3A_598, %add3A_659 : vector<16xi32>
          %gather3A_661 = tpu.vector_load_idx %arg10[%add3A_554, %add3A_660] : memref<256x128xf32, #tpu.memory_space<vmem>>[vector<16xi32>, vector<16xi32>], vector<16xf32>,
          %add3A_662 = arith.constant 0 : i32
          %add3A_663 = vector.broadcast %add3A_662 : i32 to vector<16xi32>
          %add3A_664 = arith.addi %add3A_602, %add3A_663 : vector<16xi32>
          %gather3A_665 = tpu.vector_load_idx %arg10[%add3A_554, %add3A_664] : memref<256x128xf32, #tpu.memory_space<vmem>>[vector<16xi32>, vector<16xi32>], vector<16xf32>,
          %add3A_666 = arith.constant 0 : i32
          %add3A_667 = vector.broadcast %add3A_666 : i32 to vector<16xi32>
          %add3A_668 = arith.addi %add3A_606, %add3A_667 : vector<16xi32>
          %gather3A_669 = tpu.vector_load_idx %arg10[%add3A_554, %add3A_668] : memref<256x128xf32, #tpu.memory_space<vmem>>[vector<16xi32>, vector<16xi32>], vector<16xf32>,
          %add3A_670 = arith.constant 0 : i32
          %add3A_671 = vector.broadcast %add3A_670 : i32 to vector<16xi32>
          %add3A_672 = arith.addi %add3A_610, %add3A_671 : vector<16xi32>
          %gather3A_673 = tpu.vector_load_idx %arg10[%add3A_554, %add3A_672] : memref<256x128xf32, #tpu.memory_space<vmem>>[vector<16xi32>, vector<16xi32>], vector<16xf32>,
          %add3A_674 = arith.constant 0 : i32
          %add3A_675 = vector.broadcast %add3A_674 : i32 to vector<16xi32>
          %add3A_676 = arith.addi %add3A_614, %add3A_675 : vector<16xi32>
          %gather3A_677 = tpu.vector_load_idx %arg10[%add3A_554, %add3A_676] : memref<256x128xf32, #tpu.memory_space<vmem>>[vector<16xi32>, vector<16xi32>], vector<16xf32>,
          %add3A_678 = arith.constant 0 : i32
          %add3A_679 = vector.broadcast %add3A_678 : i32 to vector<16xi32>
          %add3A_680 = arith.addi %add3A_618, %add3A_679 : vector<16xi32>
          %gather3A_681 = tpu.vector_load_idx %arg10[%add3A_554, %add3A_680] : memref<256x128xf32, #tpu.memory_space<vmem>>[vector<16xi32>, vector<16xi32>], vector<16xf32>,
          %add3A_682 = arith.constant 0 : i32
          %add3A_683 = vector.broadcast %add3A_682 : i32 to vector<16xi32>
          %add3A_684 = arith.addi %add3A_19, %add3A_683 : vector<16xi32>
          tpu.vector_store_idx %arg8[%add3A_684, %add3A_554], %gather3A : memref<32x512xf32, #tpu.memory_space<vmem>>[vector<16xi32>, vector<16xi32>], vector<16xf32>,
          %add3A_685 = arith.constant 0 : i32
          %add3A_686 = vector.broadcast %add3A_685 : i32 to vector<16xi32>
          %add3A_687 = arith.addi %add3A_39, %add3A_686 : vector<16xi32>
          tpu.vector_store_idx %arg8[%add3A_687, %add3A_554], %gather3A_625 : memref<32x512xf32, #tpu.memory_space<vmem>>[vector<16xi32>, vector<16xi32>], vector<16xf32>,
          %add3A_688 = arith.constant 0 : i32
          %add3A_689 = vector.broadcast %add3A_688 : i32 to vector<16xi32>
          %add3A_690 = arith.addi %add3A_59, %add3A_689 : vector<16xi32>
          tpu.vector_store_idx %arg8[%add3A_690, %add3A_554], %gather3A_629 : memref<32x512xf32, #tpu.memory_space<vmem>>[vector<16xi32>, vector<16xi32>], vector<16xf32>,
          %add3A_691 = arith.constant 0 : i32
          %add3A_692 = vector.broadcast %add3A_691 : i32 to vector<16xi32>
          %add3A_693 = arith.addi %add3A_79, %add3A_692 : vector<16xi32>
          tpu.vector_store_idx %arg8[%add3A_693, %add3A_554], %gather3A_633 : memref<32x512xf32, #tpu.memory_space<vmem>>[vector<16xi32>, vector<16xi32>], vector<16xf32>,
          %add3A_694 = arith.constant 0 : i32
          %add3A_695 = vector.broadcast %add3A_694 : i32 to vector<16xi32>
          %add3A_696 = arith.addi %add3A_99, %add3A_695 : vector<16xi32>
          tpu.vector_store_idx %arg8[%add3A_696, %add3A_554], %gather3A_637 : memref<32x512xf32, #tpu.memory_space<vmem>>[vector<16xi32>, vector<16xi32>], vector<16xf32>,
          %add3A_697 = arith.constant 0 : i32
          %add3A_698 = vector.broadcast %add3A_697 : i32 to vector<16xi32>
          %add3A_699 = arith.addi %add3A_119, %add3A_698 : vector<16xi32>
          tpu.vector_store_idx %arg8[%add3A_699, %add3A_554], %gather3A_641 : memref<32x512xf32, #tpu.memory_space<vmem>>[vector<16xi32>, vector<16xi32>], vector<16xf32>,
          %add3A_700 = arith.constant 0 : i32
          %add3A_701 = vector.broadcast %add3A_700 : i32 to vector<16xi32>
          %add3A_702 = arith.addi %add3A_139, %add3A_701 : vector<16xi32>
          tpu.vector_store_idx %arg8[%add3A_702, %add3A_554], %gather3A_645 : memref<32x512xf32, #tpu.memory_space<vmem>>[vector<16xi32>, vector<16xi32>], vector<16xf32>,
          %add3A_703 = arith.constant 0 : i32
          %add3A_704 = vector.broadcast %add3A_703 : i32 to vector<16xi32>
          %add3A_705 = arith.addi %add3A_159, %add3A_704 : vector<16xi32>
          tpu.vector_store_idx %arg8[%add3A_705, %add3A_554], %gather3A_649 : memref<32x512xf32, #tpu.memory_space<vmem>>[vector<16xi32>, vector<16xi32>], vector<16xf32>,
          %add3A_706 = arith.constant 0 : i32
          %add3A_707 = vector.broadcast %add3A_706 : i32 to vector<16xi32>
          %add3A_708 = arith.addi %add3A_179, %add3A_707 : vector<16xi32>
          tpu.vector_store_idx %arg8[%add3A_708, %add3A_554], %gather3A_653 : memref<32x512xf32, #tpu.memory_space<vmem>>[vector<16xi32>, vector<16xi32>], vector<16xf32>,
          %add3A_709 = arith.constant 0 : i32
          %add3A_710 = vector.broadcast %add3A_709 : i32 to vector<16xi32>
          %add3A_711 = arith.addi %add3A_199, %add3A_710 : vector<16xi32>
          tpu.vector_store_idx %arg8[%add3A_711, %add3A_554], %gather3A_657 : memref<32x512xf32, #tpu.memory_space<vmem>>[vector<16xi32>, vector<16xi32>], vector<16xf32>,
          %add3A_712 = arith.constant 0 : i32
          %add3A_713 = vector.broadcast %add3A_712 : i32 to vector<16xi32>
          %add3A_714 = arith.addi %add3A_219, %add3A_713 : vector<16xi32>
          tpu.vector_store_idx %arg8[%add3A_714, %add3A_554], %gather3A_661 : memref<32x512xf32, #tpu.memory_space<vmem>>[vector<16xi32>, vector<16xi32>], vector<16xf32>,
          %add3A_715 = arith.constant 0 : i32
          %add3A_716 = vector.broadcast %add3A_715 : i32 to vector<16xi32>
          %add3A_717 = arith.addi %add3A_239, %add3A_716 : vector<16xi32>
          tpu.vector_store_idx %arg8[%add3A_717, %add3A_554], %gather3A_665 : memref<32x512xf32, #tpu.memory_space<vmem>>[vector<16xi32>, vector<16xi32>], vector<16xf32>,
          %add3A_718 = arith.constant 0 : i32
          %add3A_719 = vector.broadcast %add3A_718 : i32 to vector<16xi32>
          %add3A_720 = arith.addi %add3A_259, %add3A_719 : vector<16xi32>
          tpu.vector_store_idx %arg8[%add3A_720, %add3A_554], %gather3A_669 : memref<32x512xf32, #tpu.memory_space<vmem>>[vector<16xi32>, vector<16xi32>], vector<16xf32>,
          %add3A_721 = arith.constant 0 : i32
          %add3A_722 = vector.broadcast %add3A_721 : i32 to vector<16xi32>
          %add3A_723 = arith.addi %add3A_279, %add3A_722 : vector<16xi32>
          tpu.vector_store_idx %arg8[%add3A_723, %add3A_554], %gather3A_673 : memref<32x512xf32, #tpu.memory_space<vmem>>[vector<16xi32>, vector<16xi32>], vector<16xf32>,
          %add3A_724 = arith.constant 0 : i32
          %add3A_725 = vector.broadcast %add3A_724 : i32 to vector<16xi32>
          %add3A_726 = arith.addi %add3A_299, %add3A_725 : vector<16xi32>
          tpu.vector_store_idx %arg8[%add3A_726, %add3A_554], %gather3A_677 : memref<32x512xf32, #tpu.memory_space<vmem>>[vector<16xi32>, vector<16xi32>], vector<16xf32>,
          %add3A_727 = arith.constant 0 : i32
          %add3A_728 = vector.broadcast %add3A_727 : i32 to vector<16xi32>
          %add3A_729 = arith.addi %add3A_319, %add3A_728 : vector<16xi32>
          tpu.vector_store_idx %arg8[%add3A_729, %add3A_554], %gather3A_681 : memref<32x512xf32, #tpu.memory_space<vmem>>[vector<16xi32>, vector<16xi32>], vector<16xf32>,
          %add3A_730 = arith.constant 64 : i32
          %add3A_731 = vector.broadcast %add3A_730 : i32 to vector<16xi32>
          %add3A_732 = arith.addi %add3A_558, %add3A_731 : vector<16xi32>
          %gather3A_733 = tpu.vector_load_idx %arg10[%add3A_554, %add3A_732] : memref<256x128xf32, #tpu.memory_space<vmem>>[vector<16xi32>, vector<16xi32>], vector<16xf32>,
          %add3A_734 = arith.constant 64 : i32
          %add3A_735 = vector.broadcast %add3A_734 : i32 to vector<16xi32>
          %add3A_736 = arith.addi %add3A_562, %add3A_735 : vector<16xi32>
          %gather3A_737 = tpu.vector_load_idx %arg10[%add3A_554, %add3A_736] : memref<256x128xf32, #tpu.memory_space<vmem>>[vector<16xi32>, vector<16xi32>], vector<16xf32>,
          %add3A_738 = arith.constant 64 : i32
          %add3A_739 = vector.broadcast %add3A_738 : i32 to vector<16xi32>
          %add3A_740 = arith.addi %add3A_566, %add3A_739 : vector<16xi32>
          %gather3A_741 = tpu.vector_load_idx %arg10[%add3A_554, %add3A_740] : memref<256x128xf32, #tpu.memory_space<vmem>>[vector<16xi32>, vector<16xi32>], vector<16xf32>,
          %add3A_742 = arith.constant 64 : i32
          %add3A_743 = vector.broadcast %add3A_742 : i32 to vector<16xi32>
          %add3A_744 = arith.addi %add3A_570, %add3A_743 : vector<16xi32>
          %gather3A_745 = tpu.vector_load_idx %arg10[%add3A_554, %add3A_744] : memref<256x128xf32, #tpu.memory_space<vmem>>[vector<16xi32>, vector<16xi32>], vector<16xf32>,
          %add3A_746 = arith.constant 64 : i32
          %add3A_747 = vector.broadcast %add3A_746 : i32 to vector<16xi32>
          %add3A_748 = arith.addi %add3A_574, %add3A_747 : vector<16xi32>
          %gather3A_749 = tpu.vector_load_idx %arg10[%add3A_554, %add3A_748] : memref<256x128xf32, #tpu.memory_space<vmem>>[vector<16xi32>, vector<16xi32>], vector<16xf32>,
          %add3A_750 = arith.constant 64 : i32
          %add3A_751 = vector.broadcast %add3A_750 : i32 to vector<16xi32>
          %add3A_752 = arith.addi %add3A_578, %add3A_751 : vector<16xi32>
          %gather3A_753 = tpu.vector_load_idx %arg10[%add3A_554, %add3A_752] : memref<256x128xf32, #tpu.memory_space<vmem>>[vector<16xi32>, vector<16xi32>], vector<16xf32>,
          %add3A_754 = arith.constant 64 : i32
          %add3A_755 = vector.broadcast %add3A_754 : i32 to vector<16xi32>
          %add3A_756 = arith.addi %add3A_582, %add3A_755 : vector<16xi32>
          %gather3A_757 = tpu.vector_load_idx %arg10[%add3A_554, %add3A_756] : memref<256x128xf32, #tpu.memory_space<vmem>>[vector<16xi32>, vector<16xi32>], vector<16xf32>,
          %add3A_758 = arith.constant 64 : i32
          %add3A_759 = vector.broadcast %add3A_758 : i32 to vector<16xi32>
          %add3A_760 = arith.addi %add3A_586, %add3A_759 : vector<16xi32>
          %gather3A_761 = tpu.vector_load_idx %arg10[%add3A_554, %add3A_760] : memref<256x128xf32, #tpu.memory_space<vmem>>[vector<16xi32>, vector<16xi32>], vector<16xf32>,
          %add3A_762 = arith.constant 64 : i32
          %add3A_763 = vector.broadcast %add3A_762 : i32 to vector<16xi32>
          %add3A_764 = arith.addi %add3A_590, %add3A_763 : vector<16xi32>
          %gather3A_765 = tpu.vector_load_idx %arg10[%add3A_554, %add3A_764] : memref<256x128xf32, #tpu.memory_space<vmem>>[vector<16xi32>, vector<16xi32>], vector<16xf32>,
          %add3A_766 = arith.constant 64 : i32
          %add3A_767 = vector.broadcast %add3A_766 : i32 to vector<16xi32>
          %add3A_768 = arith.addi %add3A_594, %add3A_767 : vector<16xi32>
          %gather3A_769 = tpu.vector_load_idx %arg10[%add3A_554, %add3A_768] : memref<256x128xf32, #tpu.memory_space<vmem>>[vector<16xi32>, vector<16xi32>], vector<16xf32>,
          %add3A_770 = arith.constant 64 : i32
          %add3A_771 = vector.broadcast %add3A_770 : i32 to vector<16xi32>
          %add3A_772 = arith.addi %add3A_598, %add3A_771 : vector<16xi32>
          %gather3A_773 = tpu.vector_load_idx %arg10[%add3A_554, %add3A_772] : memref<256x128xf32, #tpu.memory_space<vmem>>[vector<16xi32>, vector<16xi32>], vector<16xf32>,
          %add3A_774 = arith.constant 64 : i32
          %add3A_775 = vector.broadcast %add3A_774 : i32 to vector<16xi32>
          %add3A_776 = arith.addi %add3A_602, %add3A_775 : vector<16xi32>
          %gather3A_777 = tpu.vector_load_idx %arg10[%add3A_554, %add3A_776] : memref<256x128xf32, #tpu.memory_space<vmem>>[vector<16xi32>, vector<16xi32>], vector<16xf32>,
          %add3A_778 = arith.constant 64 : i32
          %add3A_779 = vector.broadcast %add3A_778 : i32 to vector<16xi32>
          %add3A_780 = arith.addi %add3A_606, %add3A_779 : vector<16xi32>
          %gather3A_781 = tpu.vector_load_idx %arg10[%add3A_554, %add3A_780] : memref<256x128xf32, #tpu.memory_space<vmem>>[vector<16xi32>, vector<16xi32>], vector<16xf32>,
          %add3A_782 = arith.constant 64 : i32
          %add3A_783 = vector.broadcast %add3A_782 : i32 to vector<16xi32>
          %add3A_784 = arith.addi %add3A_610, %add3A_783 : vector<16xi32>
          %gather3A_785 = tpu.vector_load_idx %arg10[%add3A_554, %add3A_784] : memref<256x128xf32, #tpu.memory_space<vmem>>[vector<16xi32>, vector<16xi32>], vector<16xf32>,
          %add3A_786 = arith.constant 64 : i32
          %add3A_787 = vector.broadcast %add3A_786 : i32 to vector<16xi32>
          %add3A_788 = arith.addi %add3A_614, %add3A_787 : vector<16xi32>
          %gather3A_789 = tpu.vector_load_idx %arg10[%add3A_554, %add3A_788] : memref<256x128xf32, #tpu.memory_space<vmem>>[vector<16xi32>, vector<16xi32>], vector<16xf32>,
          %add3A_790 = arith.constant 64 : i32
          %add3A_791 = vector.broadcast %add3A_790 : i32 to vector<16xi32>
          %add3A_792 = arith.addi %add3A_618, %add3A_791 : vector<16xi32>
          %gather3A_793 = tpu.vector_load_idx %arg10[%add3A_554, %add3A_792] : memref<256x128xf32, #tpu.memory_space<vmem>>[vector<16xi32>, vector<16xi32>], vector<16xf32>,
          %add3A_794 = arith.constant 16 : i32
          %add3A_795 = vector.broadcast %add3A_794 : i32 to vector<16xi32>
          %add3A_796 = arith.addi %add3A_19, %add3A_795 : vector<16xi32>
          tpu.vector_store_idx %arg8[%add3A_796, %add3A_554], %gather3A_733 : memref<32x512xf32, #tpu.memory_space<vmem>>[vector<16xi32>, vector<16xi32>], vector<16xf32>,
          %add3A_797 = arith.constant 16 : i32
          %add3A_798 = vector.broadcast %add3A_797 : i32 to vector<16xi32>
          %add3A_799 = arith.addi %add3A_39, %add3A_798 : vector<16xi32>
          tpu.vector_store_idx %arg8[%add3A_799, %add3A_554], %gather3A_737 : memref<32x512xf32, #tpu.memory_space<vmem>>[vector<16xi32>, vector<16xi32>], vector<16xf32>,
          %add3A_800 = arith.constant 16 : i32
          %add3A_801 = vector.broadcast %add3A_800 : i32 to vector<16xi32>
          %add3A_802 = arith.addi %add3A_59, %add3A_801 : vector<16xi32>
          tpu.vector_store_idx %arg8[%add3A_802, %add3A_554], %gather3A_741 : memref<32x512xf32, #tpu.memory_space<vmem>>[vector<16xi32>, vector<16xi32>], vector<16xf32>,
          %add3A_803 = arith.constant 16 : i32
          %add3A_804 = vector.broadcast %add3A_803 : i32 to vector<16xi32>
          %add3A_805 = arith.addi %add3A_79, %add3A_804 : vector<16xi32>
          tpu.vector_store_idx %arg8[%add3A_805, %add3A_554], %gather3A_745 : memref<32x512xf32, #tpu.memory_space<vmem>>[vector<16xi32>, vector<16xi32>], vector<16xf32>,
          %add3A_806 = arith.constant 16 : i32
          %add3A_807 = vector.broadcast %add3A_806 : i32 to vector<16xi32>
          %add3A_808 = arith.addi %add3A_99, %add3A_807 : vector<16xi32>
          tpu.vector_store_idx %arg8[%add3A_808, %add3A_554], %gather3A_749 : memref<32x512xf32, #tpu.memory_space<vmem>>[vector<16xi32>, vector<16xi32>], vector<16xf32>,
          %add3A_809 = arith.constant 16 : i32
          %add3A_810 = vector.broadcast %add3A_809 : i32 to vector<16xi32>
          %add3A_811 = arith.addi %add3A_119, %add3A_810 : vector<16xi32>
          tpu.vector_store_idx %arg8[%add3A_811, %add3A_554], %gather3A_753 : memref<32x512xf32, #tpu.memory_space<vmem>>[vector<16xi32>, vector<16xi32>], vector<16xf32>,
          %add3A_812 = arith.constant 16 : i32
          %add3A_813 = vector.broadcast %add3A_812 : i32 to vector<16xi32>
          %add3A_814 = arith.addi %add3A_139, %add3A_813 : vector<16xi32>
          tpu.vector_store_idx %arg8[%add3A_814, %add3A_554], %gather3A_757 : memref<32x512xf32, #tpu.memory_space<vmem>>[vector<16xi32>, vector<16xi32>], vector<16xf32>,
          %add3A_815 = arith.constant 16 : i32
          %add3A_816 = vector.broadcast %add3A_815 : i32 to vector<16xi32>
          %add3A_817 = arith.addi %add3A_159, %add3A_816 : vector<16xi32>
          tpu.vector_store_idx %arg8[%add3A_817, %add3A_554], %gather3A_761 : memref<32x512xf32, #tpu.memory_space<vmem>>[vector<16xi32>, vector<16xi32>], vector<16xf32>,
          %add3A_818 = arith.constant 16 : i32
          %add3A_819 = vector.broadcast %add3A_818 : i32 to vector<16xi32>
          %add3A_820 = arith.addi %add3A_179, %add3A_819 : vector<16xi32>
          tpu.vector_store_idx %arg8[%add3A_820, %add3A_554], %gather3A_765 : memref<32x512xf32, #tpu.memory_space<vmem>>[vector<16xi32>, vector<16xi32>], vector<16xf32>,
          %add3A_821 = arith.constant 16 : i32
          %add3A_822 = vector.broadcast %add3A_821 : i32 to vector<16xi32>
          %add3A_823 = arith.addi %add3A_199, %add3A_822 : vector<16xi32>
          tpu.vector_store_idx %arg8[%add3A_823, %add3A_554], %gather3A_769 : memref<32x512xf32, #tpu.memory_space<vmem>>[vector<16xi32>, vector<16xi32>], vector<16xf32>,
          %add3A_824 = arith.constant 16 : i32
          %add3A_825 = vector.broadcast %add3A_824 : i32 to vector<16xi32>
          %add3A_826 = arith.addi %add3A_219, %add3A_825 : vector<16xi32>
          tpu.vector_store_idx %arg8[%add3A_826, %add3A_554], %gather3A_773 : memref<32x512xf32, #tpu.memory_space<vmem>>[vector<16xi32>, vector<16xi32>], vector<16xf32>,
          %add3A_827 = arith.constant 16 : i32
          %add3A_828 = vector.broadcast %add3A_827 : i32 to vector<16xi32>
          %add3A_829 = arith.addi %add3A_239, %add3A_828 : vector<16xi32>
          tpu.vector_store_idx %arg8[%add3A_829, %add3A_554], %gather3A_777 : memref<32x512xf32, #tpu.memory_space<vmem>>[vector<16xi32>, vector<16xi32>], vector<16xf32>,
          %add3A_830 = arith.constant 16 : i32
          %add3A_831 = vector.broadcast %add3A_830 : i32 to vector<16xi32>
          %add3A_832 = arith.addi %add3A_259, %add3A_831 : vector<16xi32>
          tpu.vector_store_idx %arg8[%add3A_832, %add3A_554], %gather3A_781 : memref<32x512xf32, #tpu.memory_space<vmem>>[vector<16xi32>, vector<16xi32>], vector<16xf32>,
          %add3A_833 = arith.constant 16 : i32
          %add3A_834 = vector.broadcast %add3A_833 : i32 to vector<16xi32>
          %add3A_835 = arith.addi %add3A_279, %add3A_834 : vector<16xi32>
          tpu.vector_store_idx %arg8[%add3A_835, %add3A_554], %gather3A_785 : memref<32x512xf32, #tpu.memory_space<vmem>>[vector<16xi32>, vector<16xi32>], vector<16xf32>,
          %add3A_836 = arith.constant 16 : i32
          %add3A_837 = vector.broadcast %add3A_836 : i32 to vector<16xi32>
          %add3A_838 = arith.addi %add3A_299, %add3A_837 : vector<16xi32>
          tpu.vector_store_idx %arg8[%add3A_838, %add3A_554], %gather3A_789 : memref<32x512xf32, #tpu.memory_space<vmem>>[vector<16xi32>, vector<16xi32>], vector<16xf32>,
          %add3A_839 = arith.constant 16 : i32
          %add3A_840 = vector.broadcast %add3A_839 : i32 to vector<16xi32>
          %add3A_841 = arith.addi %add3A_319, %add3A_840 : vector<16xi32>
          tpu.vector_store_idx %arg8[%add3A_841, %add3A_554], %gather3A_793 : memref<32x512xf32, #tpu.memory_space<vmem>>[vector<16xi32>, vector<16xi32>], vector<16xf32>,
        }
        %scan3A_536 = arith.constant 16 : i32
        %dma_start3A_537 = arith.constant 0 : i32
        %dma_start3A_538 = arith.constant 0 : i32
        %dma_start3A_539 = tpu.memref_slice %arg8[%dma_start3A_537, %dma_start3A_538] : memref<32x512xf32, #tpu.memory_space<vmem>> -> memref<32x256xf32, #tpu.memory_space<vmem>>
        %dma_start3A_540 = arith.constant 0 : i32
        %dma_start3A_541 = tpu.memref_slice %arg6[%select_n3A_503, %dma_start3A_540, %multiple_of3A_522] : memref<50x32x4096xf32, #tpu.memory_space<hbm>> -> memref<1x32x256xf32, #tpu.memory_space<hbm>>
        %dma_start3A_542 = tpu.memref_squeeze %dma_start3A_541 : memref<1x32x256xf32, #tpu.memory_space<hbm>> -> memref<32x256xf32, #tpu.memory_space<hbm>>
        %dma_start3A_543 = arith.constant 0 : i32
        %dma_start3A_544 = tpu.memref_slice %arg6[%select_n3A_503, %dma_start3A_543, %multiple_of3A_522] : memref<50x32x4096xf32, #tpu.memory_space<hbm>> -> memref<1x32x256xf32, #tpu.memory_space<hbm>>
        %dma_start3A_545 = tpu.memref_squeeze %dma_start3A_544 : memref<1x32x256xf32, #tpu.memory_space<hbm>> -> memref<32x256xf32, #tpu.memory_space<hbm>>
        %dma_start3A_546 = arith.constant 0 : i32
        %dma_start3A_547 = arith.constant 0 : i32
        %dma_start3A_548 = tpu.memref_slice %arg8[%dma_start3A_546, %dma_start3A_547] : memref<32x512xf32, #tpu.memory_space<vmem>> -> memref<32x256xf32, #tpu.memory_space<vmem>>
        tpu.enqueue_dma source(%dma_start3A_548 : memref<32x256xf32, #tpu.memory_space<vmem>>) target(%dma_start3A_545 : memref<32x256xf32, #tpu.memory_space<hbm>>) target_semaphore(%arg26 : memref<!tpu.dma_semaphore, #tpu.memory_space<semaphore_mem>>)
      } else {
      }
      %mul3A_460 = arith.constant 2 : i32
      %mul3A_461 = arith.muli %mul3A_460, %scan3A_444 : i32
      %add3A_462 = arith.constant 1 : i32
      %add3A_463 = arith.addi %mul3A_461, %add3A_462 : i32
      %lt3A_464 = arith.constant 25 : i32
      %lt3A_465 = arith.cmpi slt, %add3A_463, %lt3A_464 : i32
      %convert_element_type3A_466 = arith.extui %lt3A_465 : i1 to i32
      %cond3A_467 = arith.constant 0 : i32
      %cond3A_468 = arith.cmpi ne, %convert_element_type3A_466, %cond3A_467 : i32
      scf.if %cond3A_468 {
        %add3A_477 = arith.addi %mul3A_366, %add3A_463 : i32
        %jit3A_478 = arith.constant 16 : i32
        %div3A_479 = arith.divsi %add3A_477, %jit3A_478 : i32
        %sign3A_480 = arith.constant 0 : i32
        %sign3A_481 = arith.cmpi sgt, %add3A_477, %sign3A_480 : i32
        %sign3A_482 = arith.extui %sign3A_481 : i1 to i32
        %sign3A_483 = arith.constant 0 : i32
        %sign3A_484 = arith.cmpi slt, %add3A_477, %sign3A_483 : i32
        %sign3A_485 = arith.extui %sign3A_484 : i1 to i32
        %sign3A_486 = arith.subi %sign3A_482, %sign3A_485 : i32
        %sign3A_487 = arith.constant 0 : i32
        %sign3A_488 = arith.cmpi sgt, %jit3A_478, %sign3A_487 : i32
        %sign3A_489 = arith.extui %sign3A_488 : i1 to i32
        %sign3A_490 = arith.constant 0 : i32
        %sign3A_491 = arith.cmpi slt, %jit3A_478, %sign3A_490 : i32
        %sign3A_492 = arith.extui %sign3A_491 : i1 to i32
        %sign3A_493 = arith.subi %sign3A_489, %sign3A_492 : i32
        %ne3A_494 = arith.cmpi ne, %sign3A_486, %sign3A_493 : i32
        %rem3A_495 = arith.remsi %add3A_477, %jit3A_478 : i32
        %ne3A_496 = arith.constant 0 : i32
        %ne3A_497 = arith.cmpi ne, %rem3A_495, %ne3A_496 : i32
        %and3A_498 = arith.andi %ne3A_494, %ne3A_497 : i1
        %sub3A_499 = arith.constant 1 : i32
        %sub3A_500 = arith.subi %div3A_479, %sub3A_499 : i32
        %select_n3A_501 = arith.select %and3A_498, %sub3A_500, %div3A_479 : i32
        %jit3A_502 = arith.constant 16 : i32
        %eq3A_503 = arith.constant 0 : i32
        %eq3A_504 = arith.cmpi eq, %jit3A_502, %eq3A_503 : i32
        %jit3A_505 = arith.constant 1 : i32
        %select_n3A_506 = arith.select %eq3A_504, %jit3A_505, %jit3A_502 : i32
        %rem3A_507 = arith.remsi %add3A_477, %select_n3A_506 : i32
        %ne3A_508 = arith.constant 0 : i32
        %ne3A_509 = arith.cmpi ne, %rem3A_507, %ne3A_508 : i32
        %lt3A_510 = arith.constant 0 : i32
        %lt3A_511 = arith.cmpi slt, %rem3A_507, %lt3A_510 : i32
        %lt3A_512 = arith.constant 0 : i32
        %lt3A_513 = arith.cmpi slt, %select_n3A_506, %lt3A_512 : i32
        %ne3A_514 = arith.xori %lt3A_511, %lt3A_513 : i1
        %and3A_515 = arith.andi %ne3A_514, %ne3A_509 : i1
        %add3A_516 = arith.addi %rem3A_507, %select_n3A_506 : i32
        %select_n3A_517 = arith.select %and3A_515, %add3A_516, %rem3A_507 : i32
        %mul3A_518 = arith.constant 256 : i32
        %mul3A_519 = arith.muli %select_n3A_517, %mul3A_518 : i32
        %multiple_of3A_520 = tpu.assume_multiple %mul3A_519, 256 : i32
        %dma_wait3A_521 = tpu.memref_slice %arg2[%select_n3A_501, %multiple_of3A_520] : memref<50x4096xi32, #tpu.memory_space<hbm>> -> memref<1x256xi32, #tpu.memory_space<hbm>>
        %dma_wait3A_522 = tpu.memref_squeeze %dma_wait3A_521 : memref<1x256xi32, #tpu.memory_space<hbm>> -> memref<256xi32, #tpu.memory_space<hbm>>
        %dma_wait3A_523 = tpu.memref_slice %arg2[%select_n3A_501, %multiple_of3A_520] : memref<50x4096xi32, #tpu.memory_space<hbm>> -> memref<1x256xi32, #tpu.memory_space<hbm>>
        %dma_wait3A_524 = tpu.memref_squeeze %dma_wait3A_523 : memref<1x256xi32, #tpu.memory_space<hbm>> -> memref<256xi32, #tpu.memory_space<hbm>>
        tpu.wait_dma2 semaphore(%arg22 : memref<!tpu.dma_semaphore, #tpu.memory_space<semaphore_mem>>) src(%dma_wait3A_524 : memref<256xi32, #tpu.memory_space<hbm>>) dst(%arg12 : memref<256xi32, #tpu.memory_space<vmem>>)
        %scan3A_525 = arith.constant 0 : i32
        %scan3A_526 = arith.constant 0 : i32
        %scan3A_527 = arith.constant 16 : i32
        %scan3A_528 = arith.addi %scan3A_526, %scan3A_527 : i32
        %scan3A_529 = arith.constant 1 : i32
        scf.for %scan3A_541 = %scan3A_526 to %scan3A_528 step %scan3A_529  : i32 {
          %mul3A_542 = arith.constant 16 : i32
          %mul3A_543 = arith.muli %scan3A_541, %mul3A_542 : i32
          %get3A = arith.index_cast %mul3A_543 : i32 to index
          %get3A_544 = tpu.vector_load %arg12[%get3A] {strides = array<i32>} : memref<256xi32, #tpu.memory_space<vmem>>, vector<16xi32>,
          %shift_right_arithmetic3A_545 = arith.constant 2 : i32
          %shift_right_arithmetic3A_546 = vector.broadcast %shift_right_arithmetic3A_545 : i32 to vector<16xi32>
          %shift_right_arithmetic3A_547 = arith.shrsi %get3A_544, %shift_right_arithmetic3A_546 : vector<16xi32>
          %mul3A_548 = arith.constant 16 : i32
          %mul3A_549 = arith.muli %scan3A_541, %mul3A_548 : i32
          %swap3A = arith.index_cast %mul3A_549 : i32 to index
          %swap3A_550 = tpu.vector_load %arg14[%swap3A] {strides = array<i32>} : memref<256xi32, #tpu.memory_space<vmem>>, vector<16xi32>,
          tpu.vector_store %arg14[%swap3A], %shift_right_arithmetic3A_547 {strides = array<i32>} : memref<256xi32, #tpu.memory_space<vmem>>, vector<16xi32>,
          %and3A_551 = arith.constant 3 : i32
          %and3A_552 = vector.broadcast %and3A_551 : i32 to vector<16xi32>
          %and3A_553 = arith.andi %get3A_544, %and3A_552 : vector<16xi32>
          %mul3A_554 = arith.constant 16 : i32
          %mul3A_555 = arith.muli %scan3A_541, %mul3A_554 : i32
          %swap3A_556 = arith.index_cast %mul3A_555 : i32 to index
          %swap3A_557 = tpu.vector_load %arg16[%swap3A_556] {strides = array<i32>} : memref<256xi32, #tpu.memory_space<vmem>>, vector<16xi32>,
          tpu.vector_store %arg16[%swap3A_556], %and3A_553 {strides = array<i32>} : memref<256xi32, #tpu.memory_space<vmem>>, vector<16xi32>,
        }
        %scan3A_530 = arith.constant 16 : i32
        %dma_start3A_531 = arith.constant 0 : i32
        %dma_start3A_532 = arith.constant 0 : i32
        %dma_start3A_533 = tpu.memref_slice %arg5[%dma_start3A_531, %dma_start3A_532] : memref<250000x128xf32, #tpu.memory_space<hbm>> -> memref<250000x128xf32, #tpu.memory_space<hbm>>
        tpu.enqueue_indirect_dma source(%dma_start3A_533 : memref<250000x128xf32, #tpu.memory_space<hbm>>) target(%arg10 : memref<256x128xf32, #tpu.memory_space<vmem>>) offsets(%arg14 : memref<256xi32, #tpu.memory_space<vmem>>) semaphore(%arg24 : memref<!tpu.dma_semaphore, #tpu.memory_space<semaphore_mem>>)
        %add3A_534 = arith.constant 1 : i32
        %add3A_535 = arith.addi %add3A_463, %add3A_534 : i32
        %lt3A_536 = arith.constant 25 : i32
        %lt3A_537 = arith.cmpi slt, %add3A_535, %lt3A_536 : i32
        %convert_element_type3A_538 = arith.extui %lt3A_537 : i1 to i32
        %cond3A_539 = arith.constant 0 : i32
        %cond3A_540 = arith.cmpi ne, %convert_element_type3A_538, %cond3A_539 : i32
        scf.if %cond3A_540 {
          %add3A_541 = arith.constant 1 : i32
          %add3A_542 = arith.addi %add3A_463, %add3A_541 : i32
          %add3A_543 = arith.addi %mul3A_366, %add3A_542 : i32
          %jit3A_544 = arith.constant 16 : i32
          %div3A_545 = arith.divsi %add3A_543, %jit3A_544 : i32
          %sign3A_546 = arith.constant 0 : i32
          %sign3A_547 = arith.cmpi sgt, %add3A_543, %sign3A_546 : i32
          %sign3A_548 = arith.extui %sign3A_547 : i1 to i32
          %sign3A_549 = arith.constant 0 : i32
          %sign3A_550 = arith.cmpi slt, %add3A_543, %sign3A_549 : i32
          %sign3A_551 = arith.extui %sign3A_550 : i1 to i32
          %sign3A_552 = arith.subi %sign3A_548, %sign3A_551 : i32
          %sign3A_553 = arith.constant 0 : i32
          %sign3A_554 = arith.cmpi sgt, %jit3A_544, %sign3A_553 : i32
          %sign3A_555 = arith.extui %sign3A_554 : i1 to i32
          %sign3A_556 = arith.constant 0 : i32
          %sign3A_557 = arith.cmpi slt, %jit3A_544, %sign3A_556 : i32
          %sign3A_558 = arith.extui %sign3A_557 : i1 to i32
          %sign3A_559 = arith.subi %sign3A_555, %sign3A_558 : i32
          %ne3A_560 = arith.cmpi ne, %sign3A_552, %sign3A_559 : i32
          %rem3A_561 = arith.remsi %add3A_543, %jit3A_544 : i32
          %ne3A_562 = arith.constant 0 : i32
          %ne3A_563 = arith.cmpi ne, %rem3A_561, %ne3A_562 : i32
          %and3A_564 = arith.andi %ne3A_560, %ne3A_563 : i1
          %sub3A_565 = arith.constant 1 : i32
          %sub3A_566 = arith.subi %div3A_545, %sub3A_565 : i32
          %select_n3A_567 = arith.select %and3A_564, %sub3A_566, %div3A_545 : i32
          %jit3A_568 = arith.constant 16 : i32
          %eq3A_569 = arith.constant 0 : i32
          %eq3A_570 = arith.cmpi eq, %jit3A_568, %eq3A_569 : i32
          %jit3A_571 = arith.constant 1 : i32
          %select_n3A_572 = arith.select %eq3A_570, %jit3A_571, %jit3A_568 : i32
          %rem3A_573 = arith.remsi %add3A_543, %select_n3A_572 : i32
          %ne3A_574 = arith.constant 0 : i32
          %ne3A_575 = arith.cmpi ne, %rem3A_573, %ne3A_574 : i32
          %lt3A_576 = arith.constant 0 : i32
          %lt3A_577 = arith.cmpi slt, %rem3A_573, %lt3A_576 : i32
          %lt3A_578 = arith.constant 0 : i32
          %lt3A_579 = arith.cmpi slt, %select_n3A_572, %lt3A_578 : i32
          %ne3A_580 = arith.xori %lt3A_577, %lt3A_579 : i1
          %and3A_581 = arith.andi %ne3A_580, %ne3A_575 : i1
          %add3A_582 = arith.addi %rem3A_573, %select_n3A_572 : i32
          %select_n3A_583 = arith.select %and3A_581, %add3A_582, %rem3A_573 : i32
          %mul3A_584 = arith.constant 256 : i32
          %mul3A_585 = arith.muli %select_n3A_583, %mul3A_584 : i32
          %multiple_of3A_586 = tpu.assume_multiple %mul3A_585, 256 : i32
          %dma_start3A_587 = tpu.memref_slice %arg2[%select_n3A_567, %multiple_of3A_586] : memref<50x4096xi32, #tpu.memory_space<hbm>> -> memref<1x256xi32, #tpu.memory_space<hbm>>
          %dma_start3A_588 = tpu.memref_squeeze %dma_start3A_587 : memref<1x256xi32, #tpu.memory_space<hbm>> -> memref<256xi32, #tpu.memory_space<hbm>>
          %dma_start3A_589 = tpu.memref_slice %arg2[%select_n3A_567, %multiple_of3A_586] : memref<50x4096xi32, #tpu.memory_space<hbm>> -> memref<1x256xi32, #tpu.memory_space<hbm>>
          %dma_start3A_590 = tpu.memref_squeeze %dma_start3A_589 : memref<1x256xi32, #tpu.memory_space<hbm>> -> memref<256xi32, #tpu.memory_space<hbm>>
          tpu.enqueue_dma source(%dma_start3A_590 : memref<256xi32, #tpu.memory_space<hbm>>) target(%arg11 : memref<256xi32, #tpu.memory_space<vmem>>) target_semaphore(%arg21 : memref<!tpu.dma_semaphore, #tpu.memory_space<semaphore_mem>>)
        } else {
        }
      } else {
      }
      %ge3A_469 = arith.constant 1 : i32
      %ge3A_470 = arith.cmpi sge, %add3A_463, %ge3A_469 : i32
      %le3A_471 = arith.constant 25 : i32
      %le3A_472 = arith.cmpi sle, %add3A_463, %le3A_471 : i32
      %and3A_473 = arith.andi %ge3A_470, %le3A_472 : i1
      %convert_element_type3A_474 = arith.extui %and3A_473 : i1 to i32
      %cond3A_475 = arith.constant 0 : i32
      %cond3A_476 = arith.cmpi ne, %convert_element_type3A_474, %cond3A_475 : i32
      scf.if %cond3A_476 {
        %sub3A_477 = arith.constant 1 : i32
        %sub3A_478 = arith.subi %add3A_463, %sub3A_477 : i32
        %add3A_479 = arith.addi %mul3A_366, %sub3A_478 : i32
        %jit3A_480 = arith.constant 16 : i32
        %div3A_481 = arith.divsi %add3A_479, %jit3A_480 : i32
        %sign3A_482 = arith.constant 0 : i32
        %sign3A_483 = arith.cmpi sgt, %add3A_479, %sign3A_482 : i32
        %sign3A_484 = arith.extui %sign3A_483 : i1 to i32
        %sign3A_485 = arith.constant 0 : i32
        %sign3A_486 = arith.cmpi slt, %add3A_479, %sign3A_485 : i32
        %sign3A_487 = arith.extui %sign3A_486 : i1 to i32
        %sign3A_488 = arith.subi %sign3A_484, %sign3A_487 : i32
        %sign3A_489 = arith.constant 0 : i32
        %sign3A_490 = arith.cmpi sgt, %jit3A_480, %sign3A_489 : i32
        %sign3A_491 = arith.extui %sign3A_490 : i1 to i32
        %sign3A_492 = arith.constant 0 : i32
        %sign3A_493 = arith.cmpi slt, %jit3A_480, %sign3A_492 : i32
        %sign3A_494 = arith.extui %sign3A_493 : i1 to i32
        %sign3A_495 = arith.subi %sign3A_491, %sign3A_494 : i32
        %ne3A_496 = arith.cmpi ne, %sign3A_488, %sign3A_495 : i32
        %rem3A_497 = arith.remsi %add3A_479, %jit3A_480 : i32
        %ne3A_498 = arith.constant 0 : i32
        %ne3A_499 = arith.cmpi ne, %rem3A_497, %ne3A_498 : i32
        %and3A_500 = arith.andi %ne3A_496, %ne3A_499 : i1
        %sub3A_501 = arith.constant 1 : i32
        %sub3A_502 = arith.subi %div3A_481, %sub3A_501 : i32
        %select_n3A_503 = arith.select %and3A_500, %sub3A_502, %div3A_481 : i32
        %jit3A_504 = arith.constant 16 : i32
        %eq3A_505 = arith.constant 0 : i32
        %eq3A_506 = arith.cmpi eq, %jit3A_504, %eq3A_505 : i32
        %jit3A_507 = arith.constant 1 : i32
        %select_n3A_508 = arith.select %eq3A_506, %jit3A_507, %jit3A_504 : i32
        %rem3A_509 = arith.remsi %add3A_479, %select_n3A_508 : i32
        %ne3A_510 = arith.constant 0 : i32
        %ne3A_511 = arith.cmpi ne, %rem3A_509, %ne3A_510 : i32
        %lt3A_512 = arith.constant 0 : i32
        %lt3A_513 = arith.cmpi slt, %rem3A_509, %lt3A_512 : i32
        %lt3A_514 = arith.constant 0 : i32
        %lt3A_515 = arith.cmpi slt, %select_n3A_508, %lt3A_514 : i32
        %ne3A_516 = arith.xori %lt3A_513, %lt3A_515 : i1
        %and3A_517 = arith.andi %ne3A_516, %ne3A_511 : i1
        %add3A_518 = arith.addi %rem3A_509, %select_n3A_508 : i32
        %select_n3A_519 = arith.select %and3A_517, %add3A_518, %rem3A_509 : i32
        %mul3A_520 = arith.constant 256 : i32
        %mul3A_521 = arith.muli %select_n3A_519, %mul3A_520 : i32
        %multiple_of3A_522 = tpu.assume_multiple %mul3A_521, 256 : i32
        %dma_wait3A_523 = arith.constant 0 : i32
        %dma_wait3A_524 = arith.constant 0 : i32
        %dma_wait3A_525 = tpu.memref_slice %arg5[%dma_wait3A_523, %dma_wait3A_524] : memref<250000x128xf32, #tpu.memory_space<hbm>> -> memref<250000x128xf32, #tpu.memory_space<hbm>>
        tpu.wait_indirect_dma semaphore(%arg23 : memref<!tpu.dma_semaphore, #tpu.memory_space<semaphore_mem>>) src(%dma_wait3A_525 : memref<250000x128xf32, #tpu.memory_space<hbm>>) dst(%arg9 : memref<256x128xf32, #tpu.memory_space<vmem>>)
        %ge3A_526 = arith.constant 2 : i32
        %ge3A_527 = arith.cmpi sge, %sub3A_478, %ge3A_526 : i32
        %convert_element_type3A_528 = arith.extui %ge3A_527 : i1 to i32
        %cond3A_529 = arith.constant 0 : i32
        %cond3A_530 = arith.cmpi ne, %convert_element_type3A_528, %cond3A_529 : i32
        scf.if %cond3A_530 {
          %dma_wait3A_549 = arith.constant 0 : i32
          %dma_wait3A_550 = arith.constant 0 : i32
          %dma_wait3A_551 = tpu.memref_slice %arg7[%dma_wait3A_549, %dma_wait3A_550] : memref<32x512xf32, #tpu.memory_space<vmem>> -> memref<32x256xf32, #tpu.memory_space<vmem>>
          %dma_wait3A_552 = arith.constant 0 : i32
          %dma_wait3A_553 = tpu.memref_slice %arg6[%select_n3A_503, %dma_wait3A_552, %multiple_of3A_522] : memref<50x32x4096xf32, #tpu.memory_space<hbm>> -> memref<1x32x256xf32, #tpu.memory_space<hbm>>
          %dma_wait3A_554 = tpu.memref_squeeze %dma_wait3A_553 : memref<1x32x256xf32, #tpu.memory_space<hbm>> -> memref<32x256xf32, #tpu.memory_space<hbm>>
          %dma_wait3A_555 = arith.constant 0 : i32
          %dma_wait3A_556 = tpu.memref_slice %arg6[%select_n3A_503, %dma_wait3A_555, %multiple_of3A_522] : memref<50x32x4096xf32, #tpu.memory_space<hbm>> -> memref<1x32x256xf32, #tpu.memory_space<hbm>>
          %dma_wait3A_557 = tpu.memref_squeeze %dma_wait3A_556 : memref<1x32x256xf32, #tpu.memory_space<hbm>> -> memref<32x256xf32, #tpu.memory_space<hbm>>
          %dma_wait3A_558 = arith.constant 0 : i32
          %dma_wait3A_559 = arith.constant 0 : i32
          %dma_wait3A_560 = tpu.memref_slice %arg7[%dma_wait3A_558, %dma_wait3A_559] : memref<32x512xf32, #tpu.memory_space<vmem>> -> memref<32x256xf32, #tpu.memory_space<vmem>>
          tpu.wait_dma2 semaphore(%arg25 : memref<!tpu.dma_semaphore, #tpu.memory_space<semaphore_mem>>) src(%dma_wait3A_560 : memref<32x256xf32, #tpu.memory_space<vmem>>) dst(%dma_wait3A_557 : memref<32x256xf32, #tpu.memory_space<hbm>>)
        } else {
        }
        %scan3A_531 = arith.constant 0 : i32
        %scan3A_532 = arith.constant 0 : i32
        %scan3A_533 = arith.constant 16 : i32
        %scan3A_534 = arith.addi %scan3A_532, %scan3A_533 : i32
        %scan3A_535 = arith.constant 1 : i32
        scf.for %scan3A_549 = %scan3A_532 to %scan3A_534 step %scan3A_535  : i32 {
          %mul3A_550 = arith.constant 16 : i32
          %mul3A_551 = arith.muli %scan3A_549, %mul3A_550 : i32
          %get3A = arith.index_cast %mul3A_551 : i32 to index
          %get3A_552 = tpu.vector_load %arg15[%get3A] {strides = array<i32>} : memref<256xi32, #tpu.memory_space<vmem>>, vector<16xi32>,
          %add3A_553 = vector.broadcast %mul3A_551 : i32 to vector<16xi32>
          %add3A_554 = arith.addi %iota3A, %add3A_553 : vector<16xi32>
          %shift_left3A_555 = arith.constant 2 : i32
          %shift_left3A_556 = vector.broadcast %shift_left3A_555 : i32 to vector<16xi32>
          %shift_left3A_557 = arith.shli %add3A_19, %shift_left3A_556 : vector<16xi32>
          %add3A_558 = arith.addi %get3A_552, %shift_left3A_557 : vector<16xi32>
          %shift_left3A_559 = arith.constant 2 : i32
          %shift_left3A_560 = vector.broadcast %shift_left3A_559 : i32 to vector<16xi32>
          %shift_left3A_561 = arith.shli %add3A_39, %shift_left3A_560 : vector<16xi32>
          %add3A_562 = arith.addi %get3A_552, %shift_left3A_561 : vector<16xi32>
          %shift_left3A_563 = arith.constant 2 : i32
          %shift_left3A_564 = vector.broadcast %shift_left3A_563 : i32 to vector<16xi32>
          %shift_left3A_565 = arith.shli %add3A_59, %shift_left3A_564 : vector<16xi32>
          %add3A_566 = arith.addi %get3A_552, %shift_left3A_565 : vector<16xi32>
          %shift_left3A_567 = arith.constant 2 : i32
          %shift_left3A_568 = vector.broadcast %shift_left3A_567 : i32 to vector<16xi32>
          %shift_left3A_569 = arith.shli %add3A_79, %shift_left3A_568 : vector<16xi32>
          %add3A_570 = arith.addi %get3A_552, %shift_left3A_569 : vector<16xi32>
          %shift_left3A_571 = arith.constant 2 : i32
          %shift_left3A_572 = vector.broadcast %shift_left3A_571 : i32 to vector<16xi32>
          %shift_left3A_573 = arith.shli %add3A_99, %shift_left3A_572 : vector<16xi32>
          %add3A_574 = arith.addi %get3A_552, %shift_left3A_573 : vector<16xi32>
          %shift_left3A_575 = arith.constant 2 : i32
          %shift_left3A_576 = vector.broadcast %shift_left3A_575 : i32 to vector<16xi32>
          %shift_left3A_577 = arith.shli %add3A_119, %shift_left3A_576 : vector<16xi32>
          %add3A_578 = arith.addi %get3A_552, %shift_left3A_577 : vector<16xi32>
          %shift_left3A_579 = arith.constant 2 : i32
          %shift_left3A_580 = vector.broadcast %shift_left3A_579 : i32 to vector<16xi32>
          %shift_left3A_581 = arith.shli %add3A_139, %shift_left3A_580 : vector<16xi32>
          %add3A_582 = arith.addi %get3A_552, %shift_left3A_581 : vector<16xi32>
          %shift_left3A_583 = arith.constant 2 : i32
          %shift_left3A_584 = vector.broadcast %shift_left3A_583 : i32 to vector<16xi32>
          %shift_left3A_585 = arith.shli %add3A_159, %shift_left3A_584 : vector<16xi32>
          %add3A_586 = arith.addi %get3A_552, %shift_left3A_585 : vector<16xi32>
          %shift_left3A_587 = arith.constant 2 : i32
          %shift_left3A_588 = vector.broadcast %shift_left3A_587 : i32 to vector<16xi32>
          %shift_left3A_589 = arith.shli %add3A_179, %shift_left3A_588 : vector<16xi32>
          %add3A_590 = arith.addi %get3A_552, %shift_left3A_589 : vector<16xi32>
          %shift_left3A_591 = arith.constant 2 : i32
          %shift_left3A_592 = vector.broadcast %shift_left3A_591 : i32 to vector<16xi32>
          %shift_left3A_593 = arith.shli %add3A_199, %shift_left3A_592 : vector<16xi32>
          %add3A_594 = arith.addi %get3A_552, %shift_left3A_593 : vector<16xi32>
          %shift_left3A_595 = arith.constant 2 : i32
          %shift_left3A_596 = vector.broadcast %shift_left3A_595 : i32 to vector<16xi32>
          %shift_left3A_597 = arith.shli %add3A_219, %shift_left3A_596 : vector<16xi32>
          %add3A_598 = arith.addi %get3A_552, %shift_left3A_597 : vector<16xi32>
          %shift_left3A_599 = arith.constant 2 : i32
          %shift_left3A_600 = vector.broadcast %shift_left3A_599 : i32 to vector<16xi32>
          %shift_left3A_601 = arith.shli %add3A_239, %shift_left3A_600 : vector<16xi32>
          %add3A_602 = arith.addi %get3A_552, %shift_left3A_601 : vector<16xi32>
          %shift_left3A_603 = arith.constant 2 : i32
          %shift_left3A_604 = vector.broadcast %shift_left3A_603 : i32 to vector<16xi32>
          %shift_left3A_605 = arith.shli %add3A_259, %shift_left3A_604 : vector<16xi32>
          %add3A_606 = arith.addi %get3A_552, %shift_left3A_605 : vector<16xi32>
          %shift_left3A_607 = arith.constant 2 : i32
          %shift_left3A_608 = vector.broadcast %shift_left3A_607 : i32 to vector<16xi32>
          %shift_left3A_609 = arith.shli %add3A_279, %shift_left3A_608 : vector<16xi32>
          %add3A_610 = arith.addi %get3A_552, %shift_left3A_609 : vector<16xi32>
          %shift_left3A_611 = arith.constant 2 : i32
          %shift_left3A_612 = vector.broadcast %shift_left3A_611 : i32 to vector<16xi32>
          %shift_left3A_613 = arith.shli %add3A_299, %shift_left3A_612 : vector<16xi32>
          %add3A_614 = arith.addi %get3A_552, %shift_left3A_613 : vector<16xi32>
          %shift_left3A_615 = arith.constant 2 : i32
          %shift_left3A_616 = vector.broadcast %shift_left3A_615 : i32 to vector<16xi32>
          %shift_left3A_617 = arith.shli %add3A_319, %shift_left3A_616 : vector<16xi32>
          %add3A_618 = arith.addi %get3A_552, %shift_left3A_617 : vector<16xi32>
          %add3A_619 = arith.constant 0 : i32
          %add3A_620 = vector.broadcast %add3A_619 : i32 to vector<16xi32>
          %add3A_621 = arith.addi %add3A_558, %add3A_620 : vector<16xi32>
          %gather3A = tpu.vector_load_idx %arg9[%add3A_554, %add3A_621] : memref<256x128xf32, #tpu.memory_space<vmem>>[vector<16xi32>, vector<16xi32>], vector<16xf32>,
          %add3A_622 = arith.constant 0 : i32
          %add3A_623 = vector.broadcast %add3A_622 : i32 to vector<16xi32>
          %add3A_624 = arith.addi %add3A_562, %add3A_623 : vector<16xi32>
          %gather3A_625 = tpu.vector_load_idx %arg9[%add3A_554, %add3A_624] : memref<256x128xf32, #tpu.memory_space<vmem>>[vector<16xi32>, vector<16xi32>], vector<16xf32>,
          %add3A_626 = arith.constant 0 : i32
          %add3A_627 = vector.broadcast %add3A_626 : i32 to vector<16xi32>
          %add3A_628 = arith.addi %add3A_566, %add3A_627 : vector<16xi32>
          %gather3A_629 = tpu.vector_load_idx %arg9[%add3A_554, %add3A_628] : memref<256x128xf32, #tpu.memory_space<vmem>>[vector<16xi32>, vector<16xi32>], vector<16xf32>,
          %add3A_630 = arith.constant 0 : i32
          %add3A_631 = vector.broadcast %add3A_630 : i32 to vector<16xi32>
          %add3A_632 = arith.addi %add3A_570, %add3A_631 : vector<16xi32>
          %gather3A_633 = tpu.vector_load_idx %arg9[%add3A_554, %add3A_632] : memref<256x128xf32, #tpu.memory_space<vmem>>[vector<16xi32>, vector<16xi32>], vector<16xf32>,
          %add3A_634 = arith.constant 0 : i32
          %add3A_635 = vector.broadcast %add3A_634 : i32 to vector<16xi32>
          %add3A_636 = arith.addi %add3A_574, %add3A_635 : vector<16xi32>
          %gather3A_637 = tpu.vector_load_idx %arg9[%add3A_554, %add3A_636] : memref<256x128xf32, #tpu.memory_space<vmem>>[vector<16xi32>, vector<16xi32>], vector<16xf32>,
          %add3A_638 = arith.constant 0 : i32
          %add3A_639 = vector.broadcast %add3A_638 : i32 to vector<16xi32>
          %add3A_640 = arith.addi %add3A_578, %add3A_639 : vector<16xi32>
          %gather3A_641 = tpu.vector_load_idx %arg9[%add3A_554, %add3A_640] : memref<256x128xf32, #tpu.memory_space<vmem>>[vector<16xi32>, vector<16xi32>], vector<16xf32>,
          %add3A_642 = arith.constant 0 : i32
          %add3A_643 = vector.broadcast %add3A_642 : i32 to vector<16xi32>
          %add3A_644 = arith.addi %add3A_582, %add3A_643 : vector<16xi32>
          %gather3A_645 = tpu.vector_load_idx %arg9[%add3A_554, %add3A_644] : memref<256x128xf32, #tpu.memory_space<vmem>>[vector<16xi32>, vector<16xi32>], vector<16xf32>,
          %add3A_646 = arith.constant 0 : i32
          %add3A_647 = vector.broadcast %add3A_646 : i32 to vector<16xi32>
          %add3A_648 = arith.addi %add3A_586, %add3A_647 : vector<16xi32>
          %gather3A_649 = tpu.vector_load_idx %arg9[%add3A_554, %add3A_648] : memref<256x128xf32, #tpu.memory_space<vmem>>[vector<16xi32>, vector<16xi32>], vector<16xf32>,
          %add3A_650 = arith.constant 0 : i32
          %add3A_651 = vector.broadcast %add3A_650 : i32 to vector<16xi32>
          %add3A_652 = arith.addi %add3A_590, %add3A_651 : vector<16xi32>
          %gather3A_653 = tpu.vector_load_idx %arg9[%add3A_554, %add3A_652] : memref<256x128xf32, #tpu.memory_space<vmem>>[vector<16xi32>, vector<16xi32>], vector<16xf32>,
          %add3A_654 = arith.constant 0 : i32
          %add3A_655 = vector.broadcast %add3A_654 : i32 to vector<16xi32>
          %add3A_656 = arith.addi %add3A_594, %add3A_655 : vector<16xi32>
          %gather3A_657 = tpu.vector_load_idx %arg9[%add3A_554, %add3A_656] : memref<256x128xf32, #tpu.memory_space<vmem>>[vector<16xi32>, vector<16xi32>], vector<16xf32>,
          %add3A_658 = arith.constant 0 : i32
          %add3A_659 = vector.broadcast %add3A_658 : i32 to vector<16xi32>
          %add3A_660 = arith.addi %add3A_598, %add3A_659 : vector<16xi32>
          %gather3A_661 = tpu.vector_load_idx %arg9[%add3A_554, %add3A_660] : memref<256x128xf32, #tpu.memory_space<vmem>>[vector<16xi32>, vector<16xi32>], vector<16xf32>,
          %add3A_662 = arith.constant 0 : i32
          %add3A_663 = vector.broadcast %add3A_662 : i32 to vector<16xi32>
          %add3A_664 = arith.addi %add3A_602, %add3A_663 : vector<16xi32>
          %gather3A_665 = tpu.vector_load_idx %arg9[%add3A_554, %add3A_664] : memref<256x128xf32, #tpu.memory_space<vmem>>[vector<16xi32>, vector<16xi32>], vector<16xf32>,
          %add3A_666 = arith.constant 0 : i32
          %add3A_667 = vector.broadcast %add3A_666 : i32 to vector<16xi32>
          %add3A_668 = arith.addi %add3A_606, %add3A_667 : vector<16xi32>
          %gather3A_669 = tpu.vector_load_idx %arg9[%add3A_554, %add3A_668] : memref<256x128xf32, #tpu.memory_space<vmem>>[vector<16xi32>, vector<16xi32>], vector<16xf32>,
          %add3A_670 = arith.constant 0 : i32
          %add3A_671 = vector.broadcast %add3A_670 : i32 to vector<16xi32>
          %add3A_672 = arith.addi %add3A_610, %add3A_671 : vector<16xi32>
          %gather3A_673 = tpu.vector_load_idx %arg9[%add3A_554, %add3A_672] : memref<256x128xf32, #tpu.memory_space<vmem>>[vector<16xi32>, vector<16xi32>], vector<16xf32>,
          %add3A_674 = arith.constant 0 : i32
          %add3A_675 = vector.broadcast %add3A_674 : i32 to vector<16xi32>
          %add3A_676 = arith.addi %add3A_614, %add3A_675 : vector<16xi32>
          %gather3A_677 = tpu.vector_load_idx %arg9[%add3A_554, %add3A_676] : memref<256x128xf32, #tpu.memory_space<vmem>>[vector<16xi32>, vector<16xi32>], vector<16xf32>,
          %add3A_678 = arith.constant 0 : i32
          %add3A_679 = vector.broadcast %add3A_678 : i32 to vector<16xi32>
          %add3A_680 = arith.addi %add3A_618, %add3A_679 : vector<16xi32>
          %gather3A_681 = tpu.vector_load_idx %arg9[%add3A_554, %add3A_680] : memref<256x128xf32, #tpu.memory_space<vmem>>[vector<16xi32>, vector<16xi32>], vector<16xf32>,
          %add3A_682 = arith.constant 0 : i32
          %add3A_683 = vector.broadcast %add3A_682 : i32 to vector<16xi32>
          %add3A_684 = arith.addi %add3A_19, %add3A_683 : vector<16xi32>
          tpu.vector_store_idx %arg7[%add3A_684, %add3A_554], %gather3A : memref<32x512xf32, #tpu.memory_space<vmem>>[vector<16xi32>, vector<16xi32>], vector<16xf32>,
          %add3A_685 = arith.constant 0 : i32
          %add3A_686 = vector.broadcast %add3A_685 : i32 to vector<16xi32>
          %add3A_687 = arith.addi %add3A_39, %add3A_686 : vector<16xi32>
          tpu.vector_store_idx %arg7[%add3A_687, %add3A_554], %gather3A_625 : memref<32x512xf32, #tpu.memory_space<vmem>>[vector<16xi32>, vector<16xi32>], vector<16xf32>,
          %add3A_688 = arith.constant 0 : i32
          %add3A_689 = vector.broadcast %add3A_688 : i32 to vector<16xi32>
          %add3A_690 = arith.addi %add3A_59, %add3A_689 : vector<16xi32>
          tpu.vector_store_idx %arg7[%add3A_690, %add3A_554], %gather3A_629 : memref<32x512xf32, #tpu.memory_space<vmem>>[vector<16xi32>, vector<16xi32>], vector<16xf32>,
          %add3A_691 = arith.constant 0 : i32
          %add3A_692 = vector.broadcast %add3A_691 : i32 to vector<16xi32>
          %add3A_693 = arith.addi %add3A_79, %add3A_692 : vector<16xi32>
          tpu.vector_store_idx %arg7[%add3A_693, %add3A_554], %gather3A_633 : memref<32x512xf32, #tpu.memory_space<vmem>>[vector<16xi32>, vector<16xi32>], vector<16xf32>,
          %add3A_694 = arith.constant 0 : i32
          %add3A_695 = vector.broadcast %add3A_694 : i32 to vector<16xi32>
          %add3A_696 = arith.addi %add3A_99, %add3A_695 : vector<16xi32>
          tpu.vector_store_idx %arg7[%add3A_696, %add3A_554], %gather3A_637 : memref<32x512xf32, #tpu.memory_space<vmem>>[vector<16xi32>, vector<16xi32>], vector<16xf32>,
          %add3A_697 = arith.constant 0 : i32
          %add3A_698 = vector.broadcast %add3A_697 : i32 to vector<16xi32>
          %add3A_699 = arith.addi %add3A_119, %add3A_698 : vector<16xi32>
          tpu.vector_store_idx %arg7[%add3A_699, %add3A_554], %gather3A_641 : memref<32x512xf32, #tpu.memory_space<vmem>>[vector<16xi32>, vector<16xi32>], vector<16xf32>,
          %add3A_700 = arith.constant 0 : i32
          %add3A_701 = vector.broadcast %add3A_700 : i32 to vector<16xi32>
          %add3A_702 = arith.addi %add3A_139, %add3A_701 : vector<16xi32>
          tpu.vector_store_idx %arg7[%add3A_702, %add3A_554], %gather3A_645 : memref<32x512xf32, #tpu.memory_space<vmem>>[vector<16xi32>, vector<16xi32>], vector<16xf32>,
          %add3A_703 = arith.constant 0 : i32
          %add3A_704 = vector.broadcast %add3A_703 : i32 to vector<16xi32>
          %add3A_705 = arith.addi %add3A_159, %add3A_704 : vector<16xi32>
          tpu.vector_store_idx %arg7[%add3A_705, %add3A_554], %gather3A_649 : memref<32x512xf32, #tpu.memory_space<vmem>>[vector<16xi32>, vector<16xi32>], vector<16xf32>,
          %add3A_706 = arith.constant 0 : i32
          %add3A_707 = vector.broadcast %add3A_706 : i32 to vector<16xi32>
          %add3A_708 = arith.addi %add3A_179, %add3A_707 : vector<16xi32>
          tpu.vector_store_idx %arg7[%add3A_708, %add3A_554], %gather3A_653 : memref<32x512xf32, #tpu.memory_space<vmem>>[vector<16xi32>, vector<16xi32>], vector<16xf32>,
          %add3A_709 = arith.constant 0 : i32
          %add3A_710 = vector.broadcast %add3A_709 : i32 to vector<16xi32>
          %add3A_711 = arith.addi %add3A_199, %add3A_710 : vector<16xi32>
          tpu.vector_store_idx %arg7[%add3A_711, %add3A_554], %gather3A_657 : memref<32x512xf32, #tpu.memory_space<vmem>>[vector<16xi32>, vector<16xi32>], vector<16xf32>,
          %add3A_712 = arith.constant 0 : i32
          %add3A_713 = vector.broadcast %add3A_712 : i32 to vector<16xi32>
          %add3A_714 = arith.addi %add3A_219, %add3A_713 : vector<16xi32>
          tpu.vector_store_idx %arg7[%add3A_714, %add3A_554], %gather3A_661 : memref<32x512xf32, #tpu.memory_space<vmem>>[vector<16xi32>, vector<16xi32>], vector<16xf32>,
          %add3A_715 = arith.constant 0 : i32
          %add3A_716 = vector.broadcast %add3A_715 : i32 to vector<16xi32>
          %add3A_717 = arith.addi %add3A_239, %add3A_716 : vector<16xi32>
          tpu.vector_store_idx %arg7[%add3A_717, %add3A_554], %gather3A_665 : memref<32x512xf32, #tpu.memory_space<vmem>>[vector<16xi32>, vector<16xi32>], vector<16xf32>,
          %add3A_718 = arith.constant 0 : i32
          %add3A_719 = vector.broadcast %add3A_718 : i32 to vector<16xi32>
          %add3A_720 = arith.addi %add3A_259, %add3A_719 : vector<16xi32>
          tpu.vector_store_idx %arg7[%add3A_720, %add3A_554], %gather3A_669 : memref<32x512xf32, #tpu.memory_space<vmem>>[vector<16xi32>, vector<16xi32>], vector<16xf32>,
          %add3A_721 = arith.constant 0 : i32
          %add3A_722 = vector.broadcast %add3A_721 : i32 to vector<16xi32>
          %add3A_723 = arith.addi %add3A_279, %add3A_722 : vector<16xi32>
          tpu.vector_store_idx %arg7[%add3A_723, %add3A_554], %gather3A_673 : memref<32x512xf32, #tpu.memory_space<vmem>>[vector<16xi32>, vector<16xi32>], vector<16xf32>,
          %add3A_724 = arith.constant 0 : i32
          %add3A_725 = vector.broadcast %add3A_724 : i32 to vector<16xi32>
          %add3A_726 = arith.addi %add3A_299, %add3A_725 : vector<16xi32>
          tpu.vector_store_idx %arg7[%add3A_726, %add3A_554], %gather3A_677 : memref<32x512xf32, #tpu.memory_space<vmem>>[vector<16xi32>, vector<16xi32>], vector<16xf32>,
          %add3A_727 = arith.constant 0 : i32
          %add3A_728 = vector.broadcast %add3A_727 : i32 to vector<16xi32>
          %add3A_729 = arith.addi %add3A_319, %add3A_728 : vector<16xi32>
          tpu.vector_store_idx %arg7[%add3A_729, %add3A_554], %gather3A_681 : memref<32x512xf32, #tpu.memory_space<vmem>>[vector<16xi32>, vector<16xi32>], vector<16xf32>,
          %add3A_730 = arith.constant 64 : i32
          %add3A_731 = vector.broadcast %add3A_730 : i32 to vector<16xi32>
          %add3A_732 = arith.addi %add3A_558, %add3A_731 : vector<16xi32>
          %gather3A_733 = tpu.vector_load_idx %arg9[%add3A_554, %add3A_732] : memref<256x128xf32, #tpu.memory_space<vmem>>[vector<16xi32>, vector<16xi32>], vector<16xf32>,
          %add3A_734 = arith.constant 64 : i32
          %add3A_735 = vector.broadcast %add3A_734 : i32 to vector<16xi32>
          %add3A_736 = arith.addi %add3A_562, %add3A_735 : vector<16xi32>
          %gather3A_737 = tpu.vector_load_idx %arg9[%add3A_554, %add3A_736] : memref<256x128xf32, #tpu.memory_space<vmem>>[vector<16xi32>, vector<16xi32>], vector<16xf32>,
          %add3A_738 = arith.constant 64 : i32
          %add3A_739 = vector.broadcast %add3A_738 : i32 to vector<16xi32>
          %add3A_740 = arith.addi %add3A_566, %add3A_739 : vector<16xi32>
          %gather3A_741 = tpu.vector_load_idx %arg9[%add3A_554, %add3A_740] : memref<256x128xf32, #tpu.memory_space<vmem>>[vector<16xi32>, vector<16xi32>], vector<16xf32>,
          %add3A_742 = arith.constant 64 : i32
          %add3A_743 = vector.broadcast %add3A_742 : i32 to vector<16xi32>
          %add3A_744 = arith.addi %add3A_570, %add3A_743 : vector<16xi32>
          %gather3A_745 = tpu.vector_load_idx %arg9[%add3A_554, %add3A_744] : memref<256x128xf32, #tpu.memory_space<vmem>>[vector<16xi32>, vector<16xi32>], vector<16xf32>,
          %add3A_746 = arith.constant 64 : i32
          %add3A_747 = vector.broadcast %add3A_746 : i32 to vector<16xi32>
          %add3A_748 = arith.addi %add3A_574, %add3A_747 : vector<16xi32>
          %gather3A_749 = tpu.vector_load_idx %arg9[%add3A_554, %add3A_748] : memref<256x128xf32, #tpu.memory_space<vmem>>[vector<16xi32>, vector<16xi32>], vector<16xf32>,
          %add3A_750 = arith.constant 64 : i32
          %add3A_751 = vector.broadcast %add3A_750 : i32 to vector<16xi32>
          %add3A_752 = arith.addi %add3A_578, %add3A_751 : vector<16xi32>
          %gather3A_753 = tpu.vector_load_idx %arg9[%add3A_554, %add3A_752] : memref<256x128xf32, #tpu.memory_space<vmem>>[vector<16xi32>, vector<16xi32>], vector<16xf32>,
          %add3A_754 = arith.constant 64 : i32
          %add3A_755 = vector.broadcast %add3A_754 : i32 to vector<16xi32>
          %add3A_756 = arith.addi %add3A_582, %add3A_755 : vector<16xi32>
          %gather3A_757 = tpu.vector_load_idx %arg9[%add3A_554, %add3A_756] : memref<256x128xf32, #tpu.memory_space<vmem>>[vector<16xi32>, vector<16xi32>], vector<16xf32>,
          %add3A_758 = arith.constant 64 : i32
          %add3A_759 = vector.broadcast %add3A_758 : i32 to vector<16xi32>
          %add3A_760 = arith.addi %add3A_586, %add3A_759 : vector<16xi32>
          %gather3A_761 = tpu.vector_load_idx %arg9[%add3A_554, %add3A_760] : memref<256x128xf32, #tpu.memory_space<vmem>>[vector<16xi32>, vector<16xi32>], vector<16xf32>,
          %add3A_762 = arith.constant 64 : i32
          %add3A_763 = vector.broadcast %add3A_762 : i32 to vector<16xi32>
          %add3A_764 = arith.addi %add3A_590, %add3A_763 : vector<16xi32>
          %gather3A_765 = tpu.vector_load_idx %arg9[%add3A_554, %add3A_764] : memref<256x128xf32, #tpu.memory_space<vmem>>[vector<16xi32>, vector<16xi32>], vector<16xf32>,
          %add3A_766 = arith.constant 64 : i32
          %add3A_767 = vector.broadcast %add3A_766 : i32 to vector<16xi32>
          %add3A_768 = arith.addi %add3A_594, %add3A_767 : vector<16xi32>
          %gather3A_769 = tpu.vector_load_idx %arg9[%add3A_554, %add3A_768] : memref<256x128xf32, #tpu.memory_space<vmem>>[vector<16xi32>, vector<16xi32>], vector<16xf32>,
          %add3A_770 = arith.constant 64 : i32
          %add3A_771 = vector.broadcast %add3A_770 : i32 to vector<16xi32>
          %add3A_772 = arith.addi %add3A_598, %add3A_771 : vector<16xi32>
          %gather3A_773 = tpu.vector_load_idx %arg9[%add3A_554, %add3A_772] : memref<256x128xf32, #tpu.memory_space<vmem>>[vector<16xi32>, vector<16xi32>], vector<16xf32>,
          %add3A_774 = arith.constant 64 : i32
          %add3A_775 = vector.broadcast %add3A_774 : i32 to vector<16xi32>
          %add3A_776 = arith.addi %add3A_602, %add3A_775 : vector<16xi32>
          %gather3A_777 = tpu.vector_load_idx %arg9[%add3A_554, %add3A_776] : memref<256x128xf32, #tpu.memory_space<vmem>>[vector<16xi32>, vector<16xi32>], vector<16xf32>,
          %add3A_778 = arith.constant 64 : i32
          %add3A_779 = vector.broadcast %add3A_778 : i32 to vector<16xi32>
          %add3A_780 = arith.addi %add3A_606, %add3A_779 : vector<16xi32>
          %gather3A_781 = tpu.vector_load_idx %arg9[%add3A_554, %add3A_780] : memref<256x128xf32, #tpu.memory_space<vmem>>[vector<16xi32>, vector<16xi32>], vector<16xf32>,
          %add3A_782 = arith.constant 64 : i32
          %add3A_783 = vector.broadcast %add3A_782 : i32 to vector<16xi32>
          %add3A_784 = arith.addi %add3A_610, %add3A_783 : vector<16xi32>
          %gather3A_785 = tpu.vector_load_idx %arg9[%add3A_554, %add3A_784] : memref<256x128xf32, #tpu.memory_space<vmem>>[vector<16xi32>, vector<16xi32>], vector<16xf32>,
          %add3A_786 = arith.constant 64 : i32
          %add3A_787 = vector.broadcast %add3A_786 : i32 to vector<16xi32>
          %add3A_788 = arith.addi %add3A_614, %add3A_787 : vector<16xi32>
          %gather3A_789 = tpu.vector_load_idx %arg9[%add3A_554, %add3A_788] : memref<256x128xf32, #tpu.memory_space<vmem>>[vector<16xi32>, vector<16xi32>], vector<16xf32>,
          %add3A_790 = arith.constant 64 : i32
          %add3A_791 = vector.broadcast %add3A_790 : i32 to vector<16xi32>
          %add3A_792 = arith.addi %add3A_618, %add3A_791 : vector<16xi32>
          %gather3A_793 = tpu.vector_load_idx %arg9[%add3A_554, %add3A_792] : memref<256x128xf32, #tpu.memory_space<vmem>>[vector<16xi32>, vector<16xi32>], vector<16xf32>,
          %add3A_794 = arith.constant 16 : i32
          %add3A_795 = vector.broadcast %add3A_794 : i32 to vector<16xi32>
          %add3A_796 = arith.addi %add3A_19, %add3A_795 : vector<16xi32>
          tpu.vector_store_idx %arg7[%add3A_796, %add3A_554], %gather3A_733 : memref<32x512xf32, #tpu.memory_space<vmem>>[vector<16xi32>, vector<16xi32>], vector<16xf32>,
          %add3A_797 = arith.constant 16 : i32
          %add3A_798 = vector.broadcast %add3A_797 : i32 to vector<16xi32>
          %add3A_799 = arith.addi %add3A_39, %add3A_798 : vector<16xi32>
          tpu.vector_store_idx %arg7[%add3A_799, %add3A_554], %gather3A_737 : memref<32x512xf32, #tpu.memory_space<vmem>>[vector<16xi32>, vector<16xi32>], vector<16xf32>,
          %add3A_800 = arith.constant 16 : i32
          %add3A_801 = vector.broadcast %add3A_800 : i32 to vector<16xi32>
          %add3A_802 = arith.addi %add3A_59, %add3A_801 : vector<16xi32>
          tpu.vector_store_idx %arg7[%add3A_802, %add3A_554], %gather3A_741 : memref<32x512xf32, #tpu.memory_space<vmem>>[vector<16xi32>, vector<16xi32>], vector<16xf32>,
          %add3A_803 = arith.constant 16 : i32
          %add3A_804 = vector.broadcast %add3A_803 : i32 to vector<16xi32>
          %add3A_805 = arith.addi %add3A_79, %add3A_804 : vector<16xi32>
          tpu.vector_store_idx %arg7[%add3A_805, %add3A_554], %gather3A_745 : memref<32x512xf32, #tpu.memory_space<vmem>>[vector<16xi32>, vector<16xi32>], vector<16xf32>,
          %add3A_806 = arith.constant 16 : i32
          %add3A_807 = vector.broadcast %add3A_806 : i32 to vector<16xi32>
          %add3A_808 = arith.addi %add3A_99, %add3A_807 : vector<16xi32>
          tpu.vector_store_idx %arg7[%add3A_808, %add3A_554], %gather3A_749 : memref<32x512xf32, #tpu.memory_space<vmem>>[vector<16xi32>, vector<16xi32>], vector<16xf32>,
          %add3A_809 = arith.constant 16 : i32
          %add3A_810 = vector.broadcast %add3A_809 : i32 to vector<16xi32>
          %add3A_811 = arith.addi %add3A_119, %add3A_810 : vector<16xi32>
          tpu.vector_store_idx %arg7[%add3A_811, %add3A_554], %gather3A_753 : memref<32x512xf32, #tpu.memory_space<vmem>>[vector<16xi32>, vector<16xi32>], vector<16xf32>,
          %add3A_812 = arith.constant 16 : i32
          %add3A_813 = vector.broadcast %add3A_812 : i32 to vector<16xi32>
          %add3A_814 = arith.addi %add3A_139, %add3A_813 : vector<16xi32>
          tpu.vector_store_idx %arg7[%add3A_814, %add3A_554], %gather3A_757 : memref<32x512xf32, #tpu.memory_space<vmem>>[vector<16xi32>, vector<16xi32>], vector<16xf32>,
          %add3A_815 = arith.constant 16 : i32
          %add3A_816 = vector.broadcast %add3A_815 : i32 to vector<16xi32>
          %add3A_817 = arith.addi %add3A_159, %add3A_816 : vector<16xi32>
          tpu.vector_store_idx %arg7[%add3A_817, %add3A_554], %gather3A_761 : memref<32x512xf32, #tpu.memory_space<vmem>>[vector<16xi32>, vector<16xi32>], vector<16xf32>,
          %add3A_818 = arith.constant 16 : i32
          %add3A_819 = vector.broadcast %add3A_818 : i32 to vector<16xi32>
          %add3A_820 = arith.addi %add3A_179, %add3A_819 : vector<16xi32>
          tpu.vector_store_idx %arg7[%add3A_820, %add3A_554], %gather3A_765 : memref<32x512xf32, #tpu.memory_space<vmem>>[vector<16xi32>, vector<16xi32>], vector<16xf32>,
          %add3A_821 = arith.constant 16 : i32
          %add3A_822 = vector.broadcast %add3A_821 : i32 to vector<16xi32>
          %add3A_823 = arith.addi %add3A_199, %add3A_822 : vector<16xi32>
          tpu.vector_store_idx %arg7[%add3A_823, %add3A_554], %gather3A_769 : memref<32x512xf32, #tpu.memory_space<vmem>>[vector<16xi32>, vector<16xi32>], vector<16xf32>,
          %add3A_824 = arith.constant 16 : i32
          %add3A_825 = vector.broadcast %add3A_824 : i32 to vector<16xi32>
          %add3A_826 = arith.addi %add3A_219, %add3A_825 : vector<16xi32>
          tpu.vector_store_idx %arg7[%add3A_826, %add3A_554], %gather3A_773 : memref<32x512xf32, #tpu.memory_space<vmem>>[vector<16xi32>, vector<16xi32>], vector<16xf32>,
          %add3A_827 = arith.constant 16 : i32
          %add3A_828 = vector.broadcast %add3A_827 : i32 to vector<16xi32>
          %add3A_829 = arith.addi %add3A_239, %add3A_828 : vector<16xi32>
          tpu.vector_store_idx %arg7[%add3A_829, %add3A_554], %gather3A_777 : memref<32x512xf32, #tpu.memory_space<vmem>>[vector<16xi32>, vector<16xi32>], vector<16xf32>,
          %add3A_830 = arith.constant 16 : i32
          %add3A_831 = vector.broadcast %add3A_830 : i32 to vector<16xi32>
          %add3A_832 = arith.addi %add3A_259, %add3A_831 : vector<16xi32>
          tpu.vector_store_idx %arg7[%add3A_832, %add3A_554], %gather3A_781 : memref<32x512xf32, #tpu.memory_space<vmem>>[vector<16xi32>, vector<16xi32>], vector<16xf32>,
          %add3A_833 = arith.constant 16 : i32
          %add3A_834 = vector.broadcast %add3A_833 : i32 to vector<16xi32>
          %add3A_835 = arith.addi %add3A_279, %add3A_834 : vector<16xi32>
          tpu.vector_store_idx %arg7[%add3A_835, %add3A_554], %gather3A_785 : memref<32x512xf32, #tpu.memory_space<vmem>>[vector<16xi32>, vector<16xi32>], vector<16xf32>,
          %add3A_836 = arith.constant 16 : i32
          %add3A_837 = vector.broadcast %add3A_836 : i32 to vector<16xi32>
          %add3A_838 = arith.addi %add3A_299, %add3A_837 : vector<16xi32>
          tpu.vector_store_idx %arg7[%add3A_838, %add3A_554], %gather3A_789 : memref<32x512xf32, #tpu.memory_space<vmem>>[vector<16xi32>, vector<16xi32>], vector<16xf32>,
          %add3A_839 = arith.constant 16 : i32
          %add3A_840 = vector.broadcast %add3A_839 : i32 to vector<16xi32>
          %add3A_841 = arith.addi %add3A_319, %add3A_840 : vector<16xi32>
          tpu.vector_store_idx %arg7[%add3A_841, %add3A_554], %gather3A_793 : memref<32x512xf32, #tpu.memory_space<vmem>>[vector<16xi32>, vector<16xi32>], vector<16xf32>,
        }
        %scan3A_536 = arith.constant 16 : i32
        %dma_start3A_537 = arith.constant 0 : i32
        %dma_start3A_538 = arith.constant 0 : i32
        %dma_start3A_539 = tpu.memref_slice %arg7[%dma_start3A_537, %dma_start3A_538] : memref<32x512xf32, #tpu.memory_space<vmem>> -> memref<32x256xf32, #tpu.memory_space<vmem>>
        %dma_start3A_540 = arith.constant 0 : i32
        %dma_start3A_541 = tpu.memref_slice %arg6[%select_n3A_503, %dma_start3A_540, %multiple_of3A_522] : memref<50x32x4096xf32, #tpu.memory_space<hbm>> -> memref<1x32x256xf32, #tpu.memory_space<hbm>>
        %dma_start3A_542 = tpu.memref_squeeze %dma_start3A_541 : memref<1x32x256xf32, #tpu.memory_space<hbm>> -> memref<32x256xf32, #tpu.memory_space<hbm>>
        %dma_start3A_543 = arith.constant 0 : i32
        %dma_start3A_544 = tpu.memref_slice %arg6[%select_n3A_503, %dma_start3A_543, %multiple_of3A_522] : memref<50x32x4096xf32, #tpu.memory_space<hbm>> -> memref<1x32x256xf32, #tpu.memory_space<hbm>>
        %dma_start3A_545 = tpu.memref_squeeze %dma_start3A_544 : memref<1x32x256xf32, #tpu.memory_space<hbm>> -> memref<32x256xf32, #tpu.memory_space<hbm>>
        %dma_start3A_546 = arith.constant 0 : i32
        %dma_start3A_547 = arith.constant 0 : i32
        %dma_start3A_548 = tpu.memref_slice %arg7[%dma_start3A_546, %dma_start3A_547] : memref<32x512xf32, #tpu.memory_space<vmem>> -> memref<32x256xf32, #tpu.memory_space<vmem>>
        tpu.enqueue_dma source(%dma_start3A_548 : memref<32x256xf32, #tpu.memory_space<vmem>>) target(%dma_start3A_545 : memref<32x256xf32, #tpu.memory_space<hbm>>) target_semaphore(%arg25 : memref<!tpu.dma_semaphore, #tpu.memory_space<semaphore_mem>>)
      } else {
      }
    }
    %scan3A_413 = arith.constant 13 : i32
    %dma_wait3A_414 = arith.constant 0 : i32
    %dma_wait3A_415 = arith.constant 0 : i32
    %dma_wait3A_416 = arith.constant 0 : i32
    %dma_wait3A_417 = tpu.memref_slice %arg7[%dma_wait3A_415, %dma_wait3A_416] : memref<32x512xf32, #tpu.memory_space<vmem>> -> memref<32x256xf32, #tpu.memory_space<vmem>>
    %dma_wait3A_418 = arith.constant 0 : i32
    %dma_wait3A_419 = arith.constant 0 : i32
    %dma_wait3A_420 = tpu.memref_slice %arg6[%dma_wait3A_414, %dma_wait3A_418, %dma_wait3A_419] : memref<50x32x4096xf32, #tpu.memory_space<hbm>> -> memref<1x32x256xf32, #tpu.memory_space<hbm>>
    %dma_wait3A_421 = tpu.memref_squeeze %dma_wait3A_420 : memref<1x32x256xf32, #tpu.memory_space<hbm>> -> memref<32x256xf32, #tpu.memory_space<hbm>>
    %dma_wait3A_422 = arith.constant 0 : i32
    %dma_wait3A_423 = arith.constant 0 : i32
    %dma_wait3A_424 = tpu.memref_slice %arg6[%dma_wait3A_414, %dma_wait3A_422, %dma_wait3A_423] : memref<50x32x4096xf32, #tpu.memory_space<hbm>> -> memref<1x32x256xf32, #tpu.memory_space<hbm>>
    %dma_wait3A_425 = tpu.memref_squeeze %dma_wait3A_424 : memref<1x32x256xf32, #tpu.memory_space<hbm>> -> memref<32x256xf32, #tpu.memory_space<hbm>>
    %dma_wait3A_426 = arith.constant 0 : i32
    %dma_wait3A_427 = arith.constant 0 : i32
    %dma_wait3A_428 = tpu.memref_slice %arg7[%dma_wait3A_426, %dma_wait3A_427] : memref<32x512xf32, #tpu.memory_space<vmem>> -> memref<32x256xf32, #tpu.memory_space<vmem>>
    tpu.wait_dma2 semaphore(%arg25 : memref<!tpu.dma_semaphore, #tpu.memory_space<semaphore_mem>>) src(%dma_wait3A_428 : memref<32x256xf32, #tpu.memory_space<vmem>>) dst(%dma_wait3A_425 : memref<32x256xf32, #tpu.memory_space<hbm>>)
    %dma_wait3A_429 = arith.constant 0 : i32
    %dma_wait3A_430 = arith.constant 0 : i32
    %dma_wait3A_431 = arith.constant 0 : i32
    %dma_wait3A_432 = tpu.memref_slice %arg8[%dma_wait3A_430, %dma_wait3A_431] : memref<32x512xf32, #tpu.memory_space<vmem>> -> memref<32x256xf32, #tpu.memory_space<vmem>>
    %dma_wait3A_433 = arith.constant 0 : i32
    %dma_wait3A_434 = arith.constant 0 : i32
    %dma_wait3A_435 = tpu.memref_slice %arg6[%dma_wait3A_429, %dma_wait3A_433, %dma_wait3A_434] : memref<50x32x4096xf32, #tpu.memory_space<hbm>> -> memref<1x32x256xf32, #tpu.memory_space<hbm>>
    %dma_wait3A_436 = tpu.memref_squeeze %dma_wait3A_435 : memref<1x32x256xf32, #tpu.memory_space<hbm>> -> memref<32x256xf32, #tpu.memory_space<hbm>>
    %dma_wait3A_437 = arith.constant 0 : i32
    %dma_wait3A_438 = arith.constant 0 : i32
    %dma_wait3A_439 = tpu.memref_slice %arg6[%dma_wait3A_429, %dma_wait3A_437, %dma_wait3A_438] : memref<50x32x4096xf32, #tpu.memory_space<hbm>> -> memref<1x32x256xf32, #tpu.memory_space<hbm>>
    %dma_wait3A_440 = tpu.memref_squeeze %dma_wait3A_439 : memref<1x32x256xf32, #tpu.memory_space<hbm>> -> memref<32x256xf32, #tpu.memory_space<hbm>>
    %dma_wait3A_441 = arith.constant 0 : i32
    %dma_wait3A_442 = arith.constant 0 : i32
    %dma_wait3A_443 = tpu.memref_slice %arg8[%dma_wait3A_441, %dma_wait3A_442] : memref<32x512xf32, #tpu.memory_space<vmem>> -> memref<32x256xf32, #tpu.memory_space<vmem>>
    tpu.wait_dma2 semaphore(%arg26 : memref<!tpu.dma_semaphore, #tpu.memory_space<semaphore_mem>>) src(%dma_wait3A_443 : memref<32x256xf32, #tpu.memory_space<vmem>>) dst(%dma_wait3A_440 : memref<32x256xf32, #tpu.memory_space<hbm>>)
    return
  }
}

</mosaic_0001>

<sc_bundles>
// kernel: kernel.3.cloned.1.call-start
scs
__scs_entry_jumppad:
0x0: {  	(pc) =	sbr.rel $0x88, $3  }
0x1: {  	(tag) =	ssettag $0x0;
	lr =	simm.s32 $0x1  }
0x2: {  	[smem:$0x3F9F] =	sst lr;
	_ =	strace $0xD0000000  }
0x3: {  	_ = 	snop  }
0x4: {  	_ = 	snop  }
0x5: {  	_ = 	snop  }
0x6: {  	_ = 	snop  }
0x7: {  	_ = 	snop  }
__scs_overlays_trampoline_lowered:
0x8: {  	[smem:$0x3FAE] =	sst s0  }
0x9: {  	[smem:$0x3FAF] =	sst s1  }
0xa: {  	[smem:$0x3FB0] =	sst s2  }
0xb: {  	[smem:$0x3FB1] =	sst s3  }
0xc: {  	[smem:$0x3FB2] =	sst s4  }
0xd: {  	[smem:$0x3FB3] =	sst s5  }
0xe: {  	[smem:$0x3FB4] =	sst s6  }
0xf: {  	[smem:$0x3FB5] =	sst s7  }
0x10: {  	[smem:$0x3FB6] =	sst s8  }
0x11: {  	[smem:$0x3FB7] =	sst s9;
	s0 =	simm.s32 @!p0 $0x0  }
0x12: {  	s1 =	sld [smem:$0x3F9D];
	s0 =	simm.s32 @p0 $0x1  }
0x13: {  	[smem:$0x3FB8] =	sst s0;
	s0 =	simm.s32 @!p1 $0x0  }
0x14: {  	s2 =	sld [smem:$0x3F9C];
	s0 =	simm.s32 @p1 $0x1  }
0x15: {  	[smem:$0x3FB9] =	sst s0;
	s0 =	simm.s32 @!p2 $0x0  }
0x16: {  	s3 =	sld [smem:$0x3FDB];
	s0 =	simm.s32 @p2 $0x1  }
0x17: {  	s4 =	simm.s32 $0x1BF5;
	[smem:$0x3FBB] =	sst s0  }
0x18: {  	s0 =	sld [smem:$0x3F9E];
	_ =	swait.ge [sflag:s4], $0x0  }
0x19: {  	s7 =	sld [smem:$0x3F9F]  }
0x1a: {  	s8 =	sadd.s32 $0xFFFFE003, lr  }
0x1b: {  	s9 =	sadd.s32 $0xFFFFFEF7, lr;
	s5 =	simm.s32 $0xFFFFFFFF;
	p2 =	slt.u32 s8, $0xFFFFF086  }
0x1c: {  	p1 =	slt.u32 s9, $0xF7A;
	s5 =	simm.s32 @!p2 $0x0  }
0x1d: {  	s5 =	simm.s32 @p1 $0x1;
	p0 =	seq.s32 s7, s2  }
0x1e: {  	s7 =	smul.u32 @!p0 $0xF7A, s2;
	p2 =	seq.s32 @!p0 s5, $0x0  }
0x1f: {  	s9 =	smul.u32 $0xF7A, s1;
	s8 =	simm.s32 @!p0 $0x1BF5;
	p2 =	por !p2, p0  }
0x20: {  	[sflag:s8] =	ssyncset.s32 @!p0 $0xFFFFF086;
	s6 =	sadd.s32 @!p0 s3, s7;
	s7 =	simm.s32 @!p0 $0x108  }
0x21: {  	s3 =	sadd.s32 s3, s9;
	s6 =	sadd.s32 @!p0 $0x88, s6;
	s7 =	simm.s32 @p2 $0x1082  }
0x22: {  	[simem:s7], [sflag:s8] =	dma.local @!p0 [hbm:s6], $0xF7A  }
0x23: {  	s9 =	sor.u32 $0xD0000000, s2;
	s6 =	simm.s32 $0x108;
	_ =	swait.ge @!p0 [sflag:s8], $0x0  }
0x24: {  	s3 =	sadd.s32 $0x88, s3;
	s6 =	simm.s32 @!p1 $0x1082;
	[sflag:s4] =	ssyncset.s32 $0xFFFFF086  }
0x25: {  	[simem:s6], [sflag:s4] =	dma.local [hbm:s3], $0xF7A  }
0x26: {  	[smem:$0x3F9F] =	sst s1;
	(tag) =	ssettag s2;
	_ =	strace s9  }
0x27: {  	s1 =	sld [smem:$0x3FAF]  }
0x28: {  	s2 =	sld [smem:$0x3FB0]  }
0x29: {  	s4 =	sld [smem:$0x3FB2]  }
0x2a: {  	p0 =	seq.s32 s5, $0x0;
	s5 =	sld [smem:$0x3FB3]  }
0x2b: {  	s6 =	sld [smem:$0x3FB4]  }
0x2c: {  	s7 =	sld [smem:$0x3FB5]  }
0x2d: {  	s3 =	simm.s32 $0x108;
	s8 =	sld [smem:$0x3FB6]  }
0x2e: {  	s3 =	simm.s32 @!p0 $0x1082;
	s9 =	sld [smem:$0x3FB7]  }
0x2f: {  	lr =	sadd.s32 s0, s3;
	s0 =	sld [smem:$0x3FAE]  }
0x30: {  	s3 =	sld [smem:$0x3FB1]  }
0x31: {  	[smem:$0x3FBA] =	sst s10  }
0x32: {  	s10 =	sld [smem:$0x3FB8];
	_ =	sdelay $0x3  }
0x33: {  	p0 =	seq.s32 s10, $0x1;
	s10 =	sld [smem:$0x3FBA];
	_ =	sdelay $0x3  }
0x34: {  	[smem:$0x3FBA] =	sst s10  }
0x35: {  	s10 =	sld [smem:$0x3FB9];
	_ =	sdelay $0x3  }
0x36: {  	p1 =	seq.s32 s10, $0x1;
	s10 =	sld [smem:$0x3FBA];
	_ =	sdelay $0x3  }
0x37: {  	[smem:$0x3FBA] =	sst s10  }
0x38: {  	s10 =	sld [smem:$0x3FBB]  }
0x39: {  	_ = 	snop;
	(pc) =	sbr.ind lr, $3  }
0x3a: {  	_ = 	snop  }
0x3b: {  	_ = 	snop  }
0x3c: {  	p2 =	seq.s32 s10, $0x1;
	s10 =	sld [smem:$0x3FBA]  }
0x3d: {  	_ =	shalt  }
0x3e: {  	_ =	shalt  }
0x3f: {  	_ =	shalt  }
0x40: {  	_ =	shalt  }
0x41: {  	_ =	shalt  }
0x42: {  	_ =	shalt  }
0x43: {  	_ =	shalt  }
0x44: {  	_ =	shalt  }
0x45: {  	_ =	shalt  }
0x46: {  	_ =	shalt  }
0x47: {  	_ =	shalt  }
0x48: {  	_ =	shalt  }
0x49: {  	_ =	shalt  }
0x4a: {  	_ =	shalt  }
0x4b: {  	_ =	shalt  }
0x4c: {  	_ =	shalt  }
0x4d: {  	_ =	shalt  }
0x4e: {  	_ =	shalt  }
0x4f: {  	_ =	shalt  }
0x50: {  	_ =	shalt  }
0x51: {  	_ =	shalt  }
0x52: {  	_ =	shalt  }
0x53: {  	_ =	shalt  }
0x54: {  	_ =	shalt  }
0x55: {  	_ =	shalt  }
0x56: {  	_ =	shalt  }
0x57: {  	_ =	shalt  }
0x58: {  	_ =	shalt  }
0x59: {  	_ =	shalt  }
0x5a: {  	_ =	shalt  }
0x5b: {  	_ =	shalt  }
0x5c: {  	_ =	shalt  }
0x5d: {  	_ =	shalt  }
0x5e: {  	_ =	shalt  }
0x5f: {  	_ =	shalt  }
0x60: {  	_ =	shalt  }
0x61: {  	_ =	shalt  }
0x62: {  	_ =	shalt  }
0x63: {  	_ =	shalt  }
0x64: {  	_ =	shalt  }
0x65: {  	_ =	shalt  }
0x66: {  	_ =	shalt  }
0x67: {  	_ =	shalt  }
0x68: {  	_ =	shalt  }
0x69: {  	_ =	shalt  }
0x6a: {  	_ =	shalt  }
0x6b: {  	_ =	shalt  }
0x6c: {  	_ =	shalt  }
0x6d: {  	_ =	shalt  }
0x6e: {  	_ =	shalt  }
0x6f: {  	_ =	shalt  }
0x70: {  	_ =	shalt  }
0x71: {  	_ =	shalt  }
0x72: {  	_ =	shalt  }
0x73: {  	_ =	shalt  }
0x74: {  	_ =	shalt  }
0x75: {  	_ =	shalt  }
0x76: {  	_ =	shalt  }
0x77: {  	_ =	shalt  }
0x78: {  	_ =	shalt  }
0x79: {  	_ =	shalt  }
0x7a: {  	_ =	shalt  }
0x7b: {  	_ =	shalt  }
0x7c: {  	_ =	shalt  }
0x7d: {  	_ =	shalt  }
0x7e: {  	_ =	shalt  }
0x7f: {  	_ =	shalt  }
0x80: {  	_ =	shalt  }
0x81: {  	_ =	shalt  }
0x82: {  	_ =	shalt  }
0x83: {  	_ =	shalt  }
0x84: {  	_ =	shalt  }
0x85: {  	_ =	shalt  }
0x86: {  	_ =	shalt  }
0x87: {  	_ =	shalt  }
.Lfunc_end0:
.L_simem_size_0:
called_computation_lowered:
.L_overlay_start_0:
0x88: {  	s2 =	sld [smem:$0x3FD9]  }
0x89: {  	s3 =	sld [smem:$0x3FFE];
	_ =	sdelay $0x1  }
0x8a: {  	s1 =	srdreg.scid  }
0x8b: {  	s0 =	sand.u32 $0x1, s1  }
0x8c: {  	s17 =	sshll.u32 s0, $0xA;
	s2 =	sadd.s32 s3, s2  }
0x8d: {  	s2 =	sadd.s32 s2, s17  }
0x8e: {  	[smem:$0x3FC6] =	sst s2  }
0x8f: {  	_ = 	snop  }
0x90: {  	s2 =	sld [smem:$0x3FC9]  }
0x91: {  	s18 =	sld [smem:$0x3FC8]  }
0x92: {  	s4 =	sld [smem:$0x3FD0];
	(tm) =	ssettm $0x1  }
0x93: {  	s5 =	sld [smem:$0x3FFB];
	_ =	sdelay $0x3  }
0x94: {  	_ =	strace s5  }
0x95: {  	s5 =	sld [smem:$0x3FFC];
	_ =	sdelay $0x3  }
0x96: {  	_ =	strace s5  }
0x97: {  	s5 =	sld [smem:$0x3FFD];
	_ =	sdelay $0x3  }
0x98: {  	_ =	strace s5  }
0x99: {  	_ =	strace $0x8FFFFFFF  }
0x9a: {  	s19 =	sld [smem:$0x3FDB];
	_ =	sdelay $0x1  }
0x9b: {  	s6 =	simm.s32 $_scs_section_size  }
0x9c: {  	s7 =	simm.s32 $_size__tile_overlayer_lowered;
	s8 =	simm.s32 $_tile_overlayer_lowered  }
0x9d: {  	s22 =	simm.s32 $0x1BFF;
	s21 =	sshll.u32 s8, $0x1;
	s5 =	sadd.s32 s6, s19  }
0x9e: {  	s9 =	simm.s32 $0x0;
	s20 =	sshll.u32 s7, $0x1;
	s7 =	sadd.s32 s21, s5  }
0x9f: {  	[timem:s9], [sflag:s22] =	dma.local [hbm:s7], s20  }
0xa0: {  	_ =	swait.ge [sflag:s22], s20  }
0xa1: {  	s6 =	ssub.s32 $0x0, s20;
	[sflag:s22] =	ssyncset.done $0x0  }
0xa2: {  	[sflag:s22] =	ssyncadd.s32 s6;
	_ =	sdelay $0x1  }
0xa3: {  	s23 =	simm.s32 $0x1B8B  }
0xa4: {  	_ =	swait.ge [sflag:s23], $0x1  }
0xa5: {  	[sflag:s23] =	ssyncset.done $0x0  }
0xa6: {  	s25 =	simm.s32 $0x1B8E;
	s24 =	sld [smem:$0x3FFE];
	[sflag:s23] =	ssyncadd.s32 $0xFFFFFFFF  }
0xa7: {  	s26 =	simm.s32 $execute0_lowered;
	[smem:$0x3FD2] =	sst s25  }
0xa8: {  	s7 =	sshll.u32 s26, $0x1;
	_ =	strace $0x80000046;
	[dreg:$0x1] =	wrdreg $0xFFFFFFFF  }
0xa9: {  	s28 =	simm.s32 $_size_execute0_lowered;
	s5 =	sadd.s32 s5, s7;
	[dreg:$0x0] =	wrdreg $0x0  }
0xaa: {  	s7 =	sshll.u32 s28, $0x1;
	[dreg:$0x2] =	wrdreg s5  }
0xab: {  	[dreg:$0x3] =	wrdreg s7  }
0xac: {  	[dreg:$0x4] =	wrdreg $0xC0  }
0xad: {  	_ =	task [dreg:s9], $0x5FFFF  }
0xae: {  	[dreg:$0x1] =	wrdreg $0xFFFFFFFF  }
0xaf: {  	[dreg:$0x0] =	wrdreg $0x60  }
0xb0: {  	[dreg:$0x2] =	wrdreg s2  }
0xb1: {  	[dreg:$0x3] =	wrdreg s18  }
0xb2: {  	[dreg:$0x4] =	wrdreg s24  }
0xb3: {  	[dreg:$0x5] =	wrdreg s4  }
0xb4: {  	[dreg:$0x6] =	wrdreg $0x9  }
0xb5: {  	_ =	task.clear_ibuf [dreg:s9], $0x7FFFF;
	_ =	strace $0x90000046  }
0xb6: {  	s29 =	simm.s32 $0x9;
	_ =	strace $0x80000048  }
0xb7: {  	_ =	swait.ge [sflag:s29], $0x1  }
0xb8: {  	[sflag:s29] =	ssyncadd.s32 $0xFFFFFFFF  }
0xb9: {  	_ =	strace $0x90000048  }
0xba: {  	_ =	sfence  }
0xbb: {  	s30 =	sld [smem:$0x0];
	_ =	sdelay $0x2  }
0xbc: {  	s31 =	sshll.u32 s1, $0xD;
	s1 =	sshrl.u32 s1, $0x2  }
0xbd: {  	s3 =	sand.u32 $0x4000, s31;
	s1 =	sadd.s32 s1, s30  }
0xbe: {  	s0 =	sor.u32 s3, s0;
	s1 =	sshll.u32 s1, $0x11  }
0xbf: {  	s0 =	sor.u32 s1, s0  }
0xc0: {  	s0 =	sadd.s32 $0x8F2B, s0  }
0xc1: {  	[sflag:s0] =	ssyncadd.remote.s32 $0x1  }
0xc2: {  	_ =	sfence.sel $0xFFFF  }
0xc3: {  	[dreg:$0x0] =	wrdreg $0xFFFFFFFF;
	(pc) =	sbr.abs _section_cstart, $3  }
0xc4: {  	[dreg:$0x1] =	wrdreg $0xFFFFFFFF  }
0xc5: {  	_ =	task.clear_ibuf [dreg:s9], $0x2FFFF;
	_ =	strace $0x9FFFFFFF  }
0xc6: {  	(tm) =	ssettm $0x7FFFFFFF  }
0xc7: {  	_ =	shalt  }
tec
execute0_lowered:
.L_overlay_start_1:
0x0: {  	(tag) =	ssettag $0x1  }
0x1: {  	vm14 =	vcmask $0x300;
	v0 =	vimm.s32 $0x1380  }
0x2: {  	vm15 =	vcmask $0x704;
	v0 =	vsel vm14, $0x0, v0  }
0x3: {  	vm13 =	vcmask $0xB08;
	v0 =	vsel vm15, $0x200, v0  }
0x4: {  	vm12 =	vcmask $0xF0C;
	v0 =	vsel vm13, $0x1000, v0  }
0x5: {  	vm11 =	vcmask $0x1310;
	v0 =	vsel vm12, $0x1200, v0  }
0x6: {  	vm10 =	vcmask $0x1714;
	v0 =	vsel vm11, $0x80, v0  }
0x7: {  	vm9 =	vcmask $0x1B18;
	v0 =	vsel vm10, $0x280, v0  }
0x8: {  	vm8 =	vcmask $0x1F1C;
	v0 =	vsel vm9, $0x1080, v0  }
0x9: {  	vm7 =	vcmask $0x2320;
	v0 =	vsel vm8, $0x1280, v0  }
0xa: {  	vm6 =	vcmask $0x2724;
	v0 =	vsel vm7, $0x100, v0  }
0xb: {  	vm5 =	vcmask $0x2B28;
	v0 =	vsel vm6, $0x300, v0  }
0xc: {  	vm4 =	vcmask $0x2F2C;
	v0 =	vsel vm5, $0x1100, v0  }
0xd: {  	vm2 =	vcmask $0x3330;
	vm1 =	vcmask $0x3734;
	v0 =	vsel vm4, $0x1300, v0  }
0xe: {  	vm3 =	vcmask $0x3B38;
	v1 =	vlaneseq.u32;
	v0 =	vsel vm2, $0x180, v0  }
0xf: {  	v2 =	vimm.s32 $0x200;
	v3 =	vimm.s32 $0x1000;
	v0 =	vsel vm1, $0x380, v0  }
0x10: {  	v6 =	vimm.s32 $0x280;
	v9 =	vimm.s32 $0x100;
	v0 =	vsel vm3, $0x1180, v0  }
0x11: {  	v12 =	vimm.s32 $0x1300;
	v15 =	vimm.s32 $0x1180;
	[tilespmem:$0x1F9D0] =	vst v0;
	v0 =	vimm.s32 $0x0  }
0x12: {  	v18 =	vimm.s32 $0x3F2E1D0C;
	vm0 =	vcmask $0x1F10;
	v0 =	vsel vm14, $0x200, v0  }
0x13: {  	v19 =	vimm.s32 $0x33221100;
	v2 =	vsel vm14, $0x1000, v2;
	v0 =	vsel vm15, $0x1000, v0  }
0x14: {  	v3 =	vsel vm14, $0x1200, v3;
	v2 =	vsel vm15, $0x1200, v2;
	v0 =	vsel vm13, $0x1200, v0  }
0x15: {  	v3 =	vsel vm15, $0x80, v3;
	v2 =	vsel vm13, $0x80, v2;
	v0 =	vsel vm12, $0x80, v0  }
0x16: {  	v3 =	vsel vm13, $0x280, v3;
	v2 =	vsel vm12, $0x280, v2;
	v0 =	vsel vm11, $0x280, v0  }
0x17: {  	v3 =	vsel vm12, $0x1080, v3;
	v2 =	vsel vm11, $0x1080, v2;
	v0 =	vsel vm10, $0x1080, v0  }
0x18: {  	v3 =	vsel vm11, $0x1280, v3;
	v2 =	vsel vm10, $0x1280, v2;
	v0 =	vsel vm9, $0x1280, v0  }
0x19: {  	v3 =	vsel vm10, $0x100, v3;
	v2 =	vsel vm9, $0x100, v2;
	v0 =	vsel vm8, $0x100, v0  }
0x1a: {  	v3 =	vsel vm9, $0x300, v3;
	v2 =	vsel vm8, $0x300, v2;
	v0 =	vsel vm7, $0x300, v0  }
0x1b: {  	v3 =	vsel vm8, $0x1100, v3;
	v2 =	vsel vm7, $0x1100, v2;
	v0 =	vsel vm6, $0x1100, v0  }
0x1c: {  	v3 =	vsel vm7, $0x1300, v3;
	v2 =	vsel vm6, $0x1300, v2;
	v0 =	vsel vm5, $0x1300, v0  }
0x1d: {  	v3 =	vsel vm6, $0x180, v3;
	v2 =	vsel vm5, $0x180, v2;
	v0 =	vsel vm4, $0x180, v0  }
0x1e: {  	v3 =	vsel vm5, $0x380, v3;
	v2 =	vsel vm4, $0x380, v2;
	v0 =	vsel vm2, $0x380, v0  }
0x1f: {  	v3 =	vsel vm4, $0x1180, v3;
	v2 =	vsel vm2, $0x1180, v2;
	v0 =	vsel vm1, $0x1180, v0  }
0x20: {  	v3 =	vsel vm2, $0x1380, v3;
	v4 =	vsel vm1, $0x1380, v2;
	v0 =	vsel vm3, $0x1380, v0  }
0x21: {  	v20 =	vimm.s32 $0x37261504;
	v5 =	vsel vm1, $0x0, v3;
	[tilespmem:$0x1F9E0] =	vst v0;
	v0 =	vsel vm3, $0x0, v4  }
0x22: {  	v21 =	vimm.s32 $0xF3A2918;
	v22 =	vimm.s32 $0x33E2D1C;
	[tilespmem:$0x1F9F0] =	vst v0;
	v0 =	vsel vm3, $0x200, v5  }
0x23: {  	v23 =	vimm.s32 $0x7322110;
	v24 =	vimm.s32 $0xB362514;
	[tilespmem:$0x1FA00] =	vst v0;
	v0 =	vimm.s32 $0x1200  }
0x24: {  	v28 =	vimm.s32 $0x1F0E3928;
	v5 =	vimm.s32 $0x80;
	v0 =	vsel vm14, $0x80, v0  }
0x25: {  	v30 =	vimm.s32 $0x17063120;
	v5 =	vsel vm14, $0x280, v5;
	v0 =	vsel vm15, $0x280, v0  }
0x26: {  	v6 =	vsel vm14, $0x1080, v6;
	v5 =	vsel vm15, $0x1080, v5;
	v0 =	vsel vm13, $0x1080, v0  }
0x27: {  	v6 =	vsel vm15, $0x1280, v6;
	v5 =	vsel vm13, $0x1280, v5;
	v0 =	vsel vm12, $0x1280, v0  }
0x28: {  	v6 =	vsel vm13, $0x100, v6;
	v5 =	vsel vm12, $0x100, v5;
	v0 =	vsel vm11, $0x100, v0  }
0x29: {  	v6 =	vsel vm12, $0x300, v6;
	v5 =	vsel vm11, $0x300, v5;
	v0 =	vsel vm10, $0x300, v0  }
0x2a: {  	v6 =	vsel vm11, $0x1100, v6;
	v5 =	vsel vm10, $0x1100, v5;
	v0 =	vsel vm9, $0x1100, v0  }
0x2b: {  	v6 =	vsel vm10, $0x1300, v6;
	v5 =	vsel vm9, $0x1300, v5;
	v0 =	vsel vm8, $0x1300, v0  }
0x2c: {  	v6 =	vsel vm9, $0x180, v6;
	v5 =	vsel vm8, $0x180, v5;
	v0 =	vsel vm7, $0x180, v0  }
0x2d: {  	v6 =	vsel vm8, $0x380, v6;
	v5 =	vsel vm7, $0x380, v5;
	v0 =	vsel vm6, $0x380, v0  }
0x2e: {  	v6 =	vsel vm7, $0x1180, v6;
	v5 =	vsel vm6, $0x1180, v5;
	v0 =	vsel vm5, $0x1180, v0  }
0x2f: {  	v6 =	vsel vm6, $0x1380, v6;
	v5 =	vsel vm5, $0x1380, v5;
	v0 =	vsel vm4, $0x1380, v0  }
0x30: {  	v6 =	vsel vm5, $0x0, v6;
	v5 =	vsel vm4, $0x0, v5;
	v0 =	vsel vm2, $0x0, v0  }
0x31: {  	v6 =	vsel vm4, $0x200, v6;
	v5 =	vsel vm2, $0x200, v5;
	v0 =	vsel vm1, $0x200, v0  }
0x32: {  	v6 =	vsel vm2, $0x1000, v6;
	v7 =	vsel vm1, $0x1000, v5;
	v0 =	vsel vm3, $0x1000, v0  }
0x33: {  	v31 =	vimm.s32 $0x1B0A3524;
	v8 =	vsel vm1, $0x1200, v6;
	[tilespmem:$0x1FA10] =	vst v0;
	v0 =	vsel vm3, $0x1200, v7  }
0x34: {  	v32 =	vimm.s32 $0x2F1E0D38;
	v33 =	vimm.s32 $0x2312013C;
	[tilespmem:$0x1FA20] =	vst v0;
	v0 =	vsel vm3, $0x80, v8  }
0x35: {  	v34 =	vimm.s32 $0x3380;
	v35 =	vimm.s32 $0x27160530;
	[tilespmem:$0x1FA30] =	vst v0;
	v0 =	vimm.s32 $0x1080  }
0x36: {  	v36 =	vimm.s32 $0x2B1A0934;
	v8 =	vimm.s32 $0x1280;
	v0 =	vsel vm14, $0x1280, v0  }
0x37: {  	v54 =	vimm.s32 $0x3000;
	v8 =	vsel vm14, $0x100, v8;
	v0 =	vsel vm15, $0x100, v0  }
0x38: {  	v9 =	vsel vm14, $0x300, v9;
	v8 =	vsel vm15, $0x300, v8;
	v0 =	vsel vm13, $0x300, v0  }
0x39: {  	v9 =	vsel vm15, $0x1100, v9;
	v8 =	vsel vm13, $0x1100, v8;
	v0 =	vsel vm12, $0x1100, v0  }
0x3a: {  	v9 =	vsel vm13, $0x1300, v9;
	v8 =	vsel vm12, $0x1300, v8;
	v0 =	vsel vm11, $0x1300, v0  }
0x3b: {  	v9 =	vsel vm12, $0x180, v9;
	v8 =	vsel vm11, $0x180, v8;
	v0 =	vsel vm10, $0x180, v0  }
0x3c: {  	v9 =	vsel vm11, $0x380, v9;
	v8 =	vsel vm10, $0x380, v8;
	v0 =	vsel vm9, $0x380, v0  }
0x3d: {  	v9 =	vsel vm10, $0x1180, v9;
	v8 =	vsel vm9, $0x1180, v8;
	v0 =	vsel vm8, $0x1180, v0  }
0x3e: {  	v9 =	vsel vm9, $0x1380, v9;
	v8 =	vsel vm8, $0x1380, v8;
	v0 =	vsel vm7, $0x1380, v0  }
0x3f: {  	v9 =	vsel vm8, $0x0, v9;
	v8 =	vsel vm7, $0x0, v8;
	v0 =	vsel vm6, $0x0, v0  }
0x40: {  	v9 =	vsel vm7, $0x200, v9;
	v8 =	vsel vm6, $0x200, v8;
	v0 =	vsel vm5, $0x200, v0  }
0x41: {  	v9 =	vsel vm6, $0x1000, v9;
	v8 =	vsel vm5, $0x1000, v8;
	v0 =	vsel vm4, $0x1000, v0  }
0x42: {  	v9 =	vsel vm5, $0x1200, v9;
	v8 =	vsel vm4, $0x1200, v8;
	v0 =	vsel vm2, $0x1200, v0  }
0x43: {  	v9 =	vsel vm4, $0x80, v9;
	v8 =	vsel vm2, $0x80, v8;
	v0 =	vsel vm1, $0x80, v0  }
0x44: {  	v9 =	vsel vm2, $0x280, v9;
	v10 =	vsel vm1, $0x280, v8;
	v0 =	vsel vm3, $0x280, v0  }
0x45: {  	v55 =	vimm.s32 $0x2280;
	v11 =	vsel vm1, $0x1080, v9;
	[tilespmem:$0x1FA40] =	vst v0;
	v0 =	vsel vm3, $0x1080, v10  }
0x46: {  	v56 =	vimm.s32 $0x2100;
	v57 =	vimm.s32 $0x3300;
	[tilespmem:$0x1FA50] =	vst v0;
	v0 =	vsel vm3, $0x1280, v11  }
0x47: {  	v59 =	vimm.s32 $0x3180;
	v12 =	vsel vm14, $0x180, v12;
	[tilespmem:$0x1FA60] =	vst v0;
	v0 =	vimm.s32 $0x300  }
0x48: {  	v15 =	vsel vm14, $0x1380, v15;
	v11 =	vimm.s32 $0x1100;
	v0 =	vsel vm14, $0x1100, v0  }
0x49: {  	v18 =	vunpack.c.0.s8.s32 v18;
	v11 =	vsel vm14, $0x1300, v11;
	v0 =	vsel vm15, $0x1300, v0  }
0x4a: {  	v19 =	vunpack.c.0.s8.s32 v19;
	v11 =	vsel vm15, $0x180, v11;
	v0 =	vsel vm13, $0x180, v0  }
0x4b: {  	v12 =	vsel vm15, $0x380, v12;
	v11 =	vsel vm13, $0x380, v11;
	v0 =	vsel vm12, $0x380, v0  }
0x4c: {  	v12 =	vsel vm13, $0x1180, v12;
	v11 =	vsel vm12, $0x1180, v11;
	v0 =	vsel vm11, $0x1180, v0  }
0x4d: {  	v12 =	vsel vm12, $0x1380, v12;
	v11 =	vsel vm11, $0x1380, v11;
	v0 =	vsel vm10, $0x1380, v0  }
0x4e: {  	v12 =	vsel vm11, $0x0, v12;
	v11 =	vsel vm10, $0x0, v11;
	v0 =	vsel vm9, $0x0, v0  }
0x4f: {  	v12 =	vsel vm10, $0x200, v12;
	v11 =	vsel vm9, $0x200, v11;
	v0 =	vsel vm8, $0x200, v0  }
0x50: {  	v12 =	vsel vm9, $0x1000, v12;
	v11 =	vsel vm8, $0x1000, v11;
	v0 =	vsel vm7, $0x1000, v0  }
0x51: {  	v12 =	vsel vm8, $0x1200, v12;
	v11 =	vsel vm7, $0x1200, v11;
	v0 =	vsel vm6, $0x1200, v0  }
0x52: {  	v12 =	vsel vm7, $0x80, v12;
	v11 =	vsel vm6, $0x80, v11;
	v0 =	vsel vm5, $0x80, v0  }
0x53: {  	v12 =	vsel vm6, $0x280, v12;
	v11 =	vsel vm5, $0x280, v11;
	v0 =	vsel vm4, $0x280, v0  }
0x54: {  	v12 =	vsel vm5, $0x1080, v12;
	v11 =	vsel vm4, $0x1080, v11;
	v0 =	vsel vm2, $0x1080, v0  }
0x55: {  	v12 =	vsel vm4, $0x1280, v12;
	v11 =	vsel vm2, $0x1280, v11;
	v0 =	vsel vm1, $0x1280, v0  }
0x56: {  	v12 =	vsel vm2, $0x100, v12;
	v13 =	vsel vm1, $0x100, v11;
	v0 =	vsel vm3, $0x100, v0  }
0x57: {  	v20 =	vunpack.c.0.s8.s32 v20;
	v14 =	vsel vm1, $0x300, v12;
	[tilespmem:$0x1FA70] =	vst v0;
	v0 =	vsel vm3, $0x300, v13  }
0x58: {  	v21 =	vunpack.c.0.s8.s32 v21;
	v22 =	vunpack.c.0.s8.s32 v22;
	[tilespmem:$0x1FA80] =	vst v0;
	v0 =	vsel vm3, $0x1100, v14  }
0x59: {  	v23 =	vunpack.c.0.s8.s32 v23;
	v24 =	vunpack.c.0.s8.s32 v24;
	[tilespmem:$0x1FA90] =	vst v0;
	v0 =	vimm.s32 $0x180  }
0x5a: {  	v28 =	vunpack.c.0.s8.s32 v28;
	v30 =	vunpack.c.0.s8.s32 v30;
	v0 =	vsel vm14, $0x380, v0  }
0x5b: {  	v31 =	vunpack.c.0.s8.s32 v31;
	v15 =	vsel vm15, $0x0, v15;
	v0 =	vsel vm15, $0x1180, v0  }
0x5c: {  	v32 =	vunpack.c.0.s8.s32 v32;
	v15 =	vsel vm13, $0x200, v15;
	v0 =	vsel vm13, $0x1380, v0  }
0x5d: {  	v33 =	vunpack.c.0.s8.s32 v33;
	v15 =	vsel vm12, $0x1000, v15;
	v0 =	vsel vm12, $0x0, v0  }
0x5e: {  	v34 =	vsel vm14, $0x2000, v34;
	v15 =	vsel vm11, $0x1200, v15;
	v0 =	vsel vm11, $0x200, v0  }
0x5f: {  	v35 =	vunpack.c.0.s8.s32 v35;
	v15 =	vsel vm10, $0x80, v15;
	v0 =	vsel vm10, $0x1000, v0  }
0x60: {  	v36 =	vunpack.c.0.s8.s32 v36;
	v15 =	vsel vm9, $0x280, v15;
	v0 =	vsel vm9, $0x1200, v0  }
0x61: {  	v34 =	vsel vm15, $0x2200, v34;
	v15 =	vsel vm8, $0x1080, v15;
	v0 =	vsel vm8, $0x80, v0  }
0x62: {  	v25 =	vsel vm0, v20, v19;
	v15 =	vsel vm7, $0x1280, v15;
	v0 =	vsel vm7, $0x280, v0  }
0x63: {  	v26 =	vsel vm0, v22, v21;
	v15 =	vsel vm6, $0x100, v15;
	v0 =	vsel vm6, $0x1080, v0  }
0x64: {  	v27 =	vsel vm0, v24, v23;
	v15 =	vsel vm5, $0x300, v15;
	v0 =	vsel vm5, $0x1280, v0  }
0x65: {  	v34 =	vsel vm13, $0x3000, v34;
	v15 =	vsel vm4, $0x1100, v15;
	v0 =	vsel vm4, $0x100, v0  }
0x66: {  	v38 =	vsel vm0, v31, v30;
	v15 =	vsel vm2, $0x1300, v15;
	v0 =	vsel vm2, $0x300, v0  }
0x67: {  	v39 =	vsel vm0, v33, v32;
	v17 =	vsel vm1, $0x180, v15;
	v0 =	vsel vm1, $0x1100, v0  }
0x68: {  	v40 =	vsel vm0, v36, v35;
	v29 =	vsel vm3, $0x1300, v0;
	v0 =	vsel vm3, $0x380, v17  }
0x69: {  	v14 =	vimm.s32 $0x380;
	v17 =	vimm.s32 $0x3B2A1908;
	[tilespmem:$0x1FAA0] =	vst v0;
	v0 =	vshrl.u32 v1, $0x2  }
0x6a: {  	v14 =	vsel vm14, $0x1180, v14;
	v17 =	vunpack.c.0.s8.s32 v17;
	v0 =	vmul.u32 $0x80, v0  }
0x6b: {  	v53 =	vsel vm0, v23, v22;
	v34 =	vsel vm12, $0x3200, v34;
	v14 =	vsel vm15, $0x1380, v14  }
0x6c: {  	v34 =	vsel vm11, $0x2080, v34;
	v14 =	vsel vm13, $0x0, v14;
	[tilespmem:$0x1FAB0] =	vst v0;
	v0 =	vsel vm0, v18, v17  }
0x6d: {  	v34 =	vsel vm10, $0x2280, v34;
	v14 =	vsel vm12, $0x200, v14;
	v1 =	vcombine.low v25, v0  }
0x6e: {  	v21 =	vsel vm0, v21, v24;
	v52 =	vsel vm9, $0x3080, v34;
	v14 =	vsel vm11, $0x1000, v14  }
0x6f: {  	v18 =	vsel vm0, v19, v18;
	v19 =	vsel vm8, $0x3280, v52;
	[tilespmem:$0x1FAC0] =	vst v1;
	v1 =	vcombine.low v27, v26  }
0x70: {  	v2 =	vcombine.low v21, v53;
	v14 =	vsel vm10, $0x1200, v14;
	v19 =	vsel vm7, $0x2100, v19  }
0x71: {  	v14 =	vsel vm9, $0x80, v14;
	v19 =	vsel vm6, $0x2300, v19;
	[tilespmem:$0x1FAD0] =	vst v1;
	v1 =	vimm.s32 $0x13023D2C  }
0x72: {  	v14 =	vsel vm8, $0x280, v14;
	v19 =	vsel vm5, $0x3100, v19;
	v3 =	vunpack.c.0.s8.s32 v1  }
0x73: {  	v14 =	vsel vm7, $0x1080, v14;
	v15 =	vcombine.low v0, v25;
	v0 =	vsel vm4, $0x3300, v19  }
0x74: {  	v14 =	vsel vm6, $0x1280, v14;
	v0 =	vsel vm2, $0x2180, v0;
	v37 =	vsel vm0, v3, v28  }
0x75: {  	v14 =	vsel vm5, $0x100, v14;
	v0 =	vsel vm1, $0x2380, v0;
	v1 =	vcombine.low v38, v37  }
0x76: {  	v14 =	vsel vm4, $0x300, v14;
	v58 =	vsel vm3, $0x3180, v0;
	v0 =	vimm.s32 $0x2000  }
0x77: {  	v17 =	vsel vm0, v17, v20;
	v0 =	vsel vm14, $0x2200, v0;
	[tilespmem:$0x1FAE0] =	vst v1;
	v1 =	vcombine.low v40, v39  }
0x78: {  	v37 =	vcombine.low v37, v38;
	v38 =	vcombine.low v39, v40;
	v0 =	vsel vm15, $0x3000, v0  }
0x79: {  	v39 =	vcombine.low v18, v17;
	[tilespmem:$0x1FAF0] =	vst v1;
	v1 =	vcombine.low v17, v18;
	v18 =	vsel vm14, $0x3200, v54  }
0x7a: {  	v14 =	vsel vm2, $0x1100, v14;
	v0 =	vsel vm13, $0x3200, v0;
	v18 =	vsel vm15, $0x2080, v18  }
0x7b: {  	v0 =	vsel vm12, $0x2080, v0;
	v17 =	vimm.s32 $0x2200;
	v18 =	vsel vm13, $0x2280, v18  }
0x7c: {  	v0 =	vsel vm11, $0x2280, v0;
	v17 =	vsel vm14, $0x3000, v17;
	v18 =	vsel vm12, $0x3080, v18  }
0x7d: {  	v0 =	vsel vm10, $0x3080, v0;
	v17 =	vsel vm15, $0x3200, v17;
	v18 =	vsel vm11, $0x3280, v18  }
0x7e: {  	v0 =	vsel vm9, $0x3280, v0;
	v17 =	vsel vm13, $0x2080, v17;
	v18 =	vsel vm10, $0x2100, v18  }
0x7f: {  	v0 =	vsel vm8, $0x2100, v0;
	v17 =	vsel vm12, $0x2280, v17;
	v18 =	vsel vm9, $0x2300, v18  }
0x80: {  	v0 =	vsel vm7, $0x2300, v0;
	v17 =	vsel vm11, $0x3080, v17;
	v18 =	vsel vm8, $0x3100, v18  }
0x81: {  	v0 =	vsel vm6, $0x3100, v0;
	v17 =	vsel vm10, $0x3280, v17;
	v18 =	vsel vm7, $0x3300, v18  }
0x82: {  	v0 =	vsel vm5, $0x3300, v0;
	v17 =	vsel vm9, $0x2100, v17;
	v18 =	vsel vm6, $0x2180, v18  }
0x83: {  	v0 =	vsel vm4, $0x2180, v0;
	v17 =	vsel vm8, $0x2300, v17;
	v18 =	vsel vm5, $0x2380, v18  }
0x84: {  	v0 =	vsel vm2, $0x2380, v0;
	v17 =	vsel vm7, $0x3100, v17;
	v18 =	vsel vm4, $0x3180, v18  }
0x85: {  	v0 =	vsel vm1, $0x3180, v0;
	v17 =	vsel vm6, $0x3300, v17;
	v18 =	vsel vm2, $0x3380, v18  }
0x86: {  	v60 =	vsel vm3, $0x3380, v0;
	v17 =	vsel vm5, $0x2180, v17;
	v0 =	vsel vm1, $0x2000, v18  }
0x87: {  	v17 =	vsel vm4, $0x2380, v17;
	v42 =	vsel vm3, $0x2200, v0;
	v0 =	vimm.s32 $0x3200  }
0x88: {  	v16 =	vsel vm1, $0x1300, v14;
	v17 =	vsel vm2, $0x3180, v17;
	v0 =	vsel vm14, $0x2080, v0  }
0x89: {  	v18 =	vsel vm14, $0x3080, v55;
	v17 =	vsel vm1, $0x3380, v17;
	v0 =	vsel vm15, $0x2280, v0  }
0x8a: {  	v18 =	vsel vm15, $0x3280, v18;
	v41 =	vsel vm3, $0x2000, v17;
	v0 =	vsel vm13, $0x3080, v0  }
0x8b: {  	v17 =	vimm.s32 $0x2080;
	v18 =	vsel vm13, $0x2100, v18;
	v0 =	vsel vm12, $0x3280, v0  }
0x8c: {  	v17 =	vsel vm14, $0x2280, v17;
	v18 =	vsel vm12, $0x2300, v18;
	v0 =	vsel vm11, $0x2100, v0  }
0x8d: {  	v17 =	vsel vm15, $0x3080, v17;
	v18 =	vsel vm11, $0x3100, v18;
	v0 =	vsel vm10, $0x2300, v0  }
0x8e: {  	v17 =	vsel vm13, $0x3280, v17;
	v18 =	vsel vm10, $0x3300, v18;
	v0 =	vsel vm9, $0x3100, v0  }
0x8f: {  	v17 =	vsel vm12, $0x2100, v17;
	v18 =	vsel vm9, $0x2180, v18;
	v0 =	vsel vm8, $0x3300, v0  }
0x90: {  	v17 =	vsel vm11, $0x2300, v17;
	v18 =	vsel vm8, $0x2380, v18;
	v0 =	vsel vm7, $0x2180, v0  }
0x91: {  	v17 =	vsel vm10, $0x3100, v17;
	v18 =	vsel vm7, $0x3180, v18;
	v0 =	vsel vm6, $0x2380, v0  }
0x92: {  	v17 =	vsel vm9, $0x3300, v17;
	v18 =	vsel vm6, $0x3380, v18;
	v0 =	vsel vm5, $0x3180, v0  }
0x93: {  	v17 =	vsel vm8, $0x2180, v17;
	v18 =	vsel vm5, $0x2000, v18;
	v0 =	vsel vm4, $0x3380, v0  }
0x94: {  	v17 =	vsel vm7, $0x2380, v17;
	v18 =	vsel vm4, $0x2200, v18;
	v0 =	vsel vm2, $0x2000, v0  }
0x95: {  	v17 =	vsel vm6, $0x3180, v17;
	v18 =	vsel vm2, $0x3000, v18;
	v0 =	vsel vm1, $0x2200, v0  }
0x96: {  	v17 =	vsel vm5, $0x3380, v17;
	v43 =	vsel vm3, $0x3000, v0;
	v0 =	vsel vm1, $0x3200, v18  }
0x97: {  	v17 =	vsel vm4, $0x2000, v17;
	v45 =	vsel vm3, $0x2080, v0;
	v0 =	vimm.s32 $0x3080  }
0x98: {  	v40 =	vcombine.low v53, v21;
	v17 =	vsel vm2, $0x2200, v17;
	v0 =	vsel vm14, $0x3280, v0  }
0x99: {  	v17 =	vsel vm1, $0x3000, v17;
	v18 =	vsel vm14, $0x2300, v56;
	v0 =	vsel vm15, $0x2100, v0  }
0x9a: {  	v44 =	vsel vm3, $0x3200, v17;
	v18 =	vsel vm15, $0x3100, v18;
	v0 =	vsel vm13, $0x2300, v0  }
0x9b: {  	v17 =	vimm.s32 $0x3280;
	v18 =	vsel vm13, $0x3300, v18;
	v0 =	vsel vm12, $0x3100, v0  }
0x9c: {  	v17 =	vsel vm14, $0x2100, v17;
	v18 =	vsel vm12, $0x2180, v18;
	v0 =	vsel vm11, $0x3300, v0  }
0x9d: {  	v17 =	vsel vm15, $0x2300, v17;
	v18 =	vsel vm11, $0x2380, v18;
	v0 =	vsel vm10, $0x2180, v0  }
0x9e: {  	v17 =	vsel vm13, $0x3100, v17;
	v18 =	vsel vm10, $0x3180, v18;
	v0 =	vsel vm9, $0x2380, v0  }
0x9f: {  	v17 =	vsel vm12, $0x3300, v17;
	v18 =	vsel vm9, $0x3380, v18;
	v0 =	vsel vm8, $0x3180, v0  }
0xa0: {  	v17 =	vsel vm11, $0x2180, v17;
	v18 =	vsel vm8, $0x2000, v18;
	v0 =	vsel vm7, $0x3380, v0  }
0xa1: {  	v17 =	vsel vm10, $0x2380, v17;
	v18 =	vsel vm7, $0x2200, v18;
	v0 =	vsel vm6, $0x2000, v0  }
0xa2: {  	v17 =	vsel vm9, $0x3180, v17;
	v18 =	vsel vm6, $0x3000, v18;
	v0 =	vsel vm5, $0x2200, v0  }
0xa3: {  	v17 =	vsel vm8, $0x3380, v17;
	v18 =	vsel vm5, $0x3200, v18;
	v0 =	vsel vm4, $0x3000, v0  }
0xa4: {  	v17 =	vsel vm7, $0x2000, v17;
	v18 =	vsel vm4, $0x2080, v18;
	v0 =	vsel vm2, $0x3200, v0  }
0xa5: {  	v17 =	vsel vm6, $0x2200, v17;
	v18 =	vsel vm2, $0x2280, v18;
	v0 =	vsel vm1, $0x2080, v0  }
0xa6: {  	v17 =	vsel vm5, $0x3000, v17;
	v46 =	vsel vm3, $0x2280, v0;
	v0 =	vsel vm1, $0x3080, v18  }
0xa7: {  	v17 =	vsel vm4, $0x3200, v17;
	v48 =	vsel vm3, $0x3280, v0;
	v0 =	vimm.s32 $0x2300  }
0xa8: {  	[tilespmem:$0x1FB00] =	vst v1;
	v1 =	vsel vm0, v32, v36;
	v17 =	vsel vm2, $0x2080, v17;
	v0 =	vsel vm14, $0x3100, v0  }
0xa9: {  	v17 =	vsel vm1, $0x2280, v17;
	v18 =	vsel vm14, $0x2180, v57;
	v0 =	vsel vm15, $0x3300, v0  }
0xaa: {  	v47 =	vsel vm3, $0x3080, v17;
	v18 =	vsel vm15, $0x2380, v18;
	v0 =	vsel vm13, $0x2180, v0  }
0xab: {  	v17 =	vimm.s32 $0x3100;
	v18 =	vsel vm13, $0x3180, v18;
	v0 =	vsel vm12, $0x2380, v0  }
0xac: {  	v17 =	vsel vm14, $0x3300, v17;
	v18 =	vsel vm12, $0x3380, v18;
	v0 =	vsel vm11, $0x3180, v0  }
0xad: {  	v17 =	vsel vm15, $0x2180, v17;
	v18 =	vsel vm11, $0x2000, v18;
	v0 =	vsel vm10, $0x3380, v0  }
0xae: {  	v17 =	vsel vm13, $0x2380, v17;
	v18 =	vsel vm10, $0x2200, v18;
	v0 =	vsel vm9, $0x2000, v0  }
0xaf: {  	v17 =	vsel vm12, $0x3180, v17;
	v18 =	vsel vm9, $0x3000, v18;
	v0 =	vsel vm8, $0x2200, v0  }
0xb0: {  	v17 =	vsel vm11, $0x3380, v17;
	v18 =	vsel vm8, $0x3200, v18;
	v0 =	vsel vm7, $0x3000, v0  }
0xb1: {  	v17 =	vsel vm10, $0x2000, v17;
	v18 =	vsel vm7, $0x2080, v18;
	v0 =	vsel vm6, $0x3200, v0  }
0xb2: {  	v17 =	vsel vm9, $0x2200, v17;
	v18 =	vsel vm6, $0x2280, v18;
	v0 =	vsel vm5, $0x2080, v0  }
0xb3: {  	v17 =	vsel vm8, $0x3000, v17;
	v18 =	vsel vm5, $0x3080, v18;
	v0 =	vsel vm4, $0x2280, v0  }
0xb4: {  	v17 =	vsel vm7, $0x3200, v17;
	v18 =	vsel vm4, $0x3280, v18;
	v0 =	vsel vm2, $0x3080, v0  }
0xb5: {  	v17 =	vsel vm6, $0x2080, v17;
	v18 =	vsel vm2, $0x2100, v18;
	v0 =	vsel vm1, $0x3280, v0  }
0xb6: {  	v17 =	vsel vm5, $0x2280, v17;
	v19 =	vsel vm3, $0x2100, v0;
	v0 =	vsel vm1, $0x2300, v18  }
0xb7: {  	v17 =	vsel vm4, $0x3080, v17;
	v21 =	vsel vm3, $0x3100, v0;
	v0 =	vimm.s32 $0x2180  }
0xb8: {  	v36 =	vcombine.low v26, v27;
	v17 =	vsel vm2, $0x3280, v17;
	v0 =	vsel vm14, $0x2380, v0  }
0xb9: {  	v17 =	vsel vm1, $0x2100, v17;
	v18 =	vsel vm14, $0x3380, v59;
	v0 =	vsel vm15, $0x3180, v0  }
0xba: {  	v20 =	vsel vm3, $0x2300, v17;
	v18 =	vsel vm15, $0x2000, v18;
	v0 =	vsel vm13, $0x3380, v0  }
0xbb: {  	v17 =	vimm.s32 $0x2380;
	v18 =	vsel vm13, $0x2200, v18;
	v0 =	vsel vm12, $0x2000, v0  }
0xbc: {  	v17 =	vsel vm14, $0x3180, v17;
	v18 =	vsel vm12, $0x3000, v18;
	v0 =	vsel vm11, $0x2200, v0  }
0xbd: {  	v17 =	vsel vm15, $0x3380, v17;
	v18 =	vsel vm11, $0x3200, v18;
	v0 =	vsel vm10, $0x3000, v0  }
0xbe: {  	v17 =	vsel vm13, $0x2000, v17;
	v18 =	vsel vm10, $0x2080, v18;
	v0 =	vsel vm9, $0x3200, v0  }
0xbf: {  	v17 =	vsel vm12, $0x2200, v17;
	v18 =	vsel vm9, $0x2280, v18;
	v0 =	vsel vm8, $0x2080, v0  }
0xc0: {  	v17 =	vsel vm11, $0x3000, v17;
	v18 =	vsel vm8, $0x3080, v18;
	v0 =	vsel vm7, $0x2280, v0  }
0xc1: {  	v17 =	vsel vm10, $0x3200, v17;
	v18 =	vsel vm7, $0x3280, v18;
	v0 =	vsel vm6, $0x3080, v0  }
0xc2: {  	v17 =	vsel vm9, $0x2080, v17;
	v18 =	vsel vm6, $0x2100, v18;
	v0 =	vsel vm5, $0x3280, v0  }
0xc3: {  	v17 =	vsel vm8, $0x2280, v17;
	v18 =	vsel vm5, $0x2300, v18;
	v0 =	vsel vm4, $0x2100, v0  }
0xc4: {  	v17 =	vsel vm7, $0x3080, v17;
	v18 =	vsel vm4, $0x3100, v18;
	v0 =	vsel vm2, $0x2300, v0  }
0xc5: {  	v17 =	vsel vm6, $0x3280, v17;
	v18 =	vsel vm2, $0x3300, v18;
	v0 =	vsel vm1, $0x3100, v0  }
0xc6: {  	v17 =	vsel vm5, $0x2100, v17;
	v22 =	vsel vm3, $0x3300, v0;
	v0 =	vsel vm1, $0x2180, v18  }
0xc7: {  	v17 =	vsel vm4, $0x2300, v17;
	v5 =	vsel vm3, $0x2380, v0;
	v0 =	vimm.s32 $0x7B6A5948  }
0xc8: {  	v17 =	vsel vm2, $0x3100, v17;
	v6 =	vunpack.c.0.s8.s32 v0;
	v0 =	vimm.s32 $0x73625140  }
0xc9: {  	v17 =	vsel vm1, $0x3300, v17;
	v8 =	vunpack.c.0.s8.s32 v0;
	v0 =	vimm.s32 $0x77665544  }
0xca: {  	v23 =	vsel vm3, $0x2180, v17;
	v9 =	vunpack.c.0.s8.s32 v0;
	v0 =	vimm.s32 $0x437E6D5C  }
0xcb: {  	v17 =	vimm.s32 $0x7F6E5D4C;
	v10 =	vunpack.c.0.s8.s32 v0;
	v0 =	vimm.s32 $0x47726150  }
0xcc: {  	v7 =	vunpack.c.0.s8.s32 v17;
	v12 =	vunpack.c.0.s8.s32 v0;
	v0 =	vimm.s32 $0x5F4E7968  }
0xcd: {  	v17 =	vimm.s32 $0x4F7A6958;
	v14 =	vunpack.c.0.s8.s32 v0;
	v0 =	vimm.s32 $0x53427D6C  }
0xce: {  	v13 =	vunpack.c.0.s8.s32 v17;
	v4 =	vunpack.c.0.s8.s32 v0;
	v0 =	vimm.s32 $0x5B4A7564  }
0xcf: {  	v17 =	vimm.s32 $0x4B766554;
	v27 =	vunpack.c.0.s8.s32 v0;
	v0 =	vimm.s32 $0x6F5E4D78  }
0xd0: {  	v11 =	vunpack.c.0.s8.s32 v17;
	v17 =	vimm.s32 $0x57467160;
	v0 =	vunpack.c.0.s8.s32 v0  }
0xd1: {  	v26 =	vunpack.c.0.s8.s32 v17;
	v17 =	vimm.s32 $0x6352417C  }
0xd2: {  	[tilespmem:$0x1FB10] =	vst v0;
	v0 =	vunpack.c.0.s8.s32 v17;
	_ =	sdelay $0x1  }
0xd3: {  	[tilespmem:$0x1FB20] =	vst v0;
	v0 =	vimm.s32 $0x67564570  }
0xd4: {  	v0 =	vunpack.c.0.s8.s32 v0;
	_ =	sdelay $0x1  }
0xd5: {  	s0 =	rddreg [dreg:$0x0];
	[tilespmem:$0x1FB30] =	vst v0;
	v0 =	vimm.s32 $0x6B5A4974  }
0xd6: {  	s1 =	rddreg [dreg:$0x1];
	v0 =	vunpack.c.0.s8.s32 v0  }
0xd7: {  	s5 =	rddreg [dreg:$0x2];
	s4 =	simm.s32 $0x0  }
0xd8: {  	[smem:$0x7FF] =	sst s4;
	[tilespmem:$0x1FB40] =	vst v0  }
0xd9: {  	s3 =	rddreg [dreg:$0x3];
	v3 =	vsel vm0, v30, v3;
	_ =	strace $0x80000047;
	[tilespmem:$0x1FC70] =	vst v2  }
0xda: {  	v34 =	vsel vm0, v28, v31;
	[tilespmem:$0x1FC80] =	vst v3  }
0xdb: {  	v35 =	vsel vm0, v35, v33;
	[tilespmem:$0x1FC90] =	vst v34  }
0xdc: {  	[tilespmem:$0x1FCA0] =	vst v35  }
0xdd: {  	[tilespmem:$0x1FCB0] =	vst v1  }
0xde: {  	[tilespmem:$0x1FCC0] =	vst v15  }
0xdf: {  	[tilespmem:$0x1FCD0] =	vst v36  }
0xe0: {  	[tilespmem:$0x1FCE0] =	vst v37  }
0xe1: {  	[tilespmem:$0x1FCF0] =	vst v38  }
0xe2: {  	[tilespmem:$0x1FD00] =	vst v39  }
0xe3: {  	[tilespmem:$0x1FD10] =	vst v40  }
0xe4: {  	[tilespmem:$0x1FD20] =	vst v58  }
0xe5: {  	[tilespmem:$0x1FD30] =	vst v60  }
0xe6: {  	[tilespmem:$0x1FD40] =	vst v41  }
0xe7: {  	[tilespmem:$0x1FD50] =	vst v42  }
0xe8: {  	[tilespmem:$0x1FD60] =	vst v43  }
0xe9: {  	[tilespmem:$0x1FD70] =	vst v44  }
0xea: {  	v0 =	vimm.s32 $0x3C2C1C0C;
	[tilespmem:$0x1FD80] =	vst v45  }
0xeb: {  	v24 =	vunpack.c.0.s8.s32 v0;
	v0 =	vimm.s32 $0x30201000;
	[tilespmem:$0x1FD90] =	vst v46  }
0xec: {  	[tilespmem:$0x1FDA0] =	vst v47;
	v25 =	vunpack.c.0.s8.s32 v0;
	v0 =	vimm.s32 $0xC382818  }
0xed: {  	[tilespmem:$0x1FDB0] =	vst v48;
	v30 =	vunpack.c.0.s8.s32 v0;
	v0 =	vimm.s32 $0x3C2C1C  }
0xee: {  	[tilespmem:$0x1FDC0] =	vst v19;
	v61 =	vunpack.c.0.s8.s32 v0;
	v0 =	vimm.s32 $0x8342414  }
0xef: {  	[tilespmem:$0x1FDD0] =	vst v20;
	v63 =	vunpack.c.0.s8.s32 v0;
	v0 =	vimm.s32 $0x1C0C3828  }
0xf0: {  	[tilespmem:$0x1FDE0] =	vst v21;
	v50 =	vunpack.c.0.s8.s32 v0;
	v0 =	vimm.s32 $0x14043020  }
0xf1: {  	[tilespmem:$0x1FDF0] =	vst v22;
	v52 =	vunpack.c.0.s8.s32 v0;
	v0 =	vimm.s32 $0x18083424  }
0xf2: {  	v17 =	vimm.s32 $0x38281808;
	[tilespmem:$0x1FE00] =	vst v23;
	v53 =	vunpack.c.0.s8.s32 v0;
	v0 =	vimm.s32 $0x2010003C  }
0xf3: {  	v18 =	vunpack.c.0.s8.s32 v17;
	[tilespmem:$0x1FE10] =	vst v5;
	v55 =	vunpack.c.0.s8.s32 v0;
	v0 =	vimm.s32 $0x24140430  }
0xf4: {  	v17 =	vimm.s32 $0x34241404;
	[tilespmem:$0x1FE20] =	vst v6;
	v56 =	vunpack.c.0.s8.s32 v0;
	v0 =	vimm.s32 $0x78685848  }
0xf5: {  	v28 =	vunpack.c.0.s8.s32 v17;
	v17 =	vimm.s32 $0x4302010;
	[tilespmem:$0x1FE30] =	vst v7;
	v0 =	vunpack.c.0.s8.s32 v0  }
0xf6: {  	v62 =	vunpack.c.0.s8.s32 v17;
	v17 =	vimm.s32 $0x10003C2C;
	[tilespmem:$0x1FE40] =	vst v8  }
0xf7: {  	v51 =	vunpack.c.0.s8.s32 v17;
	v17 =	vimm.s32 $0x2C1C0C38;
	[tilespmem:$0x1FB50] =	vst v0;
	v0 =	vimm.s32 $0x7C6C5C4C  }
0xf8: {  	v54 =	vunpack.c.0.s8.s32 v17;
	v17 =	vimm.s32 $0x28180834;
	[tilespmem:$0x1FE50] =	vst v9;
	v0 =	vunpack.c.0.s8.s32 v0  }
0xf9: {  	v57 =	vunpack.c.0.s8.s32 v17;
	v17 =	vimm.s32 $0x70605040;
	[tilespmem:$0x1FE60] =	vst v13  }
0xfa: {  	[tilespmem:$0x1FB60] =	vst v0;
	v0 =	vunpack.c.0.s8.s32 v17  }
0xfb: {  	[tilespmem:$0x1FE70] =	vst v10  }
0xfc: {  	[tilespmem:$0x1FB70] =	vst v0;
	v0 =	vimm.s32 $0x74645444  }
0xfd: {  	[tilespmem:$0x1FE80] =	vst v12;
	v0 =	vunpack.c.0.s8.s32 v0  }
0xfe: {  	[tilespmem:$0x1FE90] =	vst v11  }
0xff: {  	[tilespmem:$0x1FB80] =	vst v0;
	v0 =	vimm.s32 $0x4C786858  }
0x100: {  	[tilespmem:$0x1FEA0] =	vst v14;
	v0 =	vunpack.c.0.s8.s32 v0  }
0x101: {  	[tilespmem:$0x1FEB0] =	vst v4;
	v17 =	vimm.s32 $0x407C6C5C  }
0x102: {  	[tilespmem:$0x1FB90] =	vst v0;
	v0 =	vunpack.c.0.s8.s32 v17  }
0x103: {  	[tilespmem:$0x1FEC0] =	vst v26  }
0x104: {  	[tilespmem:$0x1FBA0] =	vst v0;
	v0 =	vimm.s32 $0x44706050  }
0x105: {  	[tilespmem:$0x1FED0] =	vst v27;
	v0 =	vunpack.c.0.s8.s32 v0  }
0x106: {  	[tilespmem:$0x1FEE0] =	vst v18  }
0x107: {  	[tilespmem:$0x1FBB0] =	vst v0;
	v0 =	vimm.s32 $0x48746454  }
0x108: {  	[tilespmem:$0x1FF10] =	vst v28;
	v0 =	vunpack.c.0.s8.s32 v0  }
0x109: {  	[tilespmem:$0x1FF40] =	vst v62;
	v17 =	vimm.s32 $0x5C4C7868  }
0x10a: {  	v16 =	vsel vm3, $0x180, v16;
	[tilespmem:$0x1FBC0] =	vst v0;
	v0 =	vunpack.c.0.s8.s32 v17  }
0x10b: {  	[tilespmem:$0x1FF60] =	vst v16  }
0x10c: {  	[tilespmem:$0x1FBD0] =	vst v0;
	v0 =	vimm.s32 $0x50407C6C  }
0x10d: {  	[tilespmem:$0x1FF80] =	vst v51;
	v0 =	vunpack.c.0.s8.s32 v0  }
0x10e: {  	[tilespmem:$0x1FFA0] =	vst v29  }
0x10f: {  	[tilespmem:$0x1FBE0] =	vst v0;
	v0 =	vimm.s32 $0x54447060  }
0x110: {  	[tilespmem:$0x1FFC0] =	vst v54;
	v0 =	vunpack.c.0.s8.s32 v0  }
0x111: {  	s9 =	srdreg.scid;
	s2 =	stileid.u32;
	s18 =	simm.s32 $0x1;
	[tilespmem:$0x1FFF0] =	vst v57;
	v17 =	vimm.s32 $0x58487464  }
0x112: {  	s19 =	simm.s32 $0x8000;
	s20 =	simm.s32 $0x2;
	s21 =	simm.s32 $0x4000;
	[tilespmem:$0x1FBF0] =	vst v0;
	v0 =	vunpack.c.0.s8.s32 v17  }
0x113: {  	s29 =	simm.s32 $0x18000;
	s30 =	simm.s32 $0x5;
	s31 =	simm.s32 $0x100;
	[tilespmem:$0x1FEF0] =	vst v24  }
0x114: {  	s11 =	sand.u32 $0x1, s9;
	s6 =	sshll.u32 s2, $0x1;
	s7 =	sadd.s32 $0x800, s5;
	[tilespmem:$0x1FC00] =	vst v0;
	v0 =	vimm.s32 $0x6C5C4C78  }
0x115: {  	s16 =	sand.u32 $0x2, s9;
	s9 =	sshrl.u32 s9, $0x2;
	p0 =	sne.s32 s2, $0x0;
	[tilespmem:$0x1FF00] =	vst v25;
	v0 =	vunpack.c.0.s8.s32 v0  }
0x116: {  	s10 =	ssub.s32 $0x2, s11;
	s6 =	sor.u32 s11, s6;
	s24 =	ssub.s32 s16, s11;
	[tilespmem:$0x1FF20] =	vst v30  }
0x117: {  	s16 =	simm.s32 $0x1000;
	s12 =	sshrl.u32 s10, $0x1;
	s8 =	smul.u32 $0x19, s6;
	[tilespmem:$0x1FC10] =	vst v0;
	v0 =	vimm.s32 $0x6050407C  }
0x118: {  	s22 =	sshll.u32 s6, $0x9;
	s13 =	smul.u32 $0x4800, s6;
	p1 =	sne.s32 s6, $0x1F;
	[tilespmem:$0x1FF30] =	vst v61;
	v0 =	vunpack.c.0.s8.s32 v0  }
0x119: {  	s12 =	ssub.s32 s10, s12;
	s10 =	sadd.s32 s1, s22;
	s22 =	simm.s32 $0x10000;
	[tilespmem:$0x1FF50] =	vst v63;
	v17 =	vimm.s32 $0x64544470  }
0x11a: {  	s14 =	sshll.u32 s8, $0x8;
	s13 =	sand.u32 $0x7800, s13;
	s15 =	sshll.u32 s8, $0x3;
	[tilespmem:$0x1FC20] =	vst v0;
	v0 =	vunpack.c.0.s8.s32 v17  }
0x11b: {  	s28 =	smax.u32 s12, $0x1;
	s12 =	simm.s32 $0x0;
	s14 =	sand.u32 $0x38000, s14;
	[tilespmem:$0x1FF70] =	vst v50  }
0x11c: {  	s23 =	sand.u32 $0x380, s15;
	s13 =	sor.u32 s13, s14;
	s14 =	sadd.s32 $0x2, s8;
	[tilespmem:$0x1FC30] =	vst v0;
	v0 =	vimm.s32 $0x68584874  }
0x11d: {  	s25 =	sor.u32 s23, s13;
	s13 =	simm.s32 $0x6;
	[dreg:$0x5] =	wrdreg s7;
	[tilespmem:$0x1FF90] =	vst v52;
	v0 =	vunpack.c.0.s8.s32 v0  }
0x11e: {  	s23 =	simm.s32 $0x2000;
	s26 =	sshrl.u32 s25, $0x3;
	[dreg:$0x6] =	wrdreg s10;
	[tilespmem:$0x1FFB0] =	vst v53  }
0x11f: {  	s25 =	simm.s32 $0x7;
	s7 =	sadd.s32 $0xA00, s5;
	[dreg:$0x8] =	wrdreg s9;
	[tilespmem:$0x1FC40] =	vst v0;
	v0 =	vcombine.low v34, v3  }
0x120: {  	s10 =	sadd.s32 $0x4000, s1;
	s5 =	sadd.s32 $0x3D1200, s5;
	[dreg:$0xa] =	wrdreg s28;
	[tilespmem:$0x1FFD0] =	vst v55  }
0x121: {  	s9 =	sadd.s32 s0, s26;
	[dreg:$0x7] =	wrdreg s5;
	s5 =	sadd.s32 $0x5, s24;
	[tilespmem:$0x1FC50] =	vst v0;
	v0 =	vcombine.low v1, v35  }
0x122: {  	[dreg:$0x9] =	wrdreg s9;
	s24 =	simm.s32 $0x3000;
	s2 =	sshll.u32 @!p0 s5, $0xE;
	[tilespmem:$0x1FFE0] =	vst v56  }
0x123: {  	s5 =	simm.s32 $0x8;
	[dreg:$0xb] =	wrdreg s2;
	s2 =	simm.s32 $0x18200;
	[tilespmem:$0x1FC60] =	vst v0  }
.LBB2_1:
.Ltmp0:
0x124: {  	(pc) =	sbr.rel .LBB2_2-.Ltmp0, $4  }
0x125: {  	_ = 	snop  }
0x126: {  	s9 =	rddreg [dreg:$0x6];
	s11 =	simm.s32 $0x7A1400  }
0x127: {  	[tilespmem:s4], [sflag:$0x1] =	stream.strided.gather [hbm4b:s9+s16], $0x4000, s11, s16, $0x38;
	[tilespmem:$0x18600] =	vst v63  }
0x128: {  	[dreg:$0xc] =	wrdreg s12;
	v32 =	vld [tilespmem:$0x1FAD0];
	s9 =	simm.s32 $0x0  }
.LBB2_10:
0x129: {  	s9 =	sadd.s32 $0x1, s9  }
0x12a: {  	p2 =	sne.s32 s9, $0x1F  }
.Ltmp1:
0x12b: {  	_ = 	snop;
	(pc) =	sbr.rel @!p2 .LBB2_11-.Ltmp1, $1  }
0x12c: {  	_ =	sdelay $0x3  }
.LBB2_2:
0x12d: {  	s11 =	sshll.u32 s9, $0x6  }
0x12e: {  	s12 =	sor.u32 s6, s11  }
0x12f: {  	s11 =	sor.u32 $0x20, s12  }
0x130: {  	p3 =	sgt.u32 s11, $0x7A0  }
0x131: {  	s15 =	sshll.u32 @!p3 s11, $0x9;
	s17 =	simm.s32 @!p3 $0x1000  }
0x132: {  	s26 =	simm.s32 @!p3 $0x7A1400;
	s28 =	simm.s32 @!p3 $0x4000;
	s15 =	sadd.s32 @!p3 s1, s15  }
0x133: {  	[tilespmem:s28], [sflag:$0x2] =	stream.strided.gather @!p3 [hbm4b:s15+s17], $0x4000, s26, s17, $0x38;
	[tilespmem:$0x18600] =	vst v63  }
0x134: {  	_ =	swait.ge [sflag:s18], $0x4000  }
0x135: {  	p2 =	seq.s32 s9, $0x0;
	[sflag:s18] =	ssyncset.done $0x0  }
0x136: {  	s15 =	simm.s32 @!p2 $0x3;
	[sflag:s18] =	ssyncadd.s32 $0xFFFFC000  }
0x137: {  	_ =	swait.ge @!p2 [sflag:s15], $0x4000  }
0x138: {  	s17 =	simm.s32 $0x4;
	[sflag:s15] =	ssyncset.done @!p2 $0x0  }
0x139: {  	v29 =	vmov v13;
	s26 =	simm.s32 $0x10;
	v31 =	vld [tilespmem:$0x1FAC0];
	[sflag:s15] =	ssyncadd.s32 @!p2 $0xFFFFC000;
	s15 =	simm.s32 $0xFFFFFFFE  }
.LBB2_3:
0x13a: {  	v36 =	vld [tilespmem:$0x1F9D0]  }
0x13b: {  	v38 =	vld [tilespmem:$0x1F9E0]  }
0x13c: {  	v40 =	vld [tilespmem:$0x1F9F0]  }
0x13d: {  	v42 =	vld [tilespmem:$0x1FA00]  }
0x13e: {  	v41 =	vld [tilespmem:$0x1FA10]  }
0x13f: {  	v16 =	vld [tilespmem:$0x1FA20]  }
0x140: {  	v43 =	vld [tilespmem:$0x1FA30]  }
0x141: {  	v34 =	vld [tilespmem:$0x1FA40]  }
0x142: {  	s28 =	sadd.s32 $0xFFFFFFF0, s26;
	v44 =	vld [tilespmem:$0x1FA50]  }
0x143: {  	v3 =	vlaneseq.u32;
	v45 =	vld [tilespmem:$0x1FA60];
	v0 =	vmov s28  }
0x144: {  	v35 =	vld [tilespmem:$0x1FA70];
	v17 =	vor.u32 s28, v3;
	v0 =	vshll.u32 v0, $0x3  }
0x145: {  	v47 =	vld [tilespmem:$0x1FA80];
	v17 =	vand.u32 $0x6F, v17;
	v0 =	vand.u32 $0xC00, v0  }
0x146: {  	v37 =	vld [tilespmem:$0x1FA90];
	v17 =	vor.u32 v0, v17  }
0x147: {  	v48 =	vld [tilespmem:$0x1FFA0];
	v18 =	vor.u32 v38, v17  }
0x148: {  	v49 =	vld [tilespmem:$0x1FF60]  }
0x149: {  	v2 =	vmov v15;
	v15 =	vld [tilespmem:$0x1FAA0];
	v0 =	vor.u32 v36, v17  }
0x14a: {  	v33 =	vld [tilespmem:$0x1FAF0];
	v24 =	vor.u32 v40, v17  }
0x14b: {  	v39 =	vld [tilespmem:$0x1FC70];
	v25 =	vor.u32 v42, v17  }
0x14c: {  	v52 =	vld.idx.msk [tilespmem:v18+s4+$0x0], $0xffff;
	v18 =	vor.u32 v43, v17  }
0x14d: {  	v3 =	vld [tilespmem:$0x1FAB0];
	v50 =	vor.u32 v41, v17  }
0x14e: {  	v0 =	vld.idx.msk [tilespmem:v0+s4+$0x0], $0xffff  }
0x14f: {  	v51 =	vor.u32 v16, v17;
	v24 =	vld.idx.msk [tilespmem:v24+s4+$0x0], $0xffff  }
0x150: {  	s28 =	sadd.s32 $0xFFFFFFFC, s17;
	v53 =	vor.u32 v34, v17;
	v25 =	vld.idx.msk [tilespmem:v25+s4+$0x0], $0xffff  }
0x151: {  	v54 =	vor.u32 v44, v17;
	v57 =	vld.idx.msk [tilespmem:v18+s4+$0x0], $0xffff;
	v18 =	vmov s28  }
0x152: {  	v55 =	vor.u32 v45, v17;
	v50 =	vld.idx.msk [tilespmem:v50+s4+$0x0], $0xffff;
	v18 =	vshll.u32 v18, $0x7  }
0x153: {  	v18 =	vor.u32 v3, v18;
	v3 =	vld [tilespmem:$0x1FAE0]  }
0x154: {  	v56 =	vor.u32 v35, v17;
	v51 =	vld.idx.msk [tilespmem:v51+s4+$0x0], $0xffff  }
0x155: {  	v58 =	vor.u32 v47, v17;
	v53 =	vld.idx.msk [tilespmem:v53+s4+$0x0], $0xffff  }
0x156: {  	v59 =	vor.u32 v37, v17;
	v54 =	vld.idx.msk [tilespmem:v54+s4+$0x0], $0xffff  }
0x157: {  	v60 =	vor.u32 v48, v17;
	v55 =	vld.idx.msk [tilespmem:v55+s4+$0x0], $0xffff  }
0x158: {  	v61 =	vor.u32 v49, v17;
	v20 =	vor.u32 v3, v18;
	v3 =	vld [tilespmem:$0x1FB00]  }
0x159: {  	v62 =	vor.u32 v15, v17;
	v56 =	vld.idx.msk [tilespmem:v56+s4+$0x0], $0xffff;
	v63 =	vor.u32 v31, v18  }
0x15a: {  	v58 =	vld.idx.msk [tilespmem:v58+s4+$0x0], $0xffff;
	v19 =	vor.u32 v32, v18  }
0x15b: {  	v59 =	vld.idx.msk [tilespmem:v59+s4+$0x0], $0xffff  }
0x15c: {  	v60 =	vld.idx.msk [tilespmem:v60+s4+$0x0], $0xffff;
	v21 =	vor.u32 v33, v18  }
0x15d: {  	v61 =	vld.idx.msk [tilespmem:v61+s4+$0x0], $0xffff;
	v22 =	vor.u32 v3, v18  }
0x15e: {  	v62 =	vld.idx.msk [tilespmem:v62+s4+$0x0], $0xffff;
	[tilespmem:v63+s19+$0x0] =	vst.idx.msk $0xffff, v0;
	v0 =	vor.u32 v39, v18  }
0x15f: {  	[tilespmem:v19+s19+$0x0] =	vst.idx.msk $0xffff, v52  }
0x160: {  	[tilespmem:v20+s19+$0x0] =	vst.idx.msk $0xffff, v24  }
0x161: {  	[tilespmem:v21+s19+$0x0] =	vst.idx.msk $0xffff, v25  }
0x162: {  	v3 =	vld [tilespmem:$0x1FC50];
	[tilespmem:v22+s19+$0x0] =	vst.idx.msk $0xffff, v50  }
0x163: {  	[tilespmem:v0+s19+$0x0] =	vst.idx.msk $0xffff, v51;
	v0 =	vld [tilespmem:$0x1FCE0];
	_ =	sdelay $0x3  }
0x164: {  	v19 =	vor.u32 v3, v18;
	v3 =	vld [tilespmem:$0x1FC60]  }
0x165: {  	v24 =	vor.u32 v0, v18;
	v0 =	vld [tilespmem:$0x1FCF0];
	_ =	sdelay $0x3  }
0x166: {  	v46 =	vor.u32 v2, v18;
	v2 =	vld [tilespmem:$0x1FCD0]  }
0x167: {  	v32 =	vor.u32 v3, v18;
	[tilespmem:v19+s19+$0x0] =	vst.idx.msk $0xffff, v57;
	v19 =	vor.u32 v0, v18;
	v0 =	vld [tilespmem:$0x1FD00];
	_ =	sdelay $0x3  }
0x168: {  	v52 =	vor.u32 v2, v18;
	v2 =	vld [tilespmem:$0x1FC90]  }
0x169: {  	[tilespmem:v32+s19+$0x0] =	vst.idx.msk $0xffff, v53;
	v53 =	vor.u32 v0, v18;
	v0 =	vld [tilespmem:$0x1FC80];
	_ =	sdelay $0x4  }
0x16a: {  	v50 =	vcombine.low v0, v2;
	v0 =	vld [tilespmem:$0x1FD10];
	_ =	sdelay $0x4  }
0x16b: {  	[tilespmem:v46+s19+$0x0] =	vst.idx.msk $0xffff, v54;
	v54 =	vor.u32 v0, v18;
	v0 =	vld [tilespmem:$0x1FD20];
	_ =	sdelay $0x2  }
0x16c: {  	[tilespmem:v52+s19+$0x0] =	vst.idx.msk $0xffff, v55  }
0x16d: {  	[tilespmem:v24+s19+$0x0] =	vst.idx.msk $0xffff, v56  }
0x16e: {  	[tilespmem:v19+s19+$0x0] =	vst.idx.msk $0xffff, v58;
	v19 =	vor.u32 v0, v17;
	v0 =	vld [tilespmem:$0x1FD30];
	_ =	sdelay $0x4  }
0x16f: {  	[tilespmem:v53+s19+$0x0] =	vst.idx.msk $0xffff, v59;
	v59 =	vor.u32 v0, v17;
	v0 =	vld [tilespmem:$0x1FD40];
	_ =	sdelay $0x2  }
0x170: {  	v2 =	vld [tilespmem:$0x1FCA0];
	_ =	sdelay $0x1  }
0x171: {  	v57 =	vor.u32 v50, v18;
	[tilespmem:v54+s19+$0x0] =	vst.idx.msk $0xffff, v60;
	v60 =	vor.u32 v0, v17;
	v0 =	vld [tilespmem:$0x1FD50];
	_ =	sdelay $0x2  }
0x172: {  	v30 =	vcombine.low v2, v1;
	_ =	sdelay $0x1  }
0x173: {  	v24 =	vor.u32 v30, v18;
	[tilespmem:v57+s19+$0x0] =	vst.idx.msk $0xffff, v61;
	v61 =	vor.u32 v0, v17;
	v0 =	vld [tilespmem:$0x1FD60];
	_ =	sdelay $0x4  }
0x174: {  	[tilespmem:v24+s19+$0x0] =	vst.idx.msk $0xffff, v62;
	v24 =	vor.u32 v0, v17;
	v0 =	vld [tilespmem:$0x1FD70];
	_ =	sdelay $0x4  }
0x175: {  	v25 =	vor.u32 v0, v17;
	v0 =	vld [tilespmem:$0x1FD80];
	_ =	sdelay $0x4  }
0x176: {  	v62 =	vor.u32 v0, v17;
	v0 =	vld [tilespmem:$0x1FD90];
	_ =	sdelay $0x4  }
0x177: {  	v63 =	vor.u32 v0, v17;
	v0 =	vld [tilespmem:$0x1FDA0];
	_ =	sdelay $0x4  }
0x178: {  	v32 =	vor.u32 v0, v17;
	v0 =	vld [tilespmem:$0x1FDB0];
	_ =	sdelay $0x4  }
0x179: {  	v54 =	vor.u32 v0, v17;
	v0 =	vld [tilespmem:$0x1FDC0];
	_ =	sdelay $0x4  }
0x17a: {  	v55 =	vor.u32 v0, v17;
	v0 =	vld [tilespmem:$0x1FDD0];
	_ =	sdelay $0x4  }
0x17b: {  	v56 =	vor.u32 v0, v17;
	v0 =	vld [tilespmem:$0x1FDE0];
	_ =	sdelay $0x1  }
0x17c: {  	v13 =	vld [tilespmem:$0x1FB20]  }
0x17d: {  	v1 =	vld [tilespmem:$0x1FE10]  }
0x17e: {  	v19 =	vld.idx.msk [tilespmem:v19+s4+$0x0], $0xffff  }
0x17f: {  	v52 =	vor.u32 v0, v17;
	v0 =	vld [tilespmem:$0x1FDF0]  }
0x180: {  	v21 =	vld.idx.msk [tilespmem:v60+s4+$0x0], $0xffff  }
0x181: {  	v5 =	vsel vm0, v6, v9;
	v22 =	vld.idx.msk [tilespmem:v61+s4+$0x0], $0xffff  }
0x182: {  	v60 =	vsel vm0, v9, v8;
	v9 =	vsel vm0, v12, v10;
	v61 =	vsel vm0, v10, v29;
	v10 =	vld [tilespmem:$0x1FE60]  }
0x183: {  	v20 =	vld.idx.msk [tilespmem:v59+s4+$0x0], $0xffff  }
0x184: {  	v46 =	vor.u32 v0, v17;
	v0 =	vld [tilespmem:$0x1FE00]  }
0x185: {  	v29 =	vld [tilespmem:$0x1FB10]  }
0x186: {  	v23 =	vld.idx.msk [tilespmem:v62+s4+$0x0], $0xffff  }
0x187: {  	v10 =	vsel vm0, v10, v11;
	v62 =	vsel vm0, v11, v12;
	v11 =	vld [tilespmem:$0x1FEB0]  }
0x188: {  	v51 =	vld.idx.msk [tilespmem:v54+s4+$0x0], $0xffff  }
0x189: {  	v54 =	vor.u32 v0, v17;
	v17 =	vor.u32 v1, v17;
	v1 =	vld.idx.msk [tilespmem:v56+s4+$0x0], $0xffff  }
0x18a: {  	v12 =	vld [tilespmem:$0x1FEC0]  }
0x18b: {  	v28 =	vld.idx.msk [tilespmem:v63+s4+$0x0], $0xffff  }
0x18c: {  	v53 =	vmov v14;
	v63 =	vsel vm0, v4, v14;
	v14 =	vld [tilespmem:$0x1FB30]  }
0x18d: {  	v2 =	vld.idx.msk [tilespmem:v46+s4+$0x0], $0xffff  }
0x18e: {  	v59 =	vsel vm0, v7, v6;
	[tilespmem:$0x1F970] =	vst v1;
	v1 =	vld.idx.msk [tilespmem:v52+s4+$0x0], $0xffff  }
0x18f: {  	v0 =	vcombine.low v60, v59;
	v46 =	vld [tilespmem:$0x1FB40]  }
0x190: {  	v24 =	vld.idx.msk [tilespmem:v24+s4+$0x0], $0xffff  }
0x191: {  	v25 =	vld.idx.msk [tilespmem:v25+s4+$0x0], $0xffff;
	v56 =	vor.u32 v0, v18  }
0x192: {  	v11 =	vsel vm0, v12, v11;
	v12 =	vld [tilespmem:$0x1FED0]  }
0x193: {  	v57 =	vcombine.low v62, v61;
	v31 =	vld.idx.msk [tilespmem:v32+s4+$0x0], $0xffff;
	[tilespmem:$0x1F980] =	vst v1;
	v1 =	vsel vm0, v27, v26  }
0x194: {  	v3 =	vsel vm0, v13, v29;
	v32 =	vld.idx.msk [tilespmem:v55+s4+$0x0], $0xffff;
	v4 =	vsel vm0, v46, v14;
	v58 =	vcombine.low v1, v63  }
0x195: {  	v6 =	vld.idx.msk [tilespmem:v17+s4+$0x0], $0xffff;
	v17 =	vor.u32 v57, v18;
	v55 =	vcombine.low v4, v3;
	v27 =	vsel vm0, v8, v7  }
0x196: {  	v26 =	vld.idx.msk [tilespmem:v54+s4+$0x0], $0xffff;
	[tilespmem:v56+s19+$0x0] =	vst.idx.msk $0xffff, v19;
	v52 =	vcombine.low v5, v27;
	v19 =	vor.u32 v58, v18  }
0x197: {  	v7 =	vor.u32 v55, v18  }
0x198: {  	v12 =	vsel vm0, v53, v12;
	v56 =	vcombine.low v10, v9;
	v8 =	vor.u32 v52, v18  }
0x199: {  	v13 =	vsel vm0, v14, v13;
	v53 =	vcombine.low v12, v11;
	v14 =	vsel vm0, v29, v46  }
0x19a: {  	v54 =	vcombine.low v14, v13;
	[tilespmem:v17+s19+$0x0] =	vst.idx.msk $0xffff, v20;
	v17 =	vor.u32 v56, v18  }
0x19b: {  	v60 =	vcombine.low v59, v60;
	[tilespmem:v19+s19+$0x0] =	vst.idx.msk $0xffff, v21;
	v19 =	vor.u32 v53, v18  }
0x19c: {  	[tilespmem:v7+s19+$0x0] =	vst.idx.msk $0xffff, v22;
	v7 =	vor.u32 v54, v18  }
0x19d: {  	[tilespmem:v8+s19+$0x0] =	vst.idx.msk $0xffff, v24;
	v8 =	vor.u32 v60, v18;
	_ =	sdelay $0x1  }
0x19e: {  	v61 =	vcombine.low v61, v62;
	[tilespmem:v17+s19+$0x0] =	vst.idx.msk $0xffff, v25  }
0x19f: {  	[tilespmem:v19+s19+$0x0] =	vst.idx.msk $0xffff, v23  }
0x1a0: {  	v62 =	vcombine.low v63, v1;
	v1 =	vor.u32 v61, v18;
	[tilespmem:v7+s19+$0x0] =	vst.idx.msk $0xffff, v28  }
0x1a1: {  	v25 =	vcombine.low v9, v10;
	v9 =	vmov s26;
	[tilespmem:v8+s19+$0x0] =	vst.idx.msk $0xffff, v31;
	v8 =	vlaneseq.u32  }
0x1a2: {  	v63 =	vcombine.low v3, v4;
	v9 =	vshll.u32 v9, $0x3;
	v8 =	vor.u32 s26, v8  }
0x1a3: {  	v3 =	vor.u32 v62, v18;
	v9 =	vand.u32 $0xC00, v9;
	v8 =	vand.u32 $0x7F, v8  }
0x1a4: {  	v4 =	vor.u32 v63, v18;
	v8 =	vor.u32 v9, v8;
	v9 =	vld [tilespmem:$0x1F970];
	_ =	sdelay $0x2  }
0x1a5: {  	v24 =	vcombine.low v27, v5;
	[tilespmem:v1+s19+$0x0] =	vst.idx.msk $0xffff, v51  }
0x1a6: {  	[tilespmem:v3+s19+$0x0] =	vst.idx.msk $0xffff, v32  }
0x1a7: {  	v17 =	vcombine.low v11, v12;
	v5 =	vor.u32 v24, v18;
	[tilespmem:v4+s19+$0x0] =	vst.idx.msk $0xffff, v9;
	v9 =	vld [tilespmem:$0x1F980]  }
0x1a8: {  	v59 =	vcombine.low v13, v14;
	v7 =	vor.u32 v25, v18  }
0x1a9: {  	v1 =	vor.u32 v17, v18  }
0x1aa: {  	v3 =	vor.u32 v59, v18  }
0x1ab: {  	v27 =	vld [tilespmem:$0x1FAE0];
	v4 =	vor.u32 v36, v8  }
0x1ac: {  	v31 =	vld [tilespmem:$0x1FAC0];
	v10 =	vor.u32 v44, v8;
	[tilespmem:v5+s19+$0x0] =	vst.idx.msk $0xffff, v9  }
0x1ad: {  	v51 =	vld [tilespmem:$0x1FAB0];
	v11 =	vor.u32 v45, v8;
	[tilespmem:v7+s19+$0x0] =	vst.idx.msk $0xffff, v2  }
0x1ae: {  	v32 =	vld [tilespmem:$0x1FAD0];
	v12 =	vor.u32 v35, v8;
	[tilespmem:v1+s19+$0x0] =	vst.idx.msk $0xffff, v26  }
0x1af: {  	v13 =	vor.u32 v47, v8;
	v47 =	vor.u32 v15, v8;
	v15 =	vld [tilespmem:$0x1FB00];
	[tilespmem:v3+s19+$0x0] =	vst.idx.msk $0xffff, v6  }
0x1b0: {  	v14 =	vor.u32 v37, v8;
	v4 =	vld.idx.msk [tilespmem:v4+s4+$0x0], $0xffff  }
0x1b1: {  	v19 =	vor.u32 v48, v8;
	v10 =	vld.idx.msk [tilespmem:v10+s4+$0x0], $0xffff  }
0x1b2: {  	v46 =	vor.u32 v49, v8;
	v11 =	vld.idx.msk [tilespmem:v11+s4+$0x0], $0xffff  }
0x1b3: {  	v12 =	vld.idx.msk [tilespmem:v12+s4+$0x0], $0xffff  }
0x1b4: {  	v5 =	vor.u32 v38, v8;
	v13 =	vld.idx.msk [tilespmem:v13+s4+$0x0], $0xffff  }
0x1b5: {  	v9 =	vor.u32 v34, v8;
	v14 =	vld.idx.msk [tilespmem:v14+s4+$0x0], $0xffff  }
0x1b6: {  	v2 =	vor.u32 v40, v8;
	v19 =	vld.idx.msk [tilespmem:v19+s4+$0x0], $0xffff  }
0x1b7: {  	v18 =	vmov s17;
	v7 =	vor.u32 v43, v8;
	v20 =	vld.idx.msk [tilespmem:v46+s4+$0x0], $0xffff  }
0x1b8: {  	v18 =	vshll.u32 v18, $0x7;
	v1 =	vor.u32 v42, v8;
	v21 =	vld.idx.msk [tilespmem:v47+s4+$0x0], $0xffff  }
0x1b9: {  	v18 =	vor.u32 v51, v18;
	v3 =	vor.u32 v41, v8;
	v5 =	vld.idx.msk [tilespmem:v5+s4+$0x0], $0xffff  }
0x1ba: {  	v22 =	vor.u32 v31, v18;
	v6 =	vor.u32 v16, v8;
	v9 =	vld.idx.msk [tilespmem:v9+s4+$0x0], $0xffff  }
0x1bb: {  	v48 =	vor.u32 v32, v18;
	v2 =	vld.idx.msk [tilespmem:v2+s4+$0x0], $0xffff  }
0x1bc: {  	v7 =	vld.idx.msk [tilespmem:v7+s4+$0x0], $0xffff  }
0x1bd: {  	v26 =	vor.u32 v27, v18;
	v1 =	vld.idx.msk [tilespmem:v1+s4+$0x0], $0xffff  }
0x1be: {  	v3 =	vld.idx.msk [tilespmem:v3+s4+$0x0], $0xffff  }
0x1bf: {  	v6 =	vld.idx.msk [tilespmem:v6+s4+$0x0], $0xffff;
	[tilespmem:v22+s19+$0x0] =	vst.idx.msk $0xffff, v4  }
0x1c0: {  	[tilespmem:v48+s19+$0x0] =	vst.idx.msk $0xffff, v5;
	v5 =	vld [tilespmem:$0x1FC50];
	_ =	sdelay $0x1  }
0x1c1: {  	v27 =	vor.u32 v33, v18;
	[tilespmem:v26+s19+$0x0] =	vst.idx.msk $0xffff, v2;
	v2 =	vld [tilespmem:$0x1FC60]  }
0x1c2: {  	v28 =	vor.u32 v15, v18  }
0x1c3: {  	v29 =	vld [tilespmem:$0x1FCC0];
	v4 =	vor.u32 v39, v18  }
0x1c4: {  	v5 =	vor.u32 v5, v18;
	_ =	sdelay $0x1  }
0x1c5: {  	[tilespmem:v27+s19+$0x0] =	vst.idx.msk $0xffff, v1;
	v2 =	vor.u32 v2, v18  }
0x1c6: {  	[tilespmem:v28+s19+$0x0] =	vst.idx.msk $0xffff, v3;
	v3 =	vld [tilespmem:$0x1FCD0]  }
0x1c7: {  	v1 =	vor.u32 v29, v18;
	[tilespmem:v4+s19+$0x0] =	vst.idx.msk $0xffff, v6;
	v4 =	vld [tilespmem:$0x1FCE0]  }
0x1c8: {  	[tilespmem:v5+s19+$0x0] =	vst.idx.msk $0xffff, v7;
	v5 =	vld [tilespmem:$0x1FCF0]  }
0x1c9: {  	v16 =	vld [tilespmem:$0x1FDF0]  }
0x1ca: {  	[tilespmem:v2+s19+$0x0] =	vst.idx.msk $0xffff, v9;
	v2 =	vld [tilespmem:$0x1FD00]  }
0x1cb: {  	v6 =	vld [tilespmem:$0x1FD70];
	v3 =	vor.u32 v3, v18  }
0x1cc: {  	v4 =	vor.u32 v4, v18;
	[tilespmem:v1+s19+$0x0] =	vst.idx.msk $0xffff, v10;
	v1 =	vld [tilespmem:$0x1FD10]  }
0x1cd: {  	v7 =	vld [tilespmem:$0x1FD80];
	v5 =	vor.u32 v5, v18  }
0x1ce: {  	v9 =	vld [tilespmem:$0x1FD90]  }
0x1cf: {  	v10 =	vld [tilespmem:$0x1FDA0];
	v2 =	vor.u32 v2, v18  }
0x1d0: {  	[tilespmem:v3+s19+$0x0] =	vst.idx.msk $0xffff, v11;
	v11 =	vld [tilespmem:$0x1FDB0]  }
0x1d1: {  	[tilespmem:v4+s19+$0x0] =	vst.idx.msk $0xffff, v12;
	v12 =	vld [tilespmem:$0x1FDC0];
	v1 =	vor.u32 v1, v18  }
0x1d2: {  	[tilespmem:v5+s19+$0x0] =	vst.idx.msk $0xffff, v13;
	v5 =	vld [tilespmem:$0x1FD20]  }
0x1d3: {  	v3 =	vor.u32 v50, v18;
	v13 =	vld [tilespmem:$0x1FDD0]  }
0x1d4: {  	v4 =	vor.u32 v30, v18;
	[tilespmem:v2+s19+$0x0] =	vst.idx.msk $0xffff, v14;
	v2 =	vld [tilespmem:$0x1FD30]  }
0x1d5: {  	v6 =	vor.u32 v6, v8;
	v14 =	vld [tilespmem:$0x1FDE0]  }
0x1d6: {  	v7 =	vor.u32 v7, v8;
	[tilespmem:v1+s19+$0x0] =	vst.idx.msk $0xffff, v19;
	v1 =	vld [tilespmem:$0x1FD40]  }
0x1d7: {  	v9 =	vor.u32 v9, v8;
	v19 =	vor.u32 v16, v8;
	v16 =	vld [tilespmem:$0x1FE00]  }
0x1d8: {  	v10 =	vor.u32 v10, v8;
	[tilespmem:v3+s19+$0x0] =	vst.idx.msk $0xffff, v20;
	v3 =	vld [tilespmem:$0x1FD50]  }
0x1d9: {  	v11 =	vor.u32 v11, v8;
	[tilespmem:v4+s19+$0x0] =	vst.idx.msk $0xffff, v21;
	v4 =	vld [tilespmem:$0x1FD60]  }
0x1da: {  	v12 =	vor.u32 v12, v8;
	v6 =	vld.idx.msk [tilespmem:v6+s4+$0x0], $0xffff  }
0x1db: {  	v7 =	vld.idx.msk [tilespmem:v7+s4+$0x0], $0xffff  }
0x1dc: {  	v9 =	vld.idx.msk [tilespmem:v9+s4+$0x0], $0xffff  }
0x1dd: {  	v5 =	vor.u32 v5, v8;
	v10 =	vld.idx.msk [tilespmem:v10+s4+$0x0], $0xffff  }
0x1de: {  	v13 =	vor.u32 v13, v8;
	v11 =	vld.idx.msk [tilespmem:v11+s4+$0x0], $0xffff  }
0x1df: {  	v12 =	vld.idx.msk [tilespmem:v12+s4+$0x0], $0xffff;
	v2 =	vor.u32 v2, v8  }
0x1e0: {  	v14 =	vor.u32 v14, v8;
	v49 =	vor.u32 v16, v8;
	v16 =	vld [tilespmem:$0x1FE10]  }
0x1e1: {  	v1 =	vor.u32 v1, v8;
	v19 =	vld.idx.msk [tilespmem:v19+s4+$0x0], $0xffff  }
0x1e2: {  	v5 =	vld.idx.msk [tilespmem:v5+s4+$0x0], $0xffff  }
0x1e3: {  	v3 =	vor.u32 v3, v8;
	v13 =	vld.idx.msk [tilespmem:v13+s4+$0x0], $0xffff  }
0x1e4: {  	v4 =	vor.u32 v4, v8;
	v2 =	vld.idx.msk [tilespmem:v2+s4+$0x0], $0xffff  }
0x1e5: {  	v51 =	vor.u32 v0, v18;
	v14 =	vld.idx.msk [tilespmem:v14+s4+$0x0], $0xffff;
	v8 =	vor.u32 v16, v8  }
0x1e6: {  	[tilespmem:$0x1F9A0] =	vst v57;
	v57 =	vor.u32 v57, v18;
	v1 =	vld.idx.msk [tilespmem:v1+s4+$0x0], $0xffff  }
0x1e7: {  	[tilespmem:$0x1F9B0] =	vst v58;
	v58 =	vor.u32 v58, v18;
	v20 =	vld.idx.msk [tilespmem:v49+s4+$0x0], $0xffff  }
0x1e8: {  	[tilespmem:$0x1F990] =	vst v0;
	v26 =	vor.u32 v55, v18;
	v3 =	vld.idx.msk [tilespmem:v3+s4+$0x0], $0xffff  }
0x1e9: {  	[tilespmem:$0x1F9C0] =	vst v55;
	v27 =	vor.u32 v52, v18;
	v4 =	vld.idx.msk [tilespmem:v4+s4+$0x0], $0xffff  }
0x1ea: {  	v8 =	vld.idx.msk [tilespmem:v8+s4+$0x0], $0xffff;
	[tilespmem:v51+s19+$0x0] =	vst.idx.msk $0xffff, v5;
	v5 =	vor.u32 v56, v18  }
0x1eb: {  	[tilespmem:v57+s19+$0x0] =	vst.idx.msk $0xffff, v2;
	v2 =	vor.u32 v53, v18  }
0x1ec: {  	[tilespmem:v58+s19+$0x0] =	vst.idx.msk $0xffff, v1;
	v1 =	vor.u32 v54, v18  }
0x1ed: {  	v15 =	vmov v29;
	v29 =	vld [tilespmem:$0x1FE60];
	[tilespmem:v26+s19+$0x0] =	vst.idx.msk $0xffff, v3;
	v3 =	vor.u32 v60, v18  }
0x1ee: {  	v26 =	vld [tilespmem:$0x1FEC0];
	[tilespmem:v27+s19+$0x0] =	vst.idx.msk $0xffff, v4;
	v4 =	vor.u32 v61, v18  }
0x1ef: {  	v27 =	vld [tilespmem:$0x1FED0];
	[tilespmem:v5+s19+$0x0] =	vst.idx.msk $0xffff, v6;
	v5 =	vor.u32 v62, v18  }
0x1f0: {  	v6 =	vld [tilespmem:$0x1FE20];
	[tilespmem:v2+s19+$0x0] =	vst.idx.msk $0xffff, v7;
	v2 =	vor.u32 v63, v18  }
0x1f1: {  	v7 =	vld [tilespmem:$0x1FE30];
	[tilespmem:v1+s19+$0x0] =	vst.idx.msk $0xffff, v9;
	v1 =	vor.u32 v24, v18  }
0x1f2: {  	v9 =	vld [tilespmem:$0x1FE50];
	[tilespmem:v3+s19+$0x0] =	vst.idx.msk $0xffff, v10;
	v3 =	vor.u32 v25, v18  }
0x1f3: {  	s15 =	sadd.s32 $0x2, s15;
	v10 =	vld [tilespmem:$0x1FE70];
	[tilespmem:v4+s19+$0x0] =	vst.idx.msk $0xffff, v11;
	v4 =	vor.u32 v17, v18  }
0x1f4: {  	p4 =	slt.u32 s15, $0x1E;
	v11 =	vld [tilespmem:$0x1FE90];
	[tilespmem:v5+s19+$0x0] =	vst.idx.msk $0xffff, v12;
	v5 =	vor.u32 v59, v18  }
.Ltmp2:
0x1f5: {  	v12 =	vld [tilespmem:$0x1FE80];
	[tilespmem:v2+s19+$0x0] =	vst.idx.msk $0xffff, v13;
	(pc) =	sbr.rel @p4 .LBB2_3-.Ltmp2, $4  }
0x1f6: {  	[tilespmem:v1+s19+$0x0] =	vst.idx.msk $0xffff, v14;
	v14 =	vld [tilespmem:$0x1FEA0]  }
0x1f7: {  	v1 =	vld [tilespmem:$0x1FCB0];
	[tilespmem:v3+s19+$0x0] =	vst.idx.msk $0xffff, v19  }
0x1f8: {  	[tilespmem:v4+s19+$0x0] =	vst.idx.msk $0xffff, v20;
	v4 =	vld [tilespmem:$0x1FEB0]  }
0x1f9: {  	s26 =	sadd.s32 $0x20, s26;
	s17 =	sadd.s32 $0x8, s17;
	[tilespmem:v5+s19+$0x0] =	vst.idx.msk $0xffff, v8;
	v8 =	vld [tilespmem:$0x1FE40]  }
0x1fa: {  	p4 =	sgt.u32 s11, $0x780  }
.Ltmp3:
0x1fb: {  	_ = 	snop;
	(pc) =	sbr.rel @p4 .LBB2_6-.Ltmp3, $4  }
0x1fc: {  	_ = 	snop  }
0x1fd: {  	s12 =	sshll.u32 s12, $0xB  }
0x1fe: {  	s12 =	sadd.s32 s7, s12  }
0x1ff: {  	[hbm4b:s12+s4] =	stream.linear.scatter [tilespmem:s19], [sflag:$0x3], $0x4000, $0x38;
	[tilespmem:$0x18600] =	vst v63  }
.Ltmp4:
0x200: {  	(pc) =	sbr.rel .LBB2_7-.Ltmp4, $4  }
0x201: {  	_ = 	snop  }
0x202: {  	s12 =	sshll.u32 s11, $0x9  }
0x203: {  	s15 =	simm.s32 $0x7A1400;
	s12 =	sadd.s32 s12, s10  }
0x204: {  	v48 =	vmov v59;
	[tilespmem:s4], [sflag:$0x1] =	stream.strided.gather [hbm4b:s12+s16], $0x4000, s15, s16, $0x38;
	[tilespmem:$0x18600] =	vst v63  }
.LBB2_6:
.Ltmp5:
0x205: {  	(pc) =	sbr.rel @p3 .LBB2_10-.Ltmp5, $2  }
0x206: {  	_ =	sdelay $0x2  }
0x207: {  	v13 =	vmov v29;
	v48 =	vmov v59  }
.LBB2_7:
0x208: {  	_ =	swait.ge [sflag:s20], $0x4000  }
0x209: {  	[sflag:s20] =	ssyncset.done $0x0  }
0x20a: {  	s12 =	simm.s32 @!p2 $0x4;
	[sflag:s20] =	ssyncadd.s32 $0xFFFFC000  }
0x20b: {  	_ =	swait.ge @!p2 [sflag:s12], $0x4000  }
0x20c: {  	[tilespmem:$0x1F8A0] =	vst v50  }
0x20d: {  	[tilespmem:$0x1F8B0] =	vst v30  }
0x20e: {  	[tilespmem:$0x1F8C0] =	vst v52  }
0x20f: {  	[tilespmem:$0x1F8D0] =	vst v56  }
0x210: {  	[tilespmem:$0x1F8E0] =	vst v53  }
0x211: {  	[tilespmem:$0x1F8F0] =	vst v54  }
0x212: {  	[tilespmem:$0x1F900] =	vst v60  }
0x213: {  	[tilespmem:$0x1F910] =	vst v61  }
0x214: {  	[tilespmem:$0x1F920] =	vst v62  }
0x215: {  	[tilespmem:$0x1F930] =	vst v63  }
0x216: {  	[tilespmem:$0x1F940] =	vst v24  }
0x217: {  	s15 =	simm.s32 $0x4;
	[sflag:s12] =	ssyncset.done @!p2 $0x0;
	[tilespmem:$0x1F950] =	vst v25  }
0x218: {  	s17 =	simm.s32 $0x10;
	[tilespmem:$0x1F960] =	vst v17;
	[sflag:s12] =	ssyncadd.s32 @!p2 $0xFFFFC000;
	s12 =	simm.s32 $0xFFFFFFFE  }
.LBB2_8:
0x219: {  	v15 =	vld [tilespmem:$0x1F9D0]  }
0x21a: {  	v29 =	vld [tilespmem:$0x1F9E0]  }
0x21b: {  	v44 =	vld [tilespmem:$0x1F9F0]  }
0x21c: {  	v37 =	vld [tilespmem:$0x1FA00]  }
0x21d: {  	v45 =	vld [tilespmem:$0x1FA10]  }
0x21e: {  	v38 =	vld [tilespmem:$0x1FA20]  }
0x21f: {  	v39 =	vld [tilespmem:$0x1FA30]  }
0x220: {  	v31 =	vld [tilespmem:$0x1FA40]  }
0x221: {  	v40 =	vld [tilespmem:$0x1FA50]  }
0x222: {  	v34 =	vld [tilespmem:$0x1FA60]  }
0x223: {  	v43 =	vld [tilespmem:$0x1FA70]  }
0x224: {  	v32 =	vld [tilespmem:$0x1FA80]  }
0x225: {  	v35 =	vld [tilespmem:$0x1FA90]  }
0x226: {  	v46 =	vld [tilespmem:$0x1FFA0]  }
0x227: {  	s26 =	sadd.s32 $0xFFFFFFF0, s17;
	v53 =	vld [tilespmem:$0x1FF60]  }
0x228: {  	v0 =	vlaneseq.u32;
	v36 =	vld [tilespmem:$0x1FAA0];
	v1 =	vmov s26  }
0x229: {  	v16 =	vld [tilespmem:$0x1FAC0];
	v2 =	vor.u32 s26, v0;
	v1 =	vshll.u32 v1, $0x3  }
0x22a: {  	v49 =	vld [tilespmem:$0x1FAD0];
	v2 =	vand.u32 $0x6F, v2;
	v1 =	vand.u32 $0xC00, v1  }
0x22b: {  	v30 =	vld [tilespmem:$0x1FAE0];
	v1 =	vor.u32 v1, v2  }
0x22c: {  	v60 =	vld [tilespmem:$0x1FAF0];
	v2 =	vor.u32 v15, v1  }
0x22d: {  	v54 =	vld [tilespmem:$0x1FB00];
	v3 =	vor.u32 v29, v1  }
0x22e: {  	v41 =	vld [tilespmem:$0x1FC70];
	v4 =	vor.u32 v44, v1  }
0x22f: {  	v57 =	vld [tilespmem:$0x1FC50];
	v5 =	vor.u32 v37, v1  }
0x230: {  	v0 =	vld [tilespmem:$0x1FAB0];
	v6 =	vor.u32 v45, v1  }
0x231: {  	v7 =	vor.u32 v38, v1;
	v2 =	vld.idx.msk [tilespmem:v2+s21+$0x0], $0xffff  }
0x232: {  	v8 =	vor.u32 v39, v1;
	v3 =	vld.idx.msk [tilespmem:v3+s21+$0x0], $0xffff  }
0x233: {  	v9 =	vor.u32 v31, v1;
	v4 =	vld.idx.msk [tilespmem:v4+s21+$0x0], $0xffff  }
0x234: {  	v10 =	vor.u32 v40, v1;
	v5 =	vld.idx.msk [tilespmem:v5+s21+$0x0], $0xffff  }
0x235: {  	v11 =	vor.u32 v34, v1;
	v6 =	vld.idx.msk [tilespmem:v6+s21+$0x0], $0xffff  }
0x236: {  	v12 =	vor.u32 v43, v1;
	v7 =	vld.idx.msk [tilespmem:v7+s21+$0x0], $0xffff  }
0x237: {  	s28 =	sadd.s32 $0xFFFFFFFC, s15;
	v13 =	vor.u32 v32, v1;
	v8 =	vld.idx.msk [tilespmem:v8+s21+$0x0], $0xffff  }
0x238: {  	v18 =	vmov s28;
	v14 =	vor.u32 v35, v1;
	v9 =	vld.idx.msk [tilespmem:v9+s21+$0x0], $0xffff  }
0x239: {  	v18 =	vshll.u32 v18, $0x7;
	v19 =	vor.u32 v46, v1;
	v10 =	vld.idx.msk [tilespmem:v10+s21+$0x0], $0xffff  }
0x23a: {  	v20 =	vor.u32 v53, v1;
	v18 =	vor.u32 v0, v18;
	v11 =	vld.idx.msk [tilespmem:v11+s21+$0x0], $0xffff  }
0x23b: {  	v21 =	vor.u32 v36, v1;
	v22 =	vor.u32 v16, v18;
	v12 =	vld.idx.msk [tilespmem:v12+s21+$0x0], $0xffff  }
0x23c: {  	v23 =	vor.u32 v49, v18;
	v13 =	vld.idx.msk [tilespmem:v13+s21+$0x0], $0xffff  }
0x23d: {  	v26 =	vor.u32 v30, v18;
	v14 =	vld.idx.msk [tilespmem:v14+s21+$0x0], $0xffff  }
0x23e: {  	v19 =	vld.idx.msk [tilespmem:v19+s21+$0x0], $0xffff  }
0x23f: {  	v20 =	vld.idx.msk [tilespmem:v20+s21+$0x0], $0xffff  }
0x240: {  	v21 =	vld.idx.msk [tilespmem:v21+s21+$0x0], $0xffff;
	[tilespmem:v22+s22+$0x0] =	vst.idx.msk $0xffff, v2  }
0x241: {  	v58 =	vld [tilespmem:$0x1FC60];
	[tilespmem:v23+s22+$0x0] =	vst.idx.msk $0xffff, v3  }
0x242: {  	v27 =	vor.u32 v60, v18;
	[tilespmem:v26+s22+$0x0] =	vst.idx.msk $0xffff, v4;
	v26 =	vld [tilespmem:$0x1FCC0]  }
0x243: {  	v28 =	vor.u32 v54, v18  }
0x244: {  	v22 =	vor.u32 v41, v18  }
0x245: {  	v42 =	vld [tilespmem:$0x1FCE0];
	v24 =	vor.u32 v57, v18  }
0x246: {  	v25 =	vor.u32 v58, v18;
	v16 =	vld [tilespmem:$0x1FCD0]  }
0x247: {  	v50 =	vld [tilespmem:$0x1FCF0];
	[tilespmem:v27+s22+$0x0] =	vst.idx.msk $0xffff, v5;
	v5 =	vor.u32 v26, v18  }
0x248: {  	v59 =	vld [tilespmem:$0x1FD00];
	[tilespmem:v28+s22+$0x0] =	vst.idx.msk $0xffff, v6  }
0x249: {  	v52 =	vld [tilespmem:$0x1FD10];
	[tilespmem:v22+s22+$0x0] =	vst.idx.msk $0xffff, v7  }
0x24a: {  	v56 =	vld [tilespmem:$0x1FD20];
	[tilespmem:v24+s22+$0x0] =	vst.idx.msk $0xffff, v8  }
0x24b: {  	v27 =	vor.u32 v16, v18;
	[tilespmem:v25+s22+$0x0] =	vst.idx.msk $0xffff, v9;
	v9 =	vld [tilespmem:$0x1F8A0]  }
0x24c: {  	v28 =	vor.u32 v42, v18;
	[tilespmem:v5+s22+$0x0] =	vst.idx.msk $0xffff, v10;
	v10 =	vld [tilespmem:$0x1F8B0]  }
0x24d: {  	v61 =	vld [tilespmem:$0x1FD30];
	v33 =	vor.u32 v50, v18  }
0x24e: {  	v62 =	vld [tilespmem:$0x1FD40];
	v47 =	vor.u32 v59, v18  }
0x24f: {  	v63 =	vld [tilespmem:$0x1FD50];
	v51 =	vor.u32 v52, v18  }
0x250: {  	v17 =	vld [tilespmem:$0x1FD80];
	v6 =	vor.u32 v9, v18;
	[tilespmem:v27+s22+$0x0] =	vst.idx.msk $0xffff, v11  }
0x251: {  	v55 =	vld [tilespmem:$0x1FDC0];
	[tilespmem:v28+s22+$0x0] =	vst.idx.msk $0xffff, v12;
	v2 =	vor.u32 v10, v18  }
0x252: {  	v24 =	vld [tilespmem:$0x1FD60];
	v11 =	vor.u32 v56, v1;
	[tilespmem:v33+s22+$0x0] =	vst.idx.msk $0xffff, v13  }
0x253: {  	v12 =	vor.u32 v61, v1;
	v33 =	vld [tilespmem:$0x1FD90];
	[tilespmem:v47+s22+$0x0] =	vst.idx.msk $0xffff, v14  }
0x254: {  	v25 =	vld [tilespmem:$0x1FD70];
	v13 =	vor.u32 v62, v1;
	[tilespmem:v51+s22+$0x0] =	vst.idx.msk $0xffff, v19  }
0x255: {  	v22 =	vor.u32 v17, v1;
	v47 =	vld [tilespmem:$0x1FDB0];
	[tilespmem:v6+s22+$0x0] =	vst.idx.msk $0xffff, v20  }
0x256: {  	v51 =	vld [tilespmem:$0x1FDA0];
	[tilespmem:v2+s22+$0x0] =	vst.idx.msk $0xffff, v21  }
0x257: {  	v28 =	vor.u32 v55, v1;
	v3 =	vld.idx.msk [tilespmem:v11+s21+$0x0], $0xffff  }
0x258: {  	v23 =	vor.u32 v33, v1;
	v4 =	vld.idx.msk [tilespmem:v12+s21+$0x0], $0xffff  }
0x259: {  	v5 =	vld.idx.msk [tilespmem:v13+s21+$0x0], $0xffff  }
0x25a: {  	v27 =	vor.u32 v47, v1;
	v8 =	vld.idx.msk [tilespmem:v22+s21+$0x0], $0xffff  }
0x25b: {  	v21 =	vor.u32 v25, v1;
	v22 =	vld [tilespmem:$0x1FDE0]  }
0x25c: {  	v12 =	vld.idx.msk [tilespmem:v28+s21+$0x0], $0xffff  }
0x25d: {  	v26 =	vor.u32 v51, v1;
	v9 =	vld.idx.msk [tilespmem:v23+s21+$0x0], $0xffff  }
0x25e: {  	v23 =	vld [tilespmem:$0x1FDF0]  }
0x25f: {  	v11 =	vld.idx.msk [tilespmem:v27+s21+$0x0], $0xffff  }
0x260: {  	v7 =	vld.idx.msk [tilespmem:v21+s21+$0x0], $0xffff  }
0x261: {  	v14 =	vor.u32 v63, v1;
	v21 =	vld [tilespmem:$0x1FDD0]  }
0x262: {  	v20 =	vor.u32 v24, v1;
	v10 =	vld.idx.msk [tilespmem:v26+s21+$0x0], $0xffff  }
0x263: {  	v26 =	vld [tilespmem:$0x1FE00]  }
0x264: {  	v27 =	vld [tilespmem:$0x1FE10]  }
0x265: {  	v28 =	vld [tilespmem:$0x1F990]  }
0x266: {  	v6 =	vld.idx.msk [tilespmem:v14+s21+$0x0], $0xffff;
	v14 =	vor.u32 v22, v1  }
0x267: {  	v2 =	vld.idx.msk [tilespmem:v20+s21+$0x0], $0xffff;
	v19 =	vor.u32 v23, v1  }
0x268: {  	v13 =	vor.u32 v21, v1;
	v20 =	vor.u32 v26, v1;
	v26 =	vld [tilespmem:$0x1F9A0]  }
0x269: {  	v1 =	vor.u32 v27, v1;
	v27 =	vld [tilespmem:$0x1F9B0]  }
0x26a: {  	v21 =	vor.u32 v28, v18;
	v28 =	vld [tilespmem:$0x1F9C0]  }
0x26b: {  	v14 =	vld.idx.msk [tilespmem:v14+s21+$0x0], $0xffff  }
0x26c: {  	v19 =	vld.idx.msk [tilespmem:v19+s21+$0x0], $0xffff  }
0x26d: {  	v13 =	vld.idx.msk [tilespmem:v13+s21+$0x0], $0xffff;
	v22 =	vor.u32 v26, v18  }
0x26e: {  	v23 =	vor.u32 v27, v18;
	v20 =	vld.idx.msk [tilespmem:v20+s21+$0x0], $0xffff  }
0x26f: {  	v26 =	vor.u32 v28, v18;
	v1 =	vld.idx.msk [tilespmem:v1+s21+$0x0], $0xffff  }
0x270: {  	v27 =	vld [tilespmem:$0x1F8C0]  }
0x271: {  	[tilespmem:v21+s22+$0x0] =	vst.idx.msk $0xffff, v3;
	v21 =	vld [tilespmem:$0x1F8D0]  }
0x272: {  	[tilespmem:v22+s22+$0x0] =	vst.idx.msk $0xffff, v4;
	v22 =	vld [tilespmem:$0x1F8E0]  }
0x273: {  	[tilespmem:v23+s22+$0x0] =	vst.idx.msk $0xffff, v5;
	v23 =	vld [tilespmem:$0x1F8F0]  }
0x274: {  	[tilespmem:v26+s22+$0x0] =	vst.idx.msk $0xffff, v6;
	v26 =	vld [tilespmem:$0x1F900]  }
0x275: {  	v28 =	vld [tilespmem:$0x1F910];
	v27 =	vor.u32 v27, v18  }
0x276: {  	v3 =	vor.u32 v21, v18  }
0x277: {  	v4 =	vor.u32 v22, v18  }
0x278: {  	v5 =	vor.u32 v23, v18  }
0x279: {  	v6 =	vor.u32 v26, v18  }
0x27a: {  	[tilespmem:v27+s22+$0x0] =	vst.idx.msk $0xffff, v2;
	v2 =	vor.u32 v28, v18  }
0x27b: {  	v21 =	vld [tilespmem:$0x1F920];
	[tilespmem:v3+s22+$0x0] =	vst.idx.msk $0xffff, v7  }
0x27c: {  	v22 =	vld [tilespmem:$0x1F930];
	[tilespmem:v4+s22+$0x0] =	vst.idx.msk $0xffff, v8  }
0x27d: {  	v23 =	vld [tilespmem:$0x1F940];
	[tilespmem:v5+s22+$0x0] =	vst.idx.msk $0xffff, v9  }
0x27e: {  	v27 =	vld [tilespmem:$0x1F950];
	[tilespmem:v6+s22+$0x0] =	vst.idx.msk $0xffff, v10  }
0x27f: {  	[tilespmem:v2+s22+$0x0] =	vst.idx.msk $0xffff, v11;
	v11 =	vld [tilespmem:$0x1F960]  }
0x280: {  	v3 =	vor.u32 v21, v18  }
0x281: {  	v4 =	vor.u32 v22, v18  }
0x282: {  	v28 =	vlaneseq.u32;
	v26 =	vmov s17;
	v5 =	vor.u32 v23, v18  }
0x283: {  	v7 =	vshll.u32 v26, $0x3;
	v8 =	vor.u32 s17, v28;
	v6 =	vor.u32 v27, v18  }
0x284: {  	v7 =	vand.u32 $0xC00, v7;
	v8 =	vand.u32 $0x7F, v8;
	v2 =	vor.u32 v11, v18  }
0x285: {  	v7 =	vor.u32 v7, v8;
	[tilespmem:v3+s22+$0x0] =	vst.idx.msk $0xffff, v12;
	v12 =	vor.u32 v48, v18  }
0x286: {  	[tilespmem:v4+s22+$0x0] =	vst.idx.msk $0xffff, v13;
	v18 =	vor.u32 v15, v7  }
0x287: {  	v21 =	vor.u32 v29, v7;
	[tilespmem:v5+s22+$0x0] =	vst.idx.msk $0xffff, v14  }
0x288: {  	v22 =	vor.u32 v44, v7;
	[tilespmem:v6+s22+$0x0] =	vst.idx.msk $0xffff, v19  }
0x289: {  	v23 =	vor.u32 v37, v7;
	[tilespmem:v2+s22+$0x0] =	vst.idx.msk $0xffff, v20  }
0x28a: {  	v26 =	vor.u32 v45, v7;
	v45 =	vld [tilespmem:$0x1FAC0];
	[tilespmem:v12+s22+$0x0] =	vst.idx.msk $0xffff, v1  }
0x28b: {  	v27 =	vor.u32 v38, v7;
	v3 =	vld.idx.msk [tilespmem:v18+s21+$0x0], $0xffff  }
0x28c: {  	v8 =	vor.u32 v39, v7;
	v5 =	vld.idx.msk [tilespmem:v21+s21+$0x0], $0xffff  }
0x28d: {  	v28 =	vor.u32 v31, v7;
	v6 =	vld.idx.msk [tilespmem:v22+s21+$0x0], $0xffff  }
0x28e: {  	v29 =	vor.u32 v40, v7;
	v2 =	vld.idx.msk [tilespmem:v23+s21+$0x0], $0xffff  }
0x28f: {  	v31 =	vor.u32 v34, v7;
	v1 =	vld.idx.msk [tilespmem:v26+s21+$0x0], $0xffff  }
0x290: {  	v34 =	vor.u32 v43, v7;
	v4 =	vld.idx.msk [tilespmem:v27+s21+$0x0], $0xffff  }
0x291: {  	v37 =	vor.u32 v32, v7;
	v8 =	vld.idx.msk [tilespmem:v8+s21+$0x0], $0xffff  }
0x292: {  	v38 =	vor.u32 v35, v7;
	v9 =	vld.idx.msk [tilespmem:v28+s21+$0x0], $0xffff  }
0x293: {  	v40 =	vor.u32 v46, v7;
	v10 =	vld.idx.msk [tilespmem:v29+s21+$0x0], $0xffff  }
0x294: {  	v43 =	vor.u32 v53, v7;
	v11 =	vld.idx.msk [tilespmem:v31+s21+$0x0], $0xffff  }
0x295: {  	v39 =	vmov s15;
	v44 =	vor.u32 v36, v7;
	v12 =	vld.idx.msk [tilespmem:v34+s21+$0x0], $0xffff  }
0x296: {  	v18 =	vshll.u32 v39, $0x7;
	v13 =	vld.idx.msk [tilespmem:v37+s21+$0x0], $0xffff  }
0x297: {  	v14 =	vld.idx.msk [tilespmem:v38+s21+$0x0], $0xffff;
	v18 =	vor.u32 v0, v18  }
0x298: {  	v19 =	vld.idx.msk [tilespmem:v40+s21+$0x0], $0xffff;
	v46 =	vor.u32 v45, v18  }
0x299: {  	v20 =	vld.idx.msk [tilespmem:v43+s21+$0x0], $0xffff;
	v53 =	vor.u32 v49, v18  }
0x29a: {  	v21 =	vld.idx.msk [tilespmem:v44+s21+$0x0], $0xffff;
	v15 =	vor.u32 v30, v18  }
0x29b: {  	v38 =	vld [tilespmem:$0x1FCC0];
	v32 =	vor.u32 v60, v18  }
0x29c: {  	v23 =	vld [tilespmem:$0x1FDD0];
	v34 =	vor.u32 v54, v18  }
0x29d: {  	v27 =	vld [tilespmem:$0x1FDF0];
	v35 =	vor.u32 v41, v18;
	[tilespmem:v46+s22+$0x0] =	vst.idx.msk $0xffff, v3  }
0x29e: {  	v29 =	vld [tilespmem:$0x1FE00];
	v36 =	vor.u32 v57, v18;
	[tilespmem:v53+s22+$0x0] =	vst.idx.msk $0xffff, v5  }
0x29f: {  	v37 =	vor.u32 v58, v18;
	v49 =	vld [tilespmem:$0x1F8B0];
	[tilespmem:v15+s22+$0x0] =	vst.idx.msk $0xffff, v6  }
0x2a0: {  	v31 =	vld [tilespmem:$0x1FE10];
	v39 =	vor.u32 v38, v18;
	[tilespmem:v32+s22+$0x0] =	vst.idx.msk $0xffff, v2  }
0x2a1: {  	v40 =	vor.u32 v16, v18;
	v45 =	vld [tilespmem:$0x1F8A0];
	[tilespmem:v34+s22+$0x0] =	vst.idx.msk $0xffff, v1  }
0x2a2: {  	v41 =	vor.u32 v42, v18;
	v58 =	vor.u32 v25, v7;
	v25 =	vld [tilespmem:$0x1FDE0];
	[tilespmem:v35+s22+$0x0] =	vst.idx.msk $0xffff, v4  }
0x2a3: {  	v42 =	vor.u32 v50, v18;
	v43 =	vor.u32 v59, v18;
	v38 =	vld [tilespmem:$0x1F9C0];
	[tilespmem:v36+s22+$0x0] =	vst.idx.msk $0xffff, v8  }
0x2a4: {  	v44 =	vor.u32 v52, v18;
	v50 =	vor.u32 v49, v18;
	v49 =	vld [tilespmem:$0x1F900];
	[tilespmem:v37+s22+$0x0] =	vst.idx.msk $0xffff, v9  }
0x2a5: {  	v53 =	vor.u32 v61, v7;
	v61 =	vor.u32 v51, v7;
	v51 =	vld [tilespmem:$0x1F910];
	[tilespmem:v39+s22+$0x0] =	vst.idx.msk $0xffff, v10  }
0x2a6: {  	v46 =	vor.u32 v45, v18;
	v32 =	vld [tilespmem:$0x1F990];
	[tilespmem:v40+s22+$0x0] =	vst.idx.msk $0xffff, v11  }
0x2a7: {  	v34 =	vld [tilespmem:$0x1F9A0];
	[tilespmem:v41+s22+$0x0] =	vst.idx.msk $0xffff, v12  }
0x2a8: {  	v52 =	vor.u32 v56, v7;
	v36 =	vld [tilespmem:$0x1F9B0];
	[tilespmem:v42+s22+$0x0] =	vst.idx.msk $0xffff, v13  }
0x2a9: {  	v40 =	vld [tilespmem:$0x1F8C0];
	[tilespmem:v43+s22+$0x0] =	vst.idx.msk $0xffff, v14  }
0x2aa: {  	v54 =	vor.u32 v62, v7;
	v42 =	vld [tilespmem:$0x1F8D0];
	[tilespmem:v44+s22+$0x0] =	vst.idx.msk $0xffff, v19  }
0x2ab: {  	v56 =	vor.u32 v63, v7;
	v44 =	vld [tilespmem:$0x1F8E0];
	[tilespmem:v46+s22+$0x0] =	vst.idx.msk $0xffff, v20  }
0x2ac: {  	v57 =	vor.u32 v24, v7;
	v46 =	vld [tilespmem:$0x1F8F0];
	[tilespmem:v50+s22+$0x0] =	vst.idx.msk $0xffff, v21  }
0x2ad: {  	v4 =	vld.idx.msk [tilespmem:v52+s21+$0x0], $0xffff  }
0x2ae: {  	v59 =	vor.u32 v17, v7;
	v5 =	vld.idx.msk [tilespmem:v53+s21+$0x0], $0xffff  }
0x2af: {  	v60 =	vor.u32 v33, v7;
	v2 =	vld.idx.msk [tilespmem:v54+s21+$0x0], $0xffff  }
0x2b0: {  	v1 =	vld.idx.msk [tilespmem:v56+s21+$0x0], $0xffff  }
0x2b1: {  	v62 =	vor.u32 v47, v7;
	v3 =	vld.idx.msk [tilespmem:v57+s21+$0x0], $0xffff  }
0x2b2: {  	v63 =	vor.u32 v55, v7;
	v6 =	vld.idx.msk [tilespmem:v58+s21+$0x0], $0xffff  }
0x2b3: {  	v24 =	vor.u32 v23, v7;
	v8 =	vld.idx.msk [tilespmem:v59+s21+$0x0], $0xffff  }
0x2b4: {  	v26 =	vor.u32 v25, v7;
	v9 =	vld.idx.msk [tilespmem:v60+s21+$0x0], $0xffff  }
0x2b5: {  	v28 =	vor.u32 v27, v7;
	v10 =	vld.idx.msk [tilespmem:v61+s21+$0x0], $0xffff  }
0x2b6: {  	v30 =	vor.u32 v29, v7;
	v11 =	vld.idx.msk [tilespmem:v62+s21+$0x0], $0xffff  }
0x2b7: {  	v7 =	vor.u32 v31, v7;
	v12 =	vld.idx.msk [tilespmem:v63+s21+$0x0], $0xffff  }
0x2b8: {  	v33 =	vor.u32 v32, v18;
	v13 =	vld.idx.msk [tilespmem:v24+s21+$0x0], $0xffff  }
0x2b9: {  	v35 =	vor.u32 v34, v18;
	v14 =	vld.idx.msk [tilespmem:v26+s21+$0x0], $0xffff  }
0x2ba: {  	v37 =	vor.u32 v36, v18;
	v19 =	vld.idx.msk [tilespmem:v28+s21+$0x0], $0xffff  }
0x2bb: {  	v39 =	vor.u32 v38, v18;
	v20 =	vld.idx.msk [tilespmem:v30+s21+$0x0], $0xffff  }
0x2bc: {  	v41 =	vor.u32 v40, v18;
	v7 =	vld.idx.msk [tilespmem:v7+s21+$0x0], $0xffff  }
0x2bd: {  	v43 =	vor.u32 v42, v18;
	v53 =	vld [tilespmem:$0x1F920];
	[tilespmem:v33+s22+$0x0] =	vst.idx.msk $0xffff, v4  }
0x2be: {  	v55 =	vld [tilespmem:$0x1F930];
	v45 =	vor.u32 v44, v18;
	[tilespmem:v35+s22+$0x0] =	vst.idx.msk $0xffff, v5  }
0x2bf: {  	v57 =	vld [tilespmem:$0x1F940];
	v47 =	vor.u32 v46, v18;
	[tilespmem:v37+s22+$0x0] =	vst.idx.msk $0xffff, v2  }
0x2c0: {  	v50 =	vor.u32 v49, v18;
	v59 =	vld [tilespmem:$0x1F950];
	[tilespmem:v39+s22+$0x0] =	vst.idx.msk $0xffff, v1  }
0x2c1: {  	v52 =	vor.u32 v51, v18;
	v61 =	vld [tilespmem:$0x1F960];
	[tilespmem:v41+s22+$0x0] =	vst.idx.msk $0xffff, v3  }
0x2c2: {  	v54 =	vor.u32 v53, v18;
	[tilespmem:v43+s22+$0x0] =	vst.idx.msk $0xffff, v6  }
0x2c3: {  	v56 =	vor.u32 v55, v18;
	[tilespmem:v45+s22+$0x0] =	vst.idx.msk $0xffff, v8  }
0x2c4: {  	v58 =	vor.u32 v57, v18;
	[tilespmem:v47+s22+$0x0] =	vst.idx.msk $0xffff, v9  }
0x2c5: {  	v60 =	vor.u32 v59, v18;
	[tilespmem:v50+s22+$0x0] =	vst.idx.msk $0xffff, v10  }
0x2c6: {  	s12 =	sadd.s32 $0x2, s12;
	v62 =	vor.u32 v61, v18;
	[tilespmem:v52+s22+$0x0] =	vst.idx.msk $0xffff, v11  }
0x2c7: {  	p2 =	slt.u32 s12, $0x1E;
	v63 =	vor.u32 v48, v18;
	[tilespmem:v54+s22+$0x0] =	vst.idx.msk $0xffff, v12  }
.Ltmp6:
0x2c8: {  	[tilespmem:v56+s22+$0x0] =	vst.idx.msk $0xffff, v13;
	(pc) =	sbr.rel @p2 .LBB2_8-.Ltmp6, $4  }
0x2c9: {  	[tilespmem:v58+s22+$0x0] =	vst.idx.msk $0xffff, v14  }
0x2ca: {  	[tilespmem:v60+s22+$0x0] =	vst.idx.msk $0xffff, v19  }
0x2cb: {  	[tilespmem:v62+s22+$0x0] =	vst.idx.msk $0xffff, v20  }
0x2cc: {  	s17 =	sadd.s32 $0x20, s17;
	s15 =	sadd.s32 $0x8, s15;
	[tilespmem:v63+s22+$0x0] =	vst.idx.msk $0xffff, v7  }
0x2cd: {  	v1 =	vld [tilespmem:$0x1FCB0]  }
0x2ce: {  	v15 =	vld [tilespmem:$0x1FCC0]  }
0x2cf: {  	v6 =	vld [tilespmem:$0x1FE20]  }
0x2d0: {  	v7 =	vld [tilespmem:$0x1FE30]  }
0x2d1: {  	v8 =	vld [tilespmem:$0x1FE40]  }
0x2d2: {  	v9 =	vld [tilespmem:$0x1FE50]  }
0x2d3: {  	v13 =	vld [tilespmem:$0x1FE60]  }
0x2d4: {  	v10 =	vld [tilespmem:$0x1FE70]  }
0x2d5: {  	v12 =	vld [tilespmem:$0x1FE80]  }
0x2d6: {  	v11 =	vld [tilespmem:$0x1FE90]  }
.Ltmp7:
0x2d7: {  	v14 =	vld [tilespmem:$0x1FEA0];
	(pc) =	sbr.rel .LBB2_10-.Ltmp7, $4  }
0x2d8: {  	v4 =	vld [tilespmem:$0x1FEB0]  }
0x2d9: {  	s11 =	sshll.u32 s11, $0xB;
	v26 =	vld [tilespmem:$0x1FEC0]  }
0x2da: {  	v27 =	vld [tilespmem:$0x1FED0];
	s11 =	sadd.s32 s7, s11  }
0x2db: {  	v32 =	vld [tilespmem:$0x1FAD0];
	[hbm4b:s11+s4] =	stream.linear.scatter [tilespmem:s22], [sflag:$0x4], $0x4000, $0x38  }
.LBB2_11:
0x2dc: {  	s9 =	simm.s32 $0x3  }
0x2dd: {  	_ =	swait.ge [sflag:s9], $0x4000  }
0x2de: {  	[sflag:s9] =	ssyncset.done $0x0  }
0x2df: {  	s15 =	simm.s32 $0x4;
	[sflag:s9] =	ssyncadd.s32 $0xFFFFC000  }
0x2e0: {  	_ =	swait.ge [sflag:s15], $0x4000  }
0x2e1: {  	s11 =	simm.s32 @!p1 $0x8000;
	[sflag:s15] =	ssyncset.done $0x0  }
0x2e2: {  	s9 =	simm.s32 @!p1 $0x0;
	s12 =	rddreg [dreg:$0x5];
	[sflag:s15] =	ssyncadd.s32 $0xFFFFC000  }
0x2e3: {  	[tilespmem:s11], [sflag:$0xC] =	stream.linear.gather @!p1 [hbm4b:s12+s9], $0x800, $0x38;
	[tilespmem:$0x18600] =	vst v63  }
0x2e4: {  	s12 =	simm.s32 @!p1 $0xC  }
0x2e5: {  	_ =	swait.ge @!p1 [sflag:s12], $0x800  }
0x2e6: {  	[sflag:s12] =	ssyncset.done @!p1 $0x0  }
0x2e7: {  	s15 =	rddreg [dreg:$0x7];
	[sflag:s12] =	ssyncadd.s32 @!p1 $0xFFFFF800  }
0x2e8: {  	[hbm4b:s15+s9] =	stream.linear.scatter @!p1 [tilespmem:s11], [sflag:$0xC], $0x800, $0x38;
	[tilespmem:$0x18600] =	vst v63  }
0x2e9: {  	_ =	swait.ge @!p1 [sflag:s12], $0x800  }
0x2ea: {  	[sflag:s12] =	ssyncset.done @!p1 $0x0  }
0x2eb: {  	[sflag:s12] =	ssyncadd.s32 @!p1 $0xFFFFF800  }
0x2ec: {  	s9 =	simm.s32 @!p0 $0x100000;
	[bflag:$0x0] =	sbarrier.arrive $0xFFFF  }
0x2ed: {  	[smem:s9], [sflag:$0x0] =	smem.add.s32 @!p0 $0x0;
	s9 =	simm.s32 @!p0 $0x0  }
0x2ee: {  	_ =	swait.done @!p0 [sflag:s9]  }
0x2ef: {  	s11 =	ssyncread @!p0 [sflag:$0x0];
	_ =	sdelay $0x1  }
0x2f0: {  	s12 =	rddreg [dreg:$0x8]  }
0x2f1: {  	s11 =	sadd.s32 @!p0 s12, s11  }
0x2f2: {  	s12 =	rddreg [dreg:$0xb];
	s11 =	sshll.u32 @!p0 s11, $0x11  }
0x2f3: {  	[sflag:s9] =	ssyncset.s32 @!p0 $0x0;
	s11 =	sor.u32 @!p0 s11, s12  }
0x2f4: {  	[sflag:s9] =	ssyncset.done @!p0 $0x0;
	s9 =	sor.u32 @!p0 $0x1C0B, s11  }
0x2f5: {  	[sflag:s9] =	ssyncadd.remote.s32 @!p0 $0x1;
	s9 =	simm.s32 @!p0 $0xB  }
0x2f6: {  	_ =	swait.ge @!p0 [sflag:s9], $0x1  }
0x2f7: {  	[sflag:s9] =	ssyncset.done @!p0 $0x0  }
0x2f8: {  	[sflag:s9] =	ssyncadd.s32 @!p0 $0xFFFFFFFF  }
0x2f9: {  	[bflag:$0x0] =	sbarrier.arrive $0xFFFF  }
0x2fa: {  	v18 =	vld [tilespmem:$0x1FEE0]  }
0x2fb: {  	v24 =	vld [tilespmem:$0x1FEF0]  }
0x2fc: {  	v25 =	vld [tilespmem:$0x1FF00]  }
0x2fd: {  	v28 =	vld [tilespmem:$0x1FF10]  }
0x2fe: {  	v30 =	vld [tilespmem:$0x1FF20]  }
0x2ff: {  	v31 =	vld [tilespmem:$0x1FF30]  }
0x300: {  	v32 =	vld [tilespmem:$0x1FF40]  }
0x301: {  	v33 =	vld [tilespmem:$0x1FF50]  }
0x302: {  	v50 =	vld [tilespmem:$0x1FF70]  }
0x303: {  	v51 =	vld [tilespmem:$0x1FF80]  }
0x304: {  	v52 =	vld [tilespmem:$0x1FF90]  }
0x305: {  	v53 =	vld [tilespmem:$0x1FFB0]  }
0x306: {  	v54 =	vld [tilespmem:$0x1FFC0]  }
0x307: {  	s26 =	simm.s32 $0x80;
	v55 =	vld [tilespmem:$0x1FFD0]  }
0x308: {  	s28 =	simm.s32 $0x400;
	s9 =	simm.s32 $0x0;
	s17 =	rddreg [dreg:$0x9];
	v56 =	vld [tilespmem:$0x1FFE0]  }
0x309: {  	v29 =	vlaneseq.u32;
	v57 =	vld [tilespmem:$0x1FFF0];
	[tilespmem:s29], [sflag:$0x5] =	stream.strided.gather [hbm4b:s17+s26], $0x100, s28, s26, $0x38  }
.LBB2_12:
0x30a: {  	_ =	swait.ge [sflag:s30], $0x100  }
0x30b: {  	v35 =	vld [tilespmem:$0x1FB50]  }
0x30c: {  	v36 =	vld [tilespmem:$0x1FB60]  }
0x30d: {  	v37 =	vld [tilespmem:$0x1FB70]  }
0x30e: {  	v38 =	vld [tilespmem:$0x1FB80]  }
0x30f: {  	v39 =	vld [tilespmem:$0x1FB90]  }
0x310: {  	v40 =	vld [tilespmem:$0x1FBA0]  }
0x311: {  	v61 =	vld [tilespmem:$0x1FBB0]  }
0x312: {  	v4 =	vld [tilespmem:$0x1FBC0]  }
0x313: {  	v5 =	vld [tilespmem:$0x1FBD0]  }
0x314: {  	v41 =	vld [tilespmem:$0x1FBE0]  }
0x315: {  	v43 =	vld [tilespmem:$0x1FBF0]  }
0x316: {  	v48 =	vld [tilespmem:$0x1FC00]  }
0x317: {  	v63 =	vld [tilespmem:$0x1FC10]  }
0x318: {  	[sflag:s30] =	ssyncset.done $0x0;
	v42 =	vld [tilespmem:$0x1FC20]  }
0x319: {  	s11 =	simm.s32 $0x0;
	v44 =	vld [tilespmem:$0x1FC30];
	[sflag:s30] =	ssyncadd.s32 $0xFFFFFF00  }
0x31a: {  	v0 =	vld [tilespmem:s11+$0x18000]  }
0x31b: {  	s12 =	simm.s32 $0x40;
	v62 =	vld [tilespmem:$0x1FC40]  }
.LBB2_13:
0x31c: {  	p2 =	sne.s32 s12, $0x3C0  }
.Ltmp8:
0x31d: {  	_ = 	snop;
	(pc) =	sbr.rel @p2 .LBB2_13-.Ltmp8, $4  }
0x31e: {  	_ = 	snop  }
0x31f: {  	s15 =	sshra.s32 s12, $0x2;
	s12 =	sadd.s32 $0x40, s12;
	v1 =	vshra.s32 v0, $0x2;
	v2 =	vand.u32 $0x3, v0  }
0x320: {  	v0 =	vld [tilespmem:s15+$0x18000];
	[tilespmem:s11+$0x18400] =	vst v2  }
0x321: {  	[tilespmem:s11+$0x18200] =	vst v1;
	s11 =	smov.u32 s15  }
0x322: {  	_ =	sdelay $0x2  }
0x323: {  	v1 =	vand.u32 $0x3, v0  }
0x324: {  	v60 =	vshra.s32 v0, $0x2;
	[tilespmem:s11+$0x18400] =	vst v1  }
0x325: {  	[tilespmem:s11+$0x18200] =	vst v60;
	s11 =	sshllo.u32 s9, $0x1  }
0x326: {  	[tilespmem:s19], [sflag:$0x7] =	stream.indirect.gather [hbm4b:s7+s31], $0x80, s2, s31, $0xb8;
	[tilespmem:$0x18600] =	vst v63  }
0x327: {  	p2 =	sgt.u32 s11, $0x18  }
0x328: {  	s11 =	sadd.s32 @!p2 s8, s11  }
0x329: {  	s17 =	simm.s32 @!p2 $0x400;
	s12 =	sshll.u32 @!p2 s11, $0x5;
	s15 =	sshll.u32 @!p2 s11, $0x8  }
0x32a: {  	s11 =	sand.u32 @!p2 $0x70, s11;
	s12 =	sand.u32 @!p2 $0xFFFF000, s12;
	s15 =	sand.u32 @!p2 $0xF00, s15  }
0x32b: {  	s26 =	simm.s32 @!p2 $0x18100;
	s12 =	sor.u32 @!p2 s15, s12;
	s15 =	sadd.s32 @!p2 s0, s11  }
0x32c: {  	s11 =	sshll.u32 s9, $0x1;
	s12 =	sadd.s32 @!p2 s12, s15;
	s15 =	simm.s32 @!p2 $0x80  }
0x32d: {  	[tilespmem:s26], [sflag:$0x6] =	stream.strided.gather @!p2 [hbm4b:s12+s15], $0x100, s17, s15, $0x38;
	[tilespmem:$0x18600] =	vst v63  }
0x32e: {  	s12 =	sadd.s32 $0xFFFFFFFF, s11  }
0x32f: {  	p3 =	sgt.u32 s12, $0x18  }
.Ltmp9:
0x330: {  	_ = 	snop;
	(pc) =	sbr.rel @p3 .LBB2_18-.Ltmp9, $1  }
0x331: {  	_ =	sdelay $0x3  }
0x332: {  	_ =	swait.ge [sflag:s5], $0x8000  }
0x333: {  	p3 =	slt.u32 s9, $0x2;
	[sflag:s5] =	ssyncset.done $0x0  }
0x334: {  	s15 =	simm.s32 @!p3 $0xA;
	[sflag:s5] =	ssyncadd.s32 $0xFFFF8000  }
0x335: {  	_ =	swait.ge @!p3 [sflag:s15], $0x2000  }
0x336: {  	v60 =	vld [tilespmem:$0x1FD50]  }
0x337: {  	v45 =	vld [tilespmem:$0x1FD60]  }
0x338: {  	v46 =	vld [tilespmem:$0x1FD80]  }
0x339: {  	v47 =	vld [tilespmem:$0x1FD90]  }
0x33a: {  	s12 =	sadd.s32 s8, s12;
	[sflag:s15] =	ssyncset.done @!p3 $0x0;
	v34 =	vld [tilespmem:$0x1FDA0]  }
0x33b: {  	s17 =	simm.s32 $0x18500;
	v15 =	vmov v4;
	v16 =	vmov v5;
	v49 =	vld [tilespmem:$0x1FDB0];
	[sflag:s15] =	ssyncadd.s32 @!p3 $0xFFFFE000;
	s15 =	simm.s32 $0x0  }
.LBB2_16:
0x33c: {  	_ =	sdelay $0x2  }
0x33d: {  	v1 =	vmov s15;
	v10 =	vor.u32 s15, v29  }
0x33e: {  	v1 =	vshll.u32 v1, $0x3;
	v2 =	vsel vm0, v24, v18;
	v3 =	vsel vm0, v28, v25  }
0x33f: {  	v5 =	vsel vm0, v31, v30;
	v6 =	vsel vm0, v33, v32;
	v8 =	vsel vm0, v51, v50  }
0x340: {  	v9 =	vsel vm0, v53, v52;
	v12 =	vsel vm0, v55, v54;
	v13 =	vsel vm0, v57, v56  }
0x341: {  	v17 =	vsel vm0, v25, v24;
	v19 =	vsel vm0, v32, v31;
	v20 =	vsel vm0, v30, v33  }
0x342: {  	v0 =	vld [tilespmem:s17+$0x0];
	v23 =	vsel vm0, v52, v51;
	v4 =	vcombine.low v3, v2;
	v7 =	vcombine.low v6, v5  }
0x343: {  	v24 =	vsel vm0, v50, v53;
	v11 =	vcombine.low v9, v8;
	v14 =	vcombine.low v13, v12  }
0x344: {  	v1 =	vand.u32 $0x400, v1;
	v22 =	vcombine.low v20, v19;
	v27 =	vcombine.low v24, v23  }
0x345: {  	v25 =	vsel vm0, v56, v55;
	v2 =	vcombine.low v2, v3;
	v5 =	vcombine.low v5, v6  }
0x346: {  	v26 =	vsel vm0, v54, v57;
	v51 =	vcombine.low v8, v9;
	v52 =	vcombine.low v12, v13  }
0x347: {  	v12 =	vcombine.low v19, v20;
	v13 =	vcombine.low v23, v24;
	v4 =	vadd.s32 v4, v0  }
0x348: {  	v7 =	vadd.s32 v7, v0;
	v11 =	vadd.s32 v11, v0;
	v14 =	vadd.s32 v14, v0  }
0x349: {  	v22 =	vadd.s32 v22, v0;
	v50 =	vadd.s32 v27, v0;
	v2 =	vadd.s32 v2, v0  }
0x34a: {  	v18 =	vld [tilespmem:$0x1FEE0];
	v5 =	vadd.s32 v5, v0;
	v6 =	vadd.s32 v51, v0;
	v8 =	vadd.s32 v52, v0  }
0x34b: {  	v12 =	vadd.s32 v12, v0;
	v13 =	vadd.s32 v13, v0;
	v19 =	vand.u32 $0xFFFFFF80, v4  }
0x34c: {  	v4 =	vand.u32 $0x7F, v4;
	v20 =	vand.u32 $0xFFFFFF80, v7;
	v7 =	vand.u32 $0x7F, v7  }
0x34d: {  	v54 =	vand.u32 $0xFFFFFF80, v22;
	v22 =	vand.u32 $0x7F, v22;
	v55 =	vand.u32 $0xFFFFFF80, v50  }
0x34e: {  	v3 =	vand.u32 $0x7F, v50;
	v59 =	vand.u32 $0xFFFFFF80, v2;
	v2 =	vand.u32 $0x7F, v2  }
0x34f: {  	v32 =	vand.u32 $0xFFFFFF80, v5;
	v5 =	vand.u32 $0x7F, v5;
	v18 =	vsel vm0, v18, v28  }
0x350: {  	v50 =	vand.u32 $0xFFFFFF80, v6;
	v28 =	vcombine.low v26, v25;
	v21 =	vcombine.low v18, v17  }
0x351: {  	v24 =	vand.u32 $0xFFFFFF80, v8;
	v53 =	vcombine.low v17, v18;
	v17 =	vcombine.low v25, v26  }
0x352: {  	v8 =	vand.u32 $0x7F, v8;
	v27 =	vadd.s32 v28, v0;
	v21 =	vadd.s32 v21, v0  }
0x353: {  	v18 =	vadd.s32 v17, v0;
	v17 =	vshll.u32 v10, $0x7;
	v56 =	vand.u32 $0xFFFFFF80, v27  }
0x354: {  	v19 =	vadd.s32 v17, v19;
	v20 =	vadd.s32 v17, v20;
	v23 =	vadd.s32 v17, v54  }
0x355: {  	v33 =	vadd.s32 v17, v32;
	v24 =	vadd.s32 v17, v24;
	v4 =	vor.u32 v4, v19  }
0x356: {  	v29 =	vld [tilespmem:$0x1FA30];
	v7 =	vor.u32 v7, v20;
	v19 =	vand.u32 $0xFFFFFF80, v11;
	v11 =	vand.u32 $0x7F, v11  }
0x357: {  	v31 =	vld [tilespmem:$0x1FA40];
	v20 =	vand.u32 $0xFFFFFF80, v14;
	v14 =	vand.u32 $0x7F, v14;
	v19 =	vadd.s32 v17, v19  }
0x358: {  	v25 =	vld [tilespmem:$0x1FA10];
	v11 =	vor.u32 v11, v19;
	v19 =	vadd.s32 v17, v20;
	v20 =	vand.u32 $0xFFFFFF80, v21  }
0x359: {  	v28 =	vld [tilespmem:$0x1FA20];
	v5 =	vor.u32 v5, v33;
	v21 =	vand.u32 $0x7F, v21;
	v20 =	vadd.s32 v17, v20  }
0x35a: {  	v14 =	vor.u32 v14, v19;
	v19 =	vor.u32 v21, v20;
	v21 =	vadd.s32 v17, v55;
	v55 =	vld [tilespmem:$0x1F9F0]  }
0x35b: {  	v8 =	vor.u32 v8, v24;
	v20 =	vor.u32 v22, v23;
	v22 =	vadd.s32 v17, v56;
	v56 =	vld [tilespmem:$0x1FA00]  }
0x35c: {  	v6 =	vand.u32 $0x7F, v6;
	v52 =	vand.u32 $0xFFFFFF80, v12;
	v12 =	vand.u32 $0x7F, v12;
	v4 =	vld.idx.msk [tilespmem:v4+s22+$0x0], $0xffff  }
0x35d: {  	v9 =	vadd.s32 v53, v0;
	v57 =	vand.u32 $0x7F, v27;
	v53 =	vand.u32 $0xFFFFFF80, v13;
	v7 =	vld.idx.msk [tilespmem:v7+s22+$0x0], $0xffff  }
0x35e: {  	v13 =	vand.u32 $0x7F, v13;
	v10 =	vand.u32 $0x7F, v10;
	v51 =	vand.u32 $0xFFFFFF80, v9;
	v5 =	vld.idx.msk [tilespmem:v5+s22+$0x0], $0xffff  }
0x35f: {  	v9 =	vand.u32 $0x7F, v9;
	v54 =	vand.u32 $0xFFFFFF80, v18;
	v58 =	vor.u32 v57, v22;
	v57 =	vld [tilespmem:$0x1FA50]  }
0x360: {  	v18 =	vand.u32 $0x7F, v18;
	v23 =	vadd.s32 v17, v50;
	v3 =	vor.u32 v3, v21;
	v8 =	vld.idx.msk [tilespmem:v8+s22+$0x0], $0xffff  }
0x361: {  	v22 =	vadd.s32 v17, v59;
	v6 =	vor.u32 v6, v23;
	v23 =	vadd.s32 v17, v52;
	v59 =	vld [tilespmem:$0x1FA70]  }
0x362: {  	v2 =	vor.u32 v2, v22;
	v22 =	vadd.s32 v17, v51;
	v12 =	vor.u32 v12, v23;
	v11 =	vld.idx.msk [tilespmem:v11+s22+$0x0], $0xffff  }
0x363: {  	v23 =	vadd.s32 v17, v54;
	v9 =	vor.u32 v9, v22;
	v22 =	vadd.s32 v17, v53;
	v14 =	vld.idx.msk [tilespmem:v14+s22+$0x0], $0xffff  }
0x364: {  	v24 =	vor.u32 v1, v10;
	v10 =	vor.u32 v13, v22;
	v13 =	vor.u32 v18, v23;
	v18 =	vld [tilespmem:$0x1F9D0]  }
0x365: {  	v26 =	vsel vm0, v36, v35;
	v27 =	vsel vm0, v38, v37;
	v19 =	vld.idx.msk [tilespmem:v19+s22+$0x0], $0xffff  }
0x366: {  	v30 =	vcombine.low v27, v26;
	v1 =	vld.idx.msk [tilespmem:v20+s22+$0x0], $0xffff  }
0x367: {  	v25 =	vor.u32 v25, v24;
	v20 =	vld [tilespmem:$0x1F9E0]  }
0x368: {  	v29 =	vor.u32 v29, v24;
	v31 =	vor.u32 v31, v24;
	v30 =	vadd.s32 v30, v0;
	v3 =	vld.idx.msk [tilespmem:v3+s22+$0x0], $0xffff  }
0x369: {  	v28 =	vor.u32 v28, v24;
	v50 =	vsel vm0, v40, v39;
	v51 =	vsel vm0, v15, v61;
	v21 =	vld.idx.msk [tilespmem:v58+s22+$0x0], $0xffff  }
0x36a: {  	v53 =	vand.u32 $0xFFFFFF80, v30;
	v54 =	vcombine.low v51, v50;
	v30 =	vand.u32 $0x7F, v30;
	v58 =	vld [tilespmem:$0x1FA60]  }
0x36b: {  	v53 =	vadd.s32 v17, v53;
	v22 =	vor.u32 v55, v24;
	v23 =	vor.u32 v56, v24;
	v6 =	vld.idx.msk [tilespmem:v6+s22+$0x0], $0xffff  }
0x36c: {  	v55 =	vsel vm0, v41, v16;
	v56 =	vsel vm0, v48, v43;
	v2 =	vld.idx.msk [tilespmem:v2+s22+$0x0], $0xffff;
	v18 =	vor.u32 v18, v24  }
0x36d: {  	v54 =	vadd.s32 v54, v0;
	v30 =	vor.u32 v30, v53;
	v12 =	vld.idx.msk [tilespmem:v12+s22+$0x0], $0xffff;
	v20 =	vor.u32 v20, v24  }
0x36e: {  	v32 =	vor.u32 v57, v24;
	v52 =	vor.u32 v59, v24;
	v57 =	vcombine.low v56, v55;
	v9 =	vld.idx.msk [tilespmem:v9+s22+$0x0], $0xffff  }
0x36f: {  	v53 =	vand.u32 $0xFFFFFF80, v54;
	v54 =	vand.u32 $0x7F, v54;
	v59 =	vsel vm0, v62, v44;
	v10 =	vld.idx.msk [tilespmem:v10+s22+$0x0], $0xffff  }
0x370: {  	v57 =	vadd.s32 v57, v0;
	v13 =	vld.idx.msk [tilespmem:v13+s22+$0x0], $0xffff;
	v33 =	vor.u32 v58, v24;
	v58 =	vsel vm0, v42, v63  }
0x371: {  	[tilespmem:v18+s21+$0x0] =	vst.idx.msk $0xffff, v4;
	v4 =	vadd.s32 v17, v53;
	v18 =	vand.u32 $0xFFFFFF80, v57;
	v53 =	vcombine.low v59, v58  }
0x372: {  	[tilespmem:v20+s21+$0x0] =	vst.idx.msk $0xffff, v7;
	v4 =	vor.u32 v54, v4;
	v7 =	vand.u32 $0x7F, v57;
	v18 =	vadd.s32 v17, v18  }
0x373: {  	v54 =	vsel vm0, v35, v38;
	v20 =	vadd.s32 v53, v0;
	v53 =	vsel vm0, v37, v36  }
0x374: {  	[tilespmem:v22+s21+$0x0] =	vst.idx.msk $0xffff, v11;
	v7 =	vor.u32 v7, v18;
	v22 =	vsel vm0, v39, v15;
	v11 =	vand.u32 $0xFFFFFF80, v20  }
0x375: {  	v18 =	vcombine.low v54, v53;
	[tilespmem:v23+s21+$0x0] =	vst.idx.msk $0xffff, v14;
	v14 =	vand.u32 $0x7F, v20;
	v20 =	vsel vm0, v61, v40  }
0x376: {  	v11 =	vadd.s32 v17, v11;
	v23 =	vcombine.low v22, v20;
	[tilespmem:v25+s21+$0x0] =	vst.idx.msk $0xffff, v19  }
0x377: {  	v25 =	vsel vm0, v16, v48;
	v18 =	vadd.s32 v18, v0;
	v11 =	vor.u32 v14, v11  }
0x378: {  	v14 =	vand.u32 $0xFFFFFF80, v18;
	v19 =	vadd.s32 v23, v0;
	v23 =	vsel vm0, v43, v41  }
0x379: {  	[tilespmem:v28+s21+$0x0] =	vst.idx.msk $0xffff, v1;
	v1 =	vadd.s32 v17, v14;
	v14 =	vand.u32 $0xFFFFFF80, v19;
	v28 =	vcombine.low v25, v23  }
0x37a: {  	v18 =	vand.u32 $0x7F, v18;
	[tilespmem:v29+s21+$0x0] =	vst.idx.msk $0xffff, v3;
	v3 =	vand.u32 $0x7F, v19;
	v14 =	vadd.s32 v17, v14  }
0x37b: {  	v1 =	vor.u32 v18, v1;
	v18 =	vld [tilespmem:$0x1FA80];
	v3 =	vor.u32 v3, v14;
	v14 =	vadd.s32 v28, v0  }
0x37c: {  	v29 =	vld [tilespmem:$0x1FA90];
	[tilespmem:v31+s21+$0x0] =	vst.idx.msk $0xffff, v21;
	v19 =	vand.u32 $0xFFFFFF80, v14  }
0x37d: {  	v26 =	vcombine.low v26, v27;
	v27 =	vld [tilespmem:$0x1FF60];
	[tilespmem:v32+s21+$0x0] =	vst.idx.msk $0xffff, v2;
	v32 =	vand.u32 $0x7F, v14;
	v14 =	vadd.s32 v17, v19  }
0x37e: {  	v2 =	vor.u32 v32, v14;
	v14 =	vld [tilespmem:$0x1FFA0]  }
0x37f: {  	v32 =	vld [tilespmem:$0x1FAA0]  }
0x380: {  	v21 =	vsel vm0, v44, v42;
	v28 =	vsel vm0, v63, v62;
	v18 =	vor.u32 v18, v24  }
0x381: {  	v19 =	vcombine.low v28, v21;
	v29 =	vor.u32 v29, v24  }
0x382: {  	v26 =	vadd.s32 v26, v0;
	v27 =	vor.u32 v27, v24  }
0x383: {  	[tilespmem:v33+s21+$0x0] =	vst.idx.msk $0xffff, v5;
	v19 =	vadd.s32 v19, v0;
	v14 =	vor.u32 v14, v24  }
0x384: {  	v31 =	vcombine.low v50, v51;
	[tilespmem:v52+s21+$0x0] =	vst.idx.msk $0xffff, v6;
	v5 =	vor.u32 v32, v24;
	v32 =	vand.u32 $0xFFFFFF80, v19  }
0x385: {  	v6 =	vand.u32 $0x7F, v19;
	v19 =	vadd.s32 v17, v32;
	[tilespmem:v18+s21+$0x0] =	vst.idx.msk $0xffff, v8;
	v18 =	vand.u32 $0xFFFFFF80, v26  }
0x386: {  	v8 =	vcombine.low v55, v56;
	[tilespmem:v29+s21+$0x0] =	vst.idx.msk $0xffff, v9;
	v9 =	vand.u32 $0x7F, v26;
	v18 =	vadd.s32 v17, v18  }
0x387: {  	v6 =	vor.u32 v6, v19;
	v19 =	vadd.s32 v31, v0;
	v9 =	vor.u32 v9, v18  }
0x388: {  	v8 =	vadd.s32 v8, v0;
	[tilespmem:v14+s21+$0x0] =	vst.idx.msk $0xffff, v12;
	v12 =	vcombine.low v58, v59;
	v14 =	vand.u32 $0xFFFFFF80, v19  }
0x389: {  	v59 =	vand.u32 $0x7F, v19;
	v19 =	vcombine.low v23, v25;
	[tilespmem:v27+s21+$0x0] =	vst.idx.msk $0xffff, v10;
	v14 =	vadd.s32 v17, v14  }
0x38a: {  	[tilespmem:v5+s21+$0x0] =	vst.idx.msk $0xffff, v13;
	v58 =	vor.u32 v59, v14;
	v59 =	vcombine.low v53, v54;
	v13 =	vand.u32 $0xFFFFFF80, v8  }
0x38b: {  	v8 =	vand.u32 $0x7F, v8;
	v12 =	vadd.s32 v12, v0;
	v14 =	vld.idx.msk [tilespmem:v30+s22+$0x0], $0xffff;
	v13 =	vadd.s32 v17, v13  }
0x38c: {  	v4 =	vld.idx.msk [tilespmem:v4+s22+$0x0], $0xffff;
	v18 =	vand.u32 $0xFFFFFF80, v12;
	v12 =	vand.u32 $0x7F, v12;
	v8 =	vor.u32 v8, v13  }
0x38d: {  	v7 =	vld.idx.msk [tilespmem:v7+s22+$0x0], $0xffff;
	v13 =	vcombine.low v20, v22;
	v18 =	vadd.s32 v17, v18;
	v10 =	vadd.s32 v59, v0  }
0x38e: {  	v11 =	vld.idx.msk [tilespmem:v11+s22+$0x0], $0xffff;
	v20 =	vcombine.low v21, v28;
	v12 =	vor.u32 v12, v18;
	v18 =	vand.u32 $0xFFFFFF80, v10  }
0x38f: {  	v1 =	vld.idx.msk [tilespmem:v1+s22+$0x0], $0xffff;
	v10 =	vand.u32 $0x7F, v10;
	v18 =	vadd.s32 v17, v18;
	v13 =	vadd.s32 v13, v0  }
0x390: {  	v19 =	vadd.s32 v19, v0;
	v3 =	vld.idx.msk [tilespmem:v3+s22+$0x0], $0xffff;
	v10 =	vor.u32 v10, v18;
	v18 =	vand.u32 $0xFFFFFF80, v13  }
0x391: {  	v2 =	vld.idx.msk [tilespmem:v2+s22+$0x0], $0xffff;
	v0 =	vadd.s32 v20, v0;
	v13 =	vand.u32 $0x7F, v13;
	v18 =	vadd.s32 v17, v18  }
0x392: {  	v6 =	vld.idx.msk [tilespmem:v6+s22+$0x0], $0xffff;
	v20 =	vand.u32 $0xFFFFFF80, v0;
	v13 =	vor.u32 v13, v18;
	v18 =	vand.u32 $0xFFFFFF80, v19  }
0x393: {  	v9 =	vld.idx.msk [tilespmem:v9+s22+$0x0], $0xffff;
	v0 =	vand.u32 $0x7F, v0;
	v18 =	vadd.s32 v17, v18;
	v17 =	vadd.s32 v17, v20  }
0x394: {  	v0 =	vor.u32 v0, v17;
	v17 =	vld [tilespmem:$0x1FD20]  }
0x395: {  	v5 =	vld.idx.msk [tilespmem:v58+s22+$0x0], $0xffff  }
0x396: {  	v19 =	vand.u32 $0x7F, v19;
	v8 =	vld.idx.msk [tilespmem:v8+s22+$0x0], $0xffff  }
0x397: {  	v12 =	vld.idx.msk [tilespmem:v12+s22+$0x0], $0xffff;
	v18 =	vor.u32 v19, v18  }
0x398: {  	v20 =	vld [tilespmem:$0x1FD40]  }
0x399: {  	v19 =	vld [tilespmem:$0x1FD30];
	v17 =	vor.u32 v17, v24  }
0x39a: {  	v10 =	vld.idx.msk [tilespmem:v10+s22+$0x0], $0xffff  }
0x39b: {  	v13 =	vld.idx.msk [tilespmem:v13+s22+$0x0], $0xffff  }
0x39c: {  	v18 =	vld.idx.msk [tilespmem:v18+s22+$0x0], $0xffff  }
0x39d: {  	v0 =	vld.idx.msk [tilespmem:v0+s22+$0x0], $0xffff  }
0x39e: {  	[tilespmem:v17+s21+$0x0] =	vst.idx.msk $0xffff, v14;
	v14 =	vld [tilespmem:$0x1FD70]  }
0x39f: {  	v19 =	vor.u32 v19, v24  }
0x3a0: {  	v20 =	vor.u32 v20, v24  }
0x3a1: {  	v58 =	vor.u32 v60, v24  }
0x3a2: {  	v57 =	vld [tilespmem:$0x1FFF0];
	v59 =	vor.u32 v45, v24  }
0x3a3: {  	v51 =	vld [tilespmem:$0x1FF80];
	v14 =	vor.u32 v14, v24  }
0x3a4: {  	v50 =	vld [tilespmem:$0x1FF70];
	[tilespmem:v19+s21+$0x0] =	vst.idx.msk $0xffff, v4;
	v4 =	vor.u32 v46, v24  }
0x3a5: {  	v33 =	vld [tilespmem:$0x1FF50];
	[tilespmem:v20+s21+$0x0] =	vst.idx.msk $0xffff, v7;
	v7 =	vor.u32 v47, v24  }
0x3a6: {  	v52 =	vld [tilespmem:$0x1FF90];
	v23 =	vor.u32 v34, v24;
	[tilespmem:v58+s21+$0x0] =	vst.idx.msk $0xffff, v11  }
0x3a7: {  	v32 =	vld [tilespmem:$0x1FF40];
	v58 =	vor.u32 v49, v24;
	[tilespmem:v59+s21+$0x0] =	vst.idx.msk $0xffff, v1  }
0x3a8: {  	v59 =	vld [tilespmem:$0x1FDC0];
	[tilespmem:v14+s21+$0x0] =	vst.idx.msk $0xffff, v3  }
0x3a9: {  	v21 =	vld [tilespmem:$0x1FDD0];
	[tilespmem:v4+s21+$0x0] =	vst.idx.msk $0xffff, v2  }
0x3aa: {  	v22 =	vld [tilespmem:$0x1FDE0];
	[tilespmem:v7+s21+$0x0] =	vst.idx.msk $0xffff, v6  }
0x3ab: {  	[tilespmem:v23+s21+$0x0] =	vst.idx.msk $0xffff, v9;
	v23 =	vld [tilespmem:$0x1FDF0]  }
0x3ac: {  	[tilespmem:v58+s21+$0x0] =	vst.idx.msk $0xffff, v5;
	v58 =	vld [tilespmem:$0x1FE00]  }
0x3ad: {  	v3 =	vor.u32 v59, v24;
	v59 =	vld [tilespmem:$0x1FE10]  }
0x3ae: {  	v56 =	vld [tilespmem:$0x1FFE0];
	v2 =	vor.u32 v21, v24  }
0x3af: {  	v55 =	vld [tilespmem:$0x1FFD0];
	v4 =	vor.u32 v22, v24  }
0x3b0: {  	v31 =	vld [tilespmem:$0x1FF30];
	v6 =	vor.u32 v23, v24  }
0x3b1: {  	v25 =	vld [tilespmem:$0x1FF00];
	v1 =	vor.u32 v58, v24  }
0x3b2: {  	p3 =	sne.s32 s15, $0xF0;
	v54 =	vld [tilespmem:$0x1FFC0];
	[tilespmem:v3+s21+$0x0] =	vst.idx.msk $0xffff, v8;
	v3 =	vor.u32 v59, v24  }
.Ltmp10:
0x3b3: {  	v53 =	vld [tilespmem:$0x1FFB0];
	[tilespmem:v2+s21+$0x0] =	vst.idx.msk $0xffff, v12;
	(pc) =	sbr.rel @p3 .LBB2_16-.Ltmp10, $4  }
0x3b4: {  	v30 =	vld [tilespmem:$0x1FF20];
	[tilespmem:v4+s21+$0x0] =	vst.idx.msk $0xffff, v10  }
0x3b5: {  	v28 =	vld [tilespmem:$0x1FF10];
	[tilespmem:v6+s21+$0x0] =	vst.idx.msk $0xffff, v13  }
0x3b6: {  	v24 =	vld [tilespmem:$0x1FEF0];
	[tilespmem:v1+s21+$0x0] =	vst.idx.msk $0xffff, v18  }
0x3b7: {  	s17 =	sadd.s32 $0x10, s17;
	s15 =	sadd.s32 $0x10, s15;
	v29 =	vlaneseq.u32;
	v18 =	vld [tilespmem:$0x1FEE0];
	[tilespmem:v3+s21+$0x0] =	vst.idx.msk $0xffff, v0  }
0x3b8: {  	s15 =	sshll.u32 s12, $0x8  }
0x3b9: {  	s28 =	sshll.u32 s12, $0xA;
	s15 =	sand.u32 $0xF00, s15  }
0x3ba: {  	s12 =	sand.u32 $0xFFFC000, s28;
	s15 =	sadd.s32 s3, s15  }
0x3bb: {  	s12 =	sadd.s32 s12, s15  }
0x3bc: {  	[hbm4b:s12+s4] =	stream.linear.scatter [tilespmem:s21], [sflag:$0xA], $0x800, $0x38;
	[tilespmem:$0x18600] =	vst v63  }
0x3bd: {  	s17 =	simm.s32 $0x5000;
	s15 =	sadd.s32 $0x1000, s12  }
0x3be: {  	[hbm4b:s15+s4] =	stream.linear.scatter [tilespmem:s17], [sflag:$0xA], $0x800, $0x38;
	[tilespmem:$0x18600] =	vst v63  }
0x3bf: {  	s26 =	simm.s32 $0x6000;
	s17 =	sadd.s32 $0x2000, s12  }
0x3c0: {  	[hbm4b:s17+s4] =	stream.linear.scatter [tilespmem:s26], [sflag:$0xA], $0x800, $0x38;
	[tilespmem:$0x18600] =	vst v63  }
0x3c1: {  	s28 =	simm.s32 $0x7000;
	s12 =	sadd.s32 $0x3000, s12  }
0x3c2: {  	v4 =	vmov v15;
	v5 =	vmov v16;
	[hbm4b:s12+s4] =	stream.linear.scatter [tilespmem:s28], [sflag:$0xA], $0x800, $0x38;
	[tilespmem:$0x18600] =	vst v63  }
.LBB2_18:
.Ltmp11:
0x3c3: {  	(pc) =	sbr.rel @p2 .LBB2_22-.Ltmp11, $1  }
0x3c4: {  	_ =	sdelay $0x3  }
0x3c5: {  	_ =	swait.ge [sflag:s13], $0x100  }
0x3c6: {  	[sflag:s13] =	ssyncset.done $0x0  }
0x3c7: {  	s12 =	simm.s32 $0x0;
	[sflag:s13] =	ssyncadd.s32 $0xFFFFFF00  }
0x3c8: {  	v0 =	vld [tilespmem:s12+$0x18100]  }
0x3c9: {  	s15 =	simm.s32 $0x40  }
.LBB2_20:
0x3ca: {  	p2 =	sne.s32 s15, $0x3C0  }
.Ltmp12:
0x3cb: {  	_ = 	snop;
	(pc) =	sbr.rel @p2 .LBB2_20-.Ltmp12, $4  }
0x3cc: {  	_ = 	snop  }
0x3cd: {  	s17 =	sshra.s32 s15, $0x2;
	s15 =	sadd.s32 $0x40, s15;
	v1 =	vshra.s32 v0, $0x2;
	v2 =	vand.u32 $0x3, v0  }
0x3ce: {  	v0 =	vld [tilespmem:s17+$0x18100];
	[tilespmem:s12+$0x18500] =	vst v2  }
0x3cf: {  	[tilespmem:s12+$0x18300] =	vst v1;
	s12 =	smov.u32 s17  }
0x3d0: {  	_ =	sdelay $0x2  }
0x3d1: {  	s28 =	sadd.s32 s11, s14;
	v1 =	vand.u32 $0x3, v0  }
0x3d2: {  	s26 =	simm.s32 $0x18300;
	s15 =	sshll.u32 s28, $0x5;
	s17 =	sshll.u32 s28, $0x8;
	v60 =	vshra.s32 v0, $0x2;
	[tilespmem:s12+$0x18500] =	vst v1  }
0x3d3: {  	s15 =	sand.u32 $0xFFFF000, s15;
	s17 =	sand.u32 $0xF00, s17;
	[tilespmem:s12+$0x18300] =	vst v60;
	s12 =	sand.u32 $0x70, s28  }
0x3d4: {  	[tilespmem:s22], [sflag:$0x8] =	stream.indirect.gather [hbm4b:s7+s31], $0x80, s26, s31, $0xb8;
	[tilespmem:$0x18600] =	vst v63  }
0x3d5: {  	s15 =	sor.u32 s17, s15;
	s12 =	sadd.s32 s0, s12  }
0x3d6: {  	s28 =	simm.s32 $0x400;
	s26 =	simm.s32 $0x80;
	s12 =	sadd.s32 s15, s12  }
0x3d7: {  	[tilespmem:s29], [sflag:$0x5] =	stream.strided.gather [hbm4b:s12+s26], $0x100, s28, s26, $0x38;
	[tilespmem:$0x18600] =	vst v63  }
.LBB2_22:
0x3d8: {  	_ =	swait.ge [sflag:s25], $0x8000  }
0x3d9: {  	p2 =	seq.s32 s9, $0x0;
	[sflag:s25] =	ssyncset.done $0x0  }
0x3da: {  	s12 =	simm.s32 @!p2 $0x9;
	[sflag:s25] =	ssyncadd.s32 $0xFFFF8000  }
0x3db: {  	_ =	swait.ge @!p2 [sflag:s12], $0x2000  }
0x3dc: {  	v45 =	vld [tilespmem:$0x1FD60]  }
0x3dd: {  	v46 =	vld [tilespmem:$0x1FD80]  }
0x3de: {  	v47 =	vld [tilespmem:$0x1FD90]  }
0x3df: {  	s11 =	sadd.s32 s8, s11;
	[sflag:s12] =	ssyncset.done @!p2 $0x0;
	v34 =	vld [tilespmem:$0x1FDA0]  }
0x3e0: {  	s15 =	simm.s32 $0x18400;
	v15 =	vmov v61;
	v16 =	vmov v4;
	v61 =	vmov v5;
	v49 =	vld [tilespmem:$0x1FDB0];
	[sflag:s12] =	ssyncadd.s32 @!p2 $0xFFFFE000;
	s12 =	simm.s32 $0x0  }
.LBB2_23:
0x3e1: {  	_ =	sdelay $0x2  }
0x3e2: {  	v1 =	vmov s12;
	v10 =	vor.u32 s12, v29  }
0x3e3: {  	v1 =	vshll.u32 v1, $0x3;
	v2 =	vsel vm0, v24, v18;
	v3 =	vsel vm0, v28, v25  }
0x3e4: {  	v5 =	vsel vm0, v31, v30;
	v6 =	vsel vm0, v33, v32;
	v8 =	vsel vm0, v51, v50  }
0x3e5: {  	v9 =	vsel vm0, v53, v52;
	v12 =	vsel vm0, v55, v54;
	v13 =	vsel vm0, v57, v56  }
0x3e6: {  	v17 =	vsel vm0, v25, v24;
	v19 =	vsel vm0, v32, v31;
	v20 =	vsel vm0, v30, v33  }
0x3e7: {  	v0 =	vld [tilespmem:s15+$0x0];
	v23 =	vsel vm0, v52, v51;
	v4 =	vcombine.low v3, v2;
	v7 =	vcombine.low v6, v5  }
0x3e8: {  	v24 =	vsel vm0, v50, v53;
	v11 =	vcombine.low v9, v8;
	v14 =	vcombine.low v13, v12  }
0x3e9: {  	v1 =	vand.u32 $0x400, v1;
	v22 =	vcombine.low v20, v19;
	v27 =	vcombine.low v24, v23  }
0x3ea: {  	v25 =	vsel vm0, v56, v55;
	v2 =	vcombine.low v2, v3;
	v5 =	vcombine.low v5, v6  }
0x3eb: {  	v26 =	vsel vm0, v54, v57;
	v52 =	vcombine.low v8, v9;
	v53 =	vcombine.low v12, v13  }
0x3ec: {  	v12 =	vcombine.low v19, v20;
	v13 =	vcombine.low v23, v24;
	v4 =	vadd.s32 v4, v0  }
0x3ed: {  	v7 =	vadd.s32 v7, v0;
	v11 =	vadd.s32 v11, v0;
	v14 =	vadd.s32 v14, v0  }
0x3ee: {  	v22 =	vadd.s32 v22, v0;
	v51 =	vadd.s32 v27, v0;
	v2 =	vadd.s32 v2, v0  }
0x3ef: {  	v5 =	vadd.s32 v5, v0;
	v6 =	vadd.s32 v52, v0;
	v8 =	vadd.s32 v53, v0  }
0x3f0: {  	v18 =	vld [tilespmem:$0x1FEE0];
	v12 =	vadd.s32 v12, v0;
	v13 =	vadd.s32 v13, v0;
	v19 =	vand.u32 $0xFFFFFF80, v4  }
0x3f1: {  	v4 =	vand.u32 $0x7F, v4;
	v20 =	vand.u32 $0xFFFFFF80, v7;
	v7 =	vand.u32 $0x7F, v7  }
0x3f2: {  	v55 =	vand.u32 $0xFFFFFF80, v22;
	v22 =	vand.u32 $0x7F, v22;
	v56 =	vand.u32 $0xFFFFFF80, v51  }
0x3f3: {  	v3 =	vand.u32 $0x7F, v51;
	v60 =	vand.u32 $0xFFFFFF80, v2;
	v2 =	vand.u32 $0x7F, v2  }
0x3f4: {  	v32 =	vand.u32 $0xFFFFFF80, v5;
	v5 =	vand.u32 $0x7F, v5;
	v50 =	vand.u32 $0xFFFFFF80, v6  }
0x3f5: {  	v6 =	vand.u32 $0x7F, v6;
	v24 =	vand.u32 $0xFFFFFF80, v8;
	v18 =	vsel vm0, v18, v28  }
0x3f6: {  	v8 =	vand.u32 $0x7F, v8;
	v28 =	vcombine.low v26, v25;
	v21 =	vcombine.low v18, v17  }
0x3f7: {  	v52 =	vand.u32 $0xFFFFFF80, v12;
	v54 =	vcombine.low v17, v18;
	v17 =	vcombine.low v25, v26  }
0x3f8: {  	v12 =	vand.u32 $0x7F, v12;
	v27 =	vadd.s32 v28, v0;
	v21 =	vadd.s32 v21, v0  }
0x3f9: {  	v18 =	vadd.s32 v17, v0;
	v17 =	vshll.u32 v10, $0x7;
	v57 =	vand.u32 $0xFFFFFF80, v27  }
0x3fa: {  	v19 =	vadd.s32 v17, v19;
	v20 =	vadd.s32 v17, v20;
	v23 =	vadd.s32 v17, v55  }
0x3fb: {  	v29 =	vld [tilespmem:$0x1FA30];
	v33 =	vadd.s32 v17, v32;
	v24 =	vadd.s32 v17, v24;
	v4 =	vor.u32 v4, v19  }
0x3fc: {  	v31 =	vld [tilespmem:$0x1FA40];
	v7 =	vor.u32 v7, v20;
	v19 =	vand.u32 $0xFFFFFF80, v11;
	v11 =	vand.u32 $0x7F, v11  }
0x3fd: {  	v25 =	vld [tilespmem:$0x1FA10];
	v20 =	vand.u32 $0xFFFFFF80, v14;
	v14 =	vand.u32 $0x7F, v14;
	v19 =	vadd.s32 v17, v19  }
0x3fe: {  	v28 =	vld [tilespmem:$0x1FA20];
	v11 =	vor.u32 v11, v19;
	v19 =	vadd.s32 v17, v20;
	v20 =	vand.u32 $0xFFFFFF80, v21  }
0x3ff: {  	v55 =	vld [tilespmem:$0x1F9F0];
	v5 =	vor.u32 v5, v33;
	v21 =	vand.u32 $0x7F, v21;
	v20 =	vadd.s32 v17, v20  }
0x400: {  	v14 =	vor.u32 v14, v19;
	v19 =	vor.u32 v21, v20;
	v21 =	vadd.s32 v17, v56;
	v56 =	vld [tilespmem:$0x1FA00]  }
0x401: {  	v8 =	vor.u32 v8, v24;
	v20 =	vor.u32 v22, v23;
	v22 =	vadd.s32 v17, v57;
	v57 =	vld [tilespmem:$0x1FA50]  }
0x402: {  	v53 =	vand.u32 $0xFFFFFF80, v13;
	v13 =	vand.u32 $0x7F, v13;
	v9 =	vadd.s32 v54, v0;
	v4 =	vld.idx.msk [tilespmem:v4+s19+$0x0], $0xffff  }
0x403: {  	v58 =	vand.u32 $0x7F, v27;
	v10 =	vand.u32 $0x7F, v10;
	v51 =	vand.u32 $0xFFFFFF80, v9;
	v7 =	vld.idx.msk [tilespmem:v7+s19+$0x0], $0xffff  }
0x404: {  	v9 =	vand.u32 $0x7F, v9;
	v54 =	vand.u32 $0xFFFFFF80, v18;
	v18 =	vand.u32 $0x7F, v18;
	v5 =	vld.idx.msk [tilespmem:v5+s19+$0x0], $0xffff  }
0x405: {  	v23 =	vadd.s32 v17, v50;
	v3 =	vor.u32 v3, v21;
	v59 =	vor.u32 v58, v22;
	v58 =	vld [tilespmem:$0x1FA60]  }
0x406: {  	v22 =	vadd.s32 v17, v60;
	v6 =	vor.u32 v6, v23;
	v23 =	vadd.s32 v17, v52;
	v8 =	vld.idx.msk [tilespmem:v8+s19+$0x0], $0xffff  }
0x407: {  	v2 =	vor.u32 v2, v22;
	v22 =	vadd.s32 v17, v51;
	v12 =	vor.u32 v12, v23;
	v11 =	vld.idx.msk [tilespmem:v11+s19+$0x0], $0xffff  }
0x408: {  	v23 =	vadd.s32 v17, v54;
	v9 =	vor.u32 v9, v22;
	v22 =	vadd.s32 v17, v53;
	v14 =	vld.idx.msk [tilespmem:v14+s19+$0x0], $0xffff  }
0x409: {  	v24 =	vor.u32 v1, v10;
	v10 =	vor.u32 v13, v22;
	v13 =	vor.u32 v18, v23;
	v18 =	vld [tilespmem:$0x1F9D0]  }
0x40a: {  	v26 =	vsel vm0, v36, v35;
	v27 =	vsel vm0, v38, v37;
	v19 =	vld.idx.msk [tilespmem:v19+s19+$0x0], $0xffff  }
0x40b: {  	v30 =	vcombine.low v27, v26;
	v1 =	vld.idx.msk [tilespmem:v20+s19+$0x0], $0xffff  }
0x40c: {  	v25 =	vor.u32 v25, v24;
	v29 =	vor.u32 v29, v24;
	v20 =	vld [tilespmem:$0x1F9E0]  }
0x40d: {  	v31 =	vor.u32 v31, v24;
	v30 =	vadd.s32 v30, v0;
	v28 =	vor.u32 v28, v24;
	v3 =	vld.idx.msk [tilespmem:v3+s19+$0x0], $0xffff  }
0x40e: {  	v50 =	vsel vm0, v40, v39;
	v51 =	vsel vm0, v16, v15;
	v53 =	vand.u32 $0xFFFFFF80, v30;
	v21 =	vld.idx.msk [tilespmem:v59+s19+$0x0], $0xffff  }
0x40f: {  	v60 =	vcombine.low v51, v50;
	v30 =	vand.u32 $0x7F, v30;
	v22 =	vor.u32 v55, v24;
	v6 =	vld.idx.msk [tilespmem:v6+s19+$0x0], $0xffff  }
0x410: {  	v55 =	vsel vm0, v41, v61;
	v53 =	vadd.s32 v17, v53;
	v23 =	vor.u32 v56, v24;
	v59 =	vld [tilespmem:$0x1FA70]  }
0x411: {  	v32 =	vor.u32 v57, v24;
	v56 =	vsel vm0, v48, v43;
	v2 =	vld.idx.msk [tilespmem:v2+s19+$0x0], $0xffff;
	v18 =	vor.u32 v18, v24  }
0x412: {  	v54 =	vadd.s32 v60, v0;
	v30 =	vor.u32 v30, v53;
	v12 =	vld.idx.msk [tilespmem:v12+s19+$0x0], $0xffff;
	v20 =	vor.u32 v20, v24  }
0x413: {  	v33 =	vor.u32 v58, v24;
	v57 =	vcombine.low v56, v55;
	v60 =	vand.u32 $0xFFFFFF80, v54;
	v9 =	vld.idx.msk [tilespmem:v9+s19+$0x0], $0xffff  }
0x414: {  	v54 =	vand.u32 $0x7F, v54;
	v58 =	vsel vm0, v42, v63;
	v60 =	vadd.s32 v17, v60;
	v10 =	vld.idx.msk [tilespmem:v10+s19+$0x0], $0xffff  }
0x415: {  	v57 =	vadd.s32 v57, v0;
	v13 =	vld.idx.msk [tilespmem:v13+s19+$0x0], $0xffff;
	v52 =	vor.u32 v59, v24;
	v59 =	vsel vm0, v62, v44  }
0x416: {  	v53 =	vcombine.low v59, v58;
	[tilespmem:v18+s4+$0x0] =	vst.idx.msk $0xffff, v4;
	v18 =	vand.u32 $0xFFFFFF80, v57;
	v4 =	vor.u32 v54, v60  }
0x417: {  	v60 =	vand.u32 $0x7F, v57;
	v54 =	vsel vm0, v35, v38;
	[tilespmem:v20+s4+$0x0] =	vst.idx.msk $0xffff, v7;
	v18 =	vadd.s32 v17, v18  }
0x418: {  	v20 =	vadd.s32 v53, v0;
	v53 =	vsel vm0, v37, v36;
	v7 =	vor.u32 v60, v18  }
0x419: {  	[tilespmem:v22+s4+$0x0] =	vst.idx.msk $0xffff, v11;
	v60 =	vand.u32 $0xFFFFFF80, v20;
	v18 =	vcombine.low v54, v53;
	v22 =	vsel vm0, v39, v16  }
0x41a: {  	[tilespmem:v23+s4+$0x0] =	vst.idx.msk $0xffff, v14;
	v14 =	vand.u32 $0x7F, v20;
	v20 =	vsel vm0, v15, v40;
	v11 =	vadd.s32 v17, v60  }
0x41b: {  	v23 =	vsel vm0, v43, v41;
	v18 =	vadd.s32 v18, v0;
	v60 =	vcombine.low v22, v20  }
0x41c: {  	[tilespmem:v25+s4+$0x0] =	vst.idx.msk $0xffff, v19;
	v11 =	vor.u32 v14, v11;
	v25 =	vsel vm0, v61, v48  }
0x41d: {  	v14 =	vand.u32 $0xFFFFFF80, v18;
	v18 =	vand.u32 $0x7F, v18;
	v19 =	vadd.s32 v60, v0  }
0x41e: {  	[tilespmem:v28+s4+$0x0] =	vst.idx.msk $0xffff, v1;
	v28 =	vcombine.low v25, v23;
	v60 =	vadd.s32 v17, v14;
	v14 =	vand.u32 $0xFFFFFF80, v19  }
0x41f: {  	v1 =	vor.u32 v18, v60;
	v60 =	vand.u32 $0x7F, v19;
	v14 =	vadd.s32 v17, v14  }
0x420: {  	[tilespmem:v29+s4+$0x0] =	vst.idx.msk $0xffff, v3;
	v3 =	vor.u32 v60, v14;
	v14 =	vadd.s32 v28, v0  }
0x421: {  	v18 =	vld [tilespmem:$0x1FA80];
	v19 =	vand.u32 $0xFFFFFF80, v14  }
0x422: {  	v29 =	vld [tilespmem:$0x1FA90];
	[tilespmem:v31+s4+$0x0] =	vst.idx.msk $0xffff, v21;
	v60 =	vand.u32 $0x7F, v14;
	v14 =	vadd.s32 v17, v19  }
0x423: {  	[tilespmem:v32+s4+$0x0] =	vst.idx.msk $0xffff, v2;
	v2 =	vor.u32 v60, v14;
	v14 =	vld [tilespmem:$0x1FFA0]  }
0x424: {  	v26 =	vcombine.low v26, v27;
	v27 =	vld [tilespmem:$0x1FF60]  }
0x425: {  	v32 =	vld [tilespmem:$0x1FAA0]  }
0x426: {  	v21 =	vsel vm0, v44, v42;
	v28 =	vsel vm0, v63, v62;
	v18 =	vor.u32 v18, v24  }
0x427: {  	v19 =	vcombine.low v28, v21;
	v29 =	vor.u32 v29, v24  }
0x428: {  	v14 =	vor.u32 v14, v24  }
0x429: {  	v27 =	vor.u32 v27, v24;
	[tilespmem:v33+s4+$0x0] =	vst.idx.msk $0xffff, v5;
	v19 =	vadd.s32 v19, v0  }
0x42a: {  	v26 =	vadd.s32 v26, v0;
	[tilespmem:v52+s4+$0x0] =	vst.idx.msk $0xffff, v6;
	v5 =	vor.u32 v32, v24;
	v32 =	vand.u32 $0xFFFFFF80, v19  }
0x42b: {  	v31 =	vcombine.low v50, v51;
	v60 =	vand.u32 $0x7F, v19;
	v19 =	vadd.s32 v17, v32;
	[tilespmem:v18+s4+$0x0] =	vst.idx.msk $0xffff, v8  }
0x42c: {  	v6 =	vor.u32 v60, v19;
	v18 =	vand.u32 $0xFFFFFF80, v26;
	[tilespmem:v29+s4+$0x0] =	vst.idx.msk $0xffff, v9  }
0x42d: {  	v60 =	vand.u32 $0x7F, v26;
	v19 =	vadd.s32 v31, v0;
	v18 =	vadd.s32 v17, v18;
	[tilespmem:v14+s4+$0x0] =	vst.idx.msk $0xffff, v12  }
0x42e: {  	v8 =	vcombine.low v55, v56;
	v9 =	vor.u32 v60, v18;
	v60 =	vld [tilespmem:$0x1FD30];
	v14 =	vand.u32 $0xFFFFFF80, v19;
	[tilespmem:v27+s4+$0x0] =	vst.idx.msk $0xffff, v10  }
0x42f: {  	v12 =	vcombine.low v58, v59;
	v58 =	vld [tilespmem:$0x1FD20];
	v59 =	vand.u32 $0x7F, v19;
	v14 =	vadd.s32 v17, v14;
	[tilespmem:v5+s4+$0x0] =	vst.idx.msk $0xffff, v13  }
0x430: {  	v8 =	vadd.s32 v8, v0;
	v5 =	vor.u32 v59, v14;
	v14 =	vld.idx.msk [tilespmem:v30+s19+$0x0], $0xffff  }
0x431: {  	v59 =	vcombine.low v53, v54;
	v13 =	vand.u32 $0xFFFFFF80, v8;
	v4 =	vld.idx.msk [tilespmem:v4+s19+$0x0], $0xffff  }
0x432: {  	v8 =	vand.u32 $0x7F, v8;
	v12 =	vadd.s32 v12, v0;
	v13 =	vadd.s32 v17, v13;
	v7 =	vld.idx.msk [tilespmem:v7+s19+$0x0], $0xffff  }
0x433: {  	v18 =	vand.u32 $0xFFFFFF80, v12;
	v12 =	vand.u32 $0x7F, v12;
	v11 =	vld.idx.msk [tilespmem:v11+s19+$0x0], $0xffff;
	v8 =	vor.u32 v8, v13  }
0x434: {  	v1 =	vld.idx.msk [tilespmem:v1+s19+$0x0], $0xffff;
	v13 =	vcombine.low v20, v22;
	v18 =	vadd.s32 v17, v18;
	v10 =	vadd.s32 v59, v0  }
0x435: {  	v19 =	vcombine.low v23, v25;
	v3 =	vld.idx.msk [tilespmem:v3+s19+$0x0], $0xffff;
	v12 =	vor.u32 v12, v18;
	v18 =	vand.u32 $0xFFFFFF80, v10  }
0x436: {  	v2 =	vld.idx.msk [tilespmem:v2+s19+$0x0], $0xffff;
	v10 =	vand.u32 $0x7F, v10;
	v18 =	vadd.s32 v17, v18;
	v13 =	vadd.s32 v13, v0  }
0x437: {  	v6 =	vld.idx.msk [tilespmem:v6+s19+$0x0], $0xffff;
	v20 =	vcombine.low v21, v28;
	v10 =	vor.u32 v10, v18;
	v18 =	vand.u32 $0xFFFFFF80, v13  }
0x438: {  	v19 =	vadd.s32 v19, v0;
	v9 =	vld.idx.msk [tilespmem:v9+s19+$0x0], $0xffff;
	v13 =	vand.u32 $0x7F, v13;
	v18 =	vadd.s32 v17, v18  }
0x439: {  	v59 =	vld [tilespmem:$0x1FD50];
	v0 =	vadd.s32 v20, v0;
	v13 =	vor.u32 v13, v18;
	v18 =	vand.u32 $0xFFFFFF80, v19  }
0x43a: {  	v20 =	vand.u32 $0xFFFFFF80, v0;
	v5 =	vld.idx.msk [tilespmem:v5+s19+$0x0], $0xffff;
	v19 =	vand.u32 $0x7F, v19;
	v18 =	vadd.s32 v17, v18  }
0x43b: {  	v0 =	vand.u32 $0x7F, v0;
	v8 =	vld.idx.msk [tilespmem:v8+s19+$0x0], $0xffff;
	v17 =	vadd.s32 v17, v20;
	v18 =	vor.u32 v19, v18  }
0x43c: {  	v12 =	vld.idx.msk [tilespmem:v12+s19+$0x0], $0xffff;
	v0 =	vor.u32 v0, v17  }
0x43d: {  	v20 =	vld [tilespmem:$0x1FD40];
	v17 =	vor.u32 v58, v24  }
0x43e: {  	v10 =	vld.idx.msk [tilespmem:v10+s19+$0x0], $0xffff  }
0x43f: {  	v13 =	vld.idx.msk [tilespmem:v13+s19+$0x0], $0xffff  }
0x440: {  	v18 =	vld.idx.msk [tilespmem:v18+s19+$0x0], $0xffff  }
0x441: {  	v0 =	vld.idx.msk [tilespmem:v0+s19+$0x0], $0xffff  }
0x442: {  	v19 =	vor.u32 v60, v24;
	[tilespmem:v17+s4+$0x0] =	vst.idx.msk $0xffff, v14;
	v17 =	vld [tilespmem:$0x1FD70];
	_ =	sdelay $0x1  }
0x443: {  	v20 =	vor.u32 v20, v24  }
0x444: {  	v21 =	vor.u32 v59, v24  }
0x445: {  	v57 =	vld [tilespmem:$0x1FFF0];
	v60 =	vor.u32 v45, v24  }
0x446: {  	[tilespmem:v19+s4+$0x0] =	vst.idx.msk $0xffff, v4;
	v19 =	vld [tilespmem:$0x1FDC0];
	v14 =	vor.u32 v17, v24  }
0x447: {  	v51 =	vld [tilespmem:$0x1FF80];
	v4 =	vor.u32 v46, v24  }
0x448: {  	v50 =	vld [tilespmem:$0x1FF70];
	[tilespmem:v20+s4+$0x0] =	vst.idx.msk $0xffff, v7;
	v7 =	vor.u32 v47, v24  }
0x449: {  	v33 =	vld [tilespmem:$0x1FF50];
	[tilespmem:v21+s4+$0x0] =	vst.idx.msk $0xffff, v11;
	v11 =	vor.u32 v34, v24  }
0x44a: {  	v52 =	vld [tilespmem:$0x1FF90];
	v59 =	vor.u32 v49, v24;
	[tilespmem:v60+s4+$0x0] =	vst.idx.msk $0xffff, v1  }
0x44b: {  	v32 =	vld [tilespmem:$0x1FF40];
	v60 =	vor.u32 v19, v24;
	[tilespmem:v14+s4+$0x0] =	vst.idx.msk $0xffff, v3  }
0x44c: {  	v20 =	vld [tilespmem:$0x1FDD0];
	[tilespmem:v4+s4+$0x0] =	vst.idx.msk $0xffff, v2  }
0x44d: {  	v21 =	vld [tilespmem:$0x1FDE0];
	[tilespmem:v7+s4+$0x0] =	vst.idx.msk $0xffff, v6  }
0x44e: {  	v58 =	vld [tilespmem:$0x1FDF0];
	[tilespmem:v11+s4+$0x0] =	vst.idx.msk $0xffff, v9  }
0x44f: {  	v23 =	vld [tilespmem:$0x1FE00];
	[tilespmem:v59+s4+$0x0] =	vst.idx.msk $0xffff, v5  }
0x450: {  	[tilespmem:v60+s4+$0x0] =	vst.idx.msk $0xffff, v8;
	v60 =	vld [tilespmem:$0x1FE10]  }
0x451: {  	v31 =	vld [tilespmem:$0x1FF30];
	v2 =	vor.u32 v20, v24  }
0x452: {  	v56 =	vld [tilespmem:$0x1FFE0];
	v21 =	vor.u32 v21, v24  }
0x453: {  	v55 =	vld [tilespmem:$0x1FFD0];
	v58 =	vor.u32 v58, v24  }
0x454: {  	v25 =	vld [tilespmem:$0x1FF00];
	v59 =	vor.u32 v23, v24  }
0x455: {  	p2 =	sne.s32 s12, $0xF0;
	v54 =	vld [tilespmem:$0x1FFC0];
	v3 =	vor.u32 v60, v24  }
.Ltmp13:
0x456: {  	v53 =	vld [tilespmem:$0x1FFB0];
	[tilespmem:v2+s4+$0x0] =	vst.idx.msk $0xffff, v12;
	(pc) =	sbr.rel @p2 .LBB2_23-.Ltmp13, $4  }
0x457: {  	v30 =	vld [tilespmem:$0x1FF20];
	[tilespmem:v21+s4+$0x0] =	vst.idx.msk $0xffff, v10  }
0x458: {  	v28 =	vld [tilespmem:$0x1FF10];
	[tilespmem:v58+s4+$0x0] =	vst.idx.msk $0xffff, v13  }
0x459: {  	[tilespmem:v59+s4+$0x0] =	vst.idx.msk $0xffff, v18;
	v18 =	vld [tilespmem:$0x1FEE0]  }
0x45a: {  	s15 =	sadd.s32 $0x10, s15;
	s12 =	sadd.s32 $0x10, s12;
	v29 =	vlaneseq.u32;
	v24 =	vld [tilespmem:$0x1FEF0];
	[tilespmem:v3+s4+$0x0] =	vst.idx.msk $0xffff, v0  }
0x45b: {  	s12 =	sshll.u32 s11, $0x8;
	v6 =	vld [tilespmem:$0x1FE20]  }
0x45c: {  	s26 =	sshll.u32 s11, $0xA;
	v7 =	vld [tilespmem:$0x1FE30];
	s12 =	sand.u32 $0xF00, s12  }
0x45d: {  	v8 =	vld [tilespmem:$0x1FE40];
	s11 =	sand.u32 $0xFFFC000, s26;
	s12 =	sadd.s32 s3, s12  }
0x45e: {  	s9 =	sadd.s32 $0x1, s9;
	v9 =	vld [tilespmem:$0x1FE50];
	s11 =	sadd.s32 s11, s12  }
0x45f: {  	v13 =	vld [tilespmem:$0x1FE60];
	[hbm4b:s11+s4] =	stream.linear.scatter [tilespmem:s4], [sflag:$0x9], $0x800, $0x38  }
0x460: {  	v10 =	vld [tilespmem:$0x1FE70];
	p2 =	sne.s32 s9, $0xD;
	s12 =	sadd.s32 $0x1000, s11  }
0x461: {  	v12 =	vld [tilespmem:$0x1FE80];
	[hbm4b:s12+s4] =	stream.linear.scatter [tilespmem:s16], [sflag:$0x9], $0x800, $0x38  }
.Ltmp14:
0x462: {  	v11 =	vld [tilespmem:$0x1FE90];
	(pc) =	sbr.rel @p2 .LBB2_12-.Ltmp14, $4  }
0x463: {  	v14 =	vld [tilespmem:$0x1FEA0];
	s28 =	sadd.s32 $0x2000, s11  }
0x464: {  	v4 =	vld [tilespmem:$0x1FEB0];
	[hbm4b:s28+s4] =	stream.linear.scatter [tilespmem:s23], [sflag:$0x9], $0x800, $0x38  }
0x465: {  	v26 =	vld [tilespmem:$0x1FEC0];
	s11 =	sadd.s32 $0x3000, s11  }
0x466: {  	v27 =	vld [tilespmem:$0x1FED0];
	[hbm4b:s11+s4] =	stream.linear.scatter [tilespmem:s24], [sflag:$0x9], $0x800, $0x38  }
0x467: {  	s9 =	simm.s32 $0x9  }
0x468: {  	_ =	swait.ge [sflag:s9], $0x2000  }
0x469: {  	[sflag:s9] =	ssyncset.done $0x0  }
0x46a: {  	s11 =	simm.s32 $0xA;
	[sflag:s9] =	ssyncadd.s32 $0xFFFFE000  }
0x46b: {  	_ =	swait.ge [sflag:s11], $0x2000  }
0x46c: {  	s12 =	rddreg [dreg:$0xc]  }
0x46d: {  	s28 =	rddreg [dreg:$0xa];
	s12 =	sadd.s32 $0x1, s12  }
0x46e: {  	p2 =	sne.s32 s12, s28  }
.Ltmp15:
0x46f: {  	_ = 	snop;
	(pc) =	sbr.rel @p2 .LBB2_1-.Ltmp15, $3  }
0x470: {  	_ =	sdelay $0x1  }
0x471: {  	[sflag:s11] =	ssyncset.done $0x0;
	v1 =	vld [tilespmem:$0x1FCB0]  }
0x472: {  	v15 =	vld [tilespmem:$0x1FCC0];
	[sflag:s11] =	ssyncadd.s32 $0xFFFFE000  }
0x473: {  	_ =	sfence.sel $0x180000  }
0x474: {  	[bflag:$0x0] =	sbarrier.arrive $0xFFFF  }
0x475: {  	_ =	strace $0x90000047  }
0x476: {  	[bflag:$0x2] =	sbarrier.arrive $0xFFFF  }
0x477: {  	s0 =	rddreg [dreg:$0x4]  }
0x478: {  	s0 =	sadd.s32 @!p0 $0x100000, s0  }
0x479: {  	[sflag:s0] =	ssyncadd.tile.s32 @!p0 $0x1;
	_ =	shalt  }
.Lfunc_end2:
_tile_overlayer_lowered:
.L_overlay_start_2:
0x47a: {  	(tag) =	ssettag $0x2  }
0x47b: {  	s0 =	rddreg [dreg:$0x0];
	s2 =	stileid.u32  }
0x47c: {  	s1 =	rddreg [dreg:$0x1];
	p0 =	sne.s32 s2, $0x0  }
0x47d: {  	s3 =	rddreg [dreg:$0x2];
	[bflag:$0x3] =	sbarrier.arrive $0xFFFF;
	s2 =	simm.s32 @!p0 $0x1C0C  }
0x47e: {  	[timem:s3], [sflag:s2] =	dma.local @!p0 [hbm:s0], s1  }
0x47f: {  	s0 =	simm.s32 @!p0 $0xC  }
0x480: {  	_ =	swait.ge @!p0 [sflag:s0], s1  }
0x481: {  	s1 =	ssub.s32 @!p0 $0x0, s1;
	[sflag:s0] =	ssyncset.done @!p0 $0x0  }
0x482: {  	[sflag:s0] =	ssyncadd.s32 @!p0 s1  }
0x483: {  	[bflag:$0x3] =	sbarrier.arrive $0xFFFF  }
0x484: {  	_ =	shalt  }

</sc_bundles>
